<compile_context>
chip_gen: v7x
topology: tpu7x:2x2x1
jax: 0.10.2.dev20260603
libtpu: 0.0.44.dev20260713+nightly
codegen_flags: <defaults>
</compile_context>

<pallas_src>
import jax
import jax.numpy as jnp
from jax import lax
from jax.experimental import pallas as pl
from jax.experimental.pallas import tpu as pltpu
from jax.experimental.pallas import tpu_sc as plsc

_N = 10000
_NG = 64
_NHID = 128
_DS2S = 3 * _NHID
_STEPS = 10
_NC = 10
_NB = 2000
_NBLK = _N // _NB

_D = 128
_E = 320000
_NTILES = 32
_EPT = _E // _NTILES
_CH = 125
_NCHUNK = _EPT // _CH
_G = 8
_NGRP = _NCHUNK // _G
_NPAD = 10240
_ROWS_PT = _NPAD // 16


def _hp_dot(a, b):
    return lax.dot_general(a, b, (((1,), (0,)), ((), ())),
                           precision=lax.Precision.HIGHEST,
                           preferred_element_type=jnp.float32)


def _seg_dot(seg_mat, v):
    return lax.dot_general(seg_mat, v, (((0,), (0,)), ((), ())),
                           precision=lax.Precision.HIGHEST,
                           preferred_element_type=jnp.float32)


def _s2s_body(batch_ref, x1_ref, x2_ref, x3_ref, wih_ref,
              whh_ref, bih_ref, bhh_ref, wl1_ref, bl1_ref, wl2_ref, bl2_ref,
              wl3_ref, bl3_ref, out_ref,
              h_scr, c_scr, q_scr, qs_scr, e_scr, em_scr, den_scr,
              r1_scr, r2_scr, r3_scr):
    s = pl.program_id(0)
    p = pl.program_id(1)
    n = pl.program_id(2)

    seg = batch_ref[:] == lax.broadcasted_iota(jnp.int32, (_NB, _NG), 1)
    B = seg.astype(jnp.float32)

    @pl.when((p == 0) & (n == 0))
    def _lstm_and_reset():
        @pl.when(s == 0)
        def _zero_state():
            qs_scr[:] = jnp.zeros((_NG, 2 * _DS2S), jnp.float32)
            h_scr[:] = jnp.zeros((_NG, _DS2S), jnp.float32)
            c_scr[:] = jnp.zeros((_NG, _DS2S), jnp.float32)

        q_star = qs_scr[:]
        h = h_scr[:]
        c = c_scr[:]
        gates = (_hp_dot(q_star, wih_ref[:]) + bih_ref[:]
                 + _hp_dot(h, whh_ref[:]) + bhh_ref[:])
        ii = gates[:, :_DS2S]
        ff = gates[:, _DS2S:2 * _DS2S]
        gg = gates[:, 2 * _DS2S:3 * _DS2S]
        oo = gates[:, 3 * _DS2S:]
        c2 = jax.nn.sigmoid(ff) * c + jax.nn.sigmoid(ii) * jnp.tanh(gg)
        h2 = jax.nn.sigmoid(oo) * jnp.tanh(c2)
        h_scr[:] = h2
        c_scr[:] = c2
        q_scr[:] = h2
        em_scr[:] = jnp.full((1, _NG), -1e30, jnp.float32)
        den_scr[:] = jnp.zeros((1, _NG), jnp.float32)
        r1_scr[:] = jnp.zeros((_NG, _NHID), jnp.float32)
        r2_scr[:] = jnp.zeros((_NG, _NHID), jnp.float32)
        r3_scr[:] = jnp.zeros((_NG, _NHID), jnp.float32)

    @pl.when(p == 0)
    def _e_pass():
        q = q_scr[:]
        Bq = _hp_dot(B, q)
        e = (jnp.sum(x1_ref[:] * Bq[:, :_NHID], axis=1, keepdims=True)
             + jnp.sum(x2_ref[:] * Bq[:, _NHID:2 * _NHID], axis=1,
                       keepdims=True)
             + jnp.sum(x3_ref[:] * Bq[:, 2 * _NHID:], axis=1, keepdims=True))
        e_scr[pl.ds(n * _NB, _NB), :] = e
        blkmax = jnp.max(jnp.where(seg, e, -1e30), axis=0, keepdims=True)
        em_scr[:] = jnp.maximum(em_scr[:], blkmax)

    @pl.when(p == 1)
    def _den_pass():
        e = e_scr[pl.ds(n * _NB, _NB), :]
        em_node = jnp.sum(B * em_scr[:], axis=1, keepdims=True)
        ee = jnp.exp(e - em_node)
        den_scr[:] = den_scr[:] + jnp.sum(jnp.where(seg, ee, 0.0), axis=0,
                                          keepdims=True)

    @pl.when(p == 2)
    def _r_pass():
        e = e_scr[pl.ds(n * _NB, _NB), :]
        em_node = jnp.sum(B * em_scr[:], axis=1, keepdims=True)
        den_node = jnp.sum(B * den_scr[:], axis=1, keepdims=True)
        a = jnp.exp(e - em_node) / den_node
        r1_scr[:] = r1_scr[:] + _seg_dot(B, a * x1_ref[:])
        r2_scr[:] = r2_scr[:] + _seg_dot(B, a * x2_ref[:])
        r3_scr[:] = r3_scr[:] + _seg_dot(B, a * x3_ref[:])

        @pl.when(n == _NBLK - 1)
        def _finish_step():
            q_star = jnp.concatenate(
                [q_scr[:], r1_scr[:], r2_scr[:], r3_scr[:]], axis=1)
            qs_scr[:] = q_star

            @pl.when(s == _STEPS - 1)
            def _head():
                hdn = jax.nn.relu(_hp_dot(q_star, wl1_ref[:]) + bl1_ref[:])
                hdn = jax.nn.relu(_hp_dot(hdn, wl2_ref[:]) + bl2_ref[:])
                logits = _hp_dot(hdn, wl3_ref[:]) + bl3_ref[:]
                m = jnp.max(logits, axis=1, keepdims=True)
                lse = m + jnp.log(jnp.sum(jnp.exp(logits - m), axis=1,
                                          keepdims=True))
                out_ref[:] = logits - lse


def _set2set_head(batch, x1, x2, x3, W_ih, W_hh, b_ih, b_hh, Wl1, bl1, Wl2,
                  bl2, Wl3, bl3):
    xmap = lambda s, p, n: (jnp.where(p == 1, _NBLK - 1, n), 0)
    full = lambda s, p, n: (0, 0)
    return pl.pallas_call(
        _s2s_body,
        grid=(_STEPS, 3, _NBLK),
        in_specs=[
            pl.BlockSpec((_NB, 1), lambda s, p, n: (n, 0)),
            pl.BlockSpec((_NB, _NHID), xmap),
            pl.BlockSpec((_NB, _NHID), xmap),
            pl.BlockSpec((_NB, _NHID), xmap),
            pl.BlockSpec((2 * _DS2S, 4 * _DS2S), full),
            pl.BlockSpec((_DS2S, 4 * _DS2S), full),
            pl.BlockSpec((1, 4 * _DS2S), full),
            pl.BlockSpec((1, 4 * _DS2S), full),
            pl.BlockSpec((2 * _DS2S, _NHID), full),
            pl.BlockSpec((1, _NHID), full),
            pl.BlockSpec((_NHID, _NHID // 2), full),
            pl.BlockSpec((1, _NHID // 2), full),
            pl.BlockSpec((_NHID // 2, _NC), full),
            pl.BlockSpec((1, _NC), full),
        ],
        out_specs=pl.BlockSpec((_NG, _NC), full),
        out_shape=jax.ShapeDtypeStruct((_NG, _NC), jnp.float32),
        scratch_shapes=[
            pltpu.VMEM((_NG, _DS2S), jnp.float32),
            pltpu.VMEM((_NG, _DS2S), jnp.float32),
            pltpu.VMEM((_NG, _DS2S), jnp.float32),
            pltpu.VMEM((_NG, 2 * _DS2S), jnp.float32),
            pltpu.VMEM((_N, 1), jnp.float32),
            pltpu.VMEM((1, _NG), jnp.float32),
            pltpu.VMEM((1, _NG), jnp.float32),
            pltpu.VMEM((_NG, _NHID), jnp.float32),
            pltpu.VMEM((_NG, _NHID), jnp.float32),
            pltpu.VMEM((_NG, _NHID), jnp.float32),
        ],
    )(batch.reshape(_N, 1), x1, x2, x3, W_ih, W_hh,
      b_ih.reshape(1, -1), b_hh.reshape(1, -1), Wl1, bl1.reshape(1, -1),
      Wl2, bl2.reshape(1, -1), Wl3, bl3.reshape(1, -1))


def _aggr_body(x_hbm, srcb_hbm, dstb_hbm, zeros_hbm, out_hbm,
               s0, d0, s1, d1, r0, r1, acc_sh, sem0, sem1, semi0, semi1):
    cid = lax.axis_index("c")
    sid = lax.axis_index("s")
    wid = sid * 2 + cid
    rows = (r0, r1)
    sems = (sem0, sem1)
    sidx = (s0, s1)
    didx = (d0, d1)
    semi = (semi0, semi1)
    pltpu.sync_copy(zeros_hbm, acc_sh.at[pl.ds(sid * _ROWS_PT, _ROWS_PT)])
    plsc.subcore_barrier()

    base = wid * _NCHUNK
    pltpu.async_copy(srcb_hbm.at[pl.ds(base, _G)], s0, semi0)
    pltpu.async_copy(dstb_hbm.at[pl.ds(base, _G)], d0, semi0)

    def group(g, par):
        sv = sidx[par]
        dv = didx[par]
        pltpu.make_async_copy(srcb_hbm.at[pl.ds(base, _G)], sv,
                              semi[par]).wait()
        pltpu.make_async_copy(dstb_hbm.at[pl.ds(base, _G)], dv,
                              semi[par]).wait()
        pltpu.async_copy(x_hbm.at[sv.at[0]], rows[0], sems[0])
        pltpu.async_copy(x_hbm.at[sv.at[1]], rows[1], sems[1])

        @pl.when(g + 1 < _NGRP)
        def _prefetch_idx():
            nbase = base + (g + 1) * _G
            pltpu.async_copy(srcb_hbm.at[pl.ds(nbase, _G)], sidx[1 - par],
                             semi[1 - par])
            pltpu.async_copy(dstb_hbm.at[pl.ds(nbase, _G)], didx[1 - par],
                             semi[1 - par])

        for k in range(_G):
            b = k % 2
            pltpu.make_async_copy(x_hbm.at[sv.at[0]], rows[b],
                                  sems[b]).wait()
            pltpu.sync_copy(rows[b], acc_sh.at[dv.at[k]], add=True)
            if k + 2 < _G:
                pltpu.async_copy(x_hbm.at[sv.at[k + 2]], rows[b], sems[b])

    def super_body(u, carry):
        group(2 * u, 0)
        group(2 * u + 1, 1)
        return carry

    lax.fori_loop(0, _NGRP // 2, super_body, 0)
    plsc.subcore_barrier()
    pltpu.sync_copy(
        acc_sh.at[pl.ds(sid * _ROWS_PT, _ROWS_PT)],
        out_hbm.at[pl.ds(cid * _NPAD + sid * _ROWS_PT, _ROWS_PT)])


def _edge_aggregate(h, src_r, dst_r, zeros):
    mesh = plsc.VectorSubcoreMesh(core_axis_name="c", subcore_axis_name="s")
    run = pl.kernel(
        _aggr_body,
        mesh=mesh,
        out_type=jax.ShapeDtypeStruct((2 * _NPAD, _D), jnp.float32),
        scratch_types=[
            pltpu.VMEM((_G, _CH), jnp.int32),
            pltpu.VMEM((_G, _CH), jnp.int32),
            pltpu.VMEM((_G, _CH), jnp.int32),
            pltpu.VMEM((_G, _CH), jnp.int32),
            pltpu.VMEM((_CH, _D), jnp.float32),
            pltpu.VMEM((_CH, _D), jnp.float32),
            pltpu.VMEM_SHARED((_NPAD, _D), jnp.float32),
            pltpu.SemaphoreType.DMA,
            pltpu.SemaphoreType.DMA,
            pltpu.SemaphoreType.DMA,
            pltpu.SemaphoreType.DMA,
        ],
    )
    return run(h, src_r, dst_r, zeros)


def _conv_body(p0_ref, p1_ref, h_ref, wrel_ref, wroot_ref, b_ref, out_ref):
    aggr = p0_ref[:] + p1_ref[:]
    out_ref[:] = jnp.maximum(
        _hp_dot(aggr, wrel_ref[:]) + b_ref[:]
        + _hp_dot(h_ref[:], wroot_ref[:]), 0.0)


def _conv_matmul(p0, p1, h, W_rel, W_root, b):
    full = lambda n: (0, 0)
    blk = lambda n: (n, 0)
    return pl.pallas_call(
        _conv_body,
        grid=(_NBLK,),
        in_specs=[
            pl.BlockSpec((_NB, _D), blk),
            pl.BlockSpec((_NB, _D), blk),
            pl.BlockSpec((_NB, _D), blk),
            pl.BlockSpec((_D, _NHID), full),
            pl.BlockSpec((_D, _NHID), full),
            pl.BlockSpec((1, _NHID), full),
        ],
        out_specs=pl.BlockSpec((_NB, _NHID), blk),
        out_shape=jax.ShapeDtypeStruct((_N, _NHID), jnp.float32),
    )(p0, p1, h, W_rel, W_root, b.reshape(1, -1))


def kernel(x, edge_index, batch, W1_rel, b1, W1_root, W2_rel, b2, W2_root,
           W3_rel, b3, W3_root, W_ih, W_hh, b_ih, b_hh, Wl1, bl1, Wl2, bl2,
           Wl3, bl3):
    src_r = edge_index[0].reshape(_E // _CH, _CH)
    dst_r = edge_index[1].reshape(_E // _CH, _CH)
    zeros = jnp.zeros((_ROWS_PT, _D), jnp.float32)

    def conv(h, W_rel, b, W_root):
        parts = _edge_aggregate(h, src_r, dst_r, zeros)
        return _conv_matmul(parts[:_N], parts[_NPAD:_NPAD + _N], h,
                            W_rel, W_root, b)

    x1 = conv(x, W1_rel, b1, W1_root)
    x2 = conv(x1, W2_rel, b2, W2_root)
    x3 = conv(x2, W3_rel, b3, W3_root)
    return _set2set_head(batch, x1, x2, x3, W_ih, W_hh, b_ih, b_hh,
                         Wl1, bl1, Wl2, bl2, Wl3, bl3)

# --- scband reference (transcript-rebuilt; emitter-appended) ---
"""Pipeline reference for scband-net-32469952758301 (READ-ONLY COPY).

The authoritative reference and input builder live on the scoring server;
editing this copy changes nothing except your own understanding.
"""

import jax, jax.numpy as jnp
import numpy as np

N = 10000
E = 320000
D = 128
NHID = 128
NG = 64
NC = 10
STEPS = 10
DS2S = 3 * NHID

def _lin(k, fin, fout):
    return jax.random.normal(k, (fin, fout), dtype=jnp.float32) / np.sqrt(fin)

def setup_inputs(seed: int = 0):
    key = jax.random.key(seed)
    ks = jax.random.split(key, 30)
    inp = {}
    inp["x"] = jax.random.normal(ks[0], (N, D), dtype=jnp.float32)
    inp["edge_index"] = jax.random.randint(ks[1], (2, E), 0, N, dtype=jnp.int32)
    inp["batch"] = jnp.sort(jax.random.randint(ks[2], (N,), 0, NG, dtype=jnp.int32))
    inp["W1_rel"] = _lin(ks[3], D, NHID)
    inp["b1"] = jax.random.normal(ks[4], (NHID,), dtype=jnp.float32) * 0.01
    inp["W1_root"] = _lin(ks[5], D, NHID)
    inp["W2_rel"] = _lin(ks[6], NHID, NHID)
    inp["b2"] = jax.random.normal(ks[7], (NHID,), dtype=jnp.float32) * 0.01
    inp["W2_root"] = _lin(ks[8], NHID, NHID)
    inp["W3_rel"] = _lin(ks[9], NHID, NHID)
    inp["b3"] = jax.random.normal(ks[10], (NHID,), dtype=jnp.float32) * 0.01
    inp["W3_root"] = _lin(ks[11], NHID, NHID)
    inp["W_ih"] = _lin(ks[12], 2 * DS2S, 4 * DS2S)
    inp["W_hh"] = _lin(ks[13], DS2S, 4 * DS2S)
    inp["b_ih"] = jax.random.normal(ks[14], (4 * DS2S,), dtype=jnp.float32) * 0.01
    inp["b_hh"] = jax.random.normal(ks[15], (4 * DS2S,), dtype=jnp.float32) * 0.01
    inp["Wl1"] = _lin(ks[16], 2 * DS2S, NHID)
    inp["bl1"] = jax.random.normal(ks[17], (NHID,), dtype=jnp.float32) * 0.01
    inp["Wl2"] = _lin(ks[18], NHID, NHID // 2)
    inp["bl2"] = jax.random.normal(ks[19], (NHID // 2,), dtype=jnp.float32) * 0.01
    inp["Wl3"] = _lin(ks[20], NHID // 2, NC)
    inp["bl3"] = jax.random.normal(ks[21], (NC,), dtype=jnp.float32) * 0.01
    return inp

def _graph_conv(x, src, dst, W_rel, b, W_root):
    # PyG GraphConv: out = lin_rel(sum_{j in N(i)} x_j) + lin_root(x_i)
    aggr = jax.ops.segment_sum(x[src], dst, num_segments=N)
    return aggr @ W_rel + b + x @ W_root

def _set2set(xcat, batch, W_ih, W_hh, b_ih, b_hh):
    q_star = jnp.zeros((NG, 2 * DS2S), dtype=xcat.dtype)
    h = jnp.zeros((NG, DS2S), dtype=xcat.dtype)
    c = jnp.zeros((NG, DS2S), dtype=xcat.dtype)
    for _ in range(STEPS):
        gates = q_star @ W_ih + b_ih + h @ W_hh + b_hh
        i, f, g, o = jnp.split(gates, 4, axis=-1)
        c = jax.nn.sigmoid(f) * c + jax.nn.sigmoid(i) * jnp.tanh(g)
        h = jax.nn.sigmoid(o) * jnp.tanh(c)
        q = h
        e = jnp.sum(xcat * q[batch], axis=-1)
        e_max = jax.ops.segment_max(e, batch, num_segments=NG)
        ee = jnp.exp(e - e_max[batch])
        denom = jax.ops.segment_sum(ee, batch, num_segments=NG)
        a = ee / denom[batch]
        r = jax.ops.segment_sum(a[:, None] * xcat, batch, num_segments=NG)
        q_star = jnp.concatenate([q, r], axis=-1)
    return q_star

def reference(x, edge_index, batch, W1_rel, b1, W1_root, W2_rel, b2, W2_root, W3_rel, b3, W3_root, W_ih, W_hh, b_ih, b_hh, Wl1, bl1, Wl2, bl2, Wl3, bl3):
    src = edge_index[0]
    dst = edge_index[1]
    x1 = jax.nn.relu(_graph_conv(x, src, dst, W1_rel, b1, W1_root))
    x2 = jax.nn.relu(_graph_conv(x1, src, dst, W2_rel, b2, W2_root))
    x3 = jax.nn.relu(_graph_conv(x2, src, dst, W3_rel, b3, W3_root))
    xcat = jnp.concatenate([x1, x2, x3], axis=-1)
    pooled = _set2set(xcat, batch, W_ih, W_hh, b_ih, b_hh)
    hdn = jax.nn.relu(pooled @ Wl1 + bl1)
    hdn = jax.nn.relu(hdn @ Wl2 + bl2)
    logits = hdn @ Wl3 + bl3
    return jax.nn.log_softmax(logits, axis=-1)

if __name__ == "__main__":
    import jax
    _d = setup_inputs()
    print(jax.jit(kernel)(*tuple(_d.values())))

</pallas_src>

<mosaic_0001>
#map = affine_map<(d0, d1) -> (0, 0)>
module attributes {stable_mosaic.version = 14 : i64} {
  func.func @_aggr_body(%arg0: i32, %arg1: i32, %arg2: memref<10000x128xf32, #tpu.memory_space<hbm>>, %arg3: memref<2560x125xi32, #tpu.memory_space<hbm>>, %arg4: memref<2560x125xi32, #tpu.memory_space<hbm>>, %arg5: memref<640x128xf32, #tpu.memory_space<hbm>>, %arg6: memref<20480x128xf32, #tpu.memory_space<hbm>>, %arg7: memref<8x125xi32, #tpu.memory_space<vmem>>, %arg8: memref<8x125xi32, #tpu.memory_space<vmem>>, %arg9: memref<8x125xi32, #tpu.memory_space<vmem>>, %arg10: memref<8x125xi32, #tpu.memory_space<vmem>>, %arg11: memref<125x128xf32, #tpu.memory_space<vmem>>, %arg12: memref<125x128xf32, #tpu.memory_space<vmem>>, %arg13: memref<10240x128xf32, #tpu.memory_space<vmem_shared>>, %arg14: memref<!tpu.dma_semaphore, #tpu.memory_space<semaphore_mem>>, %arg15: memref<!tpu.dma_semaphore, #tpu.memory_space<semaphore_mem>>, %arg16: memref<!tpu.dma_semaphore, #tpu.memory_space<semaphore_mem>>, %arg17: memref<!tpu.dma_semaphore, #tpu.memory_space<semaphore_mem>>) attributes {dimension_semantics = [#tpu.dimension_semantics<core_parallel>, #tpu.dimension_semantics<subcore_parallel>], iteration_bounds = array<i64: 2, 16>, scalar_prefetch = 0 : i64, scratch_operands = 11 : i64, tpu.core_type = #tpu.core_type<sc_vector_subcore>, window_params = [{transform_indices = #map}, {transform_indices = #map}, {transform_indices = #map}, {transform_indices = #map}, {transform_indices = #map}]} {
    %mul3A = arith.constant 2 : i32
    %mul3A_0 = arith.muli %arg1, %mul3A : i32
    %add3A = arith.addi %mul3A_0, %arg0 : i32
    %mul3A_1 = arith.constant 640 : i32
    %mul3A_2 = arith.muli %arg1, %mul3A_1 : i32
    "tpu.region"() ({
      %run_scoped3A = tpu.sem_alloc : memref<!tpu.dma_semaphore, #tpu.memory_space<semaphore_mem>>
      %dma_start3A_25 = arith.constant 0 : i32
      %dma_start3A_26 = tpu.memref_slice %arg13[%mul3A_2, %dma_start3A_25] : memref<10240x128xf32, #tpu.memory_space<vmem_shared>> -> memref<640x128xf32, #tpu.memory_space<vmem_shared>>
      tpu.enqueue_dma source(%arg5 : memref<640x128xf32, #tpu.memory_space<hbm>>) target(%dma_start3A_26 : memref<640x128xf32, #tpu.memory_space<vmem_shared>>) target_semaphore(%run_scoped3A : memref<!tpu.dma_semaphore, #tpu.memory_space<semaphore_mem>>)
      %dma_wait3A = arith.constant 0 : i32
      %dma_wait3A_27 = tpu.memref_slice %arg13[%mul3A_2, %dma_wait3A] : memref<10240x128xf32, #tpu.memory_space<vmem_shared>> -> memref<640x128xf32, #tpu.memory_space<vmem_shared>>
      tpu.wait_dma2 semaphore(%run_scoped3A : memref<!tpu.dma_semaphore, #tpu.memory_space<semaphore_mem>>) src(%arg5 : memref<640x128xf32, #tpu.memory_space<hbm>>) dst(%dma_wait3A_27 : memref<640x128xf32, #tpu.memory_space<vmem_shared>>)
      tpu.yield
    }) : () -> ()
    %barrier3A = arith.constant 0 : index
    tpu.barrier barrier_id(%barrier3A)
    %mul3A_3 = arith.constant 80 : i32
    %mul3A_4 = arith.muli %add3A, %mul3A_3 : i32
    %dma_start3A = arith.constant 0 : i32
    %dma_start3A_5 = tpu.memref_slice %arg3[%mul3A_4, %dma_start3A] : memref<2560x125xi32, #tpu.memory_space<hbm>> -> memref<8x125xi32, #tpu.memory_space<hbm>>
    %dma_start3A_6 = arith.constant 0 : i32
    %dma_start3A_7 = tpu.memref_slice %arg3[%mul3A_4, %dma_start3A_6] : memref<2560x125xi32, #tpu.memory_space<hbm>> -> memref<8x125xi32, #tpu.memory_space<hbm>>
    tpu.enqueue_dma source(%dma_start3A_7 : memref<8x125xi32, #tpu.memory_space<hbm>>) target(%arg7 : memref<8x125xi32, #tpu.memory_space<vmem>>) target_semaphore(%arg16 : memref<!tpu.dma_semaphore, #tpu.memory_space<semaphore_mem>>)
    %dma_start3A_8 = arith.constant 0 : i32
    %dma_start3A_9 = tpu.memref_slice %arg4[%mul3A_4, %dma_start3A_8] : memref<2560x125xi32, #tpu.memory_space<hbm>> -> memref<8x125xi32, #tpu.memory_space<hbm>>
    %dma_start3A_10 = arith.constant 0 : i32
    %dma_start3A_11 = tpu.memref_slice %arg4[%mul3A_4, %dma_start3A_10] : memref<2560x125xi32, #tpu.memory_space<hbm>> -> memref<8x125xi32, #tpu.memory_space<hbm>>
    tpu.enqueue_dma source(%dma_start3A_11 : memref<8x125xi32, #tpu.memory_space<hbm>>) target(%arg8 : memref<8x125xi32, #tpu.memory_space<vmem>>) target_semaphore(%arg16 : memref<!tpu.dma_semaphore, #tpu.memory_space<semaphore_mem>>)
    %scan3A = arith.constant 0 : i32
    %scan3A_12 = arith.constant 0 : i32
    %scan3A_13 = arith.constant 5 : i32
    %scan3A_14 = arith.addi %scan3A_12, %scan3A_13 : i32
    %scan3A_15 = arith.constant 1 : i32
    scf.for %scan3A_25 = %scan3A_12 to %scan3A_14 step %scan3A_15  : i32 {
      %mul3A_26 = arith.constant 2 : i32
      %mul3A_27 = arith.muli %mul3A_26, %scan3A_25 : i32
      %dma_wait3A = arith.constant 0 : i32
      %dma_wait3A_28 = tpu.memref_slice %arg3[%mul3A_4, %dma_wait3A] : memref<2560x125xi32, #tpu.memory_space<hbm>> -> memref<8x125xi32, #tpu.memory_space<hbm>>
      %dma_wait3A_29 = arith.constant 0 : i32
      %dma_wait3A_30 = tpu.memref_slice %arg3[%mul3A_4, %dma_wait3A_29] : memref<2560x125xi32, #tpu.memory_space<hbm>> -> memref<8x125xi32, #tpu.memory_space<hbm>>
      tpu.wait_dma2 semaphore(%arg16 : memref<!tpu.dma_semaphore, #tpu.memory_space<semaphore_mem>>) src(%dma_wait3A_30 : memref<8x125xi32, #tpu.memory_space<hbm>>) dst(%arg7 : memref<8x125xi32, #tpu.memory_space<vmem>>)
      %dma_wait3A_31 = arith.constant 0 : i32
      %dma_wait3A_32 = tpu.memref_slice %arg4[%mul3A_4, %dma_wait3A_31] : memref<2560x125xi32, #tpu.memory_space<hbm>> -> memref<8x125xi32, #tpu.memory_space<hbm>>
      %dma_wait3A_33 = arith.constant 0 : i32
      %dma_wait3A_34 = tpu.memref_slice %arg4[%mul3A_4, %dma_wait3A_33] : memref<2560x125xi32, #tpu.memory_space<hbm>> -> memref<8x125xi32, #tpu.memory_space<hbm>>
      tpu.wait_dma2 semaphore(%arg16 : memref<!tpu.dma_semaphore, #tpu.memory_space<semaphore_mem>>) src(%dma_wait3A_34 : memref<8x125xi32, #tpu.memory_space<hbm>>) dst(%arg8 : memref<8x125xi32, #tpu.memory_space<vmem>>)
      %dma_start3A_35 = arith.constant 0 : i32
      %dma_start3A_36 = arith.constant 0 : i32
      %dma_start3A_37 = tpu.memref_slice %arg7[%dma_start3A_35, %dma_start3A_36] : memref<8x125xi32, #tpu.memory_space<vmem>> -> memref<1x125xi32, #tpu.memory_space<vmem>>
      %dma_start3A_38 = tpu.memref_squeeze %dma_start3A_37 : memref<1x125xi32, #tpu.memory_space<vmem>> -> memref<125xi32, #tpu.memory_space<vmem>>
      %dma_start3A_39 = arith.constant 0 : i32
      %dma_start3A_40 = arith.constant 0 : i32
      %dma_start3A_41 = tpu.memref_slice %arg2[%dma_start3A_39, %dma_start3A_40] : memref<10000x128xf32, #tpu.memory_space<hbm>> -> memref<10000x128xf32, #tpu.memory_space<hbm>>
      tpu.enqueue_indirect_dma source(%dma_start3A_41 : memref<10000x128xf32, #tpu.memory_space<hbm>>) target(%arg11 : memref<125x128xf32, #tpu.memory_space<vmem>>) offsets(%dma_start3A_38 : memref<125xi32, #tpu.memory_space<vmem>>) semaphore(%arg14 : memref<!tpu.dma_semaphore, #tpu.memory_space<semaphore_mem>>)
      %dma_start3A_42 = arith.constant 1 : i32
      %dma_start3A_43 = arith.constant 0 : i32
      %dma_start3A_44 = tpu.memref_slice %arg7[%dma_start3A_42, %dma_start3A_43] : memref<8x125xi32, #tpu.memory_space<vmem>> -> memref<1x125xi32, #tpu.memory_space<vmem>>
      %dma_start3A_45 = tpu.memref_squeeze %dma_start3A_44 : memref<1x125xi32, #tpu.memory_space<vmem>> -> memref<125xi32, #tpu.memory_space<vmem>>
      %dma_start3A_46 = arith.constant 0 : i32
      %dma_start3A_47 = arith.constant 0 : i32
      %dma_start3A_48 = tpu.memref_slice %arg2[%dma_start3A_46, %dma_start3A_47] : memref<10000x128xf32, #tpu.memory_space<hbm>> -> memref<10000x128xf32, #tpu.memory_space<hbm>>
      tpu.enqueue_indirect_dma source(%dma_start3A_48 : memref<10000x128xf32, #tpu.memory_space<hbm>>) target(%arg12 : memref<125x128xf32, #tpu.memory_space<vmem>>) offsets(%dma_start3A_45 : memref<125xi32, #tpu.memory_space<vmem>>) semaphore(%arg15 : memref<!tpu.dma_semaphore, #tpu.memory_space<semaphore_mem>>)
      %add3A_49 = arith.constant 1 : i32
      %add3A_50 = arith.addi %mul3A_27, %add3A_49 : i32
      %lt3A = arith.constant 10 : i32
      %lt3A_51 = arith.cmpi slt, %add3A_50, %lt3A : i32
      %convert_element_type3A = arith.extui %lt3A_51 : i1 to i32
      %cond3A = arith.constant 0 : i32
      %cond3A_52 = arith.cmpi ne, %convert_element_type3A, %cond3A : i32
      scf.if %cond3A_52 {
        %add3A_297 = arith.constant 1 : i32
        %add3A_298 = arith.addi %mul3A_27, %add3A_297 : i32
        %mul3A_299 = arith.constant 8 : i32
        %mul3A_300 = arith.muli %add3A_298, %mul3A_299 : i32
        %add3A_301 = arith.addi %mul3A_4, %mul3A_300 : i32
        %dma_start3A_302 = arith.constant 0 : i32
        %dma_start3A_303 = tpu.memref_slice %arg3[%add3A_301, %dma_start3A_302] : memref<2560x125xi32, #tpu.memory_space<hbm>> -> memref<8x125xi32, #tpu.memory_space<hbm>>
        %dma_start3A_304 = arith.constant 0 : i32
        %dma_start3A_305 = tpu.memref_slice %arg3[%add3A_301, %dma_start3A_304] : memref<2560x125xi32, #tpu.memory_space<hbm>> -> memref<8x125xi32, #tpu.memory_space<hbm>>
        tpu.enqueue_dma source(%dma_start3A_305 : memref<8x125xi32, #tpu.memory_space<hbm>>) target(%arg9 : memref<8x125xi32, #tpu.memory_space<vmem>>) target_semaphore(%arg17 : memref<!tpu.dma_semaphore, #tpu.memory_space<semaphore_mem>>)
        %dma_start3A_306 = arith.constant 0 : i32
        %dma_start3A_307 = tpu.memref_slice %arg4[%add3A_301, %dma_start3A_306] : memref<2560x125xi32, #tpu.memory_space<hbm>> -> memref<8x125xi32, #tpu.memory_space<hbm>>
        %dma_start3A_308 = arith.constant 0 : i32
        %dma_start3A_309 = tpu.memref_slice %arg4[%add3A_301, %dma_start3A_308] : memref<2560x125xi32, #tpu.memory_space<hbm>> -> memref<8x125xi32, #tpu.memory_space<hbm>>
        tpu.enqueue_dma source(%dma_start3A_309 : memref<8x125xi32, #tpu.memory_space<hbm>>) target(%arg10 : memref<8x125xi32, #tpu.memory_space<vmem>>) target_semaphore(%arg17 : memref<!tpu.dma_semaphore, #tpu.memory_space<semaphore_mem>>)
      } else {
      }
      %dma_wait3A_53 = arith.constant 0 : i32
      %dma_wait3A_54 = arith.constant 0 : i32
      %dma_wait3A_55 = tpu.memref_slice %arg7[%dma_wait3A_53, %dma_wait3A_54] : memref<8x125xi32, #tpu.memory_space<vmem>> -> memref<1x125xi32, #tpu.memory_space<vmem>>
      %dma_wait3A_56 = tpu.memref_squeeze %dma_wait3A_55 : memref<1x125xi32, #tpu.memory_space<vmem>> -> memref<125xi32, #tpu.memory_space<vmem>>
      %dma_wait3A_57 = arith.constant 0 : i32
      %dma_wait3A_58 = arith.constant 0 : i32
      %dma_wait3A_59 = tpu.memref_slice %arg2[%dma_wait3A_57, %dma_wait3A_58] : memref<10000x128xf32, #tpu.memory_space<hbm>> -> memref<10000x128xf32, #tpu.memory_space<hbm>>
      tpu.wait_indirect_dma semaphore(%arg14 : memref<!tpu.dma_semaphore, #tpu.memory_space<semaphore_mem>>) src(%dma_wait3A_59 : memref<10000x128xf32, #tpu.memory_space<hbm>>) dst(%arg11 : memref<125x128xf32, #tpu.memory_space<vmem>>)
      %run_scoped3A = arith.constant 0 : i32
      "tpu.region"() ({
        %run_scoped3A_297 = tpu.sem_alloc : memref<!tpu.dma_semaphore, #tpu.memory_space<semaphore_mem>>
        %dma_start3A_298 = arith.constant 0 : i32
        %dma_start3A_299 = tpu.memref_slice %arg8[%run_scoped3A, %dma_start3A_298] : memref<8x125xi32, #tpu.memory_space<vmem>> -> memref<1x125xi32, #tpu.memory_space<vmem>>
        %dma_start3A_300 = tpu.memref_squeeze %dma_start3A_299 : memref<1x125xi32, #tpu.memory_space<vmem>> -> memref<125xi32, #tpu.memory_space<vmem>>
        %dma_start3A_301 = arith.constant 0 : i32
        %dma_start3A_302 = arith.constant 0 : i32
        %dma_start3A_303 = tpu.memref_slice %arg13[%dma_start3A_301, %dma_start3A_302] : memref<10240x128xf32, #tpu.memory_space<vmem_shared>> -> memref<10240x128xf32, #tpu.memory_space<vmem_shared>>
        tpu.enqueue_indirect_dma source(%arg11 : memref<125x128xf32, #tpu.memory_space<vmem>>) target(%dma_start3A_303 : memref<10240x128xf32, #tpu.memory_space<vmem_shared>>) offsets(%dma_start3A_300 : memref<125xi32, #tpu.memory_space<vmem>>) semaphore(%run_scoped3A_297 : memref<!tpu.dma_semaphore, #tpu.memory_space<semaphore_mem>>) {add = true}
        %dma_wait3A_304 = arith.constant 0 : i32
        %dma_wait3A_305 = tpu.memref_slice %arg8[%run_scoped3A, %dma_wait3A_304] : memref<8x125xi32, #tpu.memory_space<vmem>> -> memref<1x125xi32, #tpu.memory_space<vmem>>
        %dma_wait3A_306 = tpu.memref_squeeze %dma_wait3A_305 : memref<1x125xi32, #tpu.memory_space<vmem>> -> memref<125xi32, #tpu.memory_space<vmem>>
        %dma_wait3A_307 = arith.constant 0 : i32
        %dma_wait3A_308 = arith.constant 0 : i32
        %dma_wait3A_309 = tpu.memref_slice %arg13[%dma_wait3A_307, %dma_wait3A_308] : memref<10240x128xf32, #tpu.memory_space<vmem_shared>> -> memref<10240x128xf32, #tpu.memory_space<vmem_shared>>
        tpu.wait_indirect_dma semaphore(%run_scoped3A_297 : memref<!tpu.dma_semaphore, #tpu.memory_space<semaphore_mem>>) src(%arg11 : memref<125x128xf32, #tpu.memory_space<vmem>>) dst(%dma_wait3A_309 : memref<10240x128xf32, #tpu.memory_space<vmem_shared>>)
        tpu.yield
      }) : () -> ()
      %dma_start3A_60 = arith.constant 2 : i32
      %dma_start3A_61 = arith.constant 0 : i32
      %dma_start3A_62 = tpu.memref_slice %arg7[%dma_start3A_60, %dma_start3A_61] : memref<8x125xi32, #tpu.memory_space<vmem>> -> memref<1x125xi32, #tpu.memory_space<vmem>>
      %dma_start3A_63 = tpu.memref_squeeze %dma_start3A_62 : memref<1x125xi32, #tpu.memory_space<vmem>> -> memref<125xi32, #tpu.memory_space<vmem>>
      %dma_start3A_64 = arith.constant 0 : i32
      %dma_start3A_65 = arith.constant 0 : i32
      %dma_start3A_66 = tpu.memref_slice %arg2[%dma_start3A_64, %dma_start3A_65] : memref<10000x128xf32, #tpu.memory_space<hbm>> -> memref<10000x128xf32, #tpu.memory_space<hbm>>
      tpu.enqueue_indirect_dma source(%dma_start3A_66 : memref<10000x128xf32, #tpu.memory_space<hbm>>) target(%arg11 : memref<125x128xf32, #tpu.memory_space<vmem>>) offsets(%dma_start3A_63 : memref<125xi32, #tpu.memory_space<vmem>>) semaphore(%arg14 : memref<!tpu.dma_semaphore, #tpu.memory_space<semaphore_mem>>)
      %dma_wait3A_67 = arith.constant 0 : i32
      %dma_wait3A_68 = arith.constant 0 : i32
      %dma_wait3A_69 = tpu.memref_slice %arg7[%dma_wait3A_67, %dma_wait3A_68] : memref<8x125xi32, #tpu.memory_space<vmem>> -> memref<1x125xi32, #tpu.memory_space<vmem>>
      %dma_wait3A_70 = tpu.memref_squeeze %dma_wait3A_69 : memref<1x125xi32, #tpu.memory_space<vmem>> -> memref<125xi32, #tpu.memory_space<vmem>>
      %dma_wait3A_71 = arith.constant 0 : i32
      %dma_wait3A_72 = arith.constant 0 : i32
      %dma_wait3A_73 = tpu.memref_slice %arg2[%dma_wait3A_71, %dma_wait3A_72] : memref<10000x128xf32, #tpu.memory_space<hbm>> -> memref<10000x128xf32, #tpu.memory_space<hbm>>
      tpu.wait_indirect_dma semaphore(%arg15 : memref<!tpu.dma_semaphore, #tpu.memory_space<semaphore_mem>>) src(%dma_wait3A_73 : memref<10000x128xf32, #tpu.memory_space<hbm>>) dst(%arg12 : memref<125x128xf32, #tpu.memory_space<vmem>>)
      %run_scoped3A_74 = arith.constant 1 : i32
      "tpu.region"() ({
        %run_scoped3A_297 = tpu.sem_alloc : memref<!tpu.dma_semaphore, #tpu.memory_space<semaphore_mem>>
        %dma_start3A_298 = arith.constant 0 : i32
        %dma_start3A_299 = tpu.memref_slice %arg8[%run_scoped3A_74, %dma_start3A_298] : memref<8x125xi32, #tpu.memory_space<vmem>> -> memref<1x125xi32, #tpu.memory_space<vmem>>
        %dma_start3A_300 = tpu.memref_squeeze %dma_start3A_299 : memref<1x125xi32, #tpu.memory_space<vmem>> -> memref<125xi32, #tpu.memory_space<vmem>>
        %dma_start3A_301 = arith.constant 0 : i32
        %dma_start3A_302 = arith.constant 0 : i32
        %dma_start3A_303 = tpu.memref_slice %arg13[%dma_start3A_301, %dma_start3A_302] : memref<10240x128xf32, #tpu.memory_space<vmem_shared>> -> memref<10240x128xf32, #tpu.memory_space<vmem_shared>>
        tpu.enqueue_indirect_dma source(%arg12 : memref<125x128xf32, #tpu.memory_space<vmem>>) target(%dma_start3A_303 : memref<10240x128xf32, #tpu.memory_space<vmem_shared>>) offsets(%dma_start3A_300 : memref<125xi32, #tpu.memory_space<vmem>>) semaphore(%run_scoped3A_297 : memref<!tpu.dma_semaphore, #tpu.memory_space<semaphore_mem>>) {add = true}
        %dma_wait3A_304 = arith.constant 0 : i32
        %dma_wait3A_305 = tpu.memref_slice %arg8[%run_scoped3A_74, %dma_wait3A_304] : memref<8x125xi32, #tpu.memory_space<vmem>> -> memref<1x125xi32, #tpu.memory_space<vmem>>
        %dma_wait3A_306 = tpu.memref_squeeze %dma_wait3A_305 : memref<1x125xi32, #tpu.memory_space<vmem>> -> memref<125xi32, #tpu.memory_space<vmem>>
        %dma_wait3A_307 = arith.constant 0 : i32
        %dma_wait3A_308 = arith.constant 0 : i32
        %dma_wait3A_309 = tpu.memref_slice %arg13[%dma_wait3A_307, %dma_wait3A_308] : memref<10240x128xf32, #tpu.memory_space<vmem_shared>> -> memref<10240x128xf32, #tpu.memory_space<vmem_shared>>
        tpu.wait_indirect_dma semaphore(%run_scoped3A_297 : memref<!tpu.dma_semaphore, #tpu.memory_space<semaphore_mem>>) src(%arg12 : memref<125x128xf32, #tpu.memory_space<vmem>>) dst(%dma_wait3A_309 : memref<10240x128xf32, #tpu.memory_space<vmem_shared>>)
        tpu.yield
      }) : () -> ()
      %dma_start3A_75 = arith.constant 3 : i32
      %dma_start3A_76 = arith.constant 0 : i32
      %dma_start3A_77 = tpu.memref_slice %arg7[%dma_start3A_75, %dma_start3A_76] : memref<8x125xi32, #tpu.memory_space<vmem>> -> memref<1x125xi32, #tpu.memory_space<vmem>>
      %dma_start3A_78 = tpu.memref_squeeze %dma_start3A_77 : memref<1x125xi32, #tpu.memory_space<vmem>> -> memref<125xi32, #tpu.memory_space<vmem>>
      %dma_start3A_79 = arith.constant 0 : i32
      %dma_start3A_80 = arith.constant 0 : i32
      %dma_start3A_81 = tpu.memref_slice %arg2[%dma_start3A_79, %dma_start3A_80] : memref<10000x128xf32, #tpu.memory_space<hbm>> -> memref<10000x128xf32, #tpu.memory_space<hbm>>
      tpu.enqueue_indirect_dma source(%dma_start3A_81 : memref<10000x128xf32, #tpu.memory_space<hbm>>) target(%arg12 : memref<125x128xf32, #tpu.memory_space<vmem>>) offsets(%dma_start3A_78 : memref<125xi32, #tpu.memory_space<vmem>>) semaphore(%arg15 : memref<!tpu.dma_semaphore, #tpu.memory_space<semaphore_mem>>)
      %dma_wait3A_82 = arith.constant 0 : i32
      %dma_wait3A_83 = arith.constant 0 : i32
      %dma_wait3A_84 = tpu.memref_slice %arg7[%dma_wait3A_82, %dma_wait3A_83] : memref<8x125xi32, #tpu.memory_space<vmem>> -> memref<1x125xi32, #tpu.memory_space<vmem>>
      %dma_wait3A_85 = tpu.memref_squeeze %dma_wait3A_84 : memref<1x125xi32, #tpu.memory_space<vmem>> -> memref<125xi32, #tpu.memory_space<vmem>>
      %dma_wait3A_86 = arith.constant 0 : i32
      %dma_wait3A_87 = arith.constant 0 : i32
      %dma_wait3A_88 = tpu.memref_slice %arg2[%dma_wait3A_86, %dma_wait3A_87] : memref<10000x128xf32, #tpu.memory_space<hbm>> -> memref<10000x128xf32, #tpu.memory_space<hbm>>
      tpu.wait_indirect_dma semaphore(%arg14 : memref<!tpu.dma_semaphore, #tpu.memory_space<semaphore_mem>>) src(%dma_wait3A_88 : memref<10000x128xf32, #tpu.memory_space<hbm>>) dst(%arg11 : memref<125x128xf32, #tpu.memory_space<vmem>>)
      %run_scoped3A_89 = arith.constant 2 : i32
      "tpu.region"() ({
        %run_scoped3A_297 = tpu.sem_alloc : memref<!tpu.dma_semaphore, #tpu.memory_space<semaphore_mem>>
        %dma_start3A_298 = arith.constant 0 : i32
        %dma_start3A_299 = tpu.memref_slice %arg8[%run_scoped3A_89, %dma_start3A_298] : memref<8x125xi32, #tpu.memory_space<vmem>> -> memref<1x125xi32, #tpu.memory_space<vmem>>
        %dma_start3A_300 = tpu.memref_squeeze %dma_start3A_299 : memref<1x125xi32, #tpu.memory_space<vmem>> -> memref<125xi32, #tpu.memory_space<vmem>>
        %dma_start3A_301 = arith.constant 0 : i32
        %dma_start3A_302 = arith.constant 0 : i32
        %dma_start3A_303 = tpu.memref_slice %arg13[%dma_start3A_301, %dma_start3A_302] : memref<10240x128xf32, #tpu.memory_space<vmem_shared>> -> memref<10240x128xf32, #tpu.memory_space<vmem_shared>>
        tpu.enqueue_indirect_dma source(%arg11 : memref<125x128xf32, #tpu.memory_space<vmem>>) target(%dma_start3A_303 : memref<10240x128xf32, #tpu.memory_space<vmem_shared>>) offsets(%dma_start3A_300 : memref<125xi32, #tpu.memory_space<vmem>>) semaphore(%run_scoped3A_297 : memref<!tpu.dma_semaphore, #tpu.memory_space<semaphore_mem>>) {add = true}
        %dma_wait3A_304 = arith.constant 0 : i32
        %dma_wait3A_305 = tpu.memref_slice %arg8[%run_scoped3A_89, %dma_wait3A_304] : memref<8x125xi32, #tpu.memory_space<vmem>> -> memref<1x125xi32, #tpu.memory_space<vmem>>
        %dma_wait3A_306 = tpu.memref_squeeze %dma_wait3A_305 : memref<1x125xi32, #tpu.memory_space<vmem>> -> memref<125xi32, #tpu.memory_space<vmem>>
        %dma_wait3A_307 = arith.constant 0 : i32
        %dma_wait3A_308 = arith.constant 0 : i32
        %dma_wait3A_309 = tpu.memref_slice %arg13[%dma_wait3A_307, %dma_wait3A_308] : memref<10240x128xf32, #tpu.memory_space<vmem_shared>> -> memref<10240x128xf32, #tpu.memory_space<vmem_shared>>
        tpu.wait_indirect_dma semaphore(%run_scoped3A_297 : memref<!tpu.dma_semaphore, #tpu.memory_space<semaphore_mem>>) src(%arg11 : memref<125x128xf32, #tpu.memory_space<vmem>>) dst(%dma_wait3A_309 : memref<10240x128xf32, #tpu.memory_space<vmem_shared>>)
        tpu.yield
      }) : () -> ()
      %dma_start3A_90 = arith.constant 4 : i32
      %dma_start3A_91 = arith.constant 0 : i32
      %dma_start3A_92 = tpu.memref_slice %arg7[%dma_start3A_90, %dma_start3A_91] : memref<8x125xi32, #tpu.memory_space<vmem>> -> memref<1x125xi32, #tpu.memory_space<vmem>>
      %dma_start3A_93 = tpu.memref_squeeze %dma_start3A_92 : memref<1x125xi32, #tpu.memory_space<vmem>> -> memref<125xi32, #tpu.memory_space<vmem>>
      %dma_start3A_94 = arith.constant 0 : i32
      %dma_start3A_95 = arith.constant 0 : i32
      %dma_start3A_96 = tpu.memref_slice %arg2[%dma_start3A_94, %dma_start3A_95] : memref<10000x128xf32, #tpu.memory_space<hbm>> -> memref<10000x128xf32, #tpu.memory_space<hbm>>
      tpu.enqueue_indirect_dma source(%dma_start3A_96 : memref<10000x128xf32, #tpu.memory_space<hbm>>) target(%arg11 : memref<125x128xf32, #tpu.memory_space<vmem>>) offsets(%dma_start3A_93 : memref<125xi32, #tpu.memory_space<vmem>>) semaphore(%arg14 : memref<!tpu.dma_semaphore, #tpu.memory_space<semaphore_mem>>)
      %dma_wait3A_97 = arith.constant 0 : i32
      %dma_wait3A_98 = arith.constant 0 : i32
      %dma_wait3A_99 = tpu.memref_slice %arg7[%dma_wait3A_97, %dma_wait3A_98] : memref<8x125xi32, #tpu.memory_space<vmem>> -> memref<1x125xi32, #tpu.memory_space<vmem>>
      %dma_wait3A_100 = tpu.memref_squeeze %dma_wait3A_99 : memref<1x125xi32, #tpu.memory_space<vmem>> -> memref<125xi32, #tpu.memory_space<vmem>>
      %dma_wait3A_101 = arith.constant 0 : i32
      %dma_wait3A_102 = arith.constant 0 : i32
      %dma_wait3A_103 = tpu.memref_slice %arg2[%dma_wait3A_101, %dma_wait3A_102] : memref<10000x128xf32, #tpu.memory_space<hbm>> -> memref<10000x128xf32, #tpu.memory_space<hbm>>
      tpu.wait_indirect_dma semaphore(%arg15 : memref<!tpu.dma_semaphore, #tpu.memory_space<semaphore_mem>>) src(%dma_wait3A_103 : memref<10000x128xf32, #tpu.memory_space<hbm>>) dst(%arg12 : memref<125x128xf32, #tpu.memory_space<vmem>>)
      %run_scoped3A_104 = arith.constant 3 : i32
      "tpu.region"() ({
        %run_scoped3A_297 = tpu.sem_alloc : memref<!tpu.dma_semaphore, #tpu.memory_space<semaphore_mem>>
        %dma_start3A_298 = arith.constant 0 : i32
        %dma_start3A_299 = tpu.memref_slice %arg8[%run_scoped3A_104, %dma_start3A_298] : memref<8x125xi32, #tpu.memory_space<vmem>> -> memref<1x125xi32, #tpu.memory_space<vmem>>
        %dma_start3A_300 = tpu.memref_squeeze %dma_start3A_299 : memref<1x125xi32, #tpu.memory_space<vmem>> -> memref<125xi32, #tpu.memory_space<vmem>>
        %dma_start3A_301 = arith.constant 0 : i32
        %dma_start3A_302 = arith.constant 0 : i32
        %dma_start3A_303 = tpu.memref_slice %arg13[%dma_start3A_301, %dma_start3A_302] : memref<10240x128xf32, #tpu.memory_space<vmem_shared>> -> memref<10240x128xf32, #tpu.memory_space<vmem_shared>>
        tpu.enqueue_indirect_dma source(%arg12 : memref<125x128xf32, #tpu.memory_space<vmem>>) target(%dma_start3A_303 : memref<10240x128xf32, #tpu.memory_space<vmem_shared>>) offsets(%dma_start3A_300 : memref<125xi32, #tpu.memory_space<vmem>>) semaphore(%run_scoped3A_297 : memref<!tpu.dma_semaphore, #tpu.memory_space<semaphore_mem>>) {add = true}
        %dma_wait3A_304 = arith.constant 0 : i32
        %dma_wait3A_305 = tpu.memref_slice %arg8[%run_scoped3A_104, %dma_wait3A_304] : memref<8x125xi32, #tpu.memory_space<vmem>> -> memref<1x125xi32, #tpu.memory_space<vmem>>
        %dma_wait3A_306 = tpu.memref_squeeze %dma_wait3A_305 : memref<1x125xi32, #tpu.memory_space<vmem>> -> memref<125xi32, #tpu.memory_space<vmem>>
        %dma_wait3A_307 = arith.constant 0 : i32
        %dma_wait3A_308 = arith.constant 0 : i32
        %dma_wait3A_309 = tpu.memref_slice %arg13[%dma_wait3A_307, %dma_wait3A_308] : memref<10240x128xf32, #tpu.memory_space<vmem_shared>> -> memref<10240x128xf32, #tpu.memory_space<vmem_shared>>
        tpu.wait_indirect_dma semaphore(%run_scoped3A_297 : memref<!tpu.dma_semaphore, #tpu.memory_space<semaphore_mem>>) src(%arg12 : memref<125x128xf32, #tpu.memory_space<vmem>>) dst(%dma_wait3A_309 : memref<10240x128xf32, #tpu.memory_space<vmem_shared>>)
        tpu.yield
      }) : () -> ()
      %dma_start3A_105 = arith.constant 5 : i32
      %dma_start3A_106 = arith.constant 0 : i32
      %dma_start3A_107 = tpu.memref_slice %arg7[%dma_start3A_105, %dma_start3A_106] : memref<8x125xi32, #tpu.memory_space<vmem>> -> memref<1x125xi32, #tpu.memory_space<vmem>>
      %dma_start3A_108 = tpu.memref_squeeze %dma_start3A_107 : memref<1x125xi32, #tpu.memory_space<vmem>> -> memref<125xi32, #tpu.memory_space<vmem>>
      %dma_start3A_109 = arith.constant 0 : i32
      %dma_start3A_110 = arith.constant 0 : i32
      %dma_start3A_111 = tpu.memref_slice %arg2[%dma_start3A_109, %dma_start3A_110] : memref<10000x128xf32, #tpu.memory_space<hbm>> -> memref<10000x128xf32, #tpu.memory_space<hbm>>
      tpu.enqueue_indirect_dma source(%dma_start3A_111 : memref<10000x128xf32, #tpu.memory_space<hbm>>) target(%arg12 : memref<125x128xf32, #tpu.memory_space<vmem>>) offsets(%dma_start3A_108 : memref<125xi32, #tpu.memory_space<vmem>>) semaphore(%arg15 : memref<!tpu.dma_semaphore, #tpu.memory_space<semaphore_mem>>)
      %dma_wait3A_112 = arith.constant 0 : i32
      %dma_wait3A_113 = arith.constant 0 : i32
      %dma_wait3A_114 = tpu.memref_slice %arg7[%dma_wait3A_112, %dma_wait3A_113] : memref<8x125xi32, #tpu.memory_space<vmem>> -> memref<1x125xi32, #tpu.memory_space<vmem>>
      %dma_wait3A_115 = tpu.memref_squeeze %dma_wait3A_114 : memref<1x125xi32, #tpu.memory_space<vmem>> -> memref<125xi32, #tpu.memory_space<vmem>>
      %dma_wait3A_116 = arith.constant 0 : i32
      %dma_wait3A_117 = arith.constant 0 : i32
      %dma_wait3A_118 = tpu.memref_slice %arg2[%dma_wait3A_116, %dma_wait3A_117] : memref<10000x128xf32, #tpu.memory_space<hbm>> -> memref<10000x128xf32, #tpu.memory_space<hbm>>
      tpu.wait_indirect_dma semaphore(%arg14 : memref<!tpu.dma_semaphore, #tpu.memory_space<semaphore_mem>>) src(%dma_wait3A_118 : memref<10000x128xf32, #tpu.memory_space<hbm>>) dst(%arg11 : memref<125x128xf32, #tpu.memory_space<vmem>>)
      %run_scoped3A_119 = arith.constant 4 : i32
      "tpu.region"() ({
        %run_scoped3A_297 = tpu.sem_alloc : memref<!tpu.dma_semaphore, #tpu.memory_space<semaphore_mem>>
        %dma_start3A_298 = arith.constant 0 : i32
        %dma_start3A_299 = tpu.memref_slice %arg8[%run_scoped3A_119, %dma_start3A_298] : memref<8x125xi32, #tpu.memory_space<vmem>> -> memref<1x125xi32, #tpu.memory_space<vmem>>
        %dma_start3A_300 = tpu.memref_squeeze %dma_start3A_299 : memref<1x125xi32, #tpu.memory_space<vmem>> -> memref<125xi32, #tpu.memory_space<vmem>>
        %dma_start3A_301 = arith.constant 0 : i32
        %dma_start3A_302 = arith.constant 0 : i32
        %dma_start3A_303 = tpu.memref_slice %arg13[%dma_start3A_301, %dma_start3A_302] : memref<10240x128xf32, #tpu.memory_space<vmem_shared>> -> memref<10240x128xf32, #tpu.memory_space<vmem_shared>>
        tpu.enqueue_indirect_dma source(%arg11 : memref<125x128xf32, #tpu.memory_space<vmem>>) target(%dma_start3A_303 : memref<10240x128xf32, #tpu.memory_space<vmem_shared>>) offsets(%dma_start3A_300 : memref<125xi32, #tpu.memory_space<vmem>>) semaphore(%run_scoped3A_297 : memref<!tpu.dma_semaphore, #tpu.memory_space<semaphore_mem>>) {add = true}
        %dma_wait3A_304 = arith.constant 0 : i32
        %dma_wait3A_305 = tpu.memref_slice %arg8[%run_scoped3A_119, %dma_wait3A_304] : memref<8x125xi32, #tpu.memory_space<vmem>> -> memref<1x125xi32, #tpu.memory_space<vmem>>
        %dma_wait3A_306 = tpu.memref_squeeze %dma_wait3A_305 : memref<1x125xi32, #tpu.memory_space<vmem>> -> memref<125xi32, #tpu.memory_space<vmem>>
        %dma_wait3A_307 = arith.constant 0 : i32
        %dma_wait3A_308 = arith.constant 0 : i32
        %dma_wait3A_309 = tpu.memref_slice %arg13[%dma_wait3A_307, %dma_wait3A_308] : memref<10240x128xf32, #tpu.memory_space<vmem_shared>> -> memref<10240x128xf32, #tpu.memory_space<vmem_shared>>
        tpu.wait_indirect_dma semaphore(%run_scoped3A_297 : memref<!tpu.dma_semaphore, #tpu.memory_space<semaphore_mem>>) src(%arg11 : memref<125x128xf32, #tpu.memory_space<vmem>>) dst(%dma_wait3A_309 : memref<10240x128xf32, #tpu.memory_space<vmem_shared>>)
        tpu.yield
      }) : () -> ()
      %dma_start3A_120 = arith.constant 6 : i32
      %dma_start3A_121 = arith.constant 0 : i32
      %dma_start3A_122 = tpu.memref_slice %arg7[%dma_start3A_120, %dma_start3A_121] : memref<8x125xi32, #tpu.memory_space<vmem>> -> memref<1x125xi32, #tpu.memory_space<vmem>>
      %dma_start3A_123 = tpu.memref_squeeze %dma_start3A_122 : memref<1x125xi32, #tpu.memory_space<vmem>> -> memref<125xi32, #tpu.memory_space<vmem>>
      %dma_start3A_124 = arith.constant 0 : i32
      %dma_start3A_125 = arith.constant 0 : i32
      %dma_start3A_126 = tpu.memref_slice %arg2[%dma_start3A_124, %dma_start3A_125] : memref<10000x128xf32, #tpu.memory_space<hbm>> -> memref<10000x128xf32, #tpu.memory_space<hbm>>
      tpu.enqueue_indirect_dma source(%dma_start3A_126 : memref<10000x128xf32, #tpu.memory_space<hbm>>) target(%arg11 : memref<125x128xf32, #tpu.memory_space<vmem>>) offsets(%dma_start3A_123 : memref<125xi32, #tpu.memory_space<vmem>>) semaphore(%arg14 : memref<!tpu.dma_semaphore, #tpu.memory_space<semaphore_mem>>)
      %dma_wait3A_127 = arith.constant 0 : i32
      %dma_wait3A_128 = arith.constant 0 : i32
      %dma_wait3A_129 = tpu.memref_slice %arg7[%dma_wait3A_127, %dma_wait3A_128] : memref<8x125xi32, #tpu.memory_space<vmem>> -> memref<1x125xi32, #tpu.memory_space<vmem>>
      %dma_wait3A_130 = tpu.memref_squeeze %dma_wait3A_129 : memref<1x125xi32, #tpu.memory_space<vmem>> -> memref<125xi32, #tpu.memory_space<vmem>>
      %dma_wait3A_131 = arith.constant 0 : i32
      %dma_wait3A_132 = arith.constant 0 : i32
      %dma_wait3A_133 = tpu.memref_slice %arg2[%dma_wait3A_131, %dma_wait3A_132] : memref<10000x128xf32, #tpu.memory_space<hbm>> -> memref<10000x128xf32, #tpu.memory_space<hbm>>
      tpu.wait_indirect_dma semaphore(%arg15 : memref<!tpu.dma_semaphore, #tpu.memory_space<semaphore_mem>>) src(%dma_wait3A_133 : memref<10000x128xf32, #tpu.memory_space<hbm>>) dst(%arg12 : memref<125x128xf32, #tpu.memory_space<vmem>>)
      %run_scoped3A_134 = arith.constant 5 : i32
      "tpu.region"() ({
        %run_scoped3A_297 = tpu.sem_alloc : memref<!tpu.dma_semaphore, #tpu.memory_space<semaphore_mem>>
        %dma_start3A_298 = arith.constant 0 : i32
        %dma_start3A_299 = tpu.memref_slice %arg8[%run_scoped3A_134, %dma_start3A_298] : memref<8x125xi32, #tpu.memory_space<vmem>> -> memref<1x125xi32, #tpu.memory_space<vmem>>
        %dma_start3A_300 = tpu.memref_squeeze %dma_start3A_299 : memref<1x125xi32, #tpu.memory_space<vmem>> -> memref<125xi32, #tpu.memory_space<vmem>>
        %dma_start3A_301 = arith.constant 0 : i32
        %dma_start3A_302 = arith.constant 0 : i32
        %dma_start3A_303 = tpu.memref_slice %arg13[%dma_start3A_301, %dma_start3A_302] : memref<10240x128xf32, #tpu.memory_space<vmem_shared>> -> memref<10240x128xf32, #tpu.memory_space<vmem_shared>>
        tpu.enqueue_indirect_dma source(%arg12 : memref<125x128xf32, #tpu.memory_space<vmem>>) target(%dma_start3A_303 : memref<10240x128xf32, #tpu.memory_space<vmem_shared>>) offsets(%dma_start3A_300 : memref<125xi32, #tpu.memory_space<vmem>>) semaphore(%run_scoped3A_297 : memref<!tpu.dma_semaphore, #tpu.memory_space<semaphore_mem>>) {add = true}
        %dma_wait3A_304 = arith.constant 0 : i32
        %dma_wait3A_305 = tpu.memref_slice %arg8[%run_scoped3A_134, %dma_wait3A_304] : memref<8x125xi32, #tpu.memory_space<vmem>> -> memref<1x125xi32, #tpu.memory_space<vmem>>
        %dma_wait3A_306 = tpu.memref_squeeze %dma_wait3A_305 : memref<1x125xi32, #tpu.memory_space<vmem>> -> memref<125xi32, #tpu.memory_space<vmem>>
        %dma_wait3A_307 = arith.constant 0 : i32
        %dma_wait3A_308 = arith.constant 0 : i32
        %dma_wait3A_309 = tpu.memref_slice %arg13[%dma_wait3A_307, %dma_wait3A_308] : memref<10240x128xf32, #tpu.memory_space<vmem_shared>> -> memref<10240x128xf32, #tpu.memory_space<vmem_shared>>
        tpu.wait_indirect_dma semaphore(%run_scoped3A_297 : memref<!tpu.dma_semaphore, #tpu.memory_space<semaphore_mem>>) src(%arg12 : memref<125x128xf32, #tpu.memory_space<vmem>>) dst(%dma_wait3A_309 : memref<10240x128xf32, #tpu.memory_space<vmem_shared>>)
        tpu.yield
      }) : () -> ()
      %dma_start3A_135 = arith.constant 7 : i32
      %dma_start3A_136 = arith.constant 0 : i32
      %dma_start3A_137 = tpu.memref_slice %arg7[%dma_start3A_135, %dma_start3A_136] : memref<8x125xi32, #tpu.memory_space<vmem>> -> memref<1x125xi32, #tpu.memory_space<vmem>>
      %dma_start3A_138 = tpu.memref_squeeze %dma_start3A_137 : memref<1x125xi32, #tpu.memory_space<vmem>> -> memref<125xi32, #tpu.memory_space<vmem>>
      %dma_start3A_139 = arith.constant 0 : i32
      %dma_start3A_140 = arith.constant 0 : i32
      %dma_start3A_141 = tpu.memref_slice %arg2[%dma_start3A_139, %dma_start3A_140] : memref<10000x128xf32, #tpu.memory_space<hbm>> -> memref<10000x128xf32, #tpu.memory_space<hbm>>
      tpu.enqueue_indirect_dma source(%dma_start3A_141 : memref<10000x128xf32, #tpu.memory_space<hbm>>) target(%arg12 : memref<125x128xf32, #tpu.memory_space<vmem>>) offsets(%dma_start3A_138 : memref<125xi32, #tpu.memory_space<vmem>>) semaphore(%arg15 : memref<!tpu.dma_semaphore, #tpu.memory_space<semaphore_mem>>)
      %dma_wait3A_142 = arith.constant 0 : i32
      %dma_wait3A_143 = arith.constant 0 : i32
      %dma_wait3A_144 = tpu.memref_slice %arg7[%dma_wait3A_142, %dma_wait3A_143] : memref<8x125xi32, #tpu.memory_space<vmem>> -> memref<1x125xi32, #tpu.memory_space<vmem>>
      %dma_wait3A_145 = tpu.memref_squeeze %dma_wait3A_144 : memref<1x125xi32, #tpu.memory_space<vmem>> -> memref<125xi32, #tpu.memory_space<vmem>>
      %dma_wait3A_146 = arith.constant 0 : i32
      %dma_wait3A_147 = arith.constant 0 : i32
      %dma_wait3A_148 = tpu.memref_slice %arg2[%dma_wait3A_146, %dma_wait3A_147] : memref<10000x128xf32, #tpu.memory_space<hbm>> -> memref<10000x128xf32, #tpu.memory_space<hbm>>
      tpu.wait_indirect_dma semaphore(%arg14 : memref<!tpu.dma_semaphore, #tpu.memory_space<semaphore_mem>>) src(%dma_wait3A_148 : memref<10000x128xf32, #tpu.memory_space<hbm>>) dst(%arg11 : memref<125x128xf32, #tpu.memory_space<vmem>>)
      %run_scoped3A_149 = arith.constant 6 : i32
      "tpu.region"() ({
        %run_scoped3A_297 = tpu.sem_alloc : memref<!tpu.dma_semaphore, #tpu.memory_space<semaphore_mem>>
        %dma_start3A_298 = arith.constant 0 : i32
        %dma_start3A_299 = tpu.memref_slice %arg8[%run_scoped3A_149, %dma_start3A_298] : memref<8x125xi32, #tpu.memory_space<vmem>> -> memref<1x125xi32, #tpu.memory_space<vmem>>
        %dma_start3A_300 = tpu.memref_squeeze %dma_start3A_299 : memref<1x125xi32, #tpu.memory_space<vmem>> -> memref<125xi32, #tpu.memory_space<vmem>>
        %dma_start3A_301 = arith.constant 0 : i32
        %dma_start3A_302 = arith.constant 0 : i32
        %dma_start3A_303 = tpu.memref_slice %arg13[%dma_start3A_301, %dma_start3A_302] : memref<10240x128xf32, #tpu.memory_space<vmem_shared>> -> memref<10240x128xf32, #tpu.memory_space<vmem_shared>>
        tpu.enqueue_indirect_dma source(%arg11 : memref<125x128xf32, #tpu.memory_space<vmem>>) target(%dma_start3A_303 : memref<10240x128xf32, #tpu.memory_space<vmem_shared>>) offsets(%dma_start3A_300 : memref<125xi32, #tpu.memory_space<vmem>>) semaphore(%run_scoped3A_297 : memref<!tpu.dma_semaphore, #tpu.memory_space<semaphore_mem>>) {add = true}
        %dma_wait3A_304 = arith.constant 0 : i32
        %dma_wait3A_305 = tpu.memref_slice %arg8[%run_scoped3A_149, %dma_wait3A_304] : memref<8x125xi32, #tpu.memory_space<vmem>> -> memref<1x125xi32, #tpu.memory_space<vmem>>
        %dma_wait3A_306 = tpu.memref_squeeze %dma_wait3A_305 : memref<1x125xi32, #tpu.memory_space<vmem>> -> memref<125xi32, #tpu.memory_space<vmem>>
        %dma_wait3A_307 = arith.constant 0 : i32
        %dma_wait3A_308 = arith.constant 0 : i32
        %dma_wait3A_309 = tpu.memref_slice %arg13[%dma_wait3A_307, %dma_wait3A_308] : memref<10240x128xf32, #tpu.memory_space<vmem_shared>> -> memref<10240x128xf32, #tpu.memory_space<vmem_shared>>
        tpu.wait_indirect_dma semaphore(%run_scoped3A_297 : memref<!tpu.dma_semaphore, #tpu.memory_space<semaphore_mem>>) src(%arg11 : memref<125x128xf32, #tpu.memory_space<vmem>>) dst(%dma_wait3A_309 : memref<10240x128xf32, #tpu.memory_space<vmem_shared>>)
        tpu.yield
      }) : () -> ()
      %dma_wait3A_150 = arith.constant 0 : i32
      %dma_wait3A_151 = arith.constant 0 : i32
      %dma_wait3A_152 = tpu.memref_slice %arg7[%dma_wait3A_150, %dma_wait3A_151] : memref<8x125xi32, #tpu.memory_space<vmem>> -> memref<1x125xi32, #tpu.memory_space<vmem>>
      %dma_wait3A_153 = tpu.memref_squeeze %dma_wait3A_152 : memref<1x125xi32, #tpu.memory_space<vmem>> -> memref<125xi32, #tpu.memory_space<vmem>>
      %dma_wait3A_154 = arith.constant 0 : i32
      %dma_wait3A_155 = arith.constant 0 : i32
      %dma_wait3A_156 = tpu.memref_slice %arg2[%dma_wait3A_154, %dma_wait3A_155] : memref<10000x128xf32, #tpu.memory_space<hbm>> -> memref<10000x128xf32, #tpu.memory_space<hbm>>
      tpu.wait_indirect_dma semaphore(%arg15 : memref<!tpu.dma_semaphore, #tpu.memory_space<semaphore_mem>>) src(%dma_wait3A_156 : memref<10000x128xf32, #tpu.memory_space<hbm>>) dst(%arg12 : memref<125x128xf32, #tpu.memory_space<vmem>>)
      %run_scoped3A_157 = arith.constant 7 : i32
      "tpu.region"() ({
        %run_scoped3A_297 = tpu.sem_alloc : memref<!tpu.dma_semaphore, #tpu.memory_space<semaphore_mem>>
        %dma_start3A_298 = arith.constant 0 : i32
        %dma_start3A_299 = tpu.memref_slice %arg8[%run_scoped3A_157, %dma_start3A_298] : memref<8x125xi32, #tpu.memory_space<vmem>> -> memref<1x125xi32, #tpu.memory_space<vmem>>
        %dma_start3A_300 = tpu.memref_squeeze %dma_start3A_299 : memref<1x125xi32, #tpu.memory_space<vmem>> -> memref<125xi32, #tpu.memory_space<vmem>>
        %dma_start3A_301 = arith.constant 0 : i32
        %dma_start3A_302 = arith.constant 0 : i32
        %dma_start3A_303 = tpu.memref_slice %arg13[%dma_start3A_301, %dma_start3A_302] : memref<10240x128xf32, #tpu.memory_space<vmem_shared>> -> memref<10240x128xf32, #tpu.memory_space<vmem_shared>>
        tpu.enqueue_indirect_dma source(%arg12 : memref<125x128xf32, #tpu.memory_space<vmem>>) target(%dma_start3A_303 : memref<10240x128xf32, #tpu.memory_space<vmem_shared>>) offsets(%dma_start3A_300 : memref<125xi32, #tpu.memory_space<vmem>>) semaphore(%run_scoped3A_297 : memref<!tpu.dma_semaphore, #tpu.memory_space<semaphore_mem>>) {add = true}
        %dma_wait3A_304 = arith.constant 0 : i32
        %dma_wait3A_305 = tpu.memref_slice %arg8[%run_scoped3A_157, %dma_wait3A_304] : memref<8x125xi32, #tpu.memory_space<vmem>> -> memref<1x125xi32, #tpu.memory_space<vmem>>
        %dma_wait3A_306 = tpu.memref_squeeze %dma_wait3A_305 : memref<1x125xi32, #tpu.memory_space<vmem>> -> memref<125xi32, #tpu.memory_space<vmem>>
        %dma_wait3A_307 = arith.constant 0 : i32
        %dma_wait3A_308 = arith.constant 0 : i32
        %dma_wait3A_309 = tpu.memref_slice %arg13[%dma_wait3A_307, %dma_wait3A_308] : memref<10240x128xf32, #tpu.memory_space<vmem_shared>> -> memref<10240x128xf32, #tpu.memory_space<vmem_shared>>
        tpu.wait_indirect_dma semaphore(%run_scoped3A_297 : memref<!tpu.dma_semaphore, #tpu.memory_space<semaphore_mem>>) src(%arg12 : memref<125x128xf32, #tpu.memory_space<vmem>>) dst(%dma_wait3A_309 : memref<10240x128xf32, #tpu.memory_space<vmem_shared>>)
        tpu.yield
      }) : () -> ()
      %mul3A_158 = arith.constant 2 : i32
      %mul3A_159 = arith.muli %mul3A_158, %scan3A_25 : i32
      %add3A_160 = arith.constant 1 : i32
      %add3A_161 = arith.addi %mul3A_159, %add3A_160 : i32
      %dma_wait3A_162 = arith.constant 0 : i32
      %dma_wait3A_163 = tpu.memref_slice %arg3[%mul3A_4, %dma_wait3A_162] : memref<2560x125xi32, #tpu.memory_space<hbm>> -> memref<8x125xi32, #tpu.memory_space<hbm>>
      %dma_wait3A_164 = arith.constant 0 : i32
      %dma_wait3A_165 = tpu.memref_slice %arg3[%mul3A_4, %dma_wait3A_164] : memref<2560x125xi32, #tpu.memory_space<hbm>> -> memref<8x125xi32, #tpu.memory_space<hbm>>
      tpu.wait_dma2 semaphore(%arg17 : memref<!tpu.dma_semaphore, #tpu.memory_space<semaphore_mem>>) src(%dma_wait3A_165 : memref<8x125xi32, #tpu.memory_space<hbm>>) dst(%arg9 : memref<8x125xi32, #tpu.memory_space<vmem>>)
      %dma_wait3A_166 = arith.constant 0 : i32
      %dma_wait3A_167 = tpu.memref_slice %arg4[%mul3A_4, %dma_wait3A_166] : memref<2560x125xi32, #tpu.memory_space<hbm>> -> memref<8x125xi32, #tpu.memory_space<hbm>>
      %dma_wait3A_168 = arith.constant 0 : i32
      %dma_wait3A_169 = tpu.memref_slice %arg4[%mul3A_4, %dma_wait3A_168] : memref<2560x125xi32, #tpu.memory_space<hbm>> -> memref<8x125xi32, #tpu.memory_space<hbm>>
      tpu.wait_dma2 semaphore(%arg17 : memref<!tpu.dma_semaphore, #tpu.memory_space<semaphore_mem>>) src(%dma_wait3A_169 : memref<8x125xi32, #tpu.memory_space<hbm>>) dst(%arg10 : memref<8x125xi32, #tpu.memory_space<vmem>>)
      %dma_start3A_170 = arith.constant 0 : i32
      %dma_start3A_171 = arith.constant 0 : i32
      %dma_start3A_172 = tpu.memref_slice %arg9[%dma_start3A_170, %dma_start3A_171] : memref<8x125xi32, #tpu.memory_space<vmem>> -> memref<1x125xi32, #tpu.memory_space<vmem>>
      %dma_start3A_173 = tpu.memref_squeeze %dma_start3A_172 : memref<1x125xi32, #tpu.memory_space<vmem>> -> memref<125xi32, #tpu.memory_space<vmem>>
      %dma_start3A_174 = arith.constant 0 : i32
      %dma_start3A_175 = arith.constant 0 : i32
      %dma_start3A_176 = tpu.memref_slice %arg2[%dma_start3A_174, %dma_start3A_175] : memref<10000x128xf32, #tpu.memory_space<hbm>> -> memref<10000x128xf32, #tpu.memory_space<hbm>>
      tpu.enqueue_indirect_dma source(%dma_start3A_176 : memref<10000x128xf32, #tpu.memory_space<hbm>>) target(%arg11 : memref<125x128xf32, #tpu.memory_space<vmem>>) offsets(%dma_start3A_173 : memref<125xi32, #tpu.memory_space<vmem>>) semaphore(%arg14 : memref<!tpu.dma_semaphore, #tpu.memory_space<semaphore_mem>>)
      %dma_start3A_177 = arith.constant 1 : i32
      %dma_start3A_178 = arith.constant 0 : i32
      %dma_start3A_179 = tpu.memref_slice %arg9[%dma_start3A_177, %dma_start3A_178] : memref<8x125xi32, #tpu.memory_space<vmem>> -> memref<1x125xi32, #tpu.memory_space<vmem>>
      %dma_start3A_180 = tpu.memref_squeeze %dma_start3A_179 : memref<1x125xi32, #tpu.memory_space<vmem>> -> memref<125xi32, #tpu.memory_space<vmem>>
      %dma_start3A_181 = arith.constant 0 : i32
      %dma_start3A_182 = arith.constant 0 : i32
      %dma_start3A_183 = tpu.memref_slice %arg2[%dma_start3A_181, %dma_start3A_182] : memref<10000x128xf32, #tpu.memory_space<hbm>> -> memref<10000x128xf32, #tpu.memory_space<hbm>>
      tpu.enqueue_indirect_dma source(%dma_start3A_183 : memref<10000x128xf32, #tpu.memory_space<hbm>>) target(%arg12 : memref<125x128xf32, #tpu.memory_space<vmem>>) offsets(%dma_start3A_180 : memref<125xi32, #tpu.memory_space<vmem>>) semaphore(%arg15 : memref<!tpu.dma_semaphore, #tpu.memory_space<semaphore_mem>>)
      %add3A_184 = arith.constant 1 : i32
      %add3A_185 = arith.addi %add3A_161, %add3A_184 : i32
      %lt3A_186 = arith.constant 10 : i32
      %lt3A_187 = arith.cmpi slt, %add3A_185, %lt3A_186 : i32
      %convert_element_type3A_188 = arith.extui %lt3A_187 : i1 to i32
      %cond3A_189 = arith.constant 0 : i32
      %cond3A_190 = arith.cmpi ne, %convert_element_type3A_188, %cond3A_189 : i32
      scf.if %cond3A_190 {
        %add3A_297 = arith.constant 1 : i32
        %add3A_298 = arith.addi %add3A_161, %add3A_297 : i32
        %mul3A_299 = arith.constant 8 : i32
        %mul3A_300 = arith.muli %add3A_298, %mul3A_299 : i32
        %add3A_301 = arith.addi %mul3A_4, %mul3A_300 : i32
        %dma_start3A_302 = arith.constant 0 : i32
        %dma_start3A_303 = tpu.memref_slice %arg3[%add3A_301, %dma_start3A_302] : memref<2560x125xi32, #tpu.memory_space<hbm>> -> memref<8x125xi32, #tpu.memory_space<hbm>>
        %dma_start3A_304 = arith.constant 0 : i32
        %dma_start3A_305 = tpu.memref_slice %arg3[%add3A_301, %dma_start3A_304] : memref<2560x125xi32, #tpu.memory_space<hbm>> -> memref<8x125xi32, #tpu.memory_space<hbm>>
        tpu.enqueue_dma source(%dma_start3A_305 : memref<8x125xi32, #tpu.memory_space<hbm>>) target(%arg7 : memref<8x125xi32, #tpu.memory_space<vmem>>) target_semaphore(%arg16 : memref<!tpu.dma_semaphore, #tpu.memory_space<semaphore_mem>>)
        %dma_start3A_306 = arith.constant 0 : i32
        %dma_start3A_307 = tpu.memref_slice %arg4[%add3A_301, %dma_start3A_306] : memref<2560x125xi32, #tpu.memory_space<hbm>> -> memref<8x125xi32, #tpu.memory_space<hbm>>
        %dma_start3A_308 = arith.constant 0 : i32
        %dma_start3A_309 = tpu.memref_slice %arg4[%add3A_301, %dma_start3A_308] : memref<2560x125xi32, #tpu.memory_space<hbm>> -> memref<8x125xi32, #tpu.memory_space<hbm>>
        tpu.enqueue_dma source(%dma_start3A_309 : memref<8x125xi32, #tpu.memory_space<hbm>>) target(%arg8 : memref<8x125xi32, #tpu.memory_space<vmem>>) target_semaphore(%arg16 : memref<!tpu.dma_semaphore, #tpu.memory_space<semaphore_mem>>)
      } else {
      }
      %dma_wait3A_191 = arith.constant 0 : i32
      %dma_wait3A_192 = arith.constant 0 : i32
      %dma_wait3A_193 = tpu.memref_slice %arg9[%dma_wait3A_191, %dma_wait3A_192] : memref<8x125xi32, #tpu.memory_space<vmem>> -> memref<1x125xi32, #tpu.memory_space<vmem>>
      %dma_wait3A_194 = tpu.memref_squeeze %dma_wait3A_193 : memref<1x125xi32, #tpu.memory_space<vmem>> -> memref<125xi32, #tpu.memory_space<vmem>>
      %dma_wait3A_195 = arith.constant 0 : i32
      %dma_wait3A_196 = arith.constant 0 : i32
      %dma_wait3A_197 = tpu.memref_slice %arg2[%dma_wait3A_195, %dma_wait3A_196] : memref<10000x128xf32, #tpu.memory_space<hbm>> -> memref<10000x128xf32, #tpu.memory_space<hbm>>
      tpu.wait_indirect_dma semaphore(%arg14 : memref<!tpu.dma_semaphore, #tpu.memory_space<semaphore_mem>>) src(%dma_wait3A_197 : memref<10000x128xf32, #tpu.memory_space<hbm>>) dst(%arg11 : memref<125x128xf32, #tpu.memory_space<vmem>>)
      %run_scoped3A_198 = arith.constant 0 : i32
      "tpu.region"() ({
        %run_scoped3A_297 = tpu.sem_alloc : memref<!tpu.dma_semaphore, #tpu.memory_space<semaphore_mem>>
        %dma_start3A_298 = arith.constant 0 : i32
        %dma_start3A_299 = tpu.memref_slice %arg10[%run_scoped3A_198, %dma_start3A_298] : memref<8x125xi32, #tpu.memory_space<vmem>> -> memref<1x125xi32, #tpu.memory_space<vmem>>
        %dma_start3A_300 = tpu.memref_squeeze %dma_start3A_299 : memref<1x125xi32, #tpu.memory_space<vmem>> -> memref<125xi32, #tpu.memory_space<vmem>>
        %dma_start3A_301 = arith.constant 0 : i32
        %dma_start3A_302 = arith.constant 0 : i32
        %dma_start3A_303 = tpu.memref_slice %arg13[%dma_start3A_301, %dma_start3A_302] : memref<10240x128xf32, #tpu.memory_space<vmem_shared>> -> memref<10240x128xf32, #tpu.memory_space<vmem_shared>>
        tpu.enqueue_indirect_dma source(%arg11 : memref<125x128xf32, #tpu.memory_space<vmem>>) target(%dma_start3A_303 : memref<10240x128xf32, #tpu.memory_space<vmem_shared>>) offsets(%dma_start3A_300 : memref<125xi32, #tpu.memory_space<vmem>>) semaphore(%run_scoped3A_297 : memref<!tpu.dma_semaphore, #tpu.memory_space<semaphore_mem>>) {add = true}
        %dma_wait3A_304 = arith.constant 0 : i32
        %dma_wait3A_305 = tpu.memref_slice %arg10[%run_scoped3A_198, %dma_wait3A_304] : memref<8x125xi32, #tpu.memory_space<vmem>> -> memref<1x125xi32, #tpu.memory_space<vmem>>
        %dma_wait3A_306 = tpu.memref_squeeze %dma_wait3A_305 : memref<1x125xi32, #tpu.memory_space<vmem>> -> memref<125xi32, #tpu.memory_space<vmem>>
        %dma_wait3A_307 = arith.constant 0 : i32
        %dma_wait3A_308 = arith.constant 0 : i32
        %dma_wait3A_309 = tpu.memref_slice %arg13[%dma_wait3A_307, %dma_wait3A_308] : memref<10240x128xf32, #tpu.memory_space<vmem_shared>> -> memref<10240x128xf32, #tpu.memory_space<vmem_shared>>
        tpu.wait_indirect_dma semaphore(%run_scoped3A_297 : memref<!tpu.dma_semaphore, #tpu.memory_space<semaphore_mem>>) src(%arg11 : memref<125x128xf32, #tpu.memory_space<vmem>>) dst(%dma_wait3A_309 : memref<10240x128xf32, #tpu.memory_space<vmem_shared>>)
        tpu.yield
      }) : () -> ()
      %dma_start3A_199 = arith.constant 2 : i32
      %dma_start3A_200 = arith.constant 0 : i32
      %dma_start3A_201 = tpu.memref_slice %arg9[%dma_start3A_199, %dma_start3A_200] : memref<8x125xi32, #tpu.memory_space<vmem>> -> memref<1x125xi32, #tpu.memory_space<vmem>>
      %dma_start3A_202 = tpu.memref_squeeze %dma_start3A_201 : memref<1x125xi32, #tpu.memory_space<vmem>> -> memref<125xi32, #tpu.memory_space<vmem>>
      %dma_start3A_203 = arith.constant 0 : i32
      %dma_start3A_204 = arith.constant 0 : i32
      %dma_start3A_205 = tpu.memref_slice %arg2[%dma_start3A_203, %dma_start3A_204] : memref<10000x128xf32, #tpu.memory_space<hbm>> -> memref<10000x128xf32, #tpu.memory_space<hbm>>
      tpu.enqueue_indirect_dma source(%dma_start3A_205 : memref<10000x128xf32, #tpu.memory_space<hbm>>) target(%arg11 : memref<125x128xf32, #tpu.memory_space<vmem>>) offsets(%dma_start3A_202 : memref<125xi32, #tpu.memory_space<vmem>>) semaphore(%arg14 : memref<!tpu.dma_semaphore, #tpu.memory_space<semaphore_mem>>)
      %dma_wait3A_206 = arith.constant 0 : i32
      %dma_wait3A_207 = arith.constant 0 : i32
      %dma_wait3A_208 = tpu.memref_slice %arg9[%dma_wait3A_206, %dma_wait3A_207] : memref<8x125xi32, #tpu.memory_space<vmem>> -> memref<1x125xi32, #tpu.memory_space<vmem>>
      %dma_wait3A_209 = tpu.memref_squeeze %dma_wait3A_208 : memref<1x125xi32, #tpu.memory_space<vmem>> -> memref<125xi32, #tpu.memory_space<vmem>>
      %dma_wait3A_210 = arith.constant 0 : i32
      %dma_wait3A_211 = arith.constant 0 : i32
      %dma_wait3A_212 = tpu.memref_slice %arg2[%dma_wait3A_210, %dma_wait3A_211] : memref<10000x128xf32, #tpu.memory_space<hbm>> -> memref<10000x128xf32, #tpu.memory_space<hbm>>
      tpu.wait_indirect_dma semaphore(%arg15 : memref<!tpu.dma_semaphore, #tpu.memory_space<semaphore_mem>>) src(%dma_wait3A_212 : memref<10000x128xf32, #tpu.memory_space<hbm>>) dst(%arg12 : memref<125x128xf32, #tpu.memory_space<vmem>>)
      %run_scoped3A_213 = arith.constant 1 : i32
      "tpu.region"() ({
        %run_scoped3A_297 = tpu.sem_alloc : memref<!tpu.dma_semaphore, #tpu.memory_space<semaphore_mem>>
        %dma_start3A_298 = arith.constant 0 : i32
        %dma_start3A_299 = tpu.memref_slice %arg10[%run_scoped3A_213, %dma_start3A_298] : memref<8x125xi32, #tpu.memory_space<vmem>> -> memref<1x125xi32, #tpu.memory_space<vmem>>
        %dma_start3A_300 = tpu.memref_squeeze %dma_start3A_299 : memref<1x125xi32, #tpu.memory_space<vmem>> -> memref<125xi32, #tpu.memory_space<vmem>>
        %dma_start3A_301 = arith.constant 0 : i32
        %dma_start3A_302 = arith.constant 0 : i32
        %dma_start3A_303 = tpu.memref_slice %arg13[%dma_start3A_301, %dma_start3A_302] : memref<10240x128xf32, #tpu.memory_space<vmem_shared>> -> memref<10240x128xf32, #tpu.memory_space<vmem_shared>>
        tpu.enqueue_indirect_dma source(%arg12 : memref<125x128xf32, #tpu.memory_space<vmem>>) target(%dma_start3A_303 : memref<10240x128xf32, #tpu.memory_space<vmem_shared>>) offsets(%dma_start3A_300 : memref<125xi32, #tpu.memory_space<vmem>>) semaphore(%run_scoped3A_297 : memref<!tpu.dma_semaphore, #tpu.memory_space<semaphore_mem>>) {add = true}
        %dma_wait3A_304 = arith.constant 0 : i32
        %dma_wait3A_305 = tpu.memref_slice %arg10[%run_scoped3A_213, %dma_wait3A_304] : memref<8x125xi32, #tpu.memory_space<vmem>> -> memref<1x125xi32, #tpu.memory_space<vmem>>
        %dma_wait3A_306 = tpu.memref_squeeze %dma_wait3A_305 : memref<1x125xi32, #tpu.memory_space<vmem>> -> memref<125xi32, #tpu.memory_space<vmem>>
        %dma_wait3A_307 = arith.constant 0 : i32
        %dma_wait3A_308 = arith.constant 0 : i32
        %dma_wait3A_309 = tpu.memref_slice %arg13[%dma_wait3A_307, %dma_wait3A_308] : memref<10240x128xf32, #tpu.memory_space<vmem_shared>> -> memref<10240x128xf32, #tpu.memory_space<vmem_shared>>
        tpu.wait_indirect_dma semaphore(%run_scoped3A_297 : memref<!tpu.dma_semaphore, #tpu.memory_space<semaphore_mem>>) src(%arg12 : memref<125x128xf32, #tpu.memory_space<vmem>>) dst(%dma_wait3A_309 : memref<10240x128xf32, #tpu.memory_space<vmem_shared>>)
        tpu.yield
      }) : () -> ()
      %dma_start3A_214 = arith.constant 3 : i32
      %dma_start3A_215 = arith.constant 0 : i32
      %dma_start3A_216 = tpu.memref_slice %arg9[%dma_start3A_214, %dma_start3A_215] : memref<8x125xi32, #tpu.memory_space<vmem>> -> memref<1x125xi32, #tpu.memory_space<vmem>>
      %dma_start3A_217 = tpu.memref_squeeze %dma_start3A_216 : memref<1x125xi32, #tpu.memory_space<vmem>> -> memref<125xi32, #tpu.memory_space<vmem>>
      %dma_start3A_218 = arith.constant 0 : i32
      %dma_start3A_219 = arith.constant 0 : i32
      %dma_start3A_220 = tpu.memref_slice %arg2[%dma_start3A_218, %dma_start3A_219] : memref<10000x128xf32, #tpu.memory_space<hbm>> -> memref<10000x128xf32, #tpu.memory_space<hbm>>
      tpu.enqueue_indirect_dma source(%dma_start3A_220 : memref<10000x128xf32, #tpu.memory_space<hbm>>) target(%arg12 : memref<125x128xf32, #tpu.memory_space<vmem>>) offsets(%dma_start3A_217 : memref<125xi32, #tpu.memory_space<vmem>>) semaphore(%arg15 : memref<!tpu.dma_semaphore, #tpu.memory_space<semaphore_mem>>)
      %dma_wait3A_221 = arith.constant 0 : i32
      %dma_wait3A_222 = arith.constant 0 : i32
      %dma_wait3A_223 = tpu.memref_slice %arg9[%dma_wait3A_221, %dma_wait3A_222] : memref<8x125xi32, #tpu.memory_space<vmem>> -> memref<1x125xi32, #tpu.memory_space<vmem>>
      %dma_wait3A_224 = tpu.memref_squeeze %dma_wait3A_223 : memref<1x125xi32, #tpu.memory_space<vmem>> -> memref<125xi32, #tpu.memory_space<vmem>>
      %dma_wait3A_225 = arith.constant 0 : i32
      %dma_wait3A_226 = arith.constant 0 : i32
      %dma_wait3A_227 = tpu.memref_slice %arg2[%dma_wait3A_225, %dma_wait3A_226] : memref<10000x128xf32, #tpu.memory_space<hbm>> -> memref<10000x128xf32, #tpu.memory_space<hbm>>
      tpu.wait_indirect_dma semaphore(%arg14 : memref<!tpu.dma_semaphore, #tpu.memory_space<semaphore_mem>>) src(%dma_wait3A_227 : memref<10000x128xf32, #tpu.memory_space<hbm>>) dst(%arg11 : memref<125x128xf32, #tpu.memory_space<vmem>>)
      %run_scoped3A_228 = arith.constant 2 : i32
      "tpu.region"() ({
        %run_scoped3A_297 = tpu.sem_alloc : memref<!tpu.dma_semaphore, #tpu.memory_space<semaphore_mem>>
        %dma_start3A_298 = arith.constant 0 : i32
        %dma_start3A_299 = tpu.memref_slice %arg10[%run_scoped3A_228, %dma_start3A_298] : memref<8x125xi32, #tpu.memory_space<vmem>> -> memref<1x125xi32, #tpu.memory_space<vmem>>
        %dma_start3A_300 = tpu.memref_squeeze %dma_start3A_299 : memref<1x125xi32, #tpu.memory_space<vmem>> -> memref<125xi32, #tpu.memory_space<vmem>>
        %dma_start3A_301 = arith.constant 0 : i32
        %dma_start3A_302 = arith.constant 0 : i32
        %dma_start3A_303 = tpu.memref_slice %arg13[%dma_start3A_301, %dma_start3A_302] : memref<10240x128xf32, #tpu.memory_space<vmem_shared>> -> memref<10240x128xf32, #tpu.memory_space<vmem_shared>>
        tpu.enqueue_indirect_dma source(%arg11 : memref<125x128xf32, #tpu.memory_space<vmem>>) target(%dma_start3A_303 : memref<10240x128xf32, #tpu.memory_space<vmem_shared>>) offsets(%dma_start3A_300 : memref<125xi32, #tpu.memory_space<vmem>>) semaphore(%run_scoped3A_297 : memref<!tpu.dma_semaphore, #tpu.memory_space<semaphore_mem>>) {add = true}
        %dma_wait3A_304 = arith.constant 0 : i32
        %dma_wait3A_305 = tpu.memref_slice %arg10[%run_scoped3A_228, %dma_wait3A_304] : memref<8x125xi32, #tpu.memory_space<vmem>> -> memref<1x125xi32, #tpu.memory_space<vmem>>
        %dma_wait3A_306 = tpu.memref_squeeze %dma_wait3A_305 : memref<1x125xi32, #tpu.memory_space<vmem>> -> memref<125xi32, #tpu.memory_space<vmem>>
        %dma_wait3A_307 = arith.constant 0 : i32
        %dma_wait3A_308 = arith.constant 0 : i32
        %dma_wait3A_309 = tpu.memref_slice %arg13[%dma_wait3A_307, %dma_wait3A_308] : memref<10240x128xf32, #tpu.memory_space<vmem_shared>> -> memref<10240x128xf32, #tpu.memory_space<vmem_shared>>
        tpu.wait_indirect_dma semaphore(%run_scoped3A_297 : memref<!tpu.dma_semaphore, #tpu.memory_space<semaphore_mem>>) src(%arg11 : memref<125x128xf32, #tpu.memory_space<vmem>>) dst(%dma_wait3A_309 : memref<10240x128xf32, #tpu.memory_space<vmem_shared>>)
        tpu.yield
      }) : () -> ()
      %dma_start3A_229 = arith.constant 4 : i32
      %dma_start3A_230 = arith.constant 0 : i32
      %dma_start3A_231 = tpu.memref_slice %arg9[%dma_start3A_229, %dma_start3A_230] : memref<8x125xi32, #tpu.memory_space<vmem>> -> memref<1x125xi32, #tpu.memory_space<vmem>>
      %dma_start3A_232 = tpu.memref_squeeze %dma_start3A_231 : memref<1x125xi32, #tpu.memory_space<vmem>> -> memref<125xi32, #tpu.memory_space<vmem>>
      %dma_start3A_233 = arith.constant 0 : i32
      %dma_start3A_234 = arith.constant 0 : i32
      %dma_start3A_235 = tpu.memref_slice %arg2[%dma_start3A_233, %dma_start3A_234] : memref<10000x128xf32, #tpu.memory_space<hbm>> -> memref<10000x128xf32, #tpu.memory_space<hbm>>
      tpu.enqueue_indirect_dma source(%dma_start3A_235 : memref<10000x128xf32, #tpu.memory_space<hbm>>) target(%arg11 : memref<125x128xf32, #tpu.memory_space<vmem>>) offsets(%dma_start3A_232 : memref<125xi32, #tpu.memory_space<vmem>>) semaphore(%arg14 : memref<!tpu.dma_semaphore, #tpu.memory_space<semaphore_mem>>)
      %dma_wait3A_236 = arith.constant 0 : i32
      %dma_wait3A_237 = arith.constant 0 : i32
      %dma_wait3A_238 = tpu.memref_slice %arg9[%dma_wait3A_236, %dma_wait3A_237] : memref<8x125xi32, #tpu.memory_space<vmem>> -> memref<1x125xi32, #tpu.memory_space<vmem>>
      %dma_wait3A_239 = tpu.memref_squeeze %dma_wait3A_238 : memref<1x125xi32, #tpu.memory_space<vmem>> -> memref<125xi32, #tpu.memory_space<vmem>>
      %dma_wait3A_240 = arith.constant 0 : i32
      %dma_wait3A_241 = arith.constant 0 : i32
      %dma_wait3A_242 = tpu.memref_slice %arg2[%dma_wait3A_240, %dma_wait3A_241] : memref<10000x128xf32, #tpu.memory_space<hbm>> -> memref<10000x128xf32, #tpu.memory_space<hbm>>
      tpu.wait_indirect_dma semaphore(%arg15 : memref<!tpu.dma_semaphore, #tpu.memory_space<semaphore_mem>>) src(%dma_wait3A_242 : memref<10000x128xf32, #tpu.memory_space<hbm>>) dst(%arg12 : memref<125x128xf32, #tpu.memory_space<vmem>>)
      %run_scoped3A_243 = arith.constant 3 : i32
      "tpu.region"() ({
        %run_scoped3A_297 = tpu.sem_alloc : memref<!tpu.dma_semaphore, #tpu.memory_space<semaphore_mem>>
        %dma_start3A_298 = arith.constant 0 : i32
        %dma_start3A_299 = tpu.memref_slice %arg10[%run_scoped3A_243, %dma_start3A_298] : memref<8x125xi32, #tpu.memory_space<vmem>> -> memref<1x125xi32, #tpu.memory_space<vmem>>
        %dma_start3A_300 = tpu.memref_squeeze %dma_start3A_299 : memref<1x125xi32, #tpu.memory_space<vmem>> -> memref<125xi32, #tpu.memory_space<vmem>>
        %dma_start3A_301 = arith.constant 0 : i32
        %dma_start3A_302 = arith.constant 0 : i32
        %dma_start3A_303 = tpu.memref_slice %arg13[%dma_start3A_301, %dma_start3A_302] : memref<10240x128xf32, #tpu.memory_space<vmem_shared>> -> memref<10240x128xf32, #tpu.memory_space<vmem_shared>>
        tpu.enqueue_indirect_dma source(%arg12 : memref<125x128xf32, #tpu.memory_space<vmem>>) target(%dma_start3A_303 : memref<10240x128xf32, #tpu.memory_space<vmem_shared>>) offsets(%dma_start3A_300 : memref<125xi32, #tpu.memory_space<vmem>>) semaphore(%run_scoped3A_297 : memref<!tpu.dma_semaphore, #tpu.memory_space<semaphore_mem>>) {add = true}
        %dma_wait3A_304 = arith.constant 0 : i32
        %dma_wait3A_305 = tpu.memref_slice %arg10[%run_scoped3A_243, %dma_wait3A_304] : memref<8x125xi32, #tpu.memory_space<vmem>> -> memref<1x125xi32, #tpu.memory_space<vmem>>
        %dma_wait3A_306 = tpu.memref_squeeze %dma_wait3A_305 : memref<1x125xi32, #tpu.memory_space<vmem>> -> memref<125xi32, #tpu.memory_space<vmem>>
        %dma_wait3A_307 = arith.constant 0 : i32
        %dma_wait3A_308 = arith.constant 0 : i32
        %dma_wait3A_309 = tpu.memref_slice %arg13[%dma_wait3A_307, %dma_wait3A_308] : memref<10240x128xf32, #tpu.memory_space<vmem_shared>> -> memref<10240x128xf32, #tpu.memory_space<vmem_shared>>
        tpu.wait_indirect_dma semaphore(%run_scoped3A_297 : memref<!tpu.dma_semaphore, #tpu.memory_space<semaphore_mem>>) src(%arg12 : memref<125x128xf32, #tpu.memory_space<vmem>>) dst(%dma_wait3A_309 : memref<10240x128xf32, #tpu.memory_space<vmem_shared>>)
        tpu.yield
      }) : () -> ()
      %dma_start3A_244 = arith.constant 5 : i32
      %dma_start3A_245 = arith.constant 0 : i32
      %dma_start3A_246 = tpu.memref_slice %arg9[%dma_start3A_244, %dma_start3A_245] : memref<8x125xi32, #tpu.memory_space<vmem>> -> memref<1x125xi32, #tpu.memory_space<vmem>>
      %dma_start3A_247 = tpu.memref_squeeze %dma_start3A_246 : memref<1x125xi32, #tpu.memory_space<vmem>> -> memref<125xi32, #tpu.memory_space<vmem>>
      %dma_start3A_248 = arith.constant 0 : i32
      %dma_start3A_249 = arith.constant 0 : i32
      %dma_start3A_250 = tpu.memref_slice %arg2[%dma_start3A_248, %dma_start3A_249] : memref<10000x128xf32, #tpu.memory_space<hbm>> -> memref<10000x128xf32, #tpu.memory_space<hbm>>
      tpu.enqueue_indirect_dma source(%dma_start3A_250 : memref<10000x128xf32, #tpu.memory_space<hbm>>) target(%arg12 : memref<125x128xf32, #tpu.memory_space<vmem>>) offsets(%dma_start3A_247 : memref<125xi32, #tpu.memory_space<vmem>>) semaphore(%arg15 : memref<!tpu.dma_semaphore, #tpu.memory_space<semaphore_mem>>)
      %dma_wait3A_251 = arith.constant 0 : i32
      %dma_wait3A_252 = arith.constant 0 : i32
      %dma_wait3A_253 = tpu.memref_slice %arg9[%dma_wait3A_251, %dma_wait3A_252] : memref<8x125xi32, #tpu.memory_space<vmem>> -> memref<1x125xi32, #tpu.memory_space<vmem>>
      %dma_wait3A_254 = tpu.memref_squeeze %dma_wait3A_253 : memref<1x125xi32, #tpu.memory_space<vmem>> -> memref<125xi32, #tpu.memory_space<vmem>>
      %dma_wait3A_255 = arith.constant 0 : i32
      %dma_wait3A_256 = arith.constant 0 : i32
      %dma_wait3A_257 = tpu.memref_slice %arg2[%dma_wait3A_255, %dma_wait3A_256] : memref<10000x128xf32, #tpu.memory_space<hbm>> -> memref<10000x128xf32, #tpu.memory_space<hbm>>
      tpu.wait_indirect_dma semaphore(%arg14 : memref<!tpu.dma_semaphore, #tpu.memory_space<semaphore_mem>>) src(%dma_wait3A_257 : memref<10000x128xf32, #tpu.memory_space<hbm>>) dst(%arg11 : memref<125x128xf32, #tpu.memory_space<vmem>>)
      %run_scoped3A_258 = arith.constant 4 : i32
      "tpu.region"() ({
        %run_scoped3A_297 = tpu.sem_alloc : memref<!tpu.dma_semaphore, #tpu.memory_space<semaphore_mem>>
        %dma_start3A_298 = arith.constant 0 : i32
        %dma_start3A_299 = tpu.memref_slice %arg10[%run_scoped3A_258, %dma_start3A_298] : memref<8x125xi32, #tpu.memory_space<vmem>> -> memref<1x125xi32, #tpu.memory_space<vmem>>
        %dma_start3A_300 = tpu.memref_squeeze %dma_start3A_299 : memref<1x125xi32, #tpu.memory_space<vmem>> -> memref<125xi32, #tpu.memory_space<vmem>>
        %dma_start3A_301 = arith.constant 0 : i32
        %dma_start3A_302 = arith.constant 0 : i32
        %dma_start3A_303 = tpu.memref_slice %arg13[%dma_start3A_301, %dma_start3A_302] : memref<10240x128xf32, #tpu.memory_space<vmem_shared>> -> memref<10240x128xf32, #tpu.memory_space<vmem_shared>>
        tpu.enqueue_indirect_dma source(%arg11 : memref<125x128xf32, #tpu.memory_space<vmem>>) target(%dma_start3A_303 : memref<10240x128xf32, #tpu.memory_space<vmem_shared>>) offsets(%dma_start3A_300 : memref<125xi32, #tpu.memory_space<vmem>>) semaphore(%run_scoped3A_297 : memref<!tpu.dma_semaphore, #tpu.memory_space<semaphore_mem>>) {add = true}
        %dma_wait3A_304 = arith.constant 0 : i32
        %dma_wait3A_305 = tpu.memref_slice %arg10[%run_scoped3A_258, %dma_wait3A_304] : memref<8x125xi32, #tpu.memory_space<vmem>> -> memref<1x125xi32, #tpu.memory_space<vmem>>
        %dma_wait3A_306 = tpu.memref_squeeze %dma_wait3A_305 : memref<1x125xi32, #tpu.memory_space<vmem>> -> memref<125xi32, #tpu.memory_space<vmem>>
        %dma_wait3A_307 = arith.constant 0 : i32
        %dma_wait3A_308 = arith.constant 0 : i32
        %dma_wait3A_309 = tpu.memref_slice %arg13[%dma_wait3A_307, %dma_wait3A_308] : memref<10240x128xf32, #tpu.memory_space<vmem_shared>> -> memref<10240x128xf32, #tpu.memory_space<vmem_shared>>
        tpu.wait_indirect_dma semaphore(%run_scoped3A_297 : memref<!tpu.dma_semaphore, #tpu.memory_space<semaphore_mem>>) src(%arg11 : memref<125x128xf32, #tpu.memory_space<vmem>>) dst(%dma_wait3A_309 : memref<10240x128xf32, #tpu.memory_space<vmem_shared>>)
        tpu.yield
      }) : () -> ()
      %dma_start3A_259 = arith.constant 6 : i32
      %dma_start3A_260 = arith.constant 0 : i32
      %dma_start3A_261 = tpu.memref_slice %arg9[%dma_start3A_259, %dma_start3A_260] : memref<8x125xi32, #tpu.memory_space<vmem>> -> memref<1x125xi32, #tpu.memory_space<vmem>>
      %dma_start3A_262 = tpu.memref_squeeze %dma_start3A_261 : memref<1x125xi32, #tpu.memory_space<vmem>> -> memref<125xi32, #tpu.memory_space<vmem>>
      %dma_start3A_263 = arith.constant 0 : i32
      %dma_start3A_264 = arith.constant 0 : i32
      %dma_start3A_265 = tpu.memref_slice %arg2[%dma_start3A_263, %dma_start3A_264] : memref<10000x128xf32, #tpu.memory_space<hbm>> -> memref<10000x128xf32, #tpu.memory_space<hbm>>
      tpu.enqueue_indirect_dma source(%dma_start3A_265 : memref<10000x128xf32, #tpu.memory_space<hbm>>) target(%arg11 : memref<125x128xf32, #tpu.memory_space<vmem>>) offsets(%dma_start3A_262 : memref<125xi32, #tpu.memory_space<vmem>>) semaphore(%arg14 : memref<!tpu.dma_semaphore, #tpu.memory_space<semaphore_mem>>)
      %dma_wait3A_266 = arith.constant 0 : i32
      %dma_wait3A_267 = arith.constant 0 : i32
      %dma_wait3A_268 = tpu.memref_slice %arg9[%dma_wait3A_266, %dma_wait3A_267] : memref<8x125xi32, #tpu.memory_space<vmem>> -> memref<1x125xi32, #tpu.memory_space<vmem>>
      %dma_wait3A_269 = tpu.memref_squeeze %dma_wait3A_268 : memref<1x125xi32, #tpu.memory_space<vmem>> -> memref<125xi32, #tpu.memory_space<vmem>>
      %dma_wait3A_270 = arith.constant 0 : i32
      %dma_wait3A_271 = arith.constant 0 : i32
      %dma_wait3A_272 = tpu.memref_slice %arg2[%dma_wait3A_270, %dma_wait3A_271] : memref<10000x128xf32, #tpu.memory_space<hbm>> -> memref<10000x128xf32, #tpu.memory_space<hbm>>
      tpu.wait_indirect_dma semaphore(%arg15 : memref<!tpu.dma_semaphore, #tpu.memory_space<semaphore_mem>>) src(%dma_wait3A_272 : memref<10000x128xf32, #tpu.memory_space<hbm>>) dst(%arg12 : memref<125x128xf32, #tpu.memory_space<vmem>>)
      %run_scoped3A_273 = arith.constant 5 : i32
      "tpu.region"() ({
        %run_scoped3A_297 = tpu.sem_alloc : memref<!tpu.dma_semaphore, #tpu.memory_space<semaphore_mem>>
        %dma_start3A_298 = arith.constant 0 : i32
        %dma_start3A_299 = tpu.memref_slice %arg10[%run_scoped3A_273, %dma_start3A_298] : memref<8x125xi32, #tpu.memory_space<vmem>> -> memref<1x125xi32, #tpu.memory_space<vmem>>
        %dma_start3A_300 = tpu.memref_squeeze %dma_start3A_299 : memref<1x125xi32, #tpu.memory_space<vmem>> -> memref<125xi32, #tpu.memory_space<vmem>>
        %dma_start3A_301 = arith.constant 0 : i32
        %dma_start3A_302 = arith.constant 0 : i32
        %dma_start3A_303 = tpu.memref_slice %arg13[%dma_start3A_301, %dma_start3A_302] : memref<10240x128xf32, #tpu.memory_space<vmem_shared>> -> memref<10240x128xf32, #tpu.memory_space<vmem_shared>>
        tpu.enqueue_indirect_dma source(%arg12 : memref<125x128xf32, #tpu.memory_space<vmem>>) target(%dma_start3A_303 : memref<10240x128xf32, #tpu.memory_space<vmem_shared>>) offsets(%dma_start3A_300 : memref<125xi32, #tpu.memory_space<vmem>>) semaphore(%run_scoped3A_297 : memref<!tpu.dma_semaphore, #tpu.memory_space<semaphore_mem>>) {add = true}
        %dma_wait3A_304 = arith.constant 0 : i32
        %dma_wait3A_305 = tpu.memref_slice %arg10[%run_scoped3A_273, %dma_wait3A_304] : memref<8x125xi32, #tpu.memory_space<vmem>> -> memref<1x125xi32, #tpu.memory_space<vmem>>
        %dma_wait3A_306 = tpu.memref_squeeze %dma_wait3A_305 : memref<1x125xi32, #tpu.memory_space<vmem>> -> memref<125xi32, #tpu.memory_space<vmem>>
        %dma_wait3A_307 = arith.constant 0 : i32
        %dma_wait3A_308 = arith.constant 0 : i32
        %dma_wait3A_309 = tpu.memref_slice %arg13[%dma_wait3A_307, %dma_wait3A_308] : memref<10240x128xf32, #tpu.memory_space<vmem_shared>> -> memref<10240x128xf32, #tpu.memory_space<vmem_shared>>
        tpu.wait_indirect_dma semaphore(%run_scoped3A_297 : memref<!tpu.dma_semaphore, #tpu.memory_space<semaphore_mem>>) src(%arg12 : memref<125x128xf32, #tpu.memory_space<vmem>>) dst(%dma_wait3A_309 : memref<10240x128xf32, #tpu.memory_space<vmem_shared>>)
        tpu.yield
      }) : () -> ()
      %dma_start3A_274 = arith.constant 7 : i32
      %dma_start3A_275 = arith.constant 0 : i32
      %dma_start3A_276 = tpu.memref_slice %arg9[%dma_start3A_274, %dma_start3A_275] : memref<8x125xi32, #tpu.memory_space<vmem>> -> memref<1x125xi32, #tpu.memory_space<vmem>>
      %dma_start3A_277 = tpu.memref_squeeze %dma_start3A_276 : memref<1x125xi32, #tpu.memory_space<vmem>> -> memref<125xi32, #tpu.memory_space<vmem>>
      %dma_start3A_278 = arith.constant 0 : i32
      %dma_start3A_279 = arith.constant 0 : i32
      %dma_start3A_280 = tpu.memref_slice %arg2[%dma_start3A_278, %dma_start3A_279] : memref<10000x128xf32, #tpu.memory_space<hbm>> -> memref<10000x128xf32, #tpu.memory_space<hbm>>
      tpu.enqueue_indirect_dma source(%dma_start3A_280 : memref<10000x128xf32, #tpu.memory_space<hbm>>) target(%arg12 : memref<125x128xf32, #tpu.memory_space<vmem>>) offsets(%dma_start3A_277 : memref<125xi32, #tpu.memory_space<vmem>>) semaphore(%arg15 : memref<!tpu.dma_semaphore, #tpu.memory_space<semaphore_mem>>)
      %dma_wait3A_281 = arith.constant 0 : i32
      %dma_wait3A_282 = arith.constant 0 : i32
      %dma_wait3A_283 = tpu.memref_slice %arg9[%dma_wait3A_281, %dma_wait3A_282] : memref<8x125xi32, #tpu.memory_space<vmem>> -> memref<1x125xi32, #tpu.memory_space<vmem>>
      %dma_wait3A_284 = tpu.memref_squeeze %dma_wait3A_283 : memref<1x125xi32, #tpu.memory_space<vmem>> -> memref<125xi32, #tpu.memory_space<vmem>>
      %dma_wait3A_285 = arith.constant 0 : i32
      %dma_wait3A_286 = arith.constant 0 : i32
      %dma_wait3A_287 = tpu.memref_slice %arg2[%dma_wait3A_285, %dma_wait3A_286] : memref<10000x128xf32, #tpu.memory_space<hbm>> -> memref<10000x128xf32, #tpu.memory_space<hbm>>
      tpu.wait_indirect_dma semaphore(%arg14 : memref<!tpu.dma_semaphore, #tpu.memory_space<semaphore_mem>>) src(%dma_wait3A_287 : memref<10000x128xf32, #tpu.memory_space<hbm>>) dst(%arg11 : memref<125x128xf32, #tpu.memory_space<vmem>>)
      %run_scoped3A_288 = arith.constant 6 : i32
      "tpu.region"() ({
        %run_scoped3A_297 = tpu.sem_alloc : memref<!tpu.dma_semaphore, #tpu.memory_space<semaphore_mem>>
        %dma_start3A_298 = arith.constant 0 : i32
        %dma_start3A_299 = tpu.memref_slice %arg10[%run_scoped3A_288, %dma_start3A_298] : memref<8x125xi32, #tpu.memory_space<vmem>> -> memref<1x125xi32, #tpu.memory_space<vmem>>
        %dma_start3A_300 = tpu.memref_squeeze %dma_start3A_299 : memref<1x125xi32, #tpu.memory_space<vmem>> -> memref<125xi32, #tpu.memory_space<vmem>>
        %dma_start3A_301 = arith.constant 0 : i32
        %dma_start3A_302 = arith.constant 0 : i32
        %dma_start3A_303 = tpu.memref_slice %arg13[%dma_start3A_301, %dma_start3A_302] : memref<10240x128xf32, #tpu.memory_space<vmem_shared>> -> memref<10240x128xf32, #tpu.memory_space<vmem_shared>>
        tpu.enqueue_indirect_dma source(%arg11 : memref<125x128xf32, #tpu.memory_space<vmem>>) target(%dma_start3A_303 : memref<10240x128xf32, #tpu.memory_space<vmem_shared>>) offsets(%dma_start3A_300 : memref<125xi32, #tpu.memory_space<vmem>>) semaphore(%run_scoped3A_297 : memref<!tpu.dma_semaphore, #tpu.memory_space<semaphore_mem>>) {add = true}
        %dma_wait3A_304 = arith.constant 0 : i32
        %dma_wait3A_305 = tpu.memref_slice %arg10[%run_scoped3A_288, %dma_wait3A_304] : memref<8x125xi32, #tpu.memory_space<vmem>> -> memref<1x125xi32, #tpu.memory_space<vmem>>
        %dma_wait3A_306 = tpu.memref_squeeze %dma_wait3A_305 : memref<1x125xi32, #tpu.memory_space<vmem>> -> memref<125xi32, #tpu.memory_space<vmem>>
        %dma_wait3A_307 = arith.constant 0 : i32
        %dma_wait3A_308 = arith.constant 0 : i32
        %dma_wait3A_309 = tpu.memref_slice %arg13[%dma_wait3A_307, %dma_wait3A_308] : memref<10240x128xf32, #tpu.memory_space<vmem_shared>> -> memref<10240x128xf32, #tpu.memory_space<vmem_shared>>
        tpu.wait_indirect_dma semaphore(%run_scoped3A_297 : memref<!tpu.dma_semaphore, #tpu.memory_space<semaphore_mem>>) src(%arg11 : memref<125x128xf32, #tpu.memory_space<vmem>>) dst(%dma_wait3A_309 : memref<10240x128xf32, #tpu.memory_space<vmem_shared>>)
        tpu.yield
      }) : () -> ()
      %dma_wait3A_289 = arith.constant 0 : i32
      %dma_wait3A_290 = arith.constant 0 : i32
      %dma_wait3A_291 = tpu.memref_slice %arg9[%dma_wait3A_289, %dma_wait3A_290] : memref<8x125xi32, #tpu.memory_space<vmem>> -> memref<1x125xi32, #tpu.memory_space<vmem>>
      %dma_wait3A_292 = tpu.memref_squeeze %dma_wait3A_291 : memref<1x125xi32, #tpu.memory_space<vmem>> -> memref<125xi32, #tpu.memory_space<vmem>>
      %dma_wait3A_293 = arith.constant 0 : i32
      %dma_wait3A_294 = arith.constant 0 : i32
      %dma_wait3A_295 = tpu.memref_slice %arg2[%dma_wait3A_293, %dma_wait3A_294] : memref<10000x128xf32, #tpu.memory_space<hbm>> -> memref<10000x128xf32, #tpu.memory_space<hbm>>
      tpu.wait_indirect_dma semaphore(%arg15 : memref<!tpu.dma_semaphore, #tpu.memory_space<semaphore_mem>>) src(%dma_wait3A_295 : memref<10000x128xf32, #tpu.memory_space<hbm>>) dst(%arg12 : memref<125x128xf32, #tpu.memory_space<vmem>>)
      %run_scoped3A_296 = arith.constant 7 : i32
      "tpu.region"() ({
        %run_scoped3A_297 = tpu.sem_alloc : memref<!tpu.dma_semaphore, #tpu.memory_space<semaphore_mem>>
        %dma_start3A_298 = arith.constant 0 : i32
        %dma_start3A_299 = tpu.memref_slice %arg10[%run_scoped3A_296, %dma_start3A_298] : memref<8x125xi32, #tpu.memory_space<vmem>> -> memref<1x125xi32, #tpu.memory_space<vmem>>
        %dma_start3A_300 = tpu.memref_squeeze %dma_start3A_299 : memref<1x125xi32, #tpu.memory_space<vmem>> -> memref<125xi32, #tpu.memory_space<vmem>>
        %dma_start3A_301 = arith.constant 0 : i32
        %dma_start3A_302 = arith.constant 0 : i32
        %dma_start3A_303 = tpu.memref_slice %arg13[%dma_start3A_301, %dma_start3A_302] : memref<10240x128xf32, #tpu.memory_space<vmem_shared>> -> memref<10240x128xf32, #tpu.memory_space<vmem_shared>>
        tpu.enqueue_indirect_dma source(%arg12 : memref<125x128xf32, #tpu.memory_space<vmem>>) target(%dma_start3A_303 : memref<10240x128xf32, #tpu.memory_space<vmem_shared>>) offsets(%dma_start3A_300 : memref<125xi32, #tpu.memory_space<vmem>>) semaphore(%run_scoped3A_297 : memref<!tpu.dma_semaphore, #tpu.memory_space<semaphore_mem>>) {add = true}
        %dma_wait3A_304 = arith.constant 0 : i32
        %dma_wait3A_305 = tpu.memref_slice %arg10[%run_scoped3A_296, %dma_wait3A_304] : memref<8x125xi32, #tpu.memory_space<vmem>> -> memref<1x125xi32, #tpu.memory_space<vmem>>
        %dma_wait3A_306 = tpu.memref_squeeze %dma_wait3A_305 : memref<1x125xi32, #tpu.memory_space<vmem>> -> memref<125xi32, #tpu.memory_space<vmem>>
        %dma_wait3A_307 = arith.constant 0 : i32
        %dma_wait3A_308 = arith.constant 0 : i32
        %dma_wait3A_309 = tpu.memref_slice %arg13[%dma_wait3A_307, %dma_wait3A_308] : memref<10240x128xf32, #tpu.memory_space<vmem_shared>> -> memref<10240x128xf32, #tpu.memory_space<vmem_shared>>
        tpu.wait_indirect_dma semaphore(%run_scoped3A_297 : memref<!tpu.dma_semaphore, #tpu.memory_space<semaphore_mem>>) src(%arg12 : memref<125x128xf32, #tpu.memory_space<vmem>>) dst(%dma_wait3A_309 : memref<10240x128xf32, #tpu.memory_space<vmem_shared>>)
        tpu.yield
      }) : () -> ()
    }
    %scan3A_16 = arith.constant 5 : i32
    %barrier3A_17 = arith.constant 0 : index
    tpu.barrier barrier_id(%barrier3A_17)
    %mul3A_18 = arith.constant 640 : i32
    %mul3A_19 = arith.muli %arg1, %mul3A_18 : i32
    %mul3A_20 = arith.constant 10240 : i32
    %mul3A_21 = arith.muli %arg0, %mul3A_20 : i32
    %mul3A_22 = arith.constant 640 : i32
    %mul3A_23 = arith.muli %arg1, %mul3A_22 : i32
    %add3A_24 = arith.addi %mul3A_21, %mul3A_23 : i32
    "tpu.region"() ({
      %run_scoped3A = tpu.sem_alloc : memref<!tpu.dma_semaphore, #tpu.memory_space<semaphore_mem>>
      %dma_start3A_25 = arith.constant 0 : i32
      %dma_start3A_26 = tpu.memref_slice %arg6[%add3A_24, %dma_start3A_25] : memref<20480x128xf32, #tpu.memory_space<hbm>> -> memref<640x128xf32, #tpu.memory_space<hbm>>
      %dma_start3A_27 = arith.constant 0 : i32
      %dma_start3A_28 = tpu.memref_slice %arg13[%mul3A_19, %dma_start3A_27] : memref<10240x128xf32, #tpu.memory_space<vmem_shared>> -> memref<640x128xf32, #tpu.memory_space<vmem_shared>>
      tpu.enqueue_dma source(%dma_start3A_28 : memref<640x128xf32, #tpu.memory_space<vmem_shared>>) target(%dma_start3A_26 : memref<640x128xf32, #tpu.memory_space<hbm>>) target_semaphore(%run_scoped3A : memref<!tpu.dma_semaphore, #tpu.memory_space<semaphore_mem>>)
      %dma_wait3A = arith.constant 0 : i32
      %dma_wait3A_29 = tpu.memref_slice %arg6[%add3A_24, %dma_wait3A] : memref<20480x128xf32, #tpu.memory_space<hbm>> -> memref<640x128xf32, #tpu.memory_space<hbm>>
      %dma_wait3A_30 = arith.constant 0 : i32
      %dma_wait3A_31 = tpu.memref_slice %arg13[%mul3A_19, %dma_wait3A_30] : memref<10240x128xf32, #tpu.memory_space<vmem_shared>> -> memref<640x128xf32, #tpu.memory_space<vmem_shared>>
      tpu.wait_dma2 semaphore(%run_scoped3A : memref<!tpu.dma_semaphore, #tpu.memory_space<semaphore_mem>>) src(%dma_wait3A_31 : memref<640x128xf32, #tpu.memory_space<vmem_shared>>) dst(%dma_wait3A_29 : memref<640x128xf32, #tpu.memory_space<hbm>>)
      tpu.yield
    }) : () -> ()
    return
  }
}

#map = affine_map<(d0, d1) -> (0, 0)>
module attributes {stable_mosaic.version = 14 : i64} {
  func.func @_aggr_body(%arg0: i32, %arg1: i32, %arg2: memref<10000x128xf32, #tpu.memory_space<hbm>>, %arg3: memref<2560x125xi32, #tpu.memory_space<hbm>>, %arg4: memref<2560x125xi32, #tpu.memory_space<hbm>>, %arg5: memref<640x128xf32, #tpu.memory_space<hbm>>, %arg6: memref<20480x128xf32, #tpu.memory_space<hbm>>, %arg7: memref<8x125xi32, #tpu.memory_space<vmem>>, %arg8: memref<8x125xi32, #tpu.memory_space<vmem>>, %arg9: memref<8x125xi32, #tpu.memory_space<vmem>>, %arg10: memref<8x125xi32, #tpu.memory_space<vmem>>, %arg11: memref<125x128xf32, #tpu.memory_space<vmem>>, %arg12: memref<125x128xf32, #tpu.memory_space<vmem>>, %arg13: memref<10240x128xf32, #tpu.memory_space<vmem_shared>>, %arg14: memref<!tpu.dma_semaphore, #tpu.memory_space<semaphore_mem>>, %arg15: memref<!tpu.dma_semaphore, #tpu.memory_space<semaphore_mem>>, %arg16: memref<!tpu.dma_semaphore, #tpu.memory_space<semaphore_mem>>, %arg17: memref<!tpu.dma_semaphore, #tpu.memory_space<semaphore_mem>>) attributes {dimension_semantics = [#tpu.dimension_semantics<core_parallel>, #tpu.dimension_semantics<subcore_parallel>], iteration_bounds = array<i64: 2, 16>, scalar_prefetch = 0 : i64, scratch_operands = 11 : i64, tpu.core_type = #tpu.core_type<sc_vector_subcore>, window_params = [{transform_indices = #map}, {transform_indices = #map}, {transform_indices = #map}, {transform_indices = #map}, {transform_indices = #map}]} {
    %mul3A = arith.constant 2 : i32
    %mul3A_0 = arith.muli %arg1, %mul3A : i32
    %add3A = arith.addi %mul3A_0, %arg0 : i32
    %mul3A_1 = arith.constant 640 : i32
    %mul3A_2 = arith.muli %arg1, %mul3A_1 : i32
    "tpu.region"() ({
      %run_scoped3A = tpu.sem_alloc : memref<!tpu.dma_semaphore, #tpu.memory_space<semaphore_mem>>
      %dma_start3A_25 = arith.constant 0 : i32
      %dma_start3A_26 = tpu.memref_slice %arg13[%mul3A_2, %dma_start3A_25] : memref<10240x128xf32, #tpu.memory_space<vmem_shared>> -> memref<640x128xf32, #tpu.memory_space<vmem_shared>>
      tpu.enqueue_dma source(%arg5 : memref<640x128xf32, #tpu.memory_space<hbm>>) target(%dma_start3A_26 : memref<640x128xf32, #tpu.memory_space<vmem_shared>>) target_semaphore(%run_scoped3A : memref<!tpu.dma_semaphore, #tpu.memory_space<semaphore_mem>>)
      %dma_wait3A = arith.constant 0 : i32
      %dma_wait3A_27 = tpu.memref_slice %arg13[%mul3A_2, %dma_wait3A] : memref<10240x128xf32, #tpu.memory_space<vmem_shared>> -> memref<640x128xf32, #tpu.memory_space<vmem_shared>>
      tpu.wait_dma2 semaphore(%run_scoped3A : memref<!tpu.dma_semaphore, #tpu.memory_space<semaphore_mem>>) src(%arg5 : memref<640x128xf32, #tpu.memory_space<hbm>>) dst(%dma_wait3A_27 : memref<640x128xf32, #tpu.memory_space<vmem_shared>>)
      tpu.yield
    }) : () -> ()
    %barrier3A = arith.constant 0 : index
    tpu.barrier barrier_id(%barrier3A)
    %mul3A_3 = arith.constant 80 : i32
    %mul3A_4 = arith.muli %add3A, %mul3A_3 : i32
    %dma_start3A = arith.constant 0 : i32
    %dma_start3A_5 = tpu.memref_slice %arg3[%mul3A_4, %dma_start3A] : memref<2560x125xi32, #tpu.memory_space<hbm>> -> memref<8x125xi32, #tpu.memory_space<hbm>>
    %dma_start3A_6 = arith.constant 0 : i32
    %dma_start3A_7 = tpu.memref_slice %arg3[%mul3A_4, %dma_start3A_6] : memref<2560x125xi32, #tpu.memory_space<hbm>> -> memref<8x125xi32, #tpu.memory_space<hbm>>
    tpu.enqueue_dma source(%dma_start3A_7 : memref<8x125xi32, #tpu.memory_space<hbm>>) target(%arg7 : memref<8x125xi32, #tpu.memory_space<vmem>>) target_semaphore(%arg16 : memref<!tpu.dma_semaphore, #tpu.memory_space<semaphore_mem>>)
    %dma_start3A_8 = arith.constant 0 : i32
    %dma_start3A_9 = tpu.memref_slice %arg4[%mul3A_4, %dma_start3A_8] : memref<2560x125xi32, #tpu.memory_space<hbm>> -> memref<8x125xi32, #tpu.memory_space<hbm>>
    %dma_start3A_10 = arith.constant 0 : i32
    %dma_start3A_11 = tpu.memref_slice %arg4[%mul3A_4, %dma_start3A_10] : memref<2560x125xi32, #tpu.memory_space<hbm>> -> memref<8x125xi32, #tpu.memory_space<hbm>>
    tpu.enqueue_dma source(%dma_start3A_11 : memref<8x125xi32, #tpu.memory_space<hbm>>) target(%arg8 : memref<8x125xi32, #tpu.memory_space<vmem>>) target_semaphore(%arg16 : memref<!tpu.dma_semaphore, #tpu.memory_space<semaphore_mem>>)
    %scan3A = arith.constant 0 : i32
    %scan3A_12 = arith.constant 0 : i32
    %scan3A_13 = arith.constant 5 : i32
    %scan3A_14 = arith.addi %scan3A_12, %scan3A_13 : i32
    %scan3A_15 = arith.constant 1 : i32
    scf.for %scan3A_25 = %scan3A_12 to %scan3A_14 step %scan3A_15  : i32 {
      %mul3A_26 = arith.constant 2 : i32
      %mul3A_27 = arith.muli %mul3A_26, %scan3A_25 : i32
      %dma_wait3A = arith.constant 0 : i32
      %dma_wait3A_28 = tpu.memref_slice %arg3[%mul3A_4, %dma_wait3A] : memref<2560x125xi32, #tpu.memory_space<hbm>> -> memref<8x125xi32, #tpu.memory_space<hbm>>
      %dma_wait3A_29 = arith.constant 0 : i32
      %dma_wait3A_30 = tpu.memref_slice %arg3[%mul3A_4, %dma_wait3A_29] : memref<2560x125xi32, #tpu.memory_space<hbm>> -> memref<8x125xi32, #tpu.memory_space<hbm>>
      tpu.wait_dma2 semaphore(%arg16 : memref<!tpu.dma_semaphore, #tpu.memory_space<semaphore_mem>>) src(%dma_wait3A_30 : memref<8x125xi32, #tpu.memory_space<hbm>>) dst(%arg7 : memref<8x125xi32, #tpu.memory_space<vmem>>)
      %dma_wait3A_31 = arith.constant 0 : i32
      %dma_wait3A_32 = tpu.memref_slice %arg4[%mul3A_4, %dma_wait3A_31] : memref<2560x125xi32, #tpu.memory_space<hbm>> -> memref<8x125xi32, #tpu.memory_space<hbm>>
      %dma_wait3A_33 = arith.constant 0 : i32
      %dma_wait3A_34 = tpu.memref_slice %arg4[%mul3A_4, %dma_wait3A_33] : memref<2560x125xi32, #tpu.memory_space<hbm>> -> memref<8x125xi32, #tpu.memory_space<hbm>>
      tpu.wait_dma2 semaphore(%arg16 : memref<!tpu.dma_semaphore, #tpu.memory_space<semaphore_mem>>) src(%dma_wait3A_34 : memref<8x125xi32, #tpu.memory_space<hbm>>) dst(%arg8 : memref<8x125xi32, #tpu.memory_space<vmem>>)
      %dma_start3A_35 = arith.constant 0 : i32
      %dma_start3A_36 = arith.constant 0 : i32
      %dma_start3A_37 = tpu.memref_slice %arg7[%dma_start3A_35, %dma_start3A_36] : memref<8x125xi32, #tpu.memory_space<vmem>> -> memref<1x125xi32, #tpu.memory_space<vmem>>
      %dma_start3A_38 = tpu.memref_squeeze %dma_start3A_37 : memref<1x125xi32, #tpu.memory_space<vmem>> -> memref<125xi32, #tpu.memory_space<vmem>>
      %dma_start3A_39 = arith.constant 0 : i32
      %dma_start3A_40 = arith.constant 0 : i32
      %dma_start3A_41 = tpu.memref_slice %arg2[%dma_start3A_39, %dma_start3A_40] : memref<10000x128xf32, #tpu.memory_space<hbm>> -> memref<10000x128xf32, #tpu.memory_space<hbm>>
      tpu.enqueue_indirect_dma source(%dma_start3A_41 : memref<10000x128xf32, #tpu.memory_space<hbm>>) target(%arg11 : memref<125x128xf32, #tpu.memory_space<vmem>>) offsets(%dma_start3A_38 : memref<125xi32, #tpu.memory_space<vmem>>) semaphore(%arg14 : memref<!tpu.dma_semaphore, #tpu.memory_space<semaphore_mem>>)
      %dma_start3A_42 = arith.constant 1 : i32
      %dma_start3A_43 = arith.constant 0 : i32
      %dma_start3A_44 = tpu.memref_slice %arg7[%dma_start3A_42, %dma_start3A_43] : memref<8x125xi32, #tpu.memory_space<vmem>> -> memref<1x125xi32, #tpu.memory_space<vmem>>
      %dma_start3A_45 = tpu.memref_squeeze %dma_start3A_44 : memref<1x125xi32, #tpu.memory_space<vmem>> -> memref<125xi32, #tpu.memory_space<vmem>>
      %dma_start3A_46 = arith.constant 0 : i32
      %dma_start3A_47 = arith.constant 0 : i32
      %dma_start3A_48 = tpu.memref_slice %arg2[%dma_start3A_46, %dma_start3A_47] : memref<10000x128xf32, #tpu.memory_space<hbm>> -> memref<10000x128xf32, #tpu.memory_space<hbm>>
      tpu.enqueue_indirect_dma source(%dma_start3A_48 : memref<10000x128xf32, #tpu.memory_space<hbm>>) target(%arg12 : memref<125x128xf32, #tpu.memory_space<vmem>>) offsets(%dma_start3A_45 : memref<125xi32, #tpu.memory_space<vmem>>) semaphore(%arg15 : memref<!tpu.dma_semaphore, #tpu.memory_space<semaphore_mem>>)
      %add3A_49 = arith.constant 1 : i32
      %add3A_50 = arith.addi %mul3A_27, %add3A_49 : i32
      %lt3A = arith.constant 10 : i32
      %lt3A_51 = arith.cmpi slt, %add3A_50, %lt3A : i32
      %convert_element_type3A = arith.extui %lt3A_51 : i1 to i32
      %cond3A = arith.constant 0 : i32
      %cond3A_52 = arith.cmpi ne, %convert_element_type3A, %cond3A : i32
      scf.if %cond3A_52 {
        %add3A_297 = arith.constant 1 : i32
        %add3A_298 = arith.addi %mul3A_27, %add3A_297 : i32
        %mul3A_299 = arith.constant 8 : i32
        %mul3A_300 = arith.muli %add3A_298, %mul3A_299 : i32
        %add3A_301 = arith.addi %mul3A_4, %mul3A_300 : i32
        %dma_start3A_302 = arith.constant 0 : i32
        %dma_start3A_303 = tpu.memref_slice %arg3[%add3A_301, %dma_start3A_302] : memref<2560x125xi32, #tpu.memory_space<hbm>> -> memref<8x125xi32, #tpu.memory_space<hbm>>
        %dma_start3A_304 = arith.constant 0 : i32
        %dma_start3A_305 = tpu.memref_slice %arg3[%add3A_301, %dma_start3A_304] : memref<2560x125xi32, #tpu.memory_space<hbm>> -> memref<8x125xi32, #tpu.memory_space<hbm>>
        tpu.enqueue_dma source(%dma_start3A_305 : memref<8x125xi32, #tpu.memory_space<hbm>>) target(%arg9 : memref<8x125xi32, #tpu.memory_space<vmem>>) target_semaphore(%arg17 : memref<!tpu.dma_semaphore, #tpu.memory_space<semaphore_mem>>)
        %dma_start3A_306 = arith.constant 0 : i32
        %dma_start3A_307 = tpu.memref_slice %arg4[%add3A_301, %dma_start3A_306] : memref<2560x125xi32, #tpu.memory_space<hbm>> -> memref<8x125xi32, #tpu.memory_space<hbm>>
        %dma_start3A_308 = arith.constant 0 : i32
        %dma_start3A_309 = tpu.memref_slice %arg4[%add3A_301, %dma_start3A_308] : memref<2560x125xi32, #tpu.memory_space<hbm>> -> memref<8x125xi32, #tpu.memory_space<hbm>>
        tpu.enqueue_dma source(%dma_start3A_309 : memref<8x125xi32, #tpu.memory_space<hbm>>) target(%arg10 : memref<8x125xi32, #tpu.memory_space<vmem>>) target_semaphore(%arg17 : memref<!tpu.dma_semaphore, #tpu.memory_space<semaphore_mem>>)
      } else {
      }
      %dma_wait3A_53 = arith.constant 0 : i32
      %dma_wait3A_54 = arith.constant 0 : i32
      %dma_wait3A_55 = tpu.memref_slice %arg7[%dma_wait3A_53, %dma_wait3A_54] : memref<8x125xi32, #tpu.memory_space<vmem>> -> memref<1x125xi32, #tpu.memory_space<vmem>>
      %dma_wait3A_56 = tpu.memref_squeeze %dma_wait3A_55 : memref<1x125xi32, #tpu.memory_space<vmem>> -> memref<125xi32, #tpu.memory_space<vmem>>
      %dma_wait3A_57 = arith.constant 0 : i32
      %dma_wait3A_58 = arith.constant 0 : i32
      %dma_wait3A_59 = tpu.memref_slice %arg2[%dma_wait3A_57, %dma_wait3A_58] : memref<10000x128xf32, #tpu.memory_space<hbm>> -> memref<10000x128xf32, #tpu.memory_space<hbm>>
      tpu.wait_indirect_dma semaphore(%arg14 : memref<!tpu.dma_semaphore, #tpu.memory_space<semaphore_mem>>) src(%dma_wait3A_59 : memref<10000x128xf32, #tpu.memory_space<hbm>>) dst(%arg11 : memref<125x128xf32, #tpu.memory_space<vmem>>)
      %run_scoped3A = arith.constant 0 : i32
      "tpu.region"() ({
        %run_scoped3A_297 = tpu.sem_alloc : memref<!tpu.dma_semaphore, #tpu.memory_space<semaphore_mem>>
        %dma_start3A_298 = arith.constant 0 : i32
        %dma_start3A_299 = tpu.memref_slice %arg8[%run_scoped3A, %dma_start3A_298] : memref<8x125xi32, #tpu.memory_space<vmem>> -> memref<1x125xi32, #tpu.memory_space<vmem>>
        %dma_start3A_300 = tpu.memref_squeeze %dma_start3A_299 : memref<1x125xi32, #tpu.memory_space<vmem>> -> memref<125xi32, #tpu.memory_space<vmem>>
        %dma_start3A_301 = arith.constant 0 : i32
        %dma_start3A_302 = arith.constant 0 : i32
        %dma_start3A_303 = tpu.memref_slice %arg13[%dma_start3A_301, %dma_start3A_302] : memref<10240x128xf32, #tpu.memory_space<vmem_shared>> -> memref<10240x128xf32, #tpu.memory_space<vmem_shared>>
        tpu.enqueue_indirect_dma source(%arg11 : memref<125x128xf32, #tpu.memory_space<vmem>>) target(%dma_start3A_303 : memref<10240x128xf32, #tpu.memory_space<vmem_shared>>) offsets(%dma_start3A_300 : memref<125xi32, #tpu.memory_space<vmem>>) semaphore(%run_scoped3A_297 : memref<!tpu.dma_semaphore, #tpu.memory_space<semaphore_mem>>) {add = true}
        %dma_wait3A_304 = arith.constant 0 : i32
        %dma_wait3A_305 = tpu.memref_slice %arg8[%run_scoped3A, %dma_wait3A_304] : memref<8x125xi32, #tpu.memory_space<vmem>> -> memref<1x125xi32, #tpu.memory_space<vmem>>
        %dma_wait3A_306 = tpu.memref_squeeze %dma_wait3A_305 : memref<1x125xi32, #tpu.memory_space<vmem>> -> memref<125xi32, #tpu.memory_space<vmem>>
        %dma_wait3A_307 = arith.constant 0 : i32
        %dma_wait3A_308 = arith.constant 0 : i32
        %dma_wait3A_309 = tpu.memref_slice %arg13[%dma_wait3A_307, %dma_wait3A_308] : memref<10240x128xf32, #tpu.memory_space<vmem_shared>> -> memref<10240x128xf32, #tpu.memory_space<vmem_shared>>
        tpu.wait_indirect_dma semaphore(%run_scoped3A_297 : memref<!tpu.dma_semaphore, #tpu.memory_space<semaphore_mem>>) src(%arg11 : memref<125x128xf32, #tpu.memory_space<vmem>>) dst(%dma_wait3A_309 : memref<10240x128xf32, #tpu.memory_space<vmem_shared>>)
        tpu.yield
      }) : () -> ()
      %dma_start3A_60 = arith.constant 2 : i32
      %dma_start3A_61 = arith.constant 0 : i32
      %dma_start3A_62 = tpu.memref_slice %arg7[%dma_start3A_60, %dma_start3A_61] : memref<8x125xi32, #tpu.memory_space<vmem>> -> memref<1x125xi32, #tpu.memory_space<vmem>>
      %dma_start3A_63 = tpu.memref_squeeze %dma_start3A_62 : memref<1x125xi32, #tpu.memory_space<vmem>> -> memref<125xi32, #tpu.memory_space<vmem>>
      %dma_start3A_64 = arith.constant 0 : i32
      %dma_start3A_65 = arith.constant 0 : i32
      %dma_start3A_66 = tpu.memref_slice %arg2[%dma_start3A_64, %dma_start3A_65] : memref<10000x128xf32, #tpu.memory_space<hbm>> -> memref<10000x128xf32, #tpu.memory_space<hbm>>
      tpu.enqueue_indirect_dma source(%dma_start3A_66 : memref<10000x128xf32, #tpu.memory_space<hbm>>) target(%arg11 : memref<125x128xf32, #tpu.memory_space<vmem>>) offsets(%dma_start3A_63 : memref<125xi32, #tpu.memory_space<vmem>>) semaphore(%arg14 : memref<!tpu.dma_semaphore, #tpu.memory_space<semaphore_mem>>)
      %dma_wait3A_67 = arith.constant 0 : i32
      %dma_wait3A_68 = arith.constant 0 : i32
      %dma_wait3A_69 = tpu.memref_slice %arg7[%dma_wait3A_67, %dma_wait3A_68] : memref<8x125xi32, #tpu.memory_space<vmem>> -> memref<1x125xi32, #tpu.memory_space<vmem>>
      %dma_wait3A_70 = tpu.memref_squeeze %dma_wait3A_69 : memref<1x125xi32, #tpu.memory_space<vmem>> -> memref<125xi32, #tpu.memory_space<vmem>>
      %dma_wait3A_71 = arith.constant 0 : i32
      %dma_wait3A_72 = arith.constant 0 : i32
      %dma_wait3A_73 = tpu.memref_slice %arg2[%dma_wait3A_71, %dma_wait3A_72] : memref<10000x128xf32, #tpu.memory_space<hbm>> -> memref<10000x128xf32, #tpu.memory_space<hbm>>
      tpu.wait_indirect_dma semaphore(%arg15 : memref<!tpu.dma_semaphore, #tpu.memory_space<semaphore_mem>>) src(%dma_wait3A_73 : memref<10000x128xf32, #tpu.memory_space<hbm>>) dst(%arg12 : memref<125x128xf32, #tpu.memory_space<vmem>>)
      %run_scoped3A_74 = arith.constant 1 : i32
      "tpu.region"() ({
        %run_scoped3A_297 = tpu.sem_alloc : memref<!tpu.dma_semaphore, #tpu.memory_space<semaphore_mem>>
        %dma_start3A_298 = arith.constant 0 : i32
        %dma_start3A_299 = tpu.memref_slice %arg8[%run_scoped3A_74, %dma_start3A_298] : memref<8x125xi32, #tpu.memory_space<vmem>> -> memref<1x125xi32, #tpu.memory_space<vmem>>
        %dma_start3A_300 = tpu.memref_squeeze %dma_start3A_299 : memref<1x125xi32, #tpu.memory_space<vmem>> -> memref<125xi32, #tpu.memory_space<vmem>>
        %dma_start3A_301 = arith.constant 0 : i32
        %dma_start3A_302 = arith.constant 0 : i32
        %dma_start3A_303 = tpu.memref_slice %arg13[%dma_start3A_301, %dma_start3A_302] : memref<10240x128xf32, #tpu.memory_space<vmem_shared>> -> memref<10240x128xf32, #tpu.memory_space<vmem_shared>>
        tpu.enqueue_indirect_dma source(%arg12 : memref<125x128xf32, #tpu.memory_space<vmem>>) target(%dma_start3A_303 : memref<10240x128xf32, #tpu.memory_space<vmem_shared>>) offsets(%dma_start3A_300 : memref<125xi32, #tpu.memory_space<vmem>>) semaphore(%run_scoped3A_297 : memref<!tpu.dma_semaphore, #tpu.memory_space<semaphore_mem>>) {add = true}
        %dma_wait3A_304 = arith.constant 0 : i32
        %dma_wait3A_305 = tpu.memref_slice %arg8[%run_scoped3A_74, %dma_wait3A_304] : memref<8x125xi32, #tpu.memory_space<vmem>> -> memref<1x125xi32, #tpu.memory_space<vmem>>
        %dma_wait3A_306 = tpu.memref_squeeze %dma_wait3A_305 : memref<1x125xi32, #tpu.memory_space<vmem>> -> memref<125xi32, #tpu.memory_space<vmem>>
        %dma_wait3A_307 = arith.constant 0 : i32
        %dma_wait3A_308 = arith.constant 0 : i32
        %dma_wait3A_309 = tpu.memref_slice %arg13[%dma_wait3A_307, %dma_wait3A_308] : memref<10240x128xf32, #tpu.memory_space<vmem_shared>> -> memref<10240x128xf32, #tpu.memory_space<vmem_shared>>
        tpu.wait_indirect_dma semaphore(%run_scoped3A_297 : memref<!tpu.dma_semaphore, #tpu.memory_space<semaphore_mem>>) src(%arg12 : memref<125x128xf32, #tpu.memory_space<vmem>>) dst(%dma_wait3A_309 : memref<10240x128xf32, #tpu.memory_space<vmem_shared>>)
        tpu.yield
      }) : () -> ()
      %dma_start3A_75 = arith.constant 3 : i32
      %dma_start3A_76 = arith.constant 0 : i32
      %dma_start3A_77 = tpu.memref_slice %arg7[%dma_start3A_75, %dma_start3A_76] : memref<8x125xi32, #tpu.memory_space<vmem>> -> memref<1x125xi32, #tpu.memory_space<vmem>>
      %dma_start3A_78 = tpu.memref_squeeze %dma_start3A_77 : memref<1x125xi32, #tpu.memory_space<vmem>> -> memref<125xi32, #tpu.memory_space<vmem>>
      %dma_start3A_79 = arith.constant 0 : i32
      %dma_start3A_80 = arith.constant 0 : i32
      %dma_start3A_81 = tpu.memref_slice %arg2[%dma_start3A_79, %dma_start3A_80] : memref<10000x128xf32, #tpu.memory_space<hbm>> -> memref<10000x128xf32, #tpu.memory_space<hbm>>
      tpu.enqueue_indirect_dma source(%dma_start3A_81 : memref<10000x128xf32, #tpu.memory_space<hbm>>) target(%arg12 : memref<125x128xf32, #tpu.memory_space<vmem>>) offsets(%dma_start3A_78 : memref<125xi32, #tpu.memory_space<vmem>>) semaphore(%arg15 : memref<!tpu.dma_semaphore, #tpu.memory_space<semaphore_mem>>)
      %dma_wait3A_82 = arith.constant 0 : i32
      %dma_wait3A_83 = arith.constant 0 : i32
      %dma_wait3A_84 = tpu.memref_slice %arg7[%dma_wait3A_82, %dma_wait3A_83] : memref<8x125xi32, #tpu.memory_space<vmem>> -> memref<1x125xi32, #tpu.memory_space<vmem>>
      %dma_wait3A_85 = tpu.memref_squeeze %dma_wait3A_84 : memref<1x125xi32, #tpu.memory_space<vmem>> -> memref<125xi32, #tpu.memory_space<vmem>>
      %dma_wait3A_86 = arith.constant 0 : i32
      %dma_wait3A_87 = arith.constant 0 : i32
      %dma_wait3A_88 = tpu.memref_slice %arg2[%dma_wait3A_86, %dma_wait3A_87] : memref<10000x128xf32, #tpu.memory_space<hbm>> -> memref<10000x128xf32, #tpu.memory_space<hbm>>
      tpu.wait_indirect_dma semaphore(%arg14 : memref<!tpu.dma_semaphore, #tpu.memory_space<semaphore_mem>>) src(%dma_wait3A_88 : memref<10000x128xf32, #tpu.memory_space<hbm>>) dst(%arg11 : memref<125x128xf32, #tpu.memory_space<vmem>>)
      %run_scoped3A_89 = arith.constant 2 : i32
      "tpu.region"() ({
        %run_scoped3A_297 = tpu.sem_alloc : memref<!tpu.dma_semaphore, #tpu.memory_space<semaphore_mem>>
        %dma_start3A_298 = arith.constant 0 : i32
        %dma_start3A_299 = tpu.memref_slice %arg8[%run_scoped3A_89, %dma_start3A_298] : memref<8x125xi32, #tpu.memory_space<vmem>> -> memref<1x125xi32, #tpu.memory_space<vmem>>
        %dma_start3A_300 = tpu.memref_squeeze %dma_start3A_299 : memref<1x125xi32, #tpu.memory_space<vmem>> -> memref<125xi32, #tpu.memory_space<vmem>>
        %dma_start3A_301 = arith.constant 0 : i32
        %dma_start3A_302 = arith.constant 0 : i32
        %dma_start3A_303 = tpu.memref_slice %arg13[%dma_start3A_301, %dma_start3A_302] : memref<10240x128xf32, #tpu.memory_space<vmem_shared>> -> memref<10240x128xf32, #tpu.memory_space<vmem_shared>>
        tpu.enqueue_indirect_dma source(%arg11 : memref<125x128xf32, #tpu.memory_space<vmem>>) target(%dma_start3A_303 : memref<10240x128xf32, #tpu.memory_space<vmem_shared>>) offsets(%dma_start3A_300 : memref<125xi32, #tpu.memory_space<vmem>>) semaphore(%run_scoped3A_297 : memref<!tpu.dma_semaphore, #tpu.memory_space<semaphore_mem>>) {add = true}
        %dma_wait3A_304 = arith.constant 0 : i32
        %dma_wait3A_305 = tpu.memref_slice %arg8[%run_scoped3A_89, %dma_wait3A_304] : memref<8x125xi32, #tpu.memory_space<vmem>> -> memref<1x125xi32, #tpu.memory_space<vmem>>
        %dma_wait3A_306 = tpu.memref_squeeze %dma_wait3A_305 : memref<1x125xi32, #tpu.memory_space<vmem>> -> memref<125xi32, #tpu.memory_space<vmem>>
        %dma_wait3A_307 = arith.constant 0 : i32
        %dma_wait3A_308 = arith.constant 0 : i32
        %dma_wait3A_309 = tpu.memref_slice %arg13[%dma_wait3A_307, %dma_wait3A_308] : memref<10240x128xf32, #tpu.memory_space<vmem_shared>> -> memref<10240x128xf32, #tpu.memory_space<vmem_shared>>
        tpu.wait_indirect_dma semaphore(%run_scoped3A_297 : memref<!tpu.dma_semaphore, #tpu.memory_space<semaphore_mem>>) src(%arg11 : memref<125x128xf32, #tpu.memory_space<vmem>>) dst(%dma_wait3A_309 : memref<10240x128xf32, #tpu.memory_space<vmem_shared>>)
        tpu.yield
      }) : () -> ()
      %dma_start3A_90 = arith.constant 4 : i32
      %dma_start3A_91 = arith.constant 0 : i32
      %dma_start3A_92 = tpu.memref_slice %arg7[%dma_start3A_90, %dma_start3A_91] : memref<8x125xi32, #tpu.memory_space<vmem>> -> memref<1x125xi32, #tpu.memory_space<vmem>>
      %dma_start3A_93 = tpu.memref_squeeze %dma_start3A_92 : memref<1x125xi32, #tpu.memory_space<vmem>> -> memref<125xi32, #tpu.memory_space<vmem>>
      %dma_start3A_94 = arith.constant 0 : i32
      %dma_start3A_95 = arith.constant 0 : i32
      %dma_start3A_96 = tpu.memref_slice %arg2[%dma_start3A_94, %dma_start3A_95] : memref<10000x128xf32, #tpu.memory_space<hbm>> -> memref<10000x128xf32, #tpu.memory_space<hbm>>
      tpu.enqueue_indirect_dma source(%dma_start3A_96 : memref<10000x128xf32, #tpu.memory_space<hbm>>) target(%arg11 : memref<125x128xf32, #tpu.memory_space<vmem>>) offsets(%dma_start3A_93 : memref<125xi32, #tpu.memory_space<vmem>>) semaphore(%arg14 : memref<!tpu.dma_semaphore, #tpu.memory_space<semaphore_mem>>)
      %dma_wait3A_97 = arith.constant 0 : i32
      %dma_wait3A_98 = arith.constant 0 : i32
      %dma_wait3A_99 = tpu.memref_slice %arg7[%dma_wait3A_97, %dma_wait3A_98] : memref<8x125xi32, #tpu.memory_space<vmem>> -> memref<1x125xi32, #tpu.memory_space<vmem>>
      %dma_wait3A_100 = tpu.memref_squeeze %dma_wait3A_99 : memref<1x125xi32, #tpu.memory_space<vmem>> -> memref<125xi32, #tpu.memory_space<vmem>>
      %dma_wait3A_101 = arith.constant 0 : i32
      %dma_wait3A_102 = arith.constant 0 : i32
      %dma_wait3A_103 = tpu.memref_slice %arg2[%dma_wait3A_101, %dma_wait3A_102] : memref<10000x128xf32, #tpu.memory_space<hbm>> -> memref<10000x128xf32, #tpu.memory_space<hbm>>
      tpu.wait_indirect_dma semaphore(%arg15 : memref<!tpu.dma_semaphore, #tpu.memory_space<semaphore_mem>>) src(%dma_wait3A_103 : memref<10000x128xf32, #tpu.memory_space<hbm>>) dst(%arg12 : memref<125x128xf32, #tpu.memory_space<vmem>>)
      %run_scoped3A_104 = arith.constant 3 : i32
      "tpu.region"() ({
        %run_scoped3A_297 = tpu.sem_alloc : memref<!tpu.dma_semaphore, #tpu.memory_space<semaphore_mem>>
        %dma_start3A_298 = arith.constant 0 : i32
        %dma_start3A_299 = tpu.memref_slice %arg8[%run_scoped3A_104, %dma_start3A_298] : memref<8x125xi32, #tpu.memory_space<vmem>> -> memref<1x125xi32, #tpu.memory_space<vmem>>
        %dma_start3A_300 = tpu.memref_squeeze %dma_start3A_299 : memref<1x125xi32, #tpu.memory_space<vmem>> -> memref<125xi32, #tpu.memory_space<vmem>>
        %dma_start3A_301 = arith.constant 0 : i32
        %dma_start3A_302 = arith.constant 0 : i32
        %dma_start3A_303 = tpu.memref_slice %arg13[%dma_start3A_301, %dma_start3A_302] : memref<10240x128xf32, #tpu.memory_space<vmem_shared>> -> memref<10240x128xf32, #tpu.memory_space<vmem_shared>>
        tpu.enqueue_indirect_dma source(%arg12 : memref<125x128xf32, #tpu.memory_space<vmem>>) target(%dma_start3A_303 : memref<10240x128xf32, #tpu.memory_space<vmem_shared>>) offsets(%dma_start3A_300 : memref<125xi32, #tpu.memory_space<vmem>>) semaphore(%run_scoped3A_297 : memref<!tpu.dma_semaphore, #tpu.memory_space<semaphore_mem>>) {add = true}
        %dma_wait3A_304 = arith.constant 0 : i32
        %dma_wait3A_305 = tpu.memref_slice %arg8[%run_scoped3A_104, %dma_wait3A_304] : memref<8x125xi32, #tpu.memory_space<vmem>> -> memref<1x125xi32, #tpu.memory_space<vmem>>
        %dma_wait3A_306 = tpu.memref_squeeze %dma_wait3A_305 : memref<1x125xi32, #tpu.memory_space<vmem>> -> memref<125xi32, #tpu.memory_space<vmem>>
        %dma_wait3A_307 = arith.constant 0 : i32
        %dma_wait3A_308 = arith.constant 0 : i32
        %dma_wait3A_309 = tpu.memref_slice %arg13[%dma_wait3A_307, %dma_wait3A_308] : memref<10240x128xf32, #tpu.memory_space<vmem_shared>> -> memref<10240x128xf32, #tpu.memory_space<vmem_shared>>
        tpu.wait_indirect_dma semaphore(%run_scoped3A_297 : memref<!tpu.dma_semaphore, #tpu.memory_space<semaphore_mem>>) src(%arg12 : memref<125x128xf32, #tpu.memory_space<vmem>>) dst(%dma_wait3A_309 : memref<10240x128xf32, #tpu.memory_space<vmem_shared>>)
        tpu.yield
      }) : () -> ()
      %dma_start3A_105 = arith.constant 5 : i32
      %dma_start3A_106 = arith.constant 0 : i32
      %dma_start3A_107 = tpu.memref_slice %arg7[%dma_start3A_105, %dma_start3A_106] : memref<8x125xi32, #tpu.memory_space<vmem>> -> memref<1x125xi32, #tpu.memory_space<vmem>>
      %dma_start3A_108 = tpu.memref_squeeze %dma_start3A_107 : memref<1x125xi32, #tpu.memory_space<vmem>> -> memref<125xi32, #tpu.memory_space<vmem>>
      %dma_start3A_109 = arith.constant 0 : i32
      %dma_start3A_110 = arith.constant 0 : i32
      %dma_start3A_111 = tpu.memref_slice %arg2[%dma_start3A_109, %dma_start3A_110] : memref<10000x128xf32, #tpu.memory_space<hbm>> -> memref<10000x128xf32, #tpu.memory_space<hbm>>
      tpu.enqueue_indirect_dma source(%dma_start3A_111 : memref<10000x128xf32, #tpu.memory_space<hbm>>) target(%arg12 : memref<125x128xf32, #tpu.memory_space<vmem>>) offsets(%dma_start3A_108 : memref<125xi32, #tpu.memory_space<vmem>>) semaphore(%arg15 : memref<!tpu.dma_semaphore, #tpu.memory_space<semaphore_mem>>)
      %dma_wait3A_112 = arith.constant 0 : i32
      %dma_wait3A_113 = arith.constant 0 : i32
      %dma_wait3A_114 = tpu.memref_slice %arg7[%dma_wait3A_112, %dma_wait3A_113] : memref<8x125xi32, #tpu.memory_space<vmem>> -> memref<1x125xi32, #tpu.memory_space<vmem>>
      %dma_wait3A_115 = tpu.memref_squeeze %dma_wait3A_114 : memref<1x125xi32, #tpu.memory_space<vmem>> -> memref<125xi32, #tpu.memory_space<vmem>>
      %dma_wait3A_116 = arith.constant 0 : i32
      %dma_wait3A_117 = arith.constant 0 : i32
      %dma_wait3A_118 = tpu.memref_slice %arg2[%dma_wait3A_116, %dma_wait3A_117] : memref<10000x128xf32, #tpu.memory_space<hbm>> -> memref<10000x128xf32, #tpu.memory_space<hbm>>
      tpu.wait_indirect_dma semaphore(%arg14 : memref<!tpu.dma_semaphore, #tpu.memory_space<semaphore_mem>>) src(%dma_wait3A_118 : memref<10000x128xf32, #tpu.memory_space<hbm>>) dst(%arg11 : memref<125x128xf32, #tpu.memory_space<vmem>>)
      %run_scoped3A_119 = arith.constant 4 : i32
      "tpu.region"() ({
        %run_scoped3A_297 = tpu.sem_alloc : memref<!tpu.dma_semaphore, #tpu.memory_space<semaphore_mem>>
        %dma_start3A_298 = arith.constant 0 : i32
        %dma_start3A_299 = tpu.memref_slice %arg8[%run_scoped3A_119, %dma_start3A_298] : memref<8x125xi32, #tpu.memory_space<vmem>> -> memref<1x125xi32, #tpu.memory_space<vmem>>
        %dma_start3A_300 = tpu.memref_squeeze %dma_start3A_299 : memref<1x125xi32, #tpu.memory_space<vmem>> -> memref<125xi32, #tpu.memory_space<vmem>>
        %dma_start3A_301 = arith.constant 0 : i32
        %dma_start3A_302 = arith.constant 0 : i32
        %dma_start3A_303 = tpu.memref_slice %arg13[%dma_start3A_301, %dma_start3A_302] : memref<10240x128xf32, #tpu.memory_space<vmem_shared>> -> memref<10240x128xf32, #tpu.memory_space<vmem_shared>>
        tpu.enqueue_indirect_dma source(%arg11 : memref<125x128xf32, #tpu.memory_space<vmem>>) target(%dma_start3A_303 : memref<10240x128xf32, #tpu.memory_space<vmem_shared>>) offsets(%dma_start3A_300 : memref<125xi32, #tpu.memory_space<vmem>>) semaphore(%run_scoped3A_297 : memref<!tpu.dma_semaphore, #tpu.memory_space<semaphore_mem>>) {add = true}
        %dma_wait3A_304 = arith.constant 0 : i32
        %dma_wait3A_305 = tpu.memref_slice %arg8[%run_scoped3A_119, %dma_wait3A_304] : memref<8x125xi32, #tpu.memory_space<vmem>> -> memref<1x125xi32, #tpu.memory_space<vmem>>
        %dma_wait3A_306 = tpu.memref_squeeze %dma_wait3A_305 : memref<1x125xi32, #tpu.memory_space<vmem>> -> memref<125xi32, #tpu.memory_space<vmem>>
        %dma_wait3A_307 = arith.constant 0 : i32
        %dma_wait3A_308 = arith.constant 0 : i32
        %dma_wait3A_309 = tpu.memref_slice %arg13[%dma_wait3A_307, %dma_wait3A_308] : memref<10240x128xf32, #tpu.memory_space<vmem_shared>> -> memref<10240x128xf32, #tpu.memory_space<vmem_shared>>
        tpu.wait_indirect_dma semaphore(%run_scoped3A_297 : memref<!tpu.dma_semaphore, #tpu.memory_space<semaphore_mem>>) src(%arg11 : memref<125x128xf32, #tpu.memory_space<vmem>>) dst(%dma_wait3A_309 : memref<10240x128xf32, #tpu.memory_space<vmem_shared>>)
        tpu.yield
      }) : () -> ()
      %dma_start3A_120 = arith.constant 6 : i32
      %dma_start3A_121 = arith.constant 0 : i32
      %dma_start3A_122 = tpu.memref_slice %arg7[%dma_start3A_120, %dma_start3A_121] : memref<8x125xi32, #tpu.memory_space<vmem>> -> memref<1x125xi32, #tpu.memory_space<vmem>>
      %dma_start3A_123 = tpu.memref_squeeze %dma_start3A_122 : memref<1x125xi32, #tpu.memory_space<vmem>> -> memref<125xi32, #tpu.memory_space<vmem>>
      %dma_start3A_124 = arith.constant 0 : i32
      %dma_start3A_125 = arith.constant 0 : i32
      %dma_start3A_126 = tpu.memref_slice %arg2[%dma_start3A_124, %dma_start3A_125] : memref<10000x128xf32, #tpu.memory_space<hbm>> -> memref<10000x128xf32, #tpu.memory_space<hbm>>
      tpu.enqueue_indirect_dma source(%dma_start3A_126 : memref<10000x128xf32, #tpu.memory_space<hbm>>) target(%arg11 : memref<125x128xf32, #tpu.memory_space<vmem>>) offsets(%dma_start3A_123 : memref<125xi32, #tpu.memory_space<vmem>>) semaphore(%arg14 : memref<!tpu.dma_semaphore, #tpu.memory_space<semaphore_mem>>)
      %dma_wait3A_127 = arith.constant 0 : i32
      %dma_wait3A_128 = arith.constant 0 : i32
      %dma_wait3A_129 = tpu.memref_slice %arg7[%dma_wait3A_127, %dma_wait3A_128] : memref<8x125xi32, #tpu.memory_space<vmem>> -> memref<1x125xi32, #tpu.memory_space<vmem>>
      %dma_wait3A_130 = tpu.memref_squeeze %dma_wait3A_129 : memref<1x125xi32, #tpu.memory_space<vmem>> -> memref<125xi32, #tpu.memory_space<vmem>>
      %dma_wait3A_131 = arith.constant 0 : i32
      %dma_wait3A_132 = arith.constant 0 : i32
      %dma_wait3A_133 = tpu.memref_slice %arg2[%dma_wait3A_131, %dma_wait3A_132] : memref<10000x128xf32, #tpu.memory_space<hbm>> -> memref<10000x128xf32, #tpu.memory_space<hbm>>
      tpu.wait_indirect_dma semaphore(%arg15 : memref<!tpu.dma_semaphore, #tpu.memory_space<semaphore_mem>>) src(%dma_wait3A_133 : memref<10000x128xf32, #tpu.memory_space<hbm>>) dst(%arg12 : memref<125x128xf32, #tpu.memory_space<vmem>>)
      %run_scoped3A_134 = arith.constant 5 : i32
      "tpu.region"() ({
        %run_scoped3A_297 = tpu.sem_alloc : memref<!tpu.dma_semaphore, #tpu.memory_space<semaphore_mem>>
        %dma_start3A_298 = arith.constant 0 : i32
        %dma_start3A_299 = tpu.memref_slice %arg8[%run_scoped3A_134, %dma_start3A_298] : memref<8x125xi32, #tpu.memory_space<vmem>> -> memref<1x125xi32, #tpu.memory_space<vmem>>
        %dma_start3A_300 = tpu.memref_squeeze %dma_start3A_299 : memref<1x125xi32, #tpu.memory_space<vmem>> -> memref<125xi32, #tpu.memory_space<vmem>>
        %dma_start3A_301 = arith.constant 0 : i32
        %dma_start3A_302 = arith.constant 0 : i32
        %dma_start3A_303 = tpu.memref_slice %arg13[%dma_start3A_301, %dma_start3A_302] : memref<10240x128xf32, #tpu.memory_space<vmem_shared>> -> memref<10240x128xf32, #tpu.memory_space<vmem_shared>>
        tpu.enqueue_indirect_dma source(%arg12 : memref<125x128xf32, #tpu.memory_space<vmem>>) target(%dma_start3A_303 : memref<10240x128xf32, #tpu.memory_space<vmem_shared>>) offsets(%dma_start3A_300 : memref<125xi32, #tpu.memory_space<vmem>>) semaphore(%run_scoped3A_297 : memref<!tpu.dma_semaphore, #tpu.memory_space<semaphore_mem>>) {add = true}
        %dma_wait3A_304 = arith.constant 0 : i32
        %dma_wait3A_305 = tpu.memref_slice %arg8[%run_scoped3A_134, %dma_wait3A_304] : memref<8x125xi32, #tpu.memory_space<vmem>> -> memref<1x125xi32, #tpu.memory_space<vmem>>
        %dma_wait3A_306 = tpu.memref_squeeze %dma_wait3A_305 : memref<1x125xi32, #tpu.memory_space<vmem>> -> memref<125xi32, #tpu.memory_space<vmem>>
        %dma_wait3A_307 = arith.constant 0 : i32
        %dma_wait3A_308 = arith.constant 0 : i32
        %dma_wait3A_309 = tpu.memref_slice %arg13[%dma_wait3A_307, %dma_wait3A_308] : memref<10240x128xf32, #tpu.memory_space<vmem_shared>> -> memref<10240x128xf32, #tpu.memory_space<vmem_shared>>
        tpu.wait_indirect_dma semaphore(%run_scoped3A_297 : memref<!tpu.dma_semaphore, #tpu.memory_space<semaphore_mem>>) src(%arg12 : memref<125x128xf32, #tpu.memory_space<vmem>>) dst(%dma_wait3A_309 : memref<10240x128xf32, #tpu.memory_space<vmem_shared>>)
        tpu.yield
      }) : () -> ()
      %dma_start3A_135 = arith.constant 7 : i32
      %dma_start3A_136 = arith.constant 0 : i32
      %dma_start3A_137 = tpu.memref_slice %arg7[%dma_start3A_135, %dma_start3A_136] : memref<8x125xi32, #tpu.memory_space<vmem>> -> memref<1x125xi32, #tpu.memory_space<vmem>>
      %dma_start3A_138 = tpu.memref_squeeze %dma_start3A_137 : memref<1x125xi32, #tpu.memory_space<vmem>> -> memref<125xi32, #tpu.memory_space<vmem>>
      %dma_start3A_139 = arith.constant 0 : i32
      %dma_start3A_140 = arith.constant 0 : i32
      %dma_start3A_141 = tpu.memref_slice %arg2[%dma_start3A_139, %dma_start3A_140] : memref<10000x128xf32, #tpu.memory_space<hbm>> -> memref<10000x128xf32, #tpu.memory_space<hbm>>
      tpu.enqueue_indirect_dma source(%dma_start3A_141 : memref<10000x128xf32, #tpu.memory_space<hbm>>) target(%arg12 : memref<125x128xf32, #tpu.memory_space<vmem>>) offsets(%dma_start3A_138 : memref<125xi32, #tpu.memory_space<vmem>>) semaphore(%arg15 : memref<!tpu.dma_semaphore, #tpu.memory_space<semaphore_mem>>)
      %dma_wait3A_142 = arith.constant 0 : i32
      %dma_wait3A_143 = arith.constant 0 : i32
      %dma_wait3A_144 = tpu.memref_slice %arg7[%dma_wait3A_142, %dma_wait3A_143] : memref<8x125xi32, #tpu.memory_space<vmem>> -> memref<1x125xi32, #tpu.memory_space<vmem>>
      %dma_wait3A_145 = tpu.memref_squeeze %dma_wait3A_144 : memref<1x125xi32, #tpu.memory_space<vmem>> -> memref<125xi32, #tpu.memory_space<vmem>>
      %dma_wait3A_146 = arith.constant 0 : i32
      %dma_wait3A_147 = arith.constant 0 : i32
      %dma_wait3A_148 = tpu.memref_slice %arg2[%dma_wait3A_146, %dma_wait3A_147] : memref<10000x128xf32, #tpu.memory_space<hbm>> -> memref<10000x128xf32, #tpu.memory_space<hbm>>
      tpu.wait_indirect_dma semaphore(%arg14 : memref<!tpu.dma_semaphore, #tpu.memory_space<semaphore_mem>>) src(%dma_wait3A_148 : memref<10000x128xf32, #tpu.memory_space<hbm>>) dst(%arg11 : memref<125x128xf32, #tpu.memory_space<vmem>>)
      %run_scoped3A_149 = arith.constant 6 : i32
      "tpu.region"() ({
        %run_scoped3A_297 = tpu.sem_alloc : memref<!tpu.dma_semaphore, #tpu.memory_space<semaphore_mem>>
        %dma_start3A_298 = arith.constant 0 : i32
        %dma_start3A_299 = tpu.memref_slice %arg8[%run_scoped3A_149, %dma_start3A_298] : memref<8x125xi32, #tpu.memory_space<vmem>> -> memref<1x125xi32, #tpu.memory_space<vmem>>
        %dma_start3A_300 = tpu.memref_squeeze %dma_start3A_299 : memref<1x125xi32, #tpu.memory_space<vmem>> -> memref<125xi32, #tpu.memory_space<vmem>>
        %dma_start3A_301 = arith.constant 0 : i32
        %dma_start3A_302 = arith.constant 0 : i32
        %dma_start3A_303 = tpu.memref_slice %arg13[%dma_start3A_301, %dma_start3A_302] : memref<10240x128xf32, #tpu.memory_space<vmem_shared>> -> memref<10240x128xf32, #tpu.memory_space<vmem_shared>>
        tpu.enqueue_indirect_dma source(%arg11 : memref<125x128xf32, #tpu.memory_space<vmem>>) target(%dma_start3A_303 : memref<10240x128xf32, #tpu.memory_space<vmem_shared>>) offsets(%dma_start3A_300 : memref<125xi32, #tpu.memory_space<vmem>>) semaphore(%run_scoped3A_297 : memref<!tpu.dma_semaphore, #tpu.memory_space<semaphore_mem>>) {add = true}
        %dma_wait3A_304 = arith.constant 0 : i32
        %dma_wait3A_305 = tpu.memref_slice %arg8[%run_scoped3A_149, %dma_wait3A_304] : memref<8x125xi32, #tpu.memory_space<vmem>> -> memref<1x125xi32, #tpu.memory_space<vmem>>
        %dma_wait3A_306 = tpu.memref_squeeze %dma_wait3A_305 : memref<1x125xi32, #tpu.memory_space<vmem>> -> memref<125xi32, #tpu.memory_space<vmem>>
        %dma_wait3A_307 = arith.constant 0 : i32
        %dma_wait3A_308 = arith.constant 0 : i32
        %dma_wait3A_309 = tpu.memref_slice %arg13[%dma_wait3A_307, %dma_wait3A_308] : memref<10240x128xf32, #tpu.memory_space<vmem_shared>> -> memref<10240x128xf32, #tpu.memory_space<vmem_shared>>
        tpu.wait_indirect_dma semaphore(%run_scoped3A_297 : memref<!tpu.dma_semaphore, #tpu.memory_space<semaphore_mem>>) src(%arg11 : memref<125x128xf32, #tpu.memory_space<vmem>>) dst(%dma_wait3A_309 : memref<10240x128xf32, #tpu.memory_space<vmem_shared>>)
        tpu.yield
      }) : () -> ()
      %dma_wait3A_150 = arith.constant 0 : i32
      %dma_wait3A_151 = arith.constant 0 : i32
      %dma_wait3A_152 = tpu.memref_slice %arg7[%dma_wait3A_150, %dma_wait3A_151] : memref<8x125xi32, #tpu.memory_space<vmem>> -> memref<1x125xi32, #tpu.memory_space<vmem>>
      %dma_wait3A_153 = tpu.memref_squeeze %dma_wait3A_152 : memref<1x125xi32, #tpu.memory_space<vmem>> -> memref<125xi32, #tpu.memory_space<vmem>>
      %dma_wait3A_154 = arith.constant 0 : i32
      %dma_wait3A_155 = arith.constant 0 : i32
      %dma_wait3A_156 = tpu.memref_slice %arg2[%dma_wait3A_154, %dma_wait3A_155] : memref<10000x128xf32, #tpu.memory_space<hbm>> -> memref<10000x128xf32, #tpu.memory_space<hbm>>
      tpu.wait_indirect_dma semaphore(%arg15 : memref<!tpu.dma_semaphore, #tpu.memory_space<semaphore_mem>>) src(%dma_wait3A_156 : memref<10000x128xf32, #tpu.memory_space<hbm>>) dst(%arg12 : memref<125x128xf32, #tpu.memory_space<vmem>>)
      %run_scoped3A_157 = arith.constant 7 : i32
      "tpu.region"() ({
        %run_scoped3A_297 = tpu.sem_alloc : memref<!tpu.dma_semaphore, #tpu.memory_space<semaphore_mem>>
        %dma_start3A_298 = arith.constant 0 : i32
        %dma_start3A_299 = tpu.memref_slice %arg8[%run_scoped3A_157, %dma_start3A_298] : memref<8x125xi32, #tpu.memory_space<vmem>> -> memref<1x125xi32, #tpu.memory_space<vmem>>
        %dma_start3A_300 = tpu.memref_squeeze %dma_start3A_299 : memref<1x125xi32, #tpu.memory_space<vmem>> -> memref<125xi32, #tpu.memory_space<vmem>>
        %dma_start3A_301 = arith.constant 0 : i32
        %dma_start3A_302 = arith.constant 0 : i32
        %dma_start3A_303 = tpu.memref_slice %arg13[%dma_start3A_301, %dma_start3A_302] : memref<10240x128xf32, #tpu.memory_space<vmem_shared>> -> memref<10240x128xf32, #tpu.memory_space<vmem_shared>>
        tpu.enqueue_indirect_dma source(%arg12 : memref<125x128xf32, #tpu.memory_space<vmem>>) target(%dma_start3A_303 : memref<10240x128xf32, #tpu.memory_space<vmem_shared>>) offsets(%dma_start3A_300 : memref<125xi32, #tpu.memory_space<vmem>>) semaphore(%run_scoped3A_297 : memref<!tpu.dma_semaphore, #tpu.memory_space<semaphore_mem>>) {add = true}
        %dma_wait3A_304 = arith.constant 0 : i32
        %dma_wait3A_305 = tpu.memref_slice %arg8[%run_scoped3A_157, %dma_wait3A_304] : memref<8x125xi32, #tpu.memory_space<vmem>> -> memref<1x125xi32, #tpu.memory_space<vmem>>
        %dma_wait3A_306 = tpu.memref_squeeze %dma_wait3A_305 : memref<1x125xi32, #tpu.memory_space<vmem>> -> memref<125xi32, #tpu.memory_space<vmem>>
        %dma_wait3A_307 = arith.constant 0 : i32
        %dma_wait3A_308 = arith.constant 0 : i32
        %dma_wait3A_309 = tpu.memref_slice %arg13[%dma_wait3A_307, %dma_wait3A_308] : memref<10240x128xf32, #tpu.memory_space<vmem_shared>> -> memref<10240x128xf32, #tpu.memory_space<vmem_shared>>
        tpu.wait_indirect_dma semaphore(%run_scoped3A_297 : memref<!tpu.dma_semaphore, #tpu.memory_space<semaphore_mem>>) src(%arg12 : memref<125x128xf32, #tpu.memory_space<vmem>>) dst(%dma_wait3A_309 : memref<10240x128xf32, #tpu.memory_space<vmem_shared>>)
        tpu.yield
      }) : () -> ()
      %mul3A_158 = arith.constant 2 : i32
      %mul3A_159 = arith.muli %mul3A_158, %scan3A_25 : i32
      %add3A_160 = arith.constant 1 : i32
      %add3A_161 = arith.addi %mul3A_159, %add3A_160 : i32
      %dma_wait3A_162 = arith.constant 0 : i32
      %dma_wait3A_163 = tpu.memref_slice %arg3[%mul3A_4, %dma_wait3A_162] : memref<2560x125xi32, #tpu.memory_space<hbm>> -> memref<8x125xi32, #tpu.memory_space<hbm>>
      %dma_wait3A_164 = arith.constant 0 : i32
      %dma_wait3A_165 = tpu.memref_slice %arg3[%mul3A_4, %dma_wait3A_164] : memref<2560x125xi32, #tpu.memory_space<hbm>> -> memref<8x125xi32, #tpu.memory_space<hbm>>
      tpu.wait_dma2 semaphore(%arg17 : memref<!tpu.dma_semaphore, #tpu.memory_space<semaphore_mem>>) src(%dma_wait3A_165 : memref<8x125xi32, #tpu.memory_space<hbm>>) dst(%arg9 : memref<8x125xi32, #tpu.memory_space<vmem>>)
      %dma_wait3A_166 = arith.constant 0 : i32
      %dma_wait3A_167 = tpu.memref_slice %arg4[%mul3A_4, %dma_wait3A_166] : memref<2560x125xi32, #tpu.memory_space<hbm>> -> memref<8x125xi32, #tpu.memory_space<hbm>>
      %dma_wait3A_168 = arith.constant 0 : i32
      %dma_wait3A_169 = tpu.memref_slice %arg4[%mul3A_4, %dma_wait3A_168] : memref<2560x125xi32, #tpu.memory_space<hbm>> -> memref<8x125xi32, #tpu.memory_space<hbm>>
      tpu.wait_dma2 semaphore(%arg17 : memref<!tpu.dma_semaphore, #tpu.memory_space<semaphore_mem>>) src(%dma_wait3A_169 : memref<8x125xi32, #tpu.memory_space<hbm>>) dst(%arg10 : memref<8x125xi32, #tpu.memory_space<vmem>>)
      %dma_start3A_170 = arith.constant 0 : i32
      %dma_start3A_171 = arith.constant 0 : i32
      %dma_start3A_172 = tpu.memref_slice %arg9[%dma_start3A_170, %dma_start3A_171] : memref<8x125xi32, #tpu.memory_space<vmem>> -> memref<1x125xi32, #tpu.memory_space<vmem>>
      %dma_start3A_173 = tpu.memref_squeeze %dma_start3A_172 : memref<1x125xi32, #tpu.memory_space<vmem>> -> memref<125xi32, #tpu.memory_space<vmem>>
      %dma_start3A_174 = arith.constant 0 : i32
      %dma_start3A_175 = arith.constant 0 : i32
      %dma_start3A_176 = tpu.memref_slice %arg2[%dma_start3A_174, %dma_start3A_175] : memref<10000x128xf32, #tpu.memory_space<hbm>> -> memref<10000x128xf32, #tpu.memory_space<hbm>>
      tpu.enqueue_indirect_dma source(%dma_start3A_176 : memref<10000x128xf32, #tpu.memory_space<hbm>>) target(%arg11 : memref<125x128xf32, #tpu.memory_space<vmem>>) offsets(%dma_start3A_173 : memref<125xi32, #tpu.memory_space<vmem>>) semaphore(%arg14 : memref<!tpu.dma_semaphore, #tpu.memory_space<semaphore_mem>>)
      %dma_start3A_177 = arith.constant 1 : i32
      %dma_start3A_178 = arith.constant 0 : i32
      %dma_start3A_179 = tpu.memref_slice %arg9[%dma_start3A_177, %dma_start3A_178] : memref<8x125xi32, #tpu.memory_space<vmem>> -> memref<1x125xi32, #tpu.memory_space<vmem>>
      %dma_start3A_180 = tpu.memref_squeeze %dma_start3A_179 : memref<1x125xi32, #tpu.memory_space<vmem>> -> memref<125xi32, #tpu.memory_space<vmem>>
      %dma_start3A_181 = arith.constant 0 : i32
      %dma_start3A_182 = arith.constant 0 : i32
      %dma_start3A_183 = tpu.memref_slice %arg2[%dma_start3A_181, %dma_start3A_182] : memref<10000x128xf32, #tpu.memory_space<hbm>> -> memref<10000x128xf32, #tpu.memory_space<hbm>>
      tpu.enqueue_indirect_dma source(%dma_start3A_183 : memref<10000x128xf32, #tpu.memory_space<hbm>>) target(%arg12 : memref<125x128xf32, #tpu.memory_space<vmem>>) offsets(%dma_start3A_180 : memref<125xi32, #tpu.memory_space<vmem>>) semaphore(%arg15 : memref<!tpu.dma_semaphore, #tpu.memory_space<semaphore_mem>>)
      %add3A_184 = arith.constant 1 : i32
      %add3A_185 = arith.addi %add3A_161, %add3A_184 : i32
      %lt3A_186 = arith.constant 10 : i32
      %lt3A_187 = arith.cmpi slt, %add3A_185, %lt3A_186 : i32
      %convert_element_type3A_188 = arith.extui %lt3A_187 : i1 to i32
      %cond3A_189 = arith.constant 0 : i32
      %cond3A_190 = arith.cmpi ne, %convert_element_type3A_188, %cond3A_189 : i32
      scf.if %cond3A_190 {
        %add3A_297 = arith.constant 1 : i32
        %add3A_298 = arith.addi %add3A_161, %add3A_297 : i32
        %mul3A_299 = arith.constant 8 : i32
        %mul3A_300 = arith.muli %add3A_298, %mul3A_299 : i32
        %add3A_301 = arith.addi %mul3A_4, %mul3A_300 : i32
        %dma_start3A_302 = arith.constant 0 : i32
        %dma_start3A_303 = tpu.memref_slice %arg3[%add3A_301, %dma_start3A_302] : memref<2560x125xi32, #tpu.memory_space<hbm>> -> memref<8x125xi32, #tpu.memory_space<hbm>>
        %dma_start3A_304 = arith.constant 0 : i32
        %dma_start3A_305 = tpu.memref_slice %arg3[%add3A_301, %dma_start3A_304] : memref<2560x125xi32, #tpu.memory_space<hbm>> -> memref<8x125xi32, #tpu.memory_space<hbm>>
        tpu.enqueue_dma source(%dma_start3A_305 : memref<8x125xi32, #tpu.memory_space<hbm>>) target(%arg7 : memref<8x125xi32, #tpu.memory_space<vmem>>) target_semaphore(%arg16 : memref<!tpu.dma_semaphore, #tpu.memory_space<semaphore_mem>>)
        %dma_start3A_306 = arith.constant 0 : i32
        %dma_start3A_307 = tpu.memref_slice %arg4[%add3A_301, %dma_start3A_306] : memref<2560x125xi32, #tpu.memory_space<hbm>> -> memref<8x125xi32, #tpu.memory_space<hbm>>
        %dma_start3A_308 = arith.constant 0 : i32
        %dma_start3A_309 = tpu.memref_slice %arg4[%add3A_301, %dma_start3A_308] : memref<2560x125xi32, #tpu.memory_space<hbm>> -> memref<8x125xi32, #tpu.memory_space<hbm>>
        tpu.enqueue_dma source(%dma_start3A_309 : memref<8x125xi32, #tpu.memory_space<hbm>>) target(%arg8 : memref<8x125xi32, #tpu.memory_space<vmem>>) target_semaphore(%arg16 : memref<!tpu.dma_semaphore, #tpu.memory_space<semaphore_mem>>)
      } else {
      }
      %dma_wait3A_191 = arith.constant 0 : i32
      %dma_wait3A_192 = arith.constant 0 : i32
      %dma_wait3A_193 = tpu.memref_slice %arg9[%dma_wait3A_191, %dma_wait3A_192] : memref<8x125xi32, #tpu.memory_space<vmem>> -> memref<1x125xi32, #tpu.memory_space<vmem>>
      %dma_wait3A_194 = tpu.memref_squeeze %dma_wait3A_193 : memref<1x125xi32, #tpu.memory_space<vmem>> -> memref<125xi32, #tpu.memory_space<vmem>>
      %dma_wait3A_195 = arith.constant 0 : i32
      %dma_wait3A_196 = arith.constant 0 : i32
      %dma_wait3A_197 = tpu.memref_slice %arg2[%dma_wait3A_195, %dma_wait3A_196] : memref<10000x128xf32, #tpu.memory_space<hbm>> -> memref<10000x128xf32, #tpu.memory_space<hbm>>
      tpu.wait_indirect_dma semaphore(%arg14 : memref<!tpu.dma_semaphore, #tpu.memory_space<semaphore_mem>>) src(%dma_wait3A_197 : memref<10000x128xf32, #tpu.memory_space<hbm>>) dst(%arg11 : memref<125x128xf32, #tpu.memory_space<vmem>>)
      %run_scoped3A_198 = arith.constant 0 : i32
      "tpu.region"() ({
        %run_scoped3A_297 = tpu.sem_alloc : memref<!tpu.dma_semaphore, #tpu.memory_space<semaphore_mem>>
        %dma_start3A_298 = arith.constant 0 : i32
        %dma_start3A_299 = tpu.memref_slice %arg10[%run_scoped3A_198, %dma_start3A_298] : memref<8x125xi32, #tpu.memory_space<vmem>> -> memref<1x125xi32, #tpu.memory_space<vmem>>
        %dma_start3A_300 = tpu.memref_squeeze %dma_start3A_299 : memref<1x125xi32, #tpu.memory_space<vmem>> -> memref<125xi32, #tpu.memory_space<vmem>>
        %dma_start3A_301 = arith.constant 0 : i32
        %dma_start3A_302 = arith.constant 0 : i32
        %dma_start3A_303 = tpu.memref_slice %arg13[%dma_start3A_301, %dma_start3A_302] : memref<10240x128xf32, #tpu.memory_space<vmem_shared>> -> memref<10240x128xf32, #tpu.memory_space<vmem_shared>>
        tpu.enqueue_indirect_dma source(%arg11 : memref<125x128xf32, #tpu.memory_space<vmem>>) target(%dma_start3A_303 : memref<10240x128xf32, #tpu.memory_space<vmem_shared>>) offsets(%dma_start3A_300 : memref<125xi32, #tpu.memory_space<vmem>>) semaphore(%run_scoped3A_297 : memref<!tpu.dma_semaphore, #tpu.memory_space<semaphore_mem>>) {add = true}
        %dma_wait3A_304 = arith.constant 0 : i32
        %dma_wait3A_305 = tpu.memref_slice %arg10[%run_scoped3A_198, %dma_wait3A_304] : memref<8x125xi32, #tpu.memory_space<vmem>> -> memref<1x125xi32, #tpu.memory_space<vmem>>
        %dma_wait3A_306 = tpu.memref_squeeze %dma_wait3A_305 : memref<1x125xi32, #tpu.memory_space<vmem>> -> memref<125xi32, #tpu.memory_space<vmem>>
        %dma_wait3A_307 = arith.constant 0 : i32
        %dma_wait3A_308 = arith.constant 0 : i32
        %dma_wait3A_309 = tpu.memref_slice %arg13[%dma_wait3A_307, %dma_wait3A_308] : memref<10240x128xf32, #tpu.memory_space<vmem_shared>> -> memref<10240x128xf32, #tpu.memory_space<vmem_shared>>
        tpu.wait_indirect_dma semaphore(%run_scoped3A_297 : memref<!tpu.dma_semaphore, #tpu.memory_space<semaphore_mem>>) src(%arg11 : memref<125x128xf32, #tpu.memory_space<vmem>>) dst(%dma_wait3A_309 : memref<10240x128xf32, #tpu.memory_space<vmem_shared>>)
        tpu.yield
      }) : () -> ()
      %dma_start3A_199 = arith.constant 2 : i32
      %dma_start3A_200 = arith.constant 0 : i32
      %dma_start3A_201 = tpu.memref_slice %arg9[%dma_start3A_199, %dma_start3A_200] : memref<8x125xi32, #tpu.memory_space<vmem>> -> memref<1x125xi32, #tpu.memory_space<vmem>>
      %dma_start3A_202 = tpu.memref_squeeze %dma_start3A_201 : memref<1x125xi32, #tpu.memory_space<vmem>> -> memref<125xi32, #tpu.memory_space<vmem>>
      %dma_start3A_203 = arith.constant 0 : i32
      %dma_start3A_204 = arith.constant 0 : i32
      %dma_start3A_205 = tpu.memref_slice %arg2[%dma_start3A_203, %dma_start3A_204] : memref<10000x128xf32, #tpu.memory_space<hbm>> -> memref<10000x128xf32, #tpu.memory_space<hbm>>
      tpu.enqueue_indirect_dma source(%dma_start3A_205 : memref<10000x128xf32, #tpu.memory_space<hbm>>) target(%arg11 : memref<125x128xf32, #tpu.memory_space<vmem>>) offsets(%dma_start3A_202 : memref<125xi32, #tpu.memory_space<vmem>>) semaphore(%arg14 : memref<!tpu.dma_semaphore, #tpu.memory_space<semaphore_mem>>)
      %dma_wait3A_206 = arith.constant 0 : i32
      %dma_wait3A_207 = arith.constant 0 : i32
      %dma_wait3A_208 = tpu.memref_slice %arg9[%dma_wait3A_206, %dma_wait3A_207] : memref<8x125xi32, #tpu.memory_space<vmem>> -> memref<1x125xi32, #tpu.memory_space<vmem>>
      %dma_wait3A_209 = tpu.memref_squeeze %dma_wait3A_208 : memref<1x125xi32, #tpu.memory_space<vmem>> -> memref<125xi32, #tpu.memory_space<vmem>>
      %dma_wait3A_210 = arith.constant 0 : i32
      %dma_wait3A_211 = arith.constant 0 : i32
      %dma_wait3A_212 = tpu.memref_slice %arg2[%dma_wait3A_210, %dma_wait3A_211] : memref<10000x128xf32, #tpu.memory_space<hbm>> -> memref<10000x128xf32, #tpu.memory_space<hbm>>
      tpu.wait_indirect_dma semaphore(%arg15 : memref<!tpu.dma_semaphore, #tpu.memory_space<semaphore_mem>>) src(%dma_wait3A_212 : memref<10000x128xf32, #tpu.memory_space<hbm>>) dst(%arg12 : memref<125x128xf32, #tpu.memory_space<vmem>>)
      %run_scoped3A_213 = arith.constant 1 : i32
      "tpu.region"() ({
        %run_scoped3A_297 = tpu.sem_alloc : memref<!tpu.dma_semaphore, #tpu.memory_space<semaphore_mem>>
        %dma_start3A_298 = arith.constant 0 : i32
        %dma_start3A_299 = tpu.memref_slice %arg10[%run_scoped3A_213, %dma_start3A_298] : memref<8x125xi32, #tpu.memory_space<vmem>> -> memref<1x125xi32, #tpu.memory_space<vmem>>
        %dma_start3A_300 = tpu.memref_squeeze %dma_start3A_299 : memref<1x125xi32, #tpu.memory_space<vmem>> -> memref<125xi32, #tpu.memory_space<vmem>>
        %dma_start3A_301 = arith.constant 0 : i32
        %dma_start3A_302 = arith.constant 0 : i32
        %dma_start3A_303 = tpu.memref_slice %arg13[%dma_start3A_301, %dma_start3A_302] : memref<10240x128xf32, #tpu.memory_space<vmem_shared>> -> memref<10240x128xf32, #tpu.memory_space<vmem_shared>>
        tpu.enqueue_indirect_dma source(%arg12 : memref<125x128xf32, #tpu.memory_space<vmem>>) target(%dma_start3A_303 : memref<10240x128xf32, #tpu.memory_space<vmem_shared>>) offsets(%dma_start3A_300 : memref<125xi32, #tpu.memory_space<vmem>>) semaphore(%run_scoped3A_297 : memref<!tpu.dma_semaphore, #tpu.memory_space<semaphore_mem>>) {add = true}
        %dma_wait3A_304 = arith.constant 0 : i32
        %dma_wait3A_305 = tpu.memref_slice %arg10[%run_scoped3A_213, %dma_wait3A_304] : memref<8x125xi32, #tpu.memory_space<vmem>> -> memref<1x125xi32, #tpu.memory_space<vmem>>
        %dma_wait3A_306 = tpu.memref_squeeze %dma_wait3A_305 : memref<1x125xi32, #tpu.memory_space<vmem>> -> memref<125xi32, #tpu.memory_space<vmem>>
        %dma_wait3A_307 = arith.constant 0 : i32
        %dma_wait3A_308 = arith.constant 0 : i32
        %dma_wait3A_309 = tpu.memref_slice %arg13[%dma_wait3A_307, %dma_wait3A_308] : memref<10240x128xf32, #tpu.memory_space<vmem_shared>> -> memref<10240x128xf32, #tpu.memory_space<vmem_shared>>
        tpu.wait_indirect_dma semaphore(%run_scoped3A_297 : memref<!tpu.dma_semaphore, #tpu.memory_space<semaphore_mem>>) src(%arg12 : memref<125x128xf32, #tpu.memory_space<vmem>>) dst(%dma_wait3A_309 : memref<10240x128xf32, #tpu.memory_space<vmem_shared>>)
        tpu.yield
      }) : () -> ()
      %dma_start3A_214 = arith.constant 3 : i32
      %dma_start3A_215 = arith.constant 0 : i32
      %dma_start3A_216 = tpu.memref_slice %arg9[%dma_start3A_214, %dma_start3A_215] : memref<8x125xi32, #tpu.memory_space<vmem>> -> memref<1x125xi32, #tpu.memory_space<vmem>>
      %dma_start3A_217 = tpu.memref_squeeze %dma_start3A_216 : memref<1x125xi32, #tpu.memory_space<vmem>> -> memref<125xi32, #tpu.memory_space<vmem>>
      %dma_start3A_218 = arith.constant 0 : i32
      %dma_start3A_219 = arith.constant 0 : i32
      %dma_start3A_220 = tpu.memref_slice %arg2[%dma_start3A_218, %dma_start3A_219] : memref<10000x128xf32, #tpu.memory_space<hbm>> -> memref<10000x128xf32, #tpu.memory_space<hbm>>
      tpu.enqueue_indirect_dma source(%dma_start3A_220 : memref<10000x128xf32, #tpu.memory_space<hbm>>) target(%arg12 : memref<125x128xf32, #tpu.memory_space<vmem>>) offsets(%dma_start3A_217 : memref<125xi32, #tpu.memory_space<vmem>>) semaphore(%arg15 : memref<!tpu.dma_semaphore, #tpu.memory_space<semaphore_mem>>)
      %dma_wait3A_221 = arith.constant 0 : i32
      %dma_wait3A_222 = arith.constant 0 : i32
      %dma_wait3A_223 = tpu.memref_slice %arg9[%dma_wait3A_221, %dma_wait3A_222] : memref<8x125xi32, #tpu.memory_space<vmem>> -> memref<1x125xi32, #tpu.memory_space<vmem>>
      %dma_wait3A_224 = tpu.memref_squeeze %dma_wait3A_223 : memref<1x125xi32, #tpu.memory_space<vmem>> -> memref<125xi32, #tpu.memory_space<vmem>>
      %dma_wait3A_225 = arith.constant 0 : i32
      %dma_wait3A_226 = arith.constant 0 : i32
      %dma_wait3A_227 = tpu.memref_slice %arg2[%dma_wait3A_225, %dma_wait3A_226] : memref<10000x128xf32, #tpu.memory_space<hbm>> -> memref<10000x128xf32, #tpu.memory_space<hbm>>
      tpu.wait_indirect_dma semaphore(%arg14 : memref<!tpu.dma_semaphore, #tpu.memory_space<semaphore_mem>>) src(%dma_wait3A_227 : memref<10000x128xf32, #tpu.memory_space<hbm>>) dst(%arg11 : memref<125x128xf32, #tpu.memory_space<vmem>>)
      %run_scoped3A_228 = arith.constant 2 : i32
      "tpu.region"() ({
        %run_scoped3A_297 = tpu.sem_alloc : memref<!tpu.dma_semaphore, #tpu.memory_space<semaphore_mem>>
        %dma_start3A_298 = arith.constant 0 : i32
        %dma_start3A_299 = tpu.memref_slice %arg10[%run_scoped3A_228, %dma_start3A_298] : memref<8x125xi32, #tpu.memory_space<vmem>> -> memref<1x125xi32, #tpu.memory_space<vmem>>
        %dma_start3A_300 = tpu.memref_squeeze %dma_start3A_299 : memref<1x125xi32, #tpu.memory_space<vmem>> -> memref<125xi32, #tpu.memory_space<vmem>>
        %dma_start3A_301 = arith.constant 0 : i32
        %dma_start3A_302 = arith.constant 0 : i32
        %dma_start3A_303 = tpu.memref_slice %arg13[%dma_start3A_301, %dma_start3A_302] : memref<10240x128xf32, #tpu.memory_space<vmem_shared>> -> memref<10240x128xf32, #tpu.memory_space<vmem_shared>>
        tpu.enqueue_indirect_dma source(%arg11 : memref<125x128xf32, #tpu.memory_space<vmem>>) target(%dma_start3A_303 : memref<10240x128xf32, #tpu.memory_space<vmem_shared>>) offsets(%dma_start3A_300 : memref<125xi32, #tpu.memory_space<vmem>>) semaphore(%run_scoped3A_297 : memref<!tpu.dma_semaphore, #tpu.memory_space<semaphore_mem>>) {add = true}
        %dma_wait3A_304 = arith.constant 0 : i32
        %dma_wait3A_305 = tpu.memref_slice %arg10[%run_scoped3A_228, %dma_wait3A_304] : memref<8x125xi32, #tpu.memory_space<vmem>> -> memref<1x125xi32, #tpu.memory_space<vmem>>
        %dma_wait3A_306 = tpu.memref_squeeze %dma_wait3A_305 : memref<1x125xi32, #tpu.memory_space<vmem>> -> memref<125xi32, #tpu.memory_space<vmem>>
        %dma_wait3A_307 = arith.constant 0 : i32
        %dma_wait3A_308 = arith.constant 0 : i32
        %dma_wait3A_309 = tpu.memref_slice %arg13[%dma_wait3A_307, %dma_wait3A_308] : memref<10240x128xf32, #tpu.memory_space<vmem_shared>> -> memref<10240x128xf32, #tpu.memory_space<vmem_shared>>
        tpu.wait_indirect_dma semaphore(%run_scoped3A_297 : memref<!tpu.dma_semaphore, #tpu.memory_space<semaphore_mem>>) src(%arg11 : memref<125x128xf32, #tpu.memory_space<vmem>>) dst(%dma_wait3A_309 : memref<10240x128xf32, #tpu.memory_space<vmem_shared>>)
        tpu.yield
      }) : () -> ()
      %dma_start3A_229 = arith.constant 4 : i32
      %dma_start3A_230 = arith.constant 0 : i32
      %dma_start3A_231 = tpu.memref_slice %arg9[%dma_start3A_229, %dma_start3A_230] : memref<8x125xi32, #tpu.memory_space<vmem>> -> memref<1x125xi32, #tpu.memory_space<vmem>>
      %dma_start3A_232 = tpu.memref_squeeze %dma_start3A_231 : memref<1x125xi32, #tpu.memory_space<vmem>> -> memref<125xi32, #tpu.memory_space<vmem>>
      %dma_start3A_233 = arith.constant 0 : i32
      %dma_start3A_234 = arith.constant 0 : i32
      %dma_start3A_235 = tpu.memref_slice %arg2[%dma_start3A_233, %dma_start3A_234] : memref<10000x128xf32, #tpu.memory_space<hbm>> -> memref<10000x128xf32, #tpu.memory_space<hbm>>
      tpu.enqueue_indirect_dma source(%dma_start3A_235 : memref<10000x128xf32, #tpu.memory_space<hbm>>) target(%arg11 : memref<125x128xf32, #tpu.memory_space<vmem>>) offsets(%dma_start3A_232 : memref<125xi32, #tpu.memory_space<vmem>>) semaphore(%arg14 : memref<!tpu.dma_semaphore, #tpu.memory_space<semaphore_mem>>)
      %dma_wait3A_236 = arith.constant 0 : i32
      %dma_wait3A_237 = arith.constant 0 : i32
      %dma_wait3A_238 = tpu.memref_slice %arg9[%dma_wait3A_236, %dma_wait3A_237] : memref<8x125xi32, #tpu.memory_space<vmem>> -> memref<1x125xi32, #tpu.memory_space<vmem>>
      %dma_wait3A_239 = tpu.memref_squeeze %dma_wait3A_238 : memref<1x125xi32, #tpu.memory_space<vmem>> -> memref<125xi32, #tpu.memory_space<vmem>>
      %dma_wait3A_240 = arith.constant 0 : i32
      %dma_wait3A_241 = arith.constant 0 : i32
      %dma_wait3A_242 = tpu.memref_slice %arg2[%dma_wait3A_240, %dma_wait3A_241] : memref<10000x128xf32, #tpu.memory_space<hbm>> -> memref<10000x128xf32, #tpu.memory_space<hbm>>
      tpu.wait_indirect_dma semaphore(%arg15 : memref<!tpu.dma_semaphore, #tpu.memory_space<semaphore_mem>>) src(%dma_wait3A_242 : memref<10000x128xf32, #tpu.memory_space<hbm>>) dst(%arg12 : memref<125x128xf32, #tpu.memory_space<vmem>>)
      %run_scoped3A_243 = arith.constant 3 : i32
      "tpu.region"() ({
        %run_scoped3A_297 = tpu.sem_alloc : memref<!tpu.dma_semaphore, #tpu.memory_space<semaphore_mem>>
        %dma_start3A_298 = arith.constant 0 : i32
        %dma_start3A_299 = tpu.memref_slice %arg10[%run_scoped3A_243, %dma_start3A_298] : memref<8x125xi32, #tpu.memory_space<vmem>> -> memref<1x125xi32, #tpu.memory_space<vmem>>
        %dma_start3A_300 = tpu.memref_squeeze %dma_start3A_299 : memref<1x125xi32, #tpu.memory_space<vmem>> -> memref<125xi32, #tpu.memory_space<vmem>>
        %dma_start3A_301 = arith.constant 0 : i32
        %dma_start3A_302 = arith.constant 0 : i32
        %dma_start3A_303 = tpu.memref_slice %arg13[%dma_start3A_301, %dma_start3A_302] : memref<10240x128xf32, #tpu.memory_space<vmem_shared>> -> memref<10240x128xf32, #tpu.memory_space<vmem_shared>>
        tpu.enqueue_indirect_dma source(%arg12 : memref<125x128xf32, #tpu.memory_space<vmem>>) target(%dma_start3A_303 : memref<10240x128xf32, #tpu.memory_space<vmem_shared>>) offsets(%dma_start3A_300 : memref<125xi32, #tpu.memory_space<vmem>>) semaphore(%run_scoped3A_297 : memref<!tpu.dma_semaphore, #tpu.memory_space<semaphore_mem>>) {add = true}
        %dma_wait3A_304 = arith.constant 0 : i32
        %dma_wait3A_305 = tpu.memref_slice %arg10[%run_scoped3A_243, %dma_wait3A_304] : memref<8x125xi32, #tpu.memory_space<vmem>> -> memref<1x125xi32, #tpu.memory_space<vmem>>
        %dma_wait3A_306 = tpu.memref_squeeze %dma_wait3A_305 : memref<1x125xi32, #tpu.memory_space<vmem>> -> memref<125xi32, #tpu.memory_space<vmem>>
        %dma_wait3A_307 = arith.constant 0 : i32
        %dma_wait3A_308 = arith.constant 0 : i32
        %dma_wait3A_309 = tpu.memref_slice %arg13[%dma_wait3A_307, %dma_wait3A_308] : memref<10240x128xf32, #tpu.memory_space<vmem_shared>> -> memref<10240x128xf32, #tpu.memory_space<vmem_shared>>
        tpu.wait_indirect_dma semaphore(%run_scoped3A_297 : memref<!tpu.dma_semaphore, #tpu.memory_space<semaphore_mem>>) src(%arg12 : memref<125x128xf32, #tpu.memory_space<vmem>>) dst(%dma_wait3A_309 : memref<10240x128xf32, #tpu.memory_space<vmem_shared>>)
        tpu.yield
      }) : () -> ()
      %dma_start3A_244 = arith.constant 5 : i32
      %dma_start3A_245 = arith.constant 0 : i32
      %dma_start3A_246 = tpu.memref_slice %arg9[%dma_start3A_244, %dma_start3A_245] : memref<8x125xi32, #tpu.memory_space<vmem>> -> memref<1x125xi32, #tpu.memory_space<vmem>>
      %dma_start3A_247 = tpu.memref_squeeze %dma_start3A_246 : memref<1x125xi32, #tpu.memory_space<vmem>> -> memref<125xi32, #tpu.memory_space<vmem>>
      %dma_start3A_248 = arith.constant 0 : i32
      %dma_start3A_249 = arith.constant 0 : i32
      %dma_start3A_250 = tpu.memref_slice %arg2[%dma_start3A_248, %dma_start3A_249] : memref<10000x128xf32, #tpu.memory_space<hbm>> -> memref<10000x128xf32, #tpu.memory_space<hbm>>
      tpu.enqueue_indirect_dma source(%dma_start3A_250 : memref<10000x128xf32, #tpu.memory_space<hbm>>) target(%arg12 : memref<125x128xf32, #tpu.memory_space<vmem>>) offsets(%dma_start3A_247 : memref<125xi32, #tpu.memory_space<vmem>>) semaphore(%arg15 : memref<!tpu.dma_semaphore, #tpu.memory_space<semaphore_mem>>)
      %dma_wait3A_251 = arith.constant 0 : i32
      %dma_wait3A_252 = arith.constant 0 : i32
      %dma_wait3A_253 = tpu.memref_slice %arg9[%dma_wait3A_251, %dma_wait3A_252] : memref<8x125xi32, #tpu.memory_space<vmem>> -> memref<1x125xi32, #tpu.memory_space<vmem>>
      %dma_wait3A_254 = tpu.memref_squeeze %dma_wait3A_253 : memref<1x125xi32, #tpu.memory_space<vmem>> -> memref<125xi32, #tpu.memory_space<vmem>>
      %dma_wait3A_255 = arith.constant 0 : i32
      %dma_wait3A_256 = arith.constant 0 : i32
      %dma_wait3A_257 = tpu.memref_slice %arg2[%dma_wait3A_255, %dma_wait3A_256] : memref<10000x128xf32, #tpu.memory_space<hbm>> -> memref<10000x128xf32, #tpu.memory_space<hbm>>
      tpu.wait_indirect_dma semaphore(%arg14 : memref<!tpu.dma_semaphore, #tpu.memory_space<semaphore_mem>>) src(%dma_wait3A_257 : memref<10000x128xf32, #tpu.memory_space<hbm>>) dst(%arg11 : memref<125x128xf32, #tpu.memory_space<vmem>>)
      %run_scoped3A_258 = arith.constant 4 : i32
      "tpu.region"() ({
        %run_scoped3A_297 = tpu.sem_alloc : memref<!tpu.dma_semaphore, #tpu.memory_space<semaphore_mem>>
        %dma_start3A_298 = arith.constant 0 : i32
        %dma_start3A_299 = tpu.memref_slice %arg10[%run_scoped3A_258, %dma_start3A_298] : memref<8x125xi32, #tpu.memory_space<vmem>> -> memref<1x125xi32, #tpu.memory_space<vmem>>
        %dma_start3A_300 = tpu.memref_squeeze %dma_start3A_299 : memref<1x125xi32, #tpu.memory_space<vmem>> -> memref<125xi32, #tpu.memory_space<vmem>>
        %dma_start3A_301 = arith.constant 0 : i32
        %dma_start3A_302 = arith.constant 0 : i32
        %dma_start3A_303 = tpu.memref_slice %arg13[%dma_start3A_301, %dma_start3A_302] : memref<10240x128xf32, #tpu.memory_space<vmem_shared>> -> memref<10240x128xf32, #tpu.memory_space<vmem_shared>>
        tpu.enqueue_indirect_dma source(%arg11 : memref<125x128xf32, #tpu.memory_space<vmem>>) target(%dma_start3A_303 : memref<10240x128xf32, #tpu.memory_space<vmem_shared>>) offsets(%dma_start3A_300 : memref<125xi32, #tpu.memory_space<vmem>>) semaphore(%run_scoped3A_297 : memref<!tpu.dma_semaphore, #tpu.memory_space<semaphore_mem>>) {add = true}
        %dma_wait3A_304 = arith.constant 0 : i32
        %dma_wait3A_305 = tpu.memref_slice %arg10[%run_scoped3A_258, %dma_wait3A_304] : memref<8x125xi32, #tpu.memory_space<vmem>> -> memref<1x125xi32, #tpu.memory_space<vmem>>
        %dma_wait3A_306 = tpu.memref_squeeze %dma_wait3A_305 : memref<1x125xi32, #tpu.memory_space<vmem>> -> memref<125xi32, #tpu.memory_space<vmem>>
        %dma_wait3A_307 = arith.constant 0 : i32
        %dma_wait3A_308 = arith.constant 0 : i32
        %dma_wait3A_309 = tpu.memref_slice %arg13[%dma_wait3A_307, %dma_wait3A_308] : memref<10240x128xf32, #tpu.memory_space<vmem_shared>> -> memref<10240x128xf32, #tpu.memory_space<vmem_shared>>
        tpu.wait_indirect_dma semaphore(%run_scoped3A_297 : memref<!tpu.dma_semaphore, #tpu.memory_space<semaphore_mem>>) src(%arg11 : memref<125x128xf32, #tpu.memory_space<vmem>>) dst(%dma_wait3A_309 : memref<10240x128xf32, #tpu.memory_space<vmem_shared>>)
        tpu.yield
      }) : () -> ()
      %dma_start3A_259 = arith.constant 6 : i32
      %dma_start3A_260 = arith.constant 0 : i32
      %dma_start3A_261 = tpu.memref_slice %arg9[%dma_start3A_259, %dma_start3A_260] : memref<8x125xi32, #tpu.memory_space<vmem>> -> memref<1x125xi32, #tpu.memory_space<vmem>>
      %dma_start3A_262 = tpu.memref_squeeze %dma_start3A_261 : memref<1x125xi32, #tpu.memory_space<vmem>> -> memref<125xi32, #tpu.memory_space<vmem>>
      %dma_start3A_263 = arith.constant 0 : i32
      %dma_start3A_264 = arith.constant 0 : i32
      %dma_start3A_265 = tpu.memref_slice %arg2[%dma_start3A_263, %dma_start3A_264] : memref<10000x128xf32, #tpu.memory_space<hbm>> -> memref<10000x128xf32, #tpu.memory_space<hbm>>
      tpu.enqueue_indirect_dma source(%dma_start3A_265 : memref<10000x128xf32, #tpu.memory_space<hbm>>) target(%arg11 : memref<125x128xf32, #tpu.memory_space<vmem>>) offsets(%dma_start3A_262 : memref<125xi32, #tpu.memory_space<vmem>>) semaphore(%arg14 : memref<!tpu.dma_semaphore, #tpu.memory_space<semaphore_mem>>)
      %dma_wait3A_266 = arith.constant 0 : i32
      %dma_wait3A_267 = arith.constant 0 : i32
      %dma_wait3A_268 = tpu.memref_slice %arg9[%dma_wait3A_266, %dma_wait3A_267] : memref<8x125xi32, #tpu.memory_space<vmem>> -> memref<1x125xi32, #tpu.memory_space<vmem>>
      %dma_wait3A_269 = tpu.memref_squeeze %dma_wait3A_268 : memref<1x125xi32, #tpu.memory_space<vmem>> -> memref<125xi32, #tpu.memory_space<vmem>>
      %dma_wait3A_270 = arith.constant 0 : i32
      %dma_wait3A_271 = arith.constant 0 : i32
      %dma_wait3A_272 = tpu.memref_slice %arg2[%dma_wait3A_270, %dma_wait3A_271] : memref<10000x128xf32, #tpu.memory_space<hbm>> -> memref<10000x128xf32, #tpu.memory_space<hbm>>
      tpu.wait_indirect_dma semaphore(%arg15 : memref<!tpu.dma_semaphore, #tpu.memory_space<semaphore_mem>>) src(%dma_wait3A_272 : memref<10000x128xf32, #tpu.memory_space<hbm>>) dst(%arg12 : memref<125x128xf32, #tpu.memory_space<vmem>>)
      %run_scoped3A_273 = arith.constant 5 : i32
      "tpu.region"() ({
        %run_scoped3A_297 = tpu.sem_alloc : memref<!tpu.dma_semaphore, #tpu.memory_space<semaphore_mem>>
        %dma_start3A_298 = arith.constant 0 : i32
        %dma_start3A_299 = tpu.memref_slice %arg10[%run_scoped3A_273, %dma_start3A_298] : memref<8x125xi32, #tpu.memory_space<vmem>> -> memref<1x125xi32, #tpu.memory_space<vmem>>
        %dma_start3A_300 = tpu.memref_squeeze %dma_start3A_299 : memref<1x125xi32, #tpu.memory_space<vmem>> -> memref<125xi32, #tpu.memory_space<vmem>>
        %dma_start3A_301 = arith.constant 0 : i32
        %dma_start3A_302 = arith.constant 0 : i32
        %dma_start3A_303 = tpu.memref_slice %arg13[%dma_start3A_301, %dma_start3A_302] : memref<10240x128xf32, #tpu.memory_space<vmem_shared>> -> memref<10240x128xf32, #tpu.memory_space<vmem_shared>>
        tpu.enqueue_indirect_dma source(%arg12 : memref<125x128xf32, #tpu.memory_space<vmem>>) target(%dma_start3A_303 : memref<10240x128xf32, #tpu.memory_space<vmem_shared>>) offsets(%dma_start3A_300 : memref<125xi32, #tpu.memory_space<vmem>>) semaphore(%run_scoped3A_297 : memref<!tpu.dma_semaphore, #tpu.memory_space<semaphore_mem>>) {add = true}
        %dma_wait3A_304 = arith.constant 0 : i32
        %dma_wait3A_305 = tpu.memref_slice %arg10[%run_scoped3A_273, %dma_wait3A_304] : memref<8x125xi32, #tpu.memory_space<vmem>> -> memref<1x125xi32, #tpu.memory_space<vmem>>
        %dma_wait3A_306 = tpu.memref_squeeze %dma_wait3A_305 : memref<1x125xi32, #tpu.memory_space<vmem>> -> memref<125xi32, #tpu.memory_space<vmem>>
        %dma_wait3A_307 = arith.constant 0 : i32
        %dma_wait3A_308 = arith.constant 0 : i32
        %dma_wait3A_309 = tpu.memref_slice %arg13[%dma_wait3A_307, %dma_wait3A_308] : memref<10240x128xf32, #tpu.memory_space<vmem_shared>> -> memref<10240x128xf32, #tpu.memory_space<vmem_shared>>
        tpu.wait_indirect_dma semaphore(%run_scoped3A_297 : memref<!tpu.dma_semaphore, #tpu.memory_space<semaphore_mem>>) src(%arg12 : memref<125x128xf32, #tpu.memory_space<vmem>>) dst(%dma_wait3A_309 : memref<10240x128xf32, #tpu.memory_space<vmem_shared>>)
        tpu.yield
      }) : () -> ()
      %dma_start3A_274 = arith.constant 7 : i32
      %dma_start3A_275 = arith.constant 0 : i32
      %dma_start3A_276 = tpu.memref_slice %arg9[%dma_start3A_274, %dma_start3A_275] : memref<8x125xi32, #tpu.memory_space<vmem>> -> memref<1x125xi32, #tpu.memory_space<vmem>>
      %dma_start3A_277 = tpu.memref_squeeze %dma_start3A_276 : memref<1x125xi32, #tpu.memory_space<vmem>> -> memref<125xi32, #tpu.memory_space<vmem>>
      %dma_start3A_278 = arith.constant 0 : i32
      %dma_start3A_279 = arith.constant 0 : i32
      %dma_start3A_280 = tpu.memref_slice %arg2[%dma_start3A_278, %dma_start3A_279] : memref<10000x128xf32, #tpu.memory_space<hbm>> -> memref<10000x128xf32, #tpu.memory_space<hbm>>
      tpu.enqueue_indirect_dma source(%dma_start3A_280 : memref<10000x128xf32, #tpu.memory_space<hbm>>) target(%arg12 : memref<125x128xf32, #tpu.memory_space<vmem>>) offsets(%dma_start3A_277 : memref<125xi32, #tpu.memory_space<vmem>>) semaphore(%arg15 : memref<!tpu.dma_semaphore, #tpu.memory_space<semaphore_mem>>)
      %dma_wait3A_281 = arith.constant 0 : i32
      %dma_wait3A_282 = arith.constant 0 : i32
      %dma_wait3A_283 = tpu.memref_slice %arg9[%dma_wait3A_281, %dma_wait3A_282] : memref<8x125xi32, #tpu.memory_space<vmem>> -> memref<1x125xi32, #tpu.memory_space<vmem>>
      %dma_wait3A_284 = tpu.memref_squeeze %dma_wait3A_283 : memref<1x125xi32, #tpu.memory_space<vmem>> -> memref<125xi32, #tpu.memory_space<vmem>>
      %dma_wait3A_285 = arith.constant 0 : i32
      %dma_wait3A_286 = arith.constant 0 : i32
      %dma_wait3A_287 = tpu.memref_slice %arg2[%dma_wait3A_285, %dma_wait3A_286] : memref<10000x128xf32, #tpu.memory_space<hbm>> -> memref<10000x128xf32, #tpu.memory_space<hbm>>
      tpu.wait_indirect_dma semaphore(%arg14 : memref<!tpu.dma_semaphore, #tpu.memory_space<semaphore_mem>>) src(%dma_wait3A_287 : memref<10000x128xf32, #tpu.memory_space<hbm>>) dst(%arg11 : memref<125x128xf32, #tpu.memory_space<vmem>>)
      %run_scoped3A_288 = arith.constant 6 : i32
      "tpu.region"() ({
        %run_scoped3A_297 = tpu.sem_alloc : memref<!tpu.dma_semaphore, #tpu.memory_space<semaphore_mem>>
        %dma_start3A_298 = arith.constant 0 : i32
        %dma_start3A_299 = tpu.memref_slice %arg10[%run_scoped3A_288, %dma_start3A_298] : memref<8x125xi32, #tpu.memory_space<vmem>> -> memref<1x125xi32, #tpu.memory_space<vmem>>
        %dma_start3A_300 = tpu.memref_squeeze %dma_start3A_299 : memref<1x125xi32, #tpu.memory_space<vmem>> -> memref<125xi32, #tpu.memory_space<vmem>>
        %dma_start3A_301 = arith.constant 0 : i32
        %dma_start3A_302 = arith.constant 0 : i32
        %dma_start3A_303 = tpu.memref_slice %arg13[%dma_start3A_301, %dma_start3A_302] : memref<10240x128xf32, #tpu.memory_space<vmem_shared>> -> memref<10240x128xf32, #tpu.memory_space<vmem_shared>>
        tpu.enqueue_indirect_dma source(%arg11 : memref<125x128xf32, #tpu.memory_space<vmem>>) target(%dma_start3A_303 : memref<10240x128xf32, #tpu.memory_space<vmem_shared>>) offsets(%dma_start3A_300 : memref<125xi32, #tpu.memory_space<vmem>>) semaphore(%run_scoped3A_297 : memref<!tpu.dma_semaphore, #tpu.memory_space<semaphore_mem>>) {add = true}
        %dma_wait3A_304 = arith.constant 0 : i32
        %dma_wait3A_305 = tpu.memref_slice %arg10[%run_scoped3A_288, %dma_wait3A_304] : memref<8x125xi32, #tpu.memory_space<vmem>> -> memref<1x125xi32, #tpu.memory_space<vmem>>
        %dma_wait3A_306 = tpu.memref_squeeze %dma_wait3A_305 : memref<1x125xi32, #tpu.memory_space<vmem>> -> memref<125xi32, #tpu.memory_space<vmem>>
        %dma_wait3A_307 = arith.constant 0 : i32
        %dma_wait3A_308 = arith.constant 0 : i32
        %dma_wait3A_309 = tpu.memref_slice %arg13[%dma_wait3A_307, %dma_wait3A_308] : memref<10240x128xf32, #tpu.memory_space<vmem_shared>> -> memref<10240x128xf32, #tpu.memory_space<vmem_shared>>
        tpu.wait_indirect_dma semaphore(%run_scoped3A_297 : memref<!tpu.dma_semaphore, #tpu.memory_space<semaphore_mem>>) src(%arg11 : memref<125x128xf32, #tpu.memory_space<vmem>>) dst(%dma_wait3A_309 : memref<10240x128xf32, #tpu.memory_space<vmem_shared>>)
        tpu.yield
      }) : () -> ()
      %dma_wait3A_289 = arith.constant 0 : i32
      %dma_wait3A_290 = arith.constant 0 : i32
      %dma_wait3A_291 = tpu.memref_slice %arg9[%dma_wait3A_289, %dma_wait3A_290] : memref<8x125xi32, #tpu.memory_space<vmem>> -> memref<1x125xi32, #tpu.memory_space<vmem>>
      %dma_wait3A_292 = tpu.memref_squeeze %dma_wait3A_291 : memref<1x125xi32, #tpu.memory_space<vmem>> -> memref<125xi32, #tpu.memory_space<vmem>>
      %dma_wait3A_293 = arith.constant 0 : i32
      %dma_wait3A_294 = arith.constant 0 : i32
      %dma_wait3A_295 = tpu.memref_slice %arg2[%dma_wait3A_293, %dma_wait3A_294] : memref<10000x128xf32, #tpu.memory_space<hbm>> -> memref<10000x128xf32, #tpu.memory_space<hbm>>
      tpu.wait_indirect_dma semaphore(%arg15 : memref<!tpu.dma_semaphore, #tpu.memory_space<semaphore_mem>>) src(%dma_wait3A_295 : memref<10000x128xf32, #tpu.memory_space<hbm>>) dst(%arg12 : memref<125x128xf32, #tpu.memory_space<vmem>>)
      %run_scoped3A_296 = arith.constant 7 : i32
      "tpu.region"() ({
        %run_scoped3A_297 = tpu.sem_alloc : memref<!tpu.dma_semaphore, #tpu.memory_space<semaphore_mem>>
        %dma_start3A_298 = arith.constant 0 : i32
        %dma_start3A_299 = tpu.memref_slice %arg10[%run_scoped3A_296, %dma_start3A_298] : memref<8x125xi32, #tpu.memory_space<vmem>> -> memref<1x125xi32, #tpu.memory_space<vmem>>
        %dma_start3A_300 = tpu.memref_squeeze %dma_start3A_299 : memref<1x125xi32, #tpu.memory_space<vmem>> -> memref<125xi32, #tpu.memory_space<vmem>>
        %dma_start3A_301 = arith.constant 0 : i32
        %dma_start3A_302 = arith.constant 0 : i32
        %dma_start3A_303 = tpu.memref_slice %arg13[%dma_start3A_301, %dma_start3A_302] : memref<10240x128xf32, #tpu.memory_space<vmem_shared>> -> memref<10240x128xf32, #tpu.memory_space<vmem_shared>>
        tpu.enqueue_indirect_dma source(%arg12 : memref<125x128xf32, #tpu.memory_space<vmem>>) target(%dma_start3A_303 : memref<10240x128xf32, #tpu.memory_space<vmem_shared>>) offsets(%dma_start3A_300 : memref<125xi32, #tpu.memory_space<vmem>>) semaphore(%run_scoped3A_297 : memref<!tpu.dma_semaphore, #tpu.memory_space<semaphore_mem>>) {add = true}
        %dma_wait3A_304 = arith.constant 0 : i32
        %dma_wait3A_305 = tpu.memref_slice %arg10[%run_scoped3A_296, %dma_wait3A_304] : memref<8x125xi32, #tpu.memory_space<vmem>> -> memref<1x125xi32, #tpu.memory_space<vmem>>
        %dma_wait3A_306 = tpu.memref_squeeze %dma_wait3A_305 : memref<1x125xi32, #tpu.memory_space<vmem>> -> memref<125xi32, #tpu.memory_space<vmem>>
        %dma_wait3A_307 = arith.constant 0 : i32
        %dma_wait3A_308 = arith.constant 0 : i32
        %dma_wait3A_309 = tpu.memref_slice %arg13[%dma_wait3A_307, %dma_wait3A_308] : memref<10240x128xf32, #tpu.memory_space<vmem_shared>> -> memref<10240x128xf32, #tpu.memory_space<vmem_shared>>
        tpu.wait_indirect_dma semaphore(%run_scoped3A_297 : memref<!tpu.dma_semaphore, #tpu.memory_space<semaphore_mem>>) src(%arg12 : memref<125x128xf32, #tpu.memory_space<vmem>>) dst(%dma_wait3A_309 : memref<10240x128xf32, #tpu.memory_space<vmem_shared>>)
        tpu.yield
      }) : () -> ()
    }
    %scan3A_16 = arith.constant 5 : i32
    %barrier3A_17 = arith.constant 0 : index
    tpu.barrier barrier_id(%barrier3A_17)
    %mul3A_18 = arith.constant 640 : i32
    %mul3A_19 = arith.muli %arg1, %mul3A_18 : i32
    %mul3A_20 = arith.constant 10240 : i32
    %mul3A_21 = arith.muli %arg0, %mul3A_20 : i32
    %mul3A_22 = arith.constant 640 : i32
    %mul3A_23 = arith.muli %arg1, %mul3A_22 : i32
    %add3A_24 = arith.addi %mul3A_21, %mul3A_23 : i32
    "tpu.region"() ({
      %run_scoped3A = tpu.sem_alloc : memref<!tpu.dma_semaphore, #tpu.memory_space<semaphore_mem>>
      %dma_start3A_25 = arith.constant 0 : i32
      %dma_start3A_26 = tpu.memref_slice %arg6[%add3A_24, %dma_start3A_25] : memref<20480x128xf32, #tpu.memory_space<hbm>> -> memref<640x128xf32, #tpu.memory_space<hbm>>
      %dma_start3A_27 = arith.constant 0 : i32
      %dma_start3A_28 = tpu.memref_slice %arg13[%mul3A_19, %dma_start3A_27] : memref<10240x128xf32, #tpu.memory_space<vmem_shared>> -> memref<640x128xf32, #tpu.memory_space<vmem_shared>>
      tpu.enqueue_dma source(%dma_start3A_28 : memref<640x128xf32, #tpu.memory_space<vmem_shared>>) target(%dma_start3A_26 : memref<640x128xf32, #tpu.memory_space<hbm>>) target_semaphore(%run_scoped3A : memref<!tpu.dma_semaphore, #tpu.memory_space<semaphore_mem>>)
      %dma_wait3A = arith.constant 0 : i32
      %dma_wait3A_29 = tpu.memref_slice %arg6[%add3A_24, %dma_wait3A] : memref<20480x128xf32, #tpu.memory_space<hbm>> -> memref<640x128xf32, #tpu.memory_space<hbm>>
      %dma_wait3A_30 = arith.constant 0 : i32
      %dma_wait3A_31 = tpu.memref_slice %arg13[%mul3A_19, %dma_wait3A_30] : memref<10240x128xf32, #tpu.memory_space<vmem_shared>> -> memref<640x128xf32, #tpu.memory_space<vmem_shared>>
      tpu.wait_dma2 semaphore(%run_scoped3A : memref<!tpu.dma_semaphore, #tpu.memory_space<semaphore_mem>>) src(%dma_wait3A_31 : memref<640x128xf32, #tpu.memory_space<vmem_shared>>) dst(%dma_wait3A_29 : memref<640x128xf32, #tpu.memory_space<hbm>>)
      tpu.yield
    }) : () -> ()
    return
  }
}

#map = affine_map<(d0, d1) -> (0, 0)>
module attributes {stable_mosaic.version = 14 : i64} {
  func.func @_aggr_body(%arg0: i32, %arg1: i32, %arg2: memref<10000x128xf32, #tpu.memory_space<hbm>>, %arg3: memref<2560x125xi32, #tpu.memory_space<hbm>>, %arg4: memref<2560x125xi32, #tpu.memory_space<hbm>>, %arg5: memref<640x128xf32, #tpu.memory_space<hbm>>, %arg6: memref<20480x128xf32, #tpu.memory_space<hbm>>, %arg7: memref<8x125xi32, #tpu.memory_space<vmem>>, %arg8: memref<8x125xi32, #tpu.memory_space<vmem>>, %arg9: memref<8x125xi32, #tpu.memory_space<vmem>>, %arg10: memref<8x125xi32, #tpu.memory_space<vmem>>, %arg11: memref<125x128xf32, #tpu.memory_space<vmem>>, %arg12: memref<125x128xf32, #tpu.memory_space<vmem>>, %arg13: memref<10240x128xf32, #tpu.memory_space<vmem_shared>>, %arg14: memref<!tpu.dma_semaphore, #tpu.memory_space<semaphore_mem>>, %arg15: memref<!tpu.dma_semaphore, #tpu.memory_space<semaphore_mem>>, %arg16: memref<!tpu.dma_semaphore, #tpu.memory_space<semaphore_mem>>, %arg17: memref<!tpu.dma_semaphore, #tpu.memory_space<semaphore_mem>>) attributes {dimension_semantics = [#tpu.dimension_semantics<core_parallel>, #tpu.dimension_semantics<subcore_parallel>], iteration_bounds = array<i64: 2, 16>, scalar_prefetch = 0 : i64, scratch_operands = 11 : i64, tpu.core_type = #tpu.core_type<sc_vector_subcore>, window_params = [{transform_indices = #map}, {transform_indices = #map}, {transform_indices = #map}, {transform_indices = #map}, {transform_indices = #map}]} {
    %mul3A = arith.constant 2 : i32
    %mul3A_0 = arith.muli %arg1, %mul3A : i32
    %add3A = arith.addi %mul3A_0, %arg0 : i32
    %mul3A_1 = arith.constant 640 : i32
    %mul3A_2 = arith.muli %arg1, %mul3A_1 : i32
    "tpu.region"() ({
      %run_scoped3A = tpu.sem_alloc : memref<!tpu.dma_semaphore, #tpu.memory_space<semaphore_mem>>
      %dma_start3A_25 = arith.constant 0 : i32
      %dma_start3A_26 = tpu.memref_slice %arg13[%mul3A_2, %dma_start3A_25] : memref<10240x128xf32, #tpu.memory_space<vmem_shared>> -> memref<640x128xf32, #tpu.memory_space<vmem_shared>>
      tpu.enqueue_dma source(%arg5 : memref<640x128xf32, #tpu.memory_space<hbm>>) target(%dma_start3A_26 : memref<640x128xf32, #tpu.memory_space<vmem_shared>>) target_semaphore(%run_scoped3A : memref<!tpu.dma_semaphore, #tpu.memory_space<semaphore_mem>>)
      %dma_wait3A = arith.constant 0 : i32
      %dma_wait3A_27 = tpu.memref_slice %arg13[%mul3A_2, %dma_wait3A] : memref<10240x128xf32, #tpu.memory_space<vmem_shared>> -> memref<640x128xf32, #tpu.memory_space<vmem_shared>>
      tpu.wait_dma2 semaphore(%run_scoped3A : memref<!tpu.dma_semaphore, #tpu.memory_space<semaphore_mem>>) src(%arg5 : memref<640x128xf32, #tpu.memory_space<hbm>>) dst(%dma_wait3A_27 : memref<640x128xf32, #tpu.memory_space<vmem_shared>>)
      tpu.yield
    }) : () -> ()
    %barrier3A = arith.constant 0 : index
    tpu.barrier barrier_id(%barrier3A)
    %mul3A_3 = arith.constant 80 : i32
    %mul3A_4 = arith.muli %add3A, %mul3A_3 : i32
    %dma_start3A = arith.constant 0 : i32
    %dma_start3A_5 = tpu.memref_slice %arg3[%mul3A_4, %dma_start3A] : memref<2560x125xi32, #tpu.memory_space<hbm>> -> memref<8x125xi32, #tpu.memory_space<hbm>>
    %dma_start3A_6 = arith.constant 0 : i32
    %dma_start3A_7 = tpu.memref_slice %arg3[%mul3A_4, %dma_start3A_6] : memref<2560x125xi32, #tpu.memory_space<hbm>> -> memref<8x125xi32, #tpu.memory_space<hbm>>
    tpu.enqueue_dma source(%dma_start3A_7 : memref<8x125xi32, #tpu.memory_space<hbm>>) target(%arg7 : memref<8x125xi32, #tpu.memory_space<vmem>>) target_semaphore(%arg16 : memref<!tpu.dma_semaphore, #tpu.memory_space<semaphore_mem>>)
    %dma_start3A_8 = arith.constant 0 : i32
    %dma_start3A_9 = tpu.memref_slice %arg4[%mul3A_4, %dma_start3A_8] : memref<2560x125xi32, #tpu.memory_space<hbm>> -> memref<8x125xi32, #tpu.memory_space<hbm>>
    %dma_start3A_10 = arith.constant 0 : i32
    %dma_start3A_11 = tpu.memref_slice %arg4[%mul3A_4, %dma_start3A_10] : memref<2560x125xi32, #tpu.memory_space<hbm>> -> memref<8x125xi32, #tpu.memory_space<hbm>>
    tpu.enqueue_dma source(%dma_start3A_11 : memref<8x125xi32, #tpu.memory_space<hbm>>) target(%arg8 : memref<8x125xi32, #tpu.memory_space<vmem>>) target_semaphore(%arg16 : memref<!tpu.dma_semaphore, #tpu.memory_space<semaphore_mem>>)
    %scan3A = arith.constant 0 : i32
    %scan3A_12 = arith.constant 0 : i32
    %scan3A_13 = arith.constant 5 : i32
    %scan3A_14 = arith.addi %scan3A_12, %scan3A_13 : i32
    %scan3A_15 = arith.constant 1 : i32
    scf.for %scan3A_25 = %scan3A_12 to %scan3A_14 step %scan3A_15  : i32 {
      %mul3A_26 = arith.constant 2 : i32
      %mul3A_27 = arith.muli %mul3A_26, %scan3A_25 : i32
      %dma_wait3A = arith.constant 0 : i32
      %dma_wait3A_28 = tpu.memref_slice %arg3[%mul3A_4, %dma_wait3A] : memref<2560x125xi32, #tpu.memory_space<hbm>> -> memref<8x125xi32, #tpu.memory_space<hbm>>
      %dma_wait3A_29 = arith.constant 0 : i32
      %dma_wait3A_30 = tpu.memref_slice %arg3[%mul3A_4, %dma_wait3A_29] : memref<2560x125xi32, #tpu.memory_space<hbm>> -> memref<8x125xi32, #tpu.memory_space<hbm>>
      tpu.wait_dma2 semaphore(%arg16 : memref<!tpu.dma_semaphore, #tpu.memory_space<semaphore_mem>>) src(%dma_wait3A_30 : memref<8x125xi32, #tpu.memory_space<hbm>>) dst(%arg7 : memref<8x125xi32, #tpu.memory_space<vmem>>)
      %dma_wait3A_31 = arith.constant 0 : i32
      %dma_wait3A_32 = tpu.memref_slice %arg4[%mul3A_4, %dma_wait3A_31] : memref<2560x125xi32, #tpu.memory_space<hbm>> -> memref<8x125xi32, #tpu.memory_space<hbm>>
      %dma_wait3A_33 = arith.constant 0 : i32
      %dma_wait3A_34 = tpu.memref_slice %arg4[%mul3A_4, %dma_wait3A_33] : memref<2560x125xi32, #tpu.memory_space<hbm>> -> memref<8x125xi32, #tpu.memory_space<hbm>>
      tpu.wait_dma2 semaphore(%arg16 : memref<!tpu.dma_semaphore, #tpu.memory_space<semaphore_mem>>) src(%dma_wait3A_34 : memref<8x125xi32, #tpu.memory_space<hbm>>) dst(%arg8 : memref<8x125xi32, #tpu.memory_space<vmem>>)
      %dma_start3A_35 = arith.constant 0 : i32
      %dma_start3A_36 = arith.constant 0 : i32
      %dma_start3A_37 = tpu.memref_slice %arg7[%dma_start3A_35, %dma_start3A_36] : memref<8x125xi32, #tpu.memory_space<vmem>> -> memref<1x125xi32, #tpu.memory_space<vmem>>
      %dma_start3A_38 = tpu.memref_squeeze %dma_start3A_37 : memref<1x125xi32, #tpu.memory_space<vmem>> -> memref<125xi32, #tpu.memory_space<vmem>>
      %dma_start3A_39 = arith.constant 0 : i32
      %dma_start3A_40 = arith.constant 0 : i32
      %dma_start3A_41 = tpu.memref_slice %arg2[%dma_start3A_39, %dma_start3A_40] : memref<10000x128xf32, #tpu.memory_space<hbm>> -> memref<10000x128xf32, #tpu.memory_space<hbm>>
      tpu.enqueue_indirect_dma source(%dma_start3A_41 : memref<10000x128xf32, #tpu.memory_space<hbm>>) target(%arg11 : memref<125x128xf32, #tpu.memory_space<vmem>>) offsets(%dma_start3A_38 : memref<125xi32, #tpu.memory_space<vmem>>) semaphore(%arg14 : memref<!tpu.dma_semaphore, #tpu.memory_space<semaphore_mem>>)
      %dma_start3A_42 = arith.constant 1 : i32
      %dma_start3A_43 = arith.constant 0 : i32
      %dma_start3A_44 = tpu.memref_slice %arg7[%dma_start3A_42, %dma_start3A_43] : memref<8x125xi32, #tpu.memory_space<vmem>> -> memref<1x125xi32, #tpu.memory_space<vmem>>
      %dma_start3A_45 = tpu.memref_squeeze %dma_start3A_44 : memref<1x125xi32, #tpu.memory_space<vmem>> -> memref<125xi32, #tpu.memory_space<vmem>>
      %dma_start3A_46 = arith.constant 0 : i32
      %dma_start3A_47 = arith.constant 0 : i32
      %dma_start3A_48 = tpu.memref_slice %arg2[%dma_start3A_46, %dma_start3A_47] : memref<10000x128xf32, #tpu.memory_space<hbm>> -> memref<10000x128xf32, #tpu.memory_space<hbm>>
      tpu.enqueue_indirect_dma source(%dma_start3A_48 : memref<10000x128xf32, #tpu.memory_space<hbm>>) target(%arg12 : memref<125x128xf32, #tpu.memory_space<vmem>>) offsets(%dma_start3A_45 : memref<125xi32, #tpu.memory_space<vmem>>) semaphore(%arg15 : memref<!tpu.dma_semaphore, #tpu.memory_space<semaphore_mem>>)
      %add3A_49 = arith.constant 1 : i32
      %add3A_50 = arith.addi %mul3A_27, %add3A_49 : i32
      %lt3A = arith.constant 10 : i32
      %lt3A_51 = arith.cmpi slt, %add3A_50, %lt3A : i32
      %convert_element_type3A = arith.extui %lt3A_51 : i1 to i32
      %cond3A = arith.constant 0 : i32
      %cond3A_52 = arith.cmpi ne, %convert_element_type3A, %cond3A : i32
      scf.if %cond3A_52 {
        %add3A_297 = arith.constant 1 : i32
        %add3A_298 = arith.addi %mul3A_27, %add3A_297 : i32
        %mul3A_299 = arith.constant 8 : i32
        %mul3A_300 = arith.muli %add3A_298, %mul3A_299 : i32
        %add3A_301 = arith.addi %mul3A_4, %mul3A_300 : i32
        %dma_start3A_302 = arith.constant 0 : i32
        %dma_start3A_303 = tpu.memref_slice %arg3[%add3A_301, %dma_start3A_302] : memref<2560x125xi32, #tpu.memory_space<hbm>> -> memref<8x125xi32, #tpu.memory_space<hbm>>
        %dma_start3A_304 = arith.constant 0 : i32
        %dma_start3A_305 = tpu.memref_slice %arg3[%add3A_301, %dma_start3A_304] : memref<2560x125xi32, #tpu.memory_space<hbm>> -> memref<8x125xi32, #tpu.memory_space<hbm>>
        tpu.enqueue_dma source(%dma_start3A_305 : memref<8x125xi32, #tpu.memory_space<hbm>>) target(%arg9 : memref<8x125xi32, #tpu.memory_space<vmem>>) target_semaphore(%arg17 : memref<!tpu.dma_semaphore, #tpu.memory_space<semaphore_mem>>)
        %dma_start3A_306 = arith.constant 0 : i32
        %dma_start3A_307 = tpu.memref_slice %arg4[%add3A_301, %dma_start3A_306] : memref<2560x125xi32, #tpu.memory_space<hbm>> -> memref<8x125xi32, #tpu.memory_space<hbm>>
        %dma_start3A_308 = arith.constant 0 : i32
        %dma_start3A_309 = tpu.memref_slice %arg4[%add3A_301, %dma_start3A_308] : memref<2560x125xi32, #tpu.memory_space<hbm>> -> memref<8x125xi32, #tpu.memory_space<hbm>>
        tpu.enqueue_dma source(%dma_start3A_309 : memref<8x125xi32, #tpu.memory_space<hbm>>) target(%arg10 : memref<8x125xi32, #tpu.memory_space<vmem>>) target_semaphore(%arg17 : memref<!tpu.dma_semaphore, #tpu.memory_space<semaphore_mem>>)
      } else {
      }
      %dma_wait3A_53 = arith.constant 0 : i32
      %dma_wait3A_54 = arith.constant 0 : i32
      %dma_wait3A_55 = tpu.memref_slice %arg7[%dma_wait3A_53, %dma_wait3A_54] : memref<8x125xi32, #tpu.memory_space<vmem>> -> memref<1x125xi32, #tpu.memory_space<vmem>>
      %dma_wait3A_56 = tpu.memref_squeeze %dma_wait3A_55 : memref<1x125xi32, #tpu.memory_space<vmem>> -> memref<125xi32, #tpu.memory_space<vmem>>
      %dma_wait3A_57 = arith.constant 0 : i32
      %dma_wait3A_58 = arith.constant 0 : i32
      %dma_wait3A_59 = tpu.memref_slice %arg2[%dma_wait3A_57, %dma_wait3A_58] : memref<10000x128xf32, #tpu.memory_space<hbm>> -> memref<10000x128xf32, #tpu.memory_space<hbm>>
      tpu.wait_indirect_dma semaphore(%arg14 : memref<!tpu.dma_semaphore, #tpu.memory_space<semaphore_mem>>) src(%dma_wait3A_59 : memref<10000x128xf32, #tpu.memory_space<hbm>>) dst(%arg11 : memref<125x128xf32, #tpu.memory_space<vmem>>)
      %run_scoped3A = arith.constant 0 : i32
      "tpu.region"() ({
        %run_scoped3A_297 = tpu.sem_alloc : memref<!tpu.dma_semaphore, #tpu.memory_space<semaphore_mem>>
        %dma_start3A_298 = arith.constant 0 : i32
        %dma_start3A_299 = tpu.memref_slice %arg8[%run_scoped3A, %dma_start3A_298] : memref<8x125xi32, #tpu.memory_space<vmem>> -> memref<1x125xi32, #tpu.memory_space<vmem>>
        %dma_start3A_300 = tpu.memref_squeeze %dma_start3A_299 : memref<1x125xi32, #tpu.memory_space<vmem>> -> memref<125xi32, #tpu.memory_space<vmem>>
        %dma_start3A_301 = arith.constant 0 : i32
        %dma_start3A_302 = arith.constant 0 : i32
        %dma_start3A_303 = tpu.memref_slice %arg13[%dma_start3A_301, %dma_start3A_302] : memref<10240x128xf32, #tpu.memory_space<vmem_shared>> -> memref<10240x128xf32, #tpu.memory_space<vmem_shared>>
        tpu.enqueue_indirect_dma source(%arg11 : memref<125x128xf32, #tpu.memory_space<vmem>>) target(%dma_start3A_303 : memref<10240x128xf32, #tpu.memory_space<vmem_shared>>) offsets(%dma_start3A_300 : memref<125xi32, #tpu.memory_space<vmem>>) semaphore(%run_scoped3A_297 : memref<!tpu.dma_semaphore, #tpu.memory_space<semaphore_mem>>) {add = true}
        %dma_wait3A_304 = arith.constant 0 : i32
        %dma_wait3A_305 = tpu.memref_slice %arg8[%run_scoped3A, %dma_wait3A_304] : memref<8x125xi32, #tpu.memory_space<vmem>> -> memref<1x125xi32, #tpu.memory_space<vmem>>
        %dma_wait3A_306 = tpu.memref_squeeze %dma_wait3A_305 : memref<1x125xi32, #tpu.memory_space<vmem>> -> memref<125xi32, #tpu.memory_space<vmem>>
        %dma_wait3A_307 = arith.constant 0 : i32
        %dma_wait3A_308 = arith.constant 0 : i32
        %dma_wait3A_309 = tpu.memref_slice %arg13[%dma_wait3A_307, %dma_wait3A_308] : memref<10240x128xf32, #tpu.memory_space<vmem_shared>> -> memref<10240x128xf32, #tpu.memory_space<vmem_shared>>
        tpu.wait_indirect_dma semaphore(%run_scoped3A_297 : memref<!tpu.dma_semaphore, #tpu.memory_space<semaphore_mem>>) src(%arg11 : memref<125x128xf32, #tpu.memory_space<vmem>>) dst(%dma_wait3A_309 : memref<10240x128xf32, #tpu.memory_space<vmem_shared>>)
        tpu.yield
      }) : () -> ()
      %dma_start3A_60 = arith.constant 2 : i32
      %dma_start3A_61 = arith.constant 0 : i32
      %dma_start3A_62 = tpu.memref_slice %arg7[%dma_start3A_60, %dma_start3A_61] : memref<8x125xi32, #tpu.memory_space<vmem>> -> memref<1x125xi32, #tpu.memory_space<vmem>>
      %dma_start3A_63 = tpu.memref_squeeze %dma_start3A_62 : memref<1x125xi32, #tpu.memory_space<vmem>> -> memref<125xi32, #tpu.memory_space<vmem>>
      %dma_start3A_64 = arith.constant 0 : i32
      %dma_start3A_65 = arith.constant 0 : i32
      %dma_start3A_66 = tpu.memref_slice %arg2[%dma_start3A_64, %dma_start3A_65] : memref<10000x128xf32, #tpu.memory_space<hbm>> -> memref<10000x128xf32, #tpu.memory_space<hbm>>
      tpu.enqueue_indirect_dma source(%dma_start3A_66 : memref<10000x128xf32, #tpu.memory_space<hbm>>) target(%arg11 : memref<125x128xf32, #tpu.memory_space<vmem>>) offsets(%dma_start3A_63 : memref<125xi32, #tpu.memory_space<vmem>>) semaphore(%arg14 : memref<!tpu.dma_semaphore, #tpu.memory_space<semaphore_mem>>)
      %dma_wait3A_67 = arith.constant 0 : i32
      %dma_wait3A_68 = arith.constant 0 : i32
      %dma_wait3A_69 = tpu.memref_slice %arg7[%dma_wait3A_67, %dma_wait3A_68] : memref<8x125xi32, #tpu.memory_space<vmem>> -> memref<1x125xi32, #tpu.memory_space<vmem>>
      %dma_wait3A_70 = tpu.memref_squeeze %dma_wait3A_69 : memref<1x125xi32, #tpu.memory_space<vmem>> -> memref<125xi32, #tpu.memory_space<vmem>>
      %dma_wait3A_71 = arith.constant 0 : i32
      %dma_wait3A_72 = arith.constant 0 : i32
      %dma_wait3A_73 = tpu.memref_slice %arg2[%dma_wait3A_71, %dma_wait3A_72] : memref<10000x128xf32, #tpu.memory_space<hbm>> -> memref<10000x128xf32, #tpu.memory_space<hbm>>
      tpu.wait_indirect_dma semaphore(%arg15 : memref<!tpu.dma_semaphore, #tpu.memory_space<semaphore_mem>>) src(%dma_wait3A_73 : memref<10000x128xf32, #tpu.memory_space<hbm>>) dst(%arg12 : memref<125x128xf32, #tpu.memory_space<vmem>>)
      %run_scoped3A_74 = arith.constant 1 : i32
      "tpu.region"() ({
        %run_scoped3A_297 = tpu.sem_alloc : memref<!tpu.dma_semaphore, #tpu.memory_space<semaphore_mem>>
        %dma_start3A_298 = arith.constant 0 : i32
        %dma_start3A_299 = tpu.memref_slice %arg8[%run_scoped3A_74, %dma_start3A_298] : memref<8x125xi32, #tpu.memory_space<vmem>> -> memref<1x125xi32, #tpu.memory_space<vmem>>
        %dma_start3A_300 = tpu.memref_squeeze %dma_start3A_299 : memref<1x125xi32, #tpu.memory_space<vmem>> -> memref<125xi32, #tpu.memory_space<vmem>>
        %dma_start3A_301 = arith.constant 0 : i32
        %dma_start3A_302 = arith.constant 0 : i32
        %dma_start3A_303 = tpu.memref_slice %arg13[%dma_start3A_301, %dma_start3A_302] : memref<10240x128xf32, #tpu.memory_space<vmem_shared>> -> memref<10240x128xf32, #tpu.memory_space<vmem_shared>>
        tpu.enqueue_indirect_dma source(%arg12 : memref<125x128xf32, #tpu.memory_space<vmem>>) target(%dma_start3A_303 : memref<10240x128xf32, #tpu.memory_space<vmem_shared>>) offsets(%dma_start3A_300 : memref<125xi32, #tpu.memory_space<vmem>>) semaphore(%run_scoped3A_297 : memref<!tpu.dma_semaphore, #tpu.memory_space<semaphore_mem>>) {add = true}
        %dma_wait3A_304 = arith.constant 0 : i32
        %dma_wait3A_305 = tpu.memref_slice %arg8[%run_scoped3A_74, %dma_wait3A_304] : memref<8x125xi32, #tpu.memory_space<vmem>> -> memref<1x125xi32, #tpu.memory_space<vmem>>
        %dma_wait3A_306 = tpu.memref_squeeze %dma_wait3A_305 : memref<1x125xi32, #tpu.memory_space<vmem>> -> memref<125xi32, #tpu.memory_space<vmem>>
        %dma_wait3A_307 = arith.constant 0 : i32
        %dma_wait3A_308 = arith.constant 0 : i32
        %dma_wait3A_309 = tpu.memref_slice %arg13[%dma_wait3A_307, %dma_wait3A_308] : memref<10240x128xf32, #tpu.memory_space<vmem_shared>> -> memref<10240x128xf32, #tpu.memory_space<vmem_shared>>
        tpu.wait_indirect_dma semaphore(%run_scoped3A_297 : memref<!tpu.dma_semaphore, #tpu.memory_space<semaphore_mem>>) src(%arg12 : memref<125x128xf32, #tpu.memory_space<vmem>>) dst(%dma_wait3A_309 : memref<10240x128xf32, #tpu.memory_space<vmem_shared>>)
        tpu.yield
      }) : () -> ()
      %dma_start3A_75 = arith.constant 3 : i32
      %dma_start3A_76 = arith.constant 0 : i32
      %dma_start3A_77 = tpu.memref_slice %arg7[%dma_start3A_75, %dma_start3A_76] : memref<8x125xi32, #tpu.memory_space<vmem>> -> memref<1x125xi32, #tpu.memory_space<vmem>>
      %dma_start3A_78 = tpu.memref_squeeze %dma_start3A_77 : memref<1x125xi32, #tpu.memory_space<vmem>> -> memref<125xi32, #tpu.memory_space<vmem>>
      %dma_start3A_79 = arith.constant 0 : i32
      %dma_start3A_80 = arith.constant 0 : i32
      %dma_start3A_81 = tpu.memref_slice %arg2[%dma_start3A_79, %dma_start3A_80] : memref<10000x128xf32, #tpu.memory_space<hbm>> -> memref<10000x128xf32, #tpu.memory_space<hbm>>
      tpu.enqueue_indirect_dma source(%dma_start3A_81 : memref<10000x128xf32, #tpu.memory_space<hbm>>) target(%arg12 : memref<125x128xf32, #tpu.memory_space<vmem>>) offsets(%dma_start3A_78 : memref<125xi32, #tpu.memory_space<vmem>>) semaphore(%arg15 : memref<!tpu.dma_semaphore, #tpu.memory_space<semaphore_mem>>)
      %dma_wait3A_82 = arith.constant 0 : i32
      %dma_wait3A_83 = arith.constant 0 : i32
      %dma_wait3A_84 = tpu.memref_slice %arg7[%dma_wait3A_82, %dma_wait3A_83] : memref<8x125xi32, #tpu.memory_space<vmem>> -> memref<1x125xi32, #tpu.memory_space<vmem>>
      %dma_wait3A_85 = tpu.memref_squeeze %dma_wait3A_84 : memref<1x125xi32, #tpu.memory_space<vmem>> -> memref<125xi32, #tpu.memory_space<vmem>>
      %dma_wait3A_86 = arith.constant 0 : i32
      %dma_wait3A_87 = arith.constant 0 : i32
      %dma_wait3A_88 = tpu.memref_slice %arg2[%dma_wait3A_86, %dma_wait3A_87] : memref<10000x128xf32, #tpu.memory_space<hbm>> -> memref<10000x128xf32, #tpu.memory_space<hbm>>
      tpu.wait_indirect_dma semaphore(%arg14 : memref<!tpu.dma_semaphore, #tpu.memory_space<semaphore_mem>>) src(%dma_wait3A_88 : memref<10000x128xf32, #tpu.memory_space<hbm>>) dst(%arg11 : memref<125x128xf32, #tpu.memory_space<vmem>>)
      %run_scoped3A_89 = arith.constant 2 : i32
      "tpu.region"() ({
        %run_scoped3A_297 = tpu.sem_alloc : memref<!tpu.dma_semaphore, #tpu.memory_space<semaphore_mem>>
        %dma_start3A_298 = arith.constant 0 : i32
        %dma_start3A_299 = tpu.memref_slice %arg8[%run_scoped3A_89, %dma_start3A_298] : memref<8x125xi32, #tpu.memory_space<vmem>> -> memref<1x125xi32, #tpu.memory_space<vmem>>
        %dma_start3A_300 = tpu.memref_squeeze %dma_start3A_299 : memref<1x125xi32, #tpu.memory_space<vmem>> -> memref<125xi32, #tpu.memory_space<vmem>>
        %dma_start3A_301 = arith.constant 0 : i32
        %dma_start3A_302 = arith.constant 0 : i32
        %dma_start3A_303 = tpu.memref_slice %arg13[%dma_start3A_301, %dma_start3A_302] : memref<10240x128xf32, #tpu.memory_space<vmem_shared>> -> memref<10240x128xf32, #tpu.memory_space<vmem_shared>>
        tpu.enqueue_indirect_dma source(%arg11 : memref<125x128xf32, #tpu.memory_space<vmem>>) target(%dma_start3A_303 : memref<10240x128xf32, #tpu.memory_space<vmem_shared>>) offsets(%dma_start3A_300 : memref<125xi32, #tpu.memory_space<vmem>>) semaphore(%run_scoped3A_297 : memref<!tpu.dma_semaphore, #tpu.memory_space<semaphore_mem>>) {add = true}
        %dma_wait3A_304 = arith.constant 0 : i32
        %dma_wait3A_305 = tpu.memref_slice %arg8[%run_scoped3A_89, %dma_wait3A_304] : memref<8x125xi32, #tpu.memory_space<vmem>> -> memref<1x125xi32, #tpu.memory_space<vmem>>
        %dma_wait3A_306 = tpu.memref_squeeze %dma_wait3A_305 : memref<1x125xi32, #tpu.memory_space<vmem>> -> memref<125xi32, #tpu.memory_space<vmem>>
        %dma_wait3A_307 = arith.constant 0 : i32
        %dma_wait3A_308 = arith.constant 0 : i32
        %dma_wait3A_309 = tpu.memref_slice %arg13[%dma_wait3A_307, %dma_wait3A_308] : memref<10240x128xf32, #tpu.memory_space<vmem_shared>> -> memref<10240x128xf32, #tpu.memory_space<vmem_shared>>
        tpu.wait_indirect_dma semaphore(%run_scoped3A_297 : memref<!tpu.dma_semaphore, #tpu.memory_space<semaphore_mem>>) src(%arg11 : memref<125x128xf32, #tpu.memory_space<vmem>>) dst(%dma_wait3A_309 : memref<10240x128xf32, #tpu.memory_space<vmem_shared>>)
        tpu.yield
      }) : () -> ()
      %dma_start3A_90 = arith.constant 4 : i32
      %dma_start3A_91 = arith.constant 0 : i32
      %dma_start3A_92 = tpu.memref_slice %arg7[%dma_start3A_90, %dma_start3A_91] : memref<8x125xi32, #tpu.memory_space<vmem>> -> memref<1x125xi32, #tpu.memory_space<vmem>>
      %dma_start3A_93 = tpu.memref_squeeze %dma_start3A_92 : memref<1x125xi32, #tpu.memory_space<vmem>> -> memref<125xi32, #tpu.memory_space<vmem>>
      %dma_start3A_94 = arith.constant 0 : i32
      %dma_start3A_95 = arith.constant 0 : i32
      %dma_start3A_96 = tpu.memref_slice %arg2[%dma_start3A_94, %dma_start3A_95] : memref<10000x128xf32, #tpu.memory_space<hbm>> -> memref<10000x128xf32, #tpu.memory_space<hbm>>
      tpu.enqueue_indirect_dma source(%dma_start3A_96 : memref<10000x128xf32, #tpu.memory_space<hbm>>) target(%arg11 : memref<125x128xf32, #tpu.memory_space<vmem>>) offsets(%dma_start3A_93 : memref<125xi32, #tpu.memory_space<vmem>>) semaphore(%arg14 : memref<!tpu.dma_semaphore, #tpu.memory_space<semaphore_mem>>)
      %dma_wait3A_97 = arith.constant 0 : i32
      %dma_wait3A_98 = arith.constant 0 : i32
      %dma_wait3A_99 = tpu.memref_slice %arg7[%dma_wait3A_97, %dma_wait3A_98] : memref<8x125xi32, #tpu.memory_space<vmem>> -> memref<1x125xi32, #tpu.memory_space<vmem>>
      %dma_wait3A_100 = tpu.memref_squeeze %dma_wait3A_99 : memref<1x125xi32, #tpu.memory_space<vmem>> -> memref<125xi32, #tpu.memory_space<vmem>>
      %dma_wait3A_101 = arith.constant 0 : i32
      %dma_wait3A_102 = arith.constant 0 : i32
      %dma_wait3A_103 = tpu.memref_slice %arg2[%dma_wait3A_101, %dma_wait3A_102] : memref<10000x128xf32, #tpu.memory_space<hbm>> -> memref<10000x128xf32, #tpu.memory_space<hbm>>
      tpu.wait_indirect_dma semaphore(%arg15 : memref<!tpu.dma_semaphore, #tpu.memory_space<semaphore_mem>>) src(%dma_wait3A_103 : memref<10000x128xf32, #tpu.memory_space<hbm>>) dst(%arg12 : memref<125x128xf32, #tpu.memory_space<vmem>>)
      %run_scoped3A_104 = arith.constant 3 : i32
      "tpu.region"() ({
        %run_scoped3A_297 = tpu.sem_alloc : memref<!tpu.dma_semaphore, #tpu.memory_space<semaphore_mem>>
        %dma_start3A_298 = arith.constant 0 : i32
        %dma_start3A_299 = tpu.memref_slice %arg8[%run_scoped3A_104, %dma_start3A_298] : memref<8x125xi32, #tpu.memory_space<vmem>> -> memref<1x125xi32, #tpu.memory_space<vmem>>
        %dma_start3A_300 = tpu.memref_squeeze %dma_start3A_299 : memref<1x125xi32, #tpu.memory_space<vmem>> -> memref<125xi32, #tpu.memory_space<vmem>>
        %dma_start3A_301 = arith.constant 0 : i32
        %dma_start3A_302 = arith.constant 0 : i32
        %dma_start3A_303 = tpu.memref_slice %arg13[%dma_start3A_301, %dma_start3A_302] : memref<10240x128xf32, #tpu.memory_space<vmem_shared>> -> memref<10240x128xf32, #tpu.memory_space<vmem_shared>>
        tpu.enqueue_indirect_dma source(%arg12 : memref<125x128xf32, #tpu.memory_space<vmem>>) target(%dma_start3A_303 : memref<10240x128xf32, #tpu.memory_space<vmem_shared>>) offsets(%dma_start3A_300 : memref<125xi32, #tpu.memory_space<vmem>>) semaphore(%run_scoped3A_297 : memref<!tpu.dma_semaphore, #tpu.memory_space<semaphore_mem>>) {add = true}
        %dma_wait3A_304 = arith.constant 0 : i32
        %dma_wait3A_305 = tpu.memref_slice %arg8[%run_scoped3A_104, %dma_wait3A_304] : memref<8x125xi32, #tpu.memory_space<vmem>> -> memref<1x125xi32, #tpu.memory_space<vmem>>
        %dma_wait3A_306 = tpu.memref_squeeze %dma_wait3A_305 : memref<1x125xi32, #tpu.memory_space<vmem>> -> memref<125xi32, #tpu.memory_space<vmem>>
        %dma_wait3A_307 = arith.constant 0 : i32
        %dma_wait3A_308 = arith.constant 0 : i32
        %dma_wait3A_309 = tpu.memref_slice %arg13[%dma_wait3A_307, %dma_wait3A_308] : memref<10240x128xf32, #tpu.memory_space<vmem_shared>> -> memref<10240x128xf32, #tpu.memory_space<vmem_shared>>
        tpu.wait_indirect_dma semaphore(%run_scoped3A_297 : memref<!tpu.dma_semaphore, #tpu.memory_space<semaphore_mem>>) src(%arg12 : memref<125x128xf32, #tpu.memory_space<vmem>>) dst(%dma_wait3A_309 : memref<10240x128xf32, #tpu.memory_space<vmem_shared>>)
        tpu.yield
      }) : () -> ()
      %dma_start3A_105 = arith.constant 5 : i32
      %dma_start3A_106 = arith.constant 0 : i32
      %dma_start3A_107 = tpu.memref_slice %arg7[%dma_start3A_105, %dma_start3A_106] : memref<8x125xi32, #tpu.memory_space<vmem>> -> memref<1x125xi32, #tpu.memory_space<vmem>>
      %dma_start3A_108 = tpu.memref_squeeze %dma_start3A_107 : memref<1x125xi32, #tpu.memory_space<vmem>> -> memref<125xi32, #tpu.memory_space<vmem>>
      %dma_start3A_109 = arith.constant 0 : i32
      %dma_start3A_110 = arith.constant 0 : i32
      %dma_start3A_111 = tpu.memref_slice %arg2[%dma_start3A_109, %dma_start3A_110] : memref<10000x128xf32, #tpu.memory_space<hbm>> -> memref<10000x128xf32, #tpu.memory_space<hbm>>
      tpu.enqueue_indirect_dma source(%dma_start3A_111 : memref<10000x128xf32, #tpu.memory_space<hbm>>) target(%arg12 : memref<125x128xf32, #tpu.memory_space<vmem>>) offsets(%dma_start3A_108 : memref<125xi32, #tpu.memory_space<vmem>>) semaphore(%arg15 : memref<!tpu.dma_semaphore, #tpu.memory_space<semaphore_mem>>)
      %dma_wait3A_112 = arith.constant 0 : i32
      %dma_wait3A_113 = arith.constant 0 : i32
      %dma_wait3A_114 = tpu.memref_slice %arg7[%dma_wait3A_112, %dma_wait3A_113] : memref<8x125xi32, #tpu.memory_space<vmem>> -> memref<1x125xi32, #tpu.memory_space<vmem>>
      %dma_wait3A_115 = tpu.memref_squeeze %dma_wait3A_114 : memref<1x125xi32, #tpu.memory_space<vmem>> -> memref<125xi32, #tpu.memory_space<vmem>>
      %dma_wait3A_116 = arith.constant 0 : i32
      %dma_wait3A_117 = arith.constant 0 : i32
      %dma_wait3A_118 = tpu.memref_slice %arg2[%dma_wait3A_116, %dma_wait3A_117] : memref<10000x128xf32, #tpu.memory_space<hbm>> -> memref<10000x128xf32, #tpu.memory_space<hbm>>
      tpu.wait_indirect_dma semaphore(%arg14 : memref<!tpu.dma_semaphore, #tpu.memory_space<semaphore_mem>>) src(%dma_wait3A_118 : memref<10000x128xf32, #tpu.memory_space<hbm>>) dst(%arg11 : memref<125x128xf32, #tpu.memory_space<vmem>>)
      %run_scoped3A_119 = arith.constant 4 : i32
      "tpu.region"() ({
        %run_scoped3A_297 = tpu.sem_alloc : memref<!tpu.dma_semaphore, #tpu.memory_space<semaphore_mem>>
        %dma_start3A_298 = arith.constant 0 : i32
        %dma_start3A_299 = tpu.memref_slice %arg8[%run_scoped3A_119, %dma_start3A_298] : memref<8x125xi32, #tpu.memory_space<vmem>> -> memref<1x125xi32, #tpu.memory_space<vmem>>
        %dma_start3A_300 = tpu.memref_squeeze %dma_start3A_299 : memref<1x125xi32, #tpu.memory_space<vmem>> -> memref<125xi32, #tpu.memory_space<vmem>>
        %dma_start3A_301 = arith.constant 0 : i32
        %dma_start3A_302 = arith.constant 0 : i32
        %dma_start3A_303 = tpu.memref_slice %arg13[%dma_start3A_301, %dma_start3A_302] : memref<10240x128xf32, #tpu.memory_space<vmem_shared>> -> memref<10240x128xf32, #tpu.memory_space<vmem_shared>>
        tpu.enqueue_indirect_dma source(%arg11 : memref<125x128xf32, #tpu.memory_space<vmem>>) target(%dma_start3A_303 : memref<10240x128xf32, #tpu.memory_space<vmem_shared>>) offsets(%dma_start3A_300 : memref<125xi32, #tpu.memory_space<vmem>>) semaphore(%run_scoped3A_297 : memref<!tpu.dma_semaphore, #tpu.memory_space<semaphore_mem>>) {add = true}
        %dma_wait3A_304 = arith.constant 0 : i32
        %dma_wait3A_305 = tpu.memref_slice %arg8[%run_scoped3A_119, %dma_wait3A_304] : memref<8x125xi32, #tpu.memory_space<vmem>> -> memref<1x125xi32, #tpu.memory_space<vmem>>
        %dma_wait3A_306 = tpu.memref_squeeze %dma_wait3A_305 : memref<1x125xi32, #tpu.memory_space<vmem>> -> memref<125xi32, #tpu.memory_space<vmem>>
        %dma_wait3A_307 = arith.constant 0 : i32
        %dma_wait3A_308 = arith.constant 0 : i32
        %dma_wait3A_309 = tpu.memref_slice %arg13[%dma_wait3A_307, %dma_wait3A_308] : memref<10240x128xf32, #tpu.memory_space<vmem_shared>> -> memref<10240x128xf32, #tpu.memory_space<vmem_shared>>
        tpu.wait_indirect_dma semaphore(%run_scoped3A_297 : memref<!tpu.dma_semaphore, #tpu.memory_space<semaphore_mem>>) src(%arg11 : memref<125x128xf32, #tpu.memory_space<vmem>>) dst(%dma_wait3A_309 : memref<10240x128xf32, #tpu.memory_space<vmem_shared>>)
        tpu.yield
      }) : () -> ()
      %dma_start3A_120 = arith.constant 6 : i32
      %dma_start3A_121 = arith.constant 0 : i32
      %dma_start3A_122 = tpu.memref_slice %arg7[%dma_start3A_120, %dma_start3A_121] : memref<8x125xi32, #tpu.memory_space<vmem>> -> memref<1x125xi32, #tpu.memory_space<vmem>>
      %dma_start3A_123 = tpu.memref_squeeze %dma_start3A_122 : memref<1x125xi32, #tpu.memory_space<vmem>> -> memref<125xi32, #tpu.memory_space<vmem>>
      %dma_start3A_124 = arith.constant 0 : i32
      %dma_start3A_125 = arith.constant 0 : i32
      %dma_start3A_126 = tpu.memref_slice %arg2[%dma_start3A_124, %dma_start3A_125] : memref<10000x128xf32, #tpu.memory_space<hbm>> -> memref<10000x128xf32, #tpu.memory_space<hbm>>
      tpu.enqueue_indirect_dma source(%dma_start3A_126 : memref<10000x128xf32, #tpu.memory_space<hbm>>) target(%arg11 : memref<125x128xf32, #tpu.memory_space<vmem>>) offsets(%dma_start3A_123 : memref<125xi32, #tpu.memory_space<vmem>>) semaphore(%arg14 : memref<!tpu.dma_semaphore, #tpu.memory_space<semaphore_mem>>)
      %dma_wait3A_127 = arith.constant 0 : i32
      %dma_wait3A_128 = arith.constant 0 : i32
      %dma_wait3A_129 = tpu.memref_slice %arg7[%dma_wait3A_127, %dma_wait3A_128] : memref<8x125xi32, #tpu.memory_space<vmem>> -> memref<1x125xi32, #tpu.memory_space<vmem>>
      %dma_wait3A_130 = tpu.memref_squeeze %dma_wait3A_129 : memref<1x125xi32, #tpu.memory_space<vmem>> -> memref<125xi32, #tpu.memory_space<vmem>>
      %dma_wait3A_131 = arith.constant 0 : i32
      %dma_wait3A_132 = arith.constant 0 : i32
      %dma_wait3A_133 = tpu.memref_slice %arg2[%dma_wait3A_131, %dma_wait3A_132] : memref<10000x128xf32, #tpu.memory_space<hbm>> -> memref<10000x128xf32, #tpu.memory_space<hbm>>
      tpu.wait_indirect_dma semaphore(%arg15 : memref<!tpu.dma_semaphore, #tpu.memory_space<semaphore_mem>>) src(%dma_wait3A_133 : memref<10000x128xf32, #tpu.memory_space<hbm>>) dst(%arg12 : memref<125x128xf32, #tpu.memory_space<vmem>>)
      %run_scoped3A_134 = arith.constant 5 : i32
      "tpu.region"() ({
        %run_scoped3A_297 = tpu.sem_alloc : memref<!tpu.dma_semaphore, #tpu.memory_space<semaphore_mem>>
        %dma_start3A_298 = arith.constant 0 : i32
        %dma_start3A_299 = tpu.memref_slice %arg8[%run_scoped3A_134, %dma_start3A_298] : memref<8x125xi32, #tpu.memory_space<vmem>> -> memref<1x125xi32, #tpu.memory_space<vmem>>
        %dma_start3A_300 = tpu.memref_squeeze %dma_start3A_299 : memref<1x125xi32, #tpu.memory_space<vmem>> -> memref<125xi32, #tpu.memory_space<vmem>>
        %dma_start3A_301 = arith.constant 0 : i32
        %dma_start3A_302 = arith.constant 0 : i32
        %dma_start3A_303 = tpu.memref_slice %arg13[%dma_start3A_301, %dma_start3A_302] : memref<10240x128xf32, #tpu.memory_space<vmem_shared>> -> memref<10240x128xf32, #tpu.memory_space<vmem_shared>>
        tpu.enqueue_indirect_dma source(%arg12 : memref<125x128xf32, #tpu.memory_space<vmem>>) target(%dma_start3A_303 : memref<10240x128xf32, #tpu.memory_space<vmem_shared>>) offsets(%dma_start3A_300 : memref<125xi32, #tpu.memory_space<vmem>>) semaphore(%run_scoped3A_297 : memref<!tpu.dma_semaphore, #tpu.memory_space<semaphore_mem>>) {add = true}
        %dma_wait3A_304 = arith.constant 0 : i32
        %dma_wait3A_305 = tpu.memref_slice %arg8[%run_scoped3A_134, %dma_wait3A_304] : memref<8x125xi32, #tpu.memory_space<vmem>> -> memref<1x125xi32, #tpu.memory_space<vmem>>
        %dma_wait3A_306 = tpu.memref_squeeze %dma_wait3A_305 : memref<1x125xi32, #tpu.memory_space<vmem>> -> memref<125xi32, #tpu.memory_space<vmem>>
        %dma_wait3A_307 = arith.constant 0 : i32
        %dma_wait3A_308 = arith.constant 0 : i32
        %dma_wait3A_309 = tpu.memref_slice %arg13[%dma_wait3A_307, %dma_wait3A_308] : memref<10240x128xf32, #tpu.memory_space<vmem_shared>> -> memref<10240x128xf32, #tpu.memory_space<vmem_shared>>
        tpu.wait_indirect_dma semaphore(%run_scoped3A_297 : memref<!tpu.dma_semaphore, #tpu.memory_space<semaphore_mem>>) src(%arg12 : memref<125x128xf32, #tpu.memory_space<vmem>>) dst(%dma_wait3A_309 : memref<10240x128xf32, #tpu.memory_space<vmem_shared>>)
        tpu.yield
      }) : () -> ()
      %dma_start3A_135 = arith.constant 7 : i32
      %dma_start3A_136 = arith.constant 0 : i32
      %dma_start3A_137 = tpu.memref_slice %arg7[%dma_start3A_135, %dma_start3A_136] : memref<8x125xi32, #tpu.memory_space<vmem>> -> memref<1x125xi32, #tpu.memory_space<vmem>>
      %dma_start3A_138 = tpu.memref_squeeze %dma_start3A_137 : memref<1x125xi32, #tpu.memory_space<vmem>> -> memref<125xi32, #tpu.memory_space<vmem>>
      %dma_start3A_139 = arith.constant 0 : i32
      %dma_start3A_140 = arith.constant 0 : i32
      %dma_start3A_141 = tpu.memref_slice %arg2[%dma_start3A_139, %dma_start3A_140] : memref<10000x128xf32, #tpu.memory_space<hbm>> -> memref<10000x128xf32, #tpu.memory_space<hbm>>
      tpu.enqueue_indirect_dma source(%dma_start3A_141 : memref<10000x128xf32, #tpu.memory_space<hbm>>) target(%arg12 : memref<125x128xf32, #tpu.memory_space<vmem>>) offsets(%dma_start3A_138 : memref<125xi32, #tpu.memory_space<vmem>>) semaphore(%arg15 : memref<!tpu.dma_semaphore, #tpu.memory_space<semaphore_mem>>)
      %dma_wait3A_142 = arith.constant 0 : i32
      %dma_wait3A_143 = arith.constant 0 : i32
      %dma_wait3A_144 = tpu.memref_slice %arg7[%dma_wait3A_142, %dma_wait3A_143] : memref<8x125xi32, #tpu.memory_space<vmem>> -> memref<1x125xi32, #tpu.memory_space<vmem>>
      %dma_wait3A_145 = tpu.memref_squeeze %dma_wait3A_144 : memref<1x125xi32, #tpu.memory_space<vmem>> -> memref<125xi32, #tpu.memory_space<vmem>>
      %dma_wait3A_146 = arith.constant 0 : i32
      %dma_wait3A_147 = arith.constant 0 : i32
      %dma_wait3A_148 = tpu.memref_slice %arg2[%dma_wait3A_146, %dma_wait3A_147] : memref<10000x128xf32, #tpu.memory_space<hbm>> -> memref<10000x128xf32, #tpu.memory_space<hbm>>
      tpu.wait_indirect_dma semaphore(%arg14 : memref<!tpu.dma_semaphore, #tpu.memory_space<semaphore_mem>>) src(%dma_wait3A_148 : memref<10000x128xf32, #tpu.memory_space<hbm>>) dst(%arg11 : memref<125x128xf32, #tpu.memory_space<vmem>>)
      %run_scoped3A_149 = arith.constant 6 : i32
      "tpu.region"() ({
        %run_scoped3A_297 = tpu.sem_alloc : memref<!tpu.dma_semaphore, #tpu.memory_space<semaphore_mem>>
        %dma_start3A_298 = arith.constant 0 : i32
        %dma_start3A_299 = tpu.memref_slice %arg8[%run_scoped3A_149, %dma_start3A_298] : memref<8x125xi32, #tpu.memory_space<vmem>> -> memref<1x125xi32, #tpu.memory_space<vmem>>
        %dma_start3A_300 = tpu.memref_squeeze %dma_start3A_299 : memref<1x125xi32, #tpu.memory_space<vmem>> -> memref<125xi32, #tpu.memory_space<vmem>>
        %dma_start3A_301 = arith.constant 0 : i32
        %dma_start3A_302 = arith.constant 0 : i32
        %dma_start3A_303 = tpu.memref_slice %arg13[%dma_start3A_301, %dma_start3A_302] : memref<10240x128xf32, #tpu.memory_space<vmem_shared>> -> memref<10240x128xf32, #tpu.memory_space<vmem_shared>>
        tpu.enqueue_indirect_dma source(%arg11 : memref<125x128xf32, #tpu.memory_space<vmem>>) target(%dma_start3A_303 : memref<10240x128xf32, #tpu.memory_space<vmem_shared>>) offsets(%dma_start3A_300 : memref<125xi32, #tpu.memory_space<vmem>>) semaphore(%run_scoped3A_297 : memref<!tpu.dma_semaphore, #tpu.memory_space<semaphore_mem>>) {add = true}
        %dma_wait3A_304 = arith.constant 0 : i32
        %dma_wait3A_305 = tpu.memref_slice %arg8[%run_scoped3A_149, %dma_wait3A_304] : memref<8x125xi32, #tpu.memory_space<vmem>> -> memref<1x125xi32, #tpu.memory_space<vmem>>
        %dma_wait3A_306 = tpu.memref_squeeze %dma_wait3A_305 : memref<1x125xi32, #tpu.memory_space<vmem>> -> memref<125xi32, #tpu.memory_space<vmem>>
        %dma_wait3A_307 = arith.constant 0 : i32
        %dma_wait3A_308 = arith.constant 0 : i32
        %dma_wait3A_309 = tpu.memref_slice %arg13[%dma_wait3A_307, %dma_wait3A_308] : memref<10240x128xf32, #tpu.memory_space<vmem_shared>> -> memref<10240x128xf32, #tpu.memory_space<vmem_shared>>
        tpu.wait_indirect_dma semaphore(%run_scoped3A_297 : memref<!tpu.dma_semaphore, #tpu.memory_space<semaphore_mem>>) src(%arg11 : memref<125x128xf32, #tpu.memory_space<vmem>>) dst(%dma_wait3A_309 : memref<10240x128xf32, #tpu.memory_space<vmem_shared>>)
        tpu.yield
      }) : () -> ()
      %dma_wait3A_150 = arith.constant 0 : i32
      %dma_wait3A_151 = arith.constant 0 : i32
      %dma_wait3A_152 = tpu.memref_slice %arg7[%dma_wait3A_150, %dma_wait3A_151] : memref<8x125xi32, #tpu.memory_space<vmem>> -> memref<1x125xi32, #tpu.memory_space<vmem>>
      %dma_wait3A_153 = tpu.memref_squeeze %dma_wait3A_152 : memref<1x125xi32, #tpu.memory_space<vmem>> -> memref<125xi32, #tpu.memory_space<vmem>>
      %dma_wait3A_154 = arith.constant 0 : i32
      %dma_wait3A_155 = arith.constant 0 : i32
      %dma_wait3A_156 = tpu.memref_slice %arg2[%dma_wait3A_154, %dma_wait3A_155] : memref<10000x128xf32, #tpu.memory_space<hbm>> -> memref<10000x128xf32, #tpu.memory_space<hbm>>
      tpu.wait_indirect_dma semaphore(%arg15 : memref<!tpu.dma_semaphore, #tpu.memory_space<semaphore_mem>>) src(%dma_wait3A_156 : memref<10000x128xf32, #tpu.memory_space<hbm>>) dst(%arg12 : memref<125x128xf32, #tpu.memory_space<vmem>>)
      %run_scoped3A_157 = arith.constant 7 : i32
      "tpu.region"() ({
        %run_scoped3A_297 = tpu.sem_alloc : memref<!tpu.dma_semaphore, #tpu.memory_space<semaphore_mem>>
        %dma_start3A_298 = arith.constant 0 : i32
        %dma_start3A_299 = tpu.memref_slice %arg8[%run_scoped3A_157, %dma_start3A_298] : memref<8x125xi32, #tpu.memory_space<vmem>> -> memref<1x125xi32, #tpu.memory_space<vmem>>
        %dma_start3A_300 = tpu.memref_squeeze %dma_start3A_299 : memref<1x125xi32, #tpu.memory_space<vmem>> -> memref<125xi32, #tpu.memory_space<vmem>>
        %dma_start3A_301 = arith.constant 0 : i32
        %dma_start3A_302 = arith.constant 0 : i32
        %dma_start3A_303 = tpu.memref_slice %arg13[%dma_start3A_301, %dma_start3A_302] : memref<10240x128xf32, #tpu.memory_space<vmem_shared>> -> memref<10240x128xf32, #tpu.memory_space<vmem_shared>>
        tpu.enqueue_indirect_dma source(%arg12 : memref<125x128xf32, #tpu.memory_space<vmem>>) target(%dma_start3A_303 : memref<10240x128xf32, #tpu.memory_space<vmem_shared>>) offsets(%dma_start3A_300 : memref<125xi32, #tpu.memory_space<vmem>>) semaphore(%run_scoped3A_297 : memref<!tpu.dma_semaphore, #tpu.memory_space<semaphore_mem>>) {add = true}
        %dma_wait3A_304 = arith.constant 0 : i32
        %dma_wait3A_305 = tpu.memref_slice %arg8[%run_scoped3A_157, %dma_wait3A_304] : memref<8x125xi32, #tpu.memory_space<vmem>> -> memref<1x125xi32, #tpu.memory_space<vmem>>
        %dma_wait3A_306 = tpu.memref_squeeze %dma_wait3A_305 : memref<1x125xi32, #tpu.memory_space<vmem>> -> memref<125xi32, #tpu.memory_space<vmem>>
        %dma_wait3A_307 = arith.constant 0 : i32
        %dma_wait3A_308 = arith.constant 0 : i32
        %dma_wait3A_309 = tpu.memref_slice %arg13[%dma_wait3A_307, %dma_wait3A_308] : memref<10240x128xf32, #tpu.memory_space<vmem_shared>> -> memref<10240x128xf32, #tpu.memory_space<vmem_shared>>
        tpu.wait_indirect_dma semaphore(%run_scoped3A_297 : memref<!tpu.dma_semaphore, #tpu.memory_space<semaphore_mem>>) src(%arg12 : memref<125x128xf32, #tpu.memory_space<vmem>>) dst(%dma_wait3A_309 : memref<10240x128xf32, #tpu.memory_space<vmem_shared>>)
        tpu.yield
      }) : () -> ()
      %mul3A_158 = arith.constant 2 : i32
      %mul3A_159 = arith.muli %mul3A_158, %scan3A_25 : i32
      %add3A_160 = arith.constant 1 : i32
      %add3A_161 = arith.addi %mul3A_159, %add3A_160 : i32
      %dma_wait3A_162 = arith.constant 0 : i32
      %dma_wait3A_163 = tpu.memref_slice %arg3[%mul3A_4, %dma_wait3A_162] : memref<2560x125xi32, #tpu.memory_space<hbm>> -> memref<8x125xi32, #tpu.memory_space<hbm>>
      %dma_wait3A_164 = arith.constant 0 : i32
      %dma_wait3A_165 = tpu.memref_slice %arg3[%mul3A_4, %dma_wait3A_164] : memref<2560x125xi32, #tpu.memory_space<hbm>> -> memref<8x125xi32, #tpu.memory_space<hbm>>
      tpu.wait_dma2 semaphore(%arg17 : memref<!tpu.dma_semaphore, #tpu.memory_space<semaphore_mem>>) src(%dma_wait3A_165 : memref<8x125xi32, #tpu.memory_space<hbm>>) dst(%arg9 : memref<8x125xi32, #tpu.memory_space<vmem>>)
      %dma_wait3A_166 = arith.constant 0 : i32
      %dma_wait3A_167 = tpu.memref_slice %arg4[%mul3A_4, %dma_wait3A_166] : memref<2560x125xi32, #tpu.memory_space<hbm>> -> memref<8x125xi32, #tpu.memory_space<hbm>>
      %dma_wait3A_168 = arith.constant 0 : i32
      %dma_wait3A_169 = tpu.memref_slice %arg4[%mul3A_4, %dma_wait3A_168] : memref<2560x125xi32, #tpu.memory_space<hbm>> -> memref<8x125xi32, #tpu.memory_space<hbm>>
      tpu.wait_dma2 semaphore(%arg17 : memref<!tpu.dma_semaphore, #tpu.memory_space<semaphore_mem>>) src(%dma_wait3A_169 : memref<8x125xi32, #tpu.memory_space<hbm>>) dst(%arg10 : memref<8x125xi32, #tpu.memory_space<vmem>>)
      %dma_start3A_170 = arith.constant 0 : i32
      %dma_start3A_171 = arith.constant 0 : i32
      %dma_start3A_172 = tpu.memref_slice %arg9[%dma_start3A_170, %dma_start3A_171] : memref<8x125xi32, #tpu.memory_space<vmem>> -> memref<1x125xi32, #tpu.memory_space<vmem>>
      %dma_start3A_173 = tpu.memref_squeeze %dma_start3A_172 : memref<1x125xi32, #tpu.memory_space<vmem>> -> memref<125xi32, #tpu.memory_space<vmem>>
      %dma_start3A_174 = arith.constant 0 : i32
      %dma_start3A_175 = arith.constant 0 : i32
      %dma_start3A_176 = tpu.memref_slice %arg2[%dma_start3A_174, %dma_start3A_175] : memref<10000x128xf32, #tpu.memory_space<hbm>> -> memref<10000x128xf32, #tpu.memory_space<hbm>>
      tpu.enqueue_indirect_dma source(%dma_start3A_176 : memref<10000x128xf32, #tpu.memory_space<hbm>>) target(%arg11 : memref<125x128xf32, #tpu.memory_space<vmem>>) offsets(%dma_start3A_173 : memref<125xi32, #tpu.memory_space<vmem>>) semaphore(%arg14 : memref<!tpu.dma_semaphore, #tpu.memory_space<semaphore_mem>>)
      %dma_start3A_177 = arith.constant 1 : i32
      %dma_start3A_178 = arith.constant 0 : i32
      %dma_start3A_179 = tpu.memref_slice %arg9[%dma_start3A_177, %dma_start3A_178] : memref<8x125xi32, #tpu.memory_space<vmem>> -> memref<1x125xi32, #tpu.memory_space<vmem>>
      %dma_start3A_180 = tpu.memref_squeeze %dma_start3A_179 : memref<1x125xi32, #tpu.memory_space<vmem>> -> memref<125xi32, #tpu.memory_space<vmem>>
      %dma_start3A_181 = arith.constant 0 : i32
      %dma_start3A_182 = arith.constant 0 : i32
      %dma_start3A_183 = tpu.memref_slice %arg2[%dma_start3A_181, %dma_start3A_182] : memref<10000x128xf32, #tpu.memory_space<hbm>> -> memref<10000x128xf32, #tpu.memory_space<hbm>>
      tpu.enqueue_indirect_dma source(%dma_start3A_183 : memref<10000x128xf32, #tpu.memory_space<hbm>>) target(%arg12 : memref<125x128xf32, #tpu.memory_space<vmem>>) offsets(%dma_start3A_180 : memref<125xi32, #tpu.memory_space<vmem>>) semaphore(%arg15 : memref<!tpu.dma_semaphore, #tpu.memory_space<semaphore_mem>>)
      %add3A_184 = arith.constant 1 : i32
      %add3A_185 = arith.addi %add3A_161, %add3A_184 : i32
      %lt3A_186 = arith.constant 10 : i32
      %lt3A_187 = arith.cmpi slt, %add3A_185, %lt3A_186 : i32
      %convert_element_type3A_188 = arith.extui %lt3A_187 : i1 to i32
      %cond3A_189 = arith.constant 0 : i32
      %cond3A_190 = arith.cmpi ne, %convert_element_type3A_188, %cond3A_189 : i32
      scf.if %cond3A_190 {
        %add3A_297 = arith.constant 1 : i32
        %add3A_298 = arith.addi %add3A_161, %add3A_297 : i32
        %mul3A_299 = arith.constant 8 : i32
        %mul3A_300 = arith.muli %add3A_298, %mul3A_299 : i32
        %add3A_301 = arith.addi %mul3A_4, %mul3A_300 : i32
        %dma_start3A_302 = arith.constant 0 : i32
        %dma_start3A_303 = tpu.memref_slice %arg3[%add3A_301, %dma_start3A_302] : memref<2560x125xi32, #tpu.memory_space<hbm>> -> memref<8x125xi32, #tpu.memory_space<hbm>>
        %dma_start3A_304 = arith.constant 0 : i32
        %dma_start3A_305 = tpu.memref_slice %arg3[%add3A_301, %dma_start3A_304] : memref<2560x125xi32, #tpu.memory_space<hbm>> -> memref<8x125xi32, #tpu.memory_space<hbm>>
        tpu.enqueue_dma source(%dma_start3A_305 : memref<8x125xi32, #tpu.memory_space<hbm>>) target(%arg7 : memref<8x125xi32, #tpu.memory_space<vmem>>) target_semaphore(%arg16 : memref<!tpu.dma_semaphore, #tpu.memory_space<semaphore_mem>>)
        %dma_start3A_306 = arith.constant 0 : i32
        %dma_start3A_307 = tpu.memref_slice %arg4[%add3A_301, %dma_start3A_306] : memref<2560x125xi32, #tpu.memory_space<hbm>> -> memref<8x125xi32, #tpu.memory_space<hbm>>
        %dma_start3A_308 = arith.constant 0 : i32
        %dma_start3A_309 = tpu.memref_slice %arg4[%add3A_301, %dma_start3A_308] : memref<2560x125xi32, #tpu.memory_space<hbm>> -> memref<8x125xi32, #tpu.memory_space<hbm>>
        tpu.enqueue_dma source(%dma_start3A_309 : memref<8x125xi32, #tpu.memory_space<hbm>>) target(%arg8 : memref<8x125xi32, #tpu.memory_space<vmem>>) target_semaphore(%arg16 : memref<!tpu.dma_semaphore, #tpu.memory_space<semaphore_mem>>)
      } else {
      }
      %dma_wait3A_191 = arith.constant 0 : i32
      %dma_wait3A_192 = arith.constant 0 : i32
      %dma_wait3A_193 = tpu.memref_slice %arg9[%dma_wait3A_191, %dma_wait3A_192] : memref<8x125xi32, #tpu.memory_space<vmem>> -> memref<1x125xi32, #tpu.memory_space<vmem>>
      %dma_wait3A_194 = tpu.memref_squeeze %dma_wait3A_193 : memref<1x125xi32, #tpu.memory_space<vmem>> -> memref<125xi32, #tpu.memory_space<vmem>>
      %dma_wait3A_195 = arith.constant 0 : i32
      %dma_wait3A_196 = arith.constant 0 : i32
      %dma_wait3A_197 = tpu.memref_slice %arg2[%dma_wait3A_195, %dma_wait3A_196] : memref<10000x128xf32, #tpu.memory_space<hbm>> -> memref<10000x128xf32, #tpu.memory_space<hbm>>
      tpu.wait_indirect_dma semaphore(%arg14 : memref<!tpu.dma_semaphore, #tpu.memory_space<semaphore_mem>>) src(%dma_wait3A_197 : memref<10000x128xf32, #tpu.memory_space<hbm>>) dst(%arg11 : memref<125x128xf32, #tpu.memory_space<vmem>>)
      %run_scoped3A_198 = arith.constant 0 : i32
      "tpu.region"() ({
        %run_scoped3A_297 = tpu.sem_alloc : memref<!tpu.dma_semaphore, #tpu.memory_space<semaphore_mem>>
        %dma_start3A_298 = arith.constant 0 : i32
        %dma_start3A_299 = tpu.memref_slice %arg10[%run_scoped3A_198, %dma_start3A_298] : memref<8x125xi32, #tpu.memory_space<vmem>> -> memref<1x125xi32, #tpu.memory_space<vmem>>
        %dma_start3A_300 = tpu.memref_squeeze %dma_start3A_299 : memref<1x125xi32, #tpu.memory_space<vmem>> -> memref<125xi32, #tpu.memory_space<vmem>>
        %dma_start3A_301 = arith.constant 0 : i32
        %dma_start3A_302 = arith.constant 0 : i32
        %dma_start3A_303 = tpu.memref_slice %arg13[%dma_start3A_301, %dma_start3A_302] : memref<10240x128xf32, #tpu.memory_space<vmem_shared>> -> memref<10240x128xf32, #tpu.memory_space<vmem_shared>>
        tpu.enqueue_indirect_dma source(%arg11 : memref<125x128xf32, #tpu.memory_space<vmem>>) target(%dma_start3A_303 : memref<10240x128xf32, #tpu.memory_space<vmem_shared>>) offsets(%dma_start3A_300 : memref<125xi32, #tpu.memory_space<vmem>>) semaphore(%run_scoped3A_297 : memref<!tpu.dma_semaphore, #tpu.memory_space<semaphore_mem>>) {add = true}
        %dma_wait3A_304 = arith.constant 0 : i32
        %dma_wait3A_305 = tpu.memref_slice %arg10[%run_scoped3A_198, %dma_wait3A_304] : memref<8x125xi32, #tpu.memory_space<vmem>> -> memref<1x125xi32, #tpu.memory_space<vmem>>
        %dma_wait3A_306 = tpu.memref_squeeze %dma_wait3A_305 : memref<1x125xi32, #tpu.memory_space<vmem>> -> memref<125xi32, #tpu.memory_space<vmem>>
        %dma_wait3A_307 = arith.constant 0 : i32
        %dma_wait3A_308 = arith.constant 0 : i32
        %dma_wait3A_309 = tpu.memref_slice %arg13[%dma_wait3A_307, %dma_wait3A_308] : memref<10240x128xf32, #tpu.memory_space<vmem_shared>> -> memref<10240x128xf32, #tpu.memory_space<vmem_shared>>
        tpu.wait_indirect_dma semaphore(%run_scoped3A_297 : memref<!tpu.dma_semaphore, #tpu.memory_space<semaphore_mem>>) src(%arg11 : memref<125x128xf32, #tpu.memory_space<vmem>>) dst(%dma_wait3A_309 : memref<10240x128xf32, #tpu.memory_space<vmem_shared>>)
        tpu.yield
      }) : () -> ()
      %dma_start3A_199 = arith.constant 2 : i32
      %dma_start3A_200 = arith.constant 0 : i32
      %dma_start3A_201 = tpu.memref_slice %arg9[%dma_start3A_199, %dma_start3A_200] : memref<8x125xi32, #tpu.memory_space<vmem>> -> memref<1x125xi32, #tpu.memory_space<vmem>>
      %dma_start3A_202 = tpu.memref_squeeze %dma_start3A_201 : memref<1x125xi32, #tpu.memory_space<vmem>> -> memref<125xi32, #tpu.memory_space<vmem>>
      %dma_start3A_203 = arith.constant 0 : i32
      %dma_start3A_204 = arith.constant 0 : i32
      %dma_start3A_205 = tpu.memref_slice %arg2[%dma_start3A_203, %dma_start3A_204] : memref<10000x128xf32, #tpu.memory_space<hbm>> -> memref<10000x128xf32, #tpu.memory_space<hbm>>
      tpu.enqueue_indirect_dma source(%dma_start3A_205 : memref<10000x128xf32, #tpu.memory_space<hbm>>) target(%arg11 : memref<125x128xf32, #tpu.memory_space<vmem>>) offsets(%dma_start3A_202 : memref<125xi32, #tpu.memory_space<vmem>>) semaphore(%arg14 : memref<!tpu.dma_semaphore, #tpu.memory_space<semaphore_mem>>)
      %dma_wait3A_206 = arith.constant 0 : i32
      %dma_wait3A_207 = arith.constant 0 : i32
      %dma_wait3A_208 = tpu.memref_slice %arg9[%dma_wait3A_206, %dma_wait3A_207] : memref<8x125xi32, #tpu.memory_space<vmem>> -> memref<1x125xi32, #tpu.memory_space<vmem>>
      %dma_wait3A_209 = tpu.memref_squeeze %dma_wait3A_208 : memref<1x125xi32, #tpu.memory_space<vmem>> -> memref<125xi32, #tpu.memory_space<vmem>>
      %dma_wait3A_210 = arith.constant 0 : i32
      %dma_wait3A_211 = arith.constant 0 : i32
      %dma_wait3A_212 = tpu.memref_slice %arg2[%dma_wait3A_210, %dma_wait3A_211] : memref<10000x128xf32, #tpu.memory_space<hbm>> -> memref<10000x128xf32, #tpu.memory_space<hbm>>
      tpu.wait_indirect_dma semaphore(%arg15 : memref<!tpu.dma_semaphore, #tpu.memory_space<semaphore_mem>>) src(%dma_wait3A_212 : memref<10000x128xf32, #tpu.memory_space<hbm>>) dst(%arg12 : memref<125x128xf32, #tpu.memory_space<vmem>>)
      %run_scoped3A_213 = arith.constant 1 : i32
      "tpu.region"() ({
        %run_scoped3A_297 = tpu.sem_alloc : memref<!tpu.dma_semaphore, #tpu.memory_space<semaphore_mem>>
        %dma_start3A_298 = arith.constant 0 : i32
        %dma_start3A_299 = tpu.memref_slice %arg10[%run_scoped3A_213, %dma_start3A_298] : memref<8x125xi32, #tpu.memory_space<vmem>> -> memref<1x125xi32, #tpu.memory_space<vmem>>
        %dma_start3A_300 = tpu.memref_squeeze %dma_start3A_299 : memref<1x125xi32, #tpu.memory_space<vmem>> -> memref<125xi32, #tpu.memory_space<vmem>>
        %dma_start3A_301 = arith.constant 0 : i32
        %dma_start3A_302 = arith.constant 0 : i32
        %dma_start3A_303 = tpu.memref_slice %arg13[%dma_start3A_301, %dma_start3A_302] : memref<10240x128xf32, #tpu.memory_space<vmem_shared>> -> memref<10240x128xf32, #tpu.memory_space<vmem_shared>>
        tpu.enqueue_indirect_dma source(%arg12 : memref<125x128xf32, #tpu.memory_space<vmem>>) target(%dma_start3A_303 : memref<10240x128xf32, #tpu.memory_space<vmem_shared>>) offsets(%dma_start3A_300 : memref<125xi32, #tpu.memory_space<vmem>>) semaphore(%run_scoped3A_297 : memref<!tpu.dma_semaphore, #tpu.memory_space<semaphore_mem>>) {add = true}
        %dma_wait3A_304 = arith.constant 0 : i32
        %dma_wait3A_305 = tpu.memref_slice %arg10[%run_scoped3A_213, %dma_wait3A_304] : memref<8x125xi32, #tpu.memory_space<vmem>> -> memref<1x125xi32, #tpu.memory_space<vmem>>
        %dma_wait3A_306 = tpu.memref_squeeze %dma_wait3A_305 : memref<1x125xi32, #tpu.memory_space<vmem>> -> memref<125xi32, #tpu.memory_space<vmem>>
        %dma_wait3A_307 = arith.constant 0 : i32
        %dma_wait3A_308 = arith.constant 0 : i32
        %dma_wait3A_309 = tpu.memref_slice %arg13[%dma_wait3A_307, %dma_wait3A_308] : memref<10240x128xf32, #tpu.memory_space<vmem_shared>> -> memref<10240x128xf32, #tpu.memory_space<vmem_shared>>
        tpu.wait_indirect_dma semaphore(%run_scoped3A_297 : memref<!tpu.dma_semaphore, #tpu.memory_space<semaphore_mem>>) src(%arg12 : memref<125x128xf32, #tpu.memory_space<vmem>>) dst(%dma_wait3A_309 : memref<10240x128xf32, #tpu.memory_space<vmem_shared>>)
        tpu.yield
      }) : () -> ()
      %dma_start3A_214 = arith.constant 3 : i32
      %dma_start3A_215 = arith.constant 0 : i32
      %dma_start3A_216 = tpu.memref_slice %arg9[%dma_start3A_214, %dma_start3A_215] : memref<8x125xi32, #tpu.memory_space<vmem>> -> memref<1x125xi32, #tpu.memory_space<vmem>>
      %dma_start3A_217 = tpu.memref_squeeze %dma_start3A_216 : memref<1x125xi32, #tpu.memory_space<vmem>> -> memref<125xi32, #tpu.memory_space<vmem>>
      %dma_start3A_218 = arith.constant 0 : i32
      %dma_start3A_219 = arith.constant 0 : i32
      %dma_start3A_220 = tpu.memref_slice %arg2[%dma_start3A_218, %dma_start3A_219] : memref<10000x128xf32, #tpu.memory_space<hbm>> -> memref<10000x128xf32, #tpu.memory_space<hbm>>
      tpu.enqueue_indirect_dma source(%dma_start3A_220 : memref<10000x128xf32, #tpu.memory_space<hbm>>) target(%arg12 : memref<125x128xf32, #tpu.memory_space<vmem>>) offsets(%dma_start3A_217 : memref<125xi32, #tpu.memory_space<vmem>>) semaphore(%arg15 : memref<!tpu.dma_semaphore, #tpu.memory_space<semaphore_mem>>)
      %dma_wait3A_221 = arith.constant 0 : i32
      %dma_wait3A_222 = arith.constant 0 : i32
      %dma_wait3A_223 = tpu.memref_slice %arg9[%dma_wait3A_221, %dma_wait3A_222] : memref<8x125xi32, #tpu.memory_space<vmem>> -> memref<1x125xi32, #tpu.memory_space<vmem>>
      %dma_wait3A_224 = tpu.memref_squeeze %dma_wait3A_223 : memref<1x125xi32, #tpu.memory_space<vmem>> -> memref<125xi32, #tpu.memory_space<vmem>>
      %dma_wait3A_225 = arith.constant 0 : i32
      %dma_wait3A_226 = arith.constant 0 : i32
      %dma_wait3A_227 = tpu.memref_slice %arg2[%dma_wait3A_225, %dma_wait3A_226] : memref<10000x128xf32, #tpu.memory_space<hbm>> -> memref<10000x128xf32, #tpu.memory_space<hbm>>
      tpu.wait_indirect_dma semaphore(%arg14 : memref<!tpu.dma_semaphore, #tpu.memory_space<semaphore_mem>>) src(%dma_wait3A_227 : memref<10000x128xf32, #tpu.memory_space<hbm>>) dst(%arg11 : memref<125x128xf32, #tpu.memory_space<vmem>>)
      %run_scoped3A_228 = arith.constant 2 : i32
      "tpu.region"() ({
        %run_scoped3A_297 = tpu.sem_alloc : memref<!tpu.dma_semaphore, #tpu.memory_space<semaphore_mem>>
        %dma_start3A_298 = arith.constant 0 : i32
        %dma_start3A_299 = tpu.memref_slice %arg10[%run_scoped3A_228, %dma_start3A_298] : memref<8x125xi32, #tpu.memory_space<vmem>> -> memref<1x125xi32, #tpu.memory_space<vmem>>
        %dma_start3A_300 = tpu.memref_squeeze %dma_start3A_299 : memref<1x125xi32, #tpu.memory_space<vmem>> -> memref<125xi32, #tpu.memory_space<vmem>>
        %dma_start3A_301 = arith.constant 0 : i32
        %dma_start3A_302 = arith.constant 0 : i32
        %dma_start3A_303 = tpu.memref_slice %arg13[%dma_start3A_301, %dma_start3A_302] : memref<10240x128xf32, #tpu.memory_space<vmem_shared>> -> memref<10240x128xf32, #tpu.memory_space<vmem_shared>>
        tpu.enqueue_indirect_dma source(%arg11 : memref<125x128xf32, #tpu.memory_space<vmem>>) target(%dma_start3A_303 : memref<10240x128xf32, #tpu.memory_space<vmem_shared>>) offsets(%dma_start3A_300 : memref<125xi32, #tpu.memory_space<vmem>>) semaphore(%run_scoped3A_297 : memref<!tpu.dma_semaphore, #tpu.memory_space<semaphore_mem>>) {add = true}
        %dma_wait3A_304 = arith.constant 0 : i32
        %dma_wait3A_305 = tpu.memref_slice %arg10[%run_scoped3A_228, %dma_wait3A_304] : memref<8x125xi32, #tpu.memory_space<vmem>> -> memref<1x125xi32, #tpu.memory_space<vmem>>
        %dma_wait3A_306 = tpu.memref_squeeze %dma_wait3A_305 : memref<1x125xi32, #tpu.memory_space<vmem>> -> memref<125xi32, #tpu.memory_space<vmem>>
        %dma_wait3A_307 = arith.constant 0 : i32
        %dma_wait3A_308 = arith.constant 0 : i32
        %dma_wait3A_309 = tpu.memref_slice %arg13[%dma_wait3A_307, %dma_wait3A_308] : memref<10240x128xf32, #tpu.memory_space<vmem_shared>> -> memref<10240x128xf32, #tpu.memory_space<vmem_shared>>
        tpu.wait_indirect_dma semaphore(%run_scoped3A_297 : memref<!tpu.dma_semaphore, #tpu.memory_space<semaphore_mem>>) src(%arg11 : memref<125x128xf32, #tpu.memory_space<vmem>>) dst(%dma_wait3A_309 : memref<10240x128xf32, #tpu.memory_space<vmem_shared>>)
        tpu.yield
      }) : () -> ()
      %dma_start3A_229 = arith.constant 4 : i32
      %dma_start3A_230 = arith.constant 0 : i32
      %dma_start3A_231 = tpu.memref_slice %arg9[%dma_start3A_229, %dma_start3A_230] : memref<8x125xi32, #tpu.memory_space<vmem>> -> memref<1x125xi32, #tpu.memory_space<vmem>>
      %dma_start3A_232 = tpu.memref_squeeze %dma_start3A_231 : memref<1x125xi32, #tpu.memory_space<vmem>> -> memref<125xi32, #tpu.memory_space<vmem>>
      %dma_start3A_233 = arith.constant 0 : i32
      %dma_start3A_234 = arith.constant 0 : i32
      %dma_start3A_235 = tpu.memref_slice %arg2[%dma_start3A_233, %dma_start3A_234] : memref<10000x128xf32, #tpu.memory_space<hbm>> -> memref<10000x128xf32, #tpu.memory_space<hbm>>
      tpu.enqueue_indirect_dma source(%dma_start3A_235 : memref<10000x128xf32, #tpu.memory_space<hbm>>) target(%arg11 : memref<125x128xf32, #tpu.memory_space<vmem>>) offsets(%dma_start3A_232 : memref<125xi32, #tpu.memory_space<vmem>>) semaphore(%arg14 : memref<!tpu.dma_semaphore, #tpu.memory_space<semaphore_mem>>)
      %dma_wait3A_236 = arith.constant 0 : i32
      %dma_wait3A_237 = arith.constant 0 : i32
      %dma_wait3A_238 = tpu.memref_slice %arg9[%dma_wait3A_236, %dma_wait3A_237] : memref<8x125xi32, #tpu.memory_space<vmem>> -> memref<1x125xi32, #tpu.memory_space<vmem>>
      %dma_wait3A_239 = tpu.memref_squeeze %dma_wait3A_238 : memref<1x125xi32, #tpu.memory_space<vmem>> -> memref<125xi32, #tpu.memory_space<vmem>>
      %dma_wait3A_240 = arith.constant 0 : i32
      %dma_wait3A_241 = arith.constant 0 : i32
      %dma_wait3A_242 = tpu.memref_slice %arg2[%dma_wait3A_240, %dma_wait3A_241] : memref<10000x128xf32, #tpu.memory_space<hbm>> -> memref<10000x128xf32, #tpu.memory_space<hbm>>
      tpu.wait_indirect_dma semaphore(%arg15 : memref<!tpu.dma_semaphore, #tpu.memory_space<semaphore_mem>>) src(%dma_wait3A_242 : memref<10000x128xf32, #tpu.memory_space<hbm>>) dst(%arg12 : memref<125x128xf32, #tpu.memory_space<vmem>>)
      %run_scoped3A_243 = arith.constant 3 : i32
      "tpu.region"() ({
        %run_scoped3A_297 = tpu.sem_alloc : memref<!tpu.dma_semaphore, #tpu.memory_space<semaphore_mem>>
        %dma_start3A_298 = arith.constant 0 : i32
        %dma_start3A_299 = tpu.memref_slice %arg10[%run_scoped3A_243, %dma_start3A_298] : memref<8x125xi32, #tpu.memory_space<vmem>> -> memref<1x125xi32, #tpu.memory_space<vmem>>
        %dma_start3A_300 = tpu.memref_squeeze %dma_start3A_299 : memref<1x125xi32, #tpu.memory_space<vmem>> -> memref<125xi32, #tpu.memory_space<vmem>>
        %dma_start3A_301 = arith.constant 0 : i32
        %dma_start3A_302 = arith.constant 0 : i32
        %dma_start3A_303 = tpu.memref_slice %arg13[%dma_start3A_301, %dma_start3A_302] : memref<10240x128xf32, #tpu.memory_space<vmem_shared>> -> memref<10240x128xf32, #tpu.memory_space<vmem_shared>>
        tpu.enqueue_indirect_dma source(%arg12 : memref<125x128xf32, #tpu.memory_space<vmem>>) target(%dma_start3A_303 : memref<10240x128xf32, #tpu.memory_space<vmem_shared>>) offsets(%dma_start3A_300 : memref<125xi32, #tpu.memory_space<vmem>>) semaphore(%run_scoped3A_297 : memref<!tpu.dma_semaphore, #tpu.memory_space<semaphore_mem>>) {add = true}
        %dma_wait3A_304 = arith.constant 0 : i32
        %dma_wait3A_305 = tpu.memref_slice %arg10[%run_scoped3A_243, %dma_wait3A_304] : memref<8x125xi32, #tpu.memory_space<vmem>> -> memref<1x125xi32, #tpu.memory_space<vmem>>
        %dma_wait3A_306 = tpu.memref_squeeze %dma_wait3A_305 : memref<1x125xi32, #tpu.memory_space<vmem>> -> memref<125xi32, #tpu.memory_space<vmem>>
        %dma_wait3A_307 = arith.constant 0 : i32
        %dma_wait3A_308 = arith.constant 0 : i32
        %dma_wait3A_309 = tpu.memref_slice %arg13[%dma_wait3A_307, %dma_wait3A_308] : memref<10240x128xf32, #tpu.memory_space<vmem_shared>> -> memref<10240x128xf32, #tpu.memory_space<vmem_shared>>
        tpu.wait_indirect_dma semaphore(%run_scoped3A_297 : memref<!tpu.dma_semaphore, #tpu.memory_space<semaphore_mem>>) src(%arg12 : memref<125x128xf32, #tpu.memory_space<vmem>>) dst(%dma_wait3A_309 : memref<10240x128xf32, #tpu.memory_space<vmem_shared>>)
        tpu.yield
      }) : () -> ()
      %dma_start3A_244 = arith.constant 5 : i32
      %dma_start3A_245 = arith.constant 0 : i32
      %dma_start3A_246 = tpu.memref_slice %arg9[%dma_start3A_244, %dma_start3A_245] : memref<8x125xi32, #tpu.memory_space<vmem>> -> memref<1x125xi32, #tpu.memory_space<vmem>>
      %dma_start3A_247 = tpu.memref_squeeze %dma_start3A_246 : memref<1x125xi32, #tpu.memory_space<vmem>> -> memref<125xi32, #tpu.memory_space<vmem>>
      %dma_start3A_248 = arith.constant 0 : i32
      %dma_start3A_249 = arith.constant 0 : i32
      %dma_start3A_250 = tpu.memref_slice %arg2[%dma_start3A_248, %dma_start3A_249] : memref<10000x128xf32, #tpu.memory_space<hbm>> -> memref<10000x128xf32, #tpu.memory_space<hbm>>
      tpu.enqueue_indirect_dma source(%dma_start3A_250 : memref<10000x128xf32, #tpu.memory_space<hbm>>) target(%arg12 : memref<125x128xf32, #tpu.memory_space<vmem>>) offsets(%dma_start3A_247 : memref<125xi32, #tpu.memory_space<vmem>>) semaphore(%arg15 : memref<!tpu.dma_semaphore, #tpu.memory_space<semaphore_mem>>)
      %dma_wait3A_251 = arith.constant 0 : i32
      %dma_wait3A_252 = arith.constant 0 : i32
      %dma_wait3A_253 = tpu.memref_slice %arg9[%dma_wait3A_251, %dma_wait3A_252] : memref<8x125xi32, #tpu.memory_space<vmem>> -> memref<1x125xi32, #tpu.memory_space<vmem>>
      %dma_wait3A_254 = tpu.memref_squeeze %dma_wait3A_253 : memref<1x125xi32, #tpu.memory_space<vmem>> -> memref<125xi32, #tpu.memory_space<vmem>>
      %dma_wait3A_255 = arith.constant 0 : i32
      %dma_wait3A_256 = arith.constant 0 : i32
      %dma_wait3A_257 = tpu.memref_slice %arg2[%dma_wait3A_255, %dma_wait3A_256] : memref<10000x128xf32, #tpu.memory_space<hbm>> -> memref<10000x128xf32, #tpu.memory_space<hbm>>
      tpu.wait_indirect_dma semaphore(%arg14 : memref<!tpu.dma_semaphore, #tpu.memory_space<semaphore_mem>>) src(%dma_wait3A_257 : memref<10000x128xf32, #tpu.memory_space<hbm>>) dst(%arg11 : memref<125x128xf32, #tpu.memory_space<vmem>>)
      %run_scoped3A_258 = arith.constant 4 : i32
      "tpu.region"() ({
        %run_scoped3A_297 = tpu.sem_alloc : memref<!tpu.dma_semaphore, #tpu.memory_space<semaphore_mem>>
        %dma_start3A_298 = arith.constant 0 : i32
        %dma_start3A_299 = tpu.memref_slice %arg10[%run_scoped3A_258, %dma_start3A_298] : memref<8x125xi32, #tpu.memory_space<vmem>> -> memref<1x125xi32, #tpu.memory_space<vmem>>
        %dma_start3A_300 = tpu.memref_squeeze %dma_start3A_299 : memref<1x125xi32, #tpu.memory_space<vmem>> -> memref<125xi32, #tpu.memory_space<vmem>>
        %dma_start3A_301 = arith.constant 0 : i32
        %dma_start3A_302 = arith.constant 0 : i32
        %dma_start3A_303 = tpu.memref_slice %arg13[%dma_start3A_301, %dma_start3A_302] : memref<10240x128xf32, #tpu.memory_space<vmem_shared>> -> memref<10240x128xf32, #tpu.memory_space<vmem_shared>>
        tpu.enqueue_indirect_dma source(%arg11 : memref<125x128xf32, #tpu.memory_space<vmem>>) target(%dma_start3A_303 : memref<10240x128xf32, #tpu.memory_space<vmem_shared>>) offsets(%dma_start3A_300 : memref<125xi32, #tpu.memory_space<vmem>>) semaphore(%run_scoped3A_297 : memref<!tpu.dma_semaphore, #tpu.memory_space<semaphore_mem>>) {add = true}
        %dma_wait3A_304 = arith.constant 0 : i32
        %dma_wait3A_305 = tpu.memref_slice %arg10[%run_scoped3A_258, %dma_wait3A_304] : memref<8x125xi32, #tpu.memory_space<vmem>> -> memref<1x125xi32, #tpu.memory_space<vmem>>
        %dma_wait3A_306 = tpu.memref_squeeze %dma_wait3A_305 : memref<1x125xi32, #tpu.memory_space<vmem>> -> memref<125xi32, #tpu.memory_space<vmem>>
        %dma_wait3A_307 = arith.constant 0 : i32
        %dma_wait3A_308 = arith.constant 0 : i32
        %dma_wait3A_309 = tpu.memref_slice %arg13[%dma_wait3A_307, %dma_wait3A_308] : memref<10240x128xf32, #tpu.memory_space<vmem_shared>> -> memref<10240x128xf32, #tpu.memory_space<vmem_shared>>
        tpu.wait_indirect_dma semaphore(%run_scoped3A_297 : memref<!tpu.dma_semaphore, #tpu.memory_space<semaphore_mem>>) src(%arg11 : memref<125x128xf32, #tpu.memory_space<vmem>>) dst(%dma_wait3A_309 : memref<10240x128xf32, #tpu.memory_space<vmem_shared>>)
        tpu.yield
      }) : () -> ()
      %dma_start3A_259 = arith.constant 6 : i32
      %dma_start3A_260 = arith.constant 0 : i32
      %dma_start3A_261 = tpu.memref_slice %arg9[%dma_start3A_259, %dma_start3A_260] : memref<8x125xi32, #tpu.memory_space<vmem>> -> memref<1x125xi32, #tpu.memory_space<vmem>>
      %dma_start3A_262 = tpu.memref_squeeze %dma_start3A_261 : memref<1x125xi32, #tpu.memory_space<vmem>> -> memref<125xi32, #tpu.memory_space<vmem>>
      %dma_start3A_263 = arith.constant 0 : i32
      %dma_start3A_264 = arith.constant 0 : i32
      %dma_start3A_265 = tpu.memref_slice %arg2[%dma_start3A_263, %dma_start3A_264] : memref<10000x128xf32, #tpu.memory_space<hbm>> -> memref<10000x128xf32, #tpu.memory_space<hbm>>
      tpu.enqueue_indirect_dma source(%dma_start3A_265 : memref<10000x128xf32, #tpu.memory_space<hbm>>) target(%arg11 : memref<125x128xf32, #tpu.memory_space<vmem>>) offsets(%dma_start3A_262 : memref<125xi32, #tpu.memory_space<vmem>>) semaphore(%arg14 : memref<!tpu.dma_semaphore, #tpu.memory_space<semaphore_mem>>)
      %dma_wait3A_266 = arith.constant 0 : i32
      %dma_wait3A_267 = arith.constant 0 : i32
      %dma_wait3A_268 = tpu.memref_slice %arg9[%dma_wait3A_266, %dma_wait3A_267] : memref<8x125xi32, #tpu.memory_space<vmem>> -> memref<1x125xi32, #tpu.memory_space<vmem>>
      %dma_wait3A_269 = tpu.memref_squeeze %dma_wait3A_268 : memref<1x125xi32, #tpu.memory_space<vmem>> -> memref<125xi32, #tpu.memory_space<vmem>>
      %dma_wait3A_270 = arith.constant 0 : i32
      %dma_wait3A_271 = arith.constant 0 : i32
      %dma_wait3A_272 = tpu.memref_slice %arg2[%dma_wait3A_270, %dma_wait3A_271] : memref<10000x128xf32, #tpu.memory_space<hbm>> -> memref<10000x128xf32, #tpu.memory_space<hbm>>
      tpu.wait_indirect_dma semaphore(%arg15 : memref<!tpu.dma_semaphore, #tpu.memory_space<semaphore_mem>>) src(%dma_wait3A_272 : memref<10000x128xf32, #tpu.memory_space<hbm>>) dst(%arg12 : memref<125x128xf32, #tpu.memory_space<vmem>>)
      %run_scoped3A_273 = arith.constant 5 : i32
      "tpu.region"() ({
        %run_scoped3A_297 = tpu.sem_alloc : memref<!tpu.dma_semaphore, #tpu.memory_space<semaphore_mem>>
        %dma_start3A_298 = arith.constant 0 : i32
        %dma_start3A_299 = tpu.memref_slice %arg10[%run_scoped3A_273, %dma_start3A_298] : memref<8x125xi32, #tpu.memory_space<vmem>> -> memref<1x125xi32, #tpu.memory_space<vmem>>
        %dma_start3A_300 = tpu.memref_squeeze %dma_start3A_299 : memref<1x125xi32, #tpu.memory_space<vmem>> -> memref<125xi32, #tpu.memory_space<vmem>>
        %dma_start3A_301 = arith.constant 0 : i32
        %dma_start3A_302 = arith.constant 0 : i32
        %dma_start3A_303 = tpu.memref_slice %arg13[%dma_start3A_301, %dma_start3A_302] : memref<10240x128xf32, #tpu.memory_space<vmem_shared>> -> memref<10240x128xf32, #tpu.memory_space<vmem_shared>>
        tpu.enqueue_indirect_dma source(%arg12 : memref<125x128xf32, #tpu.memory_space<vmem>>) target(%dma_start3A_303 : memref<10240x128xf32, #tpu.memory_space<vmem_shared>>) offsets(%dma_start3A_300 : memref<125xi32, #tpu.memory_space<vmem>>) semaphore(%run_scoped3A_297 : memref<!tpu.dma_semaphore, #tpu.memory_space<semaphore_mem>>) {add = true}
        %dma_wait3A_304 = arith.constant 0 : i32
        %dma_wait3A_305 = tpu.memref_slice %arg10[%run_scoped3A_273, %dma_wait3A_304] : memref<8x125xi32, #tpu.memory_space<vmem>> -> memref<1x125xi32, #tpu.memory_space<vmem>>
        %dma_wait3A_306 = tpu.memref_squeeze %dma_wait3A_305 : memref<1x125xi32, #tpu.memory_space<vmem>> -> memref<125xi32, #tpu.memory_space<vmem>>
        %dma_wait3A_307 = arith.constant 0 : i32
        %dma_wait3A_308 = arith.constant 0 : i32
        %dma_wait3A_309 = tpu.memref_slice %arg13[%dma_wait3A_307, %dma_wait3A_308] : memref<10240x128xf32, #tpu.memory_space<vmem_shared>> -> memref<10240x128xf32, #tpu.memory_space<vmem_shared>>
        tpu.wait_indirect_dma semaphore(%run_scoped3A_297 : memref<!tpu.dma_semaphore, #tpu.memory_space<semaphore_mem>>) src(%arg12 : memref<125x128xf32, #tpu.memory_space<vmem>>) dst(%dma_wait3A_309 : memref<10240x128xf32, #tpu.memory_space<vmem_shared>>)
        tpu.yield
      }) : () -> ()
      %dma_start3A_274 = arith.constant 7 : i32
      %dma_start3A_275 = arith.constant 0 : i32
      %dma_start3A_276 = tpu.memref_slice %arg9[%dma_start3A_274, %dma_start3A_275] : memref<8x125xi32, #tpu.memory_space<vmem>> -> memref<1x125xi32, #tpu.memory_space<vmem>>
      %dma_start3A_277 = tpu.memref_squeeze %dma_start3A_276 : memref<1x125xi32, #tpu.memory_space<vmem>> -> memref<125xi32, #tpu.memory_space<vmem>>
      %dma_start3A_278 = arith.constant 0 : i32
      %dma_start3A_279 = arith.constant 0 : i32
      %dma_start3A_280 = tpu.memref_slice %arg2[%dma_start3A_278, %dma_start3A_279] : memref<10000x128xf32, #tpu.memory_space<hbm>> -> memref<10000x128xf32, #tpu.memory_space<hbm>>
      tpu.enqueue_indirect_dma source(%dma_start3A_280 : memref<10000x128xf32, #tpu.memory_space<hbm>>) target(%arg12 : memref<125x128xf32, #tpu.memory_space<vmem>>) offsets(%dma_start3A_277 : memref<125xi32, #tpu.memory_space<vmem>>) semaphore(%arg15 : memref<!tpu.dma_semaphore, #tpu.memory_space<semaphore_mem>>)
      %dma_wait3A_281 = arith.constant 0 : i32
      %dma_wait3A_282 = arith.constant 0 : i32
      %dma_wait3A_283 = tpu.memref_slice %arg9[%dma_wait3A_281, %dma_wait3A_282] : memref<8x125xi32, #tpu.memory_space<vmem>> -> memref<1x125xi32, #tpu.memory_space<vmem>>
      %dma_wait3A_284 = tpu.memref_squeeze %dma_wait3A_283 : memref<1x125xi32, #tpu.memory_space<vmem>> -> memref<125xi32, #tpu.memory_space<vmem>>
      %dma_wait3A_285 = arith.constant 0 : i32
      %dma_wait3A_286 = arith.constant 0 : i32
      %dma_wait3A_287 = tpu.memref_slice %arg2[%dma_wait3A_285, %dma_wait3A_286] : memref<10000x128xf32, #tpu.memory_space<hbm>> -> memref<10000x128xf32, #tpu.memory_space<hbm>>
      tpu.wait_indirect_dma semaphore(%arg14 : memref<!tpu.dma_semaphore, #tpu.memory_space<semaphore_mem>>) src(%dma_wait3A_287 : memref<10000x128xf32, #tpu.memory_space<hbm>>) dst(%arg11 : memref<125x128xf32, #tpu.memory_space<vmem>>)
      %run_scoped3A_288 = arith.constant 6 : i32
      "tpu.region"() ({
        %run_scoped3A_297 = tpu.sem_alloc : memref<!tpu.dma_semaphore, #tpu.memory_space<semaphore_mem>>
        %dma_start3A_298 = arith.constant 0 : i32
        %dma_start3A_299 = tpu.memref_slice %arg10[%run_scoped3A_288, %dma_start3A_298] : memref<8x125xi32, #tpu.memory_space<vmem>> -> memref<1x125xi32, #tpu.memory_space<vmem>>
        %dma_start3A_300 = tpu.memref_squeeze %dma_start3A_299 : memref<1x125xi32, #tpu.memory_space<vmem>> -> memref<125xi32, #tpu.memory_space<vmem>>
        %dma_start3A_301 = arith.constant 0 : i32
        %dma_start3A_302 = arith.constant 0 : i32
        %dma_start3A_303 = tpu.memref_slice %arg13[%dma_start3A_301, %dma_start3A_302] : memref<10240x128xf32, #tpu.memory_space<vmem_shared>> -> memref<10240x128xf32, #tpu.memory_space<vmem_shared>>
        tpu.enqueue_indirect_dma source(%arg11 : memref<125x128xf32, #tpu.memory_space<vmem>>) target(%dma_start3A_303 : memref<10240x128xf32, #tpu.memory_space<vmem_shared>>) offsets(%dma_start3A_300 : memref<125xi32, #tpu.memory_space<vmem>>) semaphore(%run_scoped3A_297 : memref<!tpu.dma_semaphore, #tpu.memory_space<semaphore_mem>>) {add = true}
        %dma_wait3A_304 = arith.constant 0 : i32
        %dma_wait3A_305 = tpu.memref_slice %arg10[%run_scoped3A_288, %dma_wait3A_304] : memref<8x125xi32, #tpu.memory_space<vmem>> -> memref<1x125xi32, #tpu.memory_space<vmem>>
        %dma_wait3A_306 = tpu.memref_squeeze %dma_wait3A_305 : memref<1x125xi32, #tpu.memory_space<vmem>> -> memref<125xi32, #tpu.memory_space<vmem>>
        %dma_wait3A_307 = arith.constant 0 : i32
        %dma_wait3A_308 = arith.constant 0 : i32
        %dma_wait3A_309 = tpu.memref_slice %arg13[%dma_wait3A_307, %dma_wait3A_308] : memref<10240x128xf32, #tpu.memory_space<vmem_shared>> -> memref<10240x128xf32, #tpu.memory_space<vmem_shared>>
        tpu.wait_indirect_dma semaphore(%run_scoped3A_297 : memref<!tpu.dma_semaphore, #tpu.memory_space<semaphore_mem>>) src(%arg11 : memref<125x128xf32, #tpu.memory_space<vmem>>) dst(%dma_wait3A_309 : memref<10240x128xf32, #tpu.memory_space<vmem_shared>>)
        tpu.yield
      }) : () -> ()
      %dma_wait3A_289 = arith.constant 0 : i32
      %dma_wait3A_290 = arith.constant 0 : i32
      %dma_wait3A_291 = tpu.memref_slice %arg9[%dma_wait3A_289, %dma_wait3A_290] : memref<8x125xi32, #tpu.memory_space<vmem>> -> memref<1x125xi32, #tpu.memory_space<vmem>>
      %dma_wait3A_292 = tpu.memref_squeeze %dma_wait3A_291 : memref<1x125xi32, #tpu.memory_space<vmem>> -> memref<125xi32, #tpu.memory_space<vmem>>
      %dma_wait3A_293 = arith.constant 0 : i32
      %dma_wait3A_294 = arith.constant 0 : i32
      %dma_wait3A_295 = tpu.memref_slice %arg2[%dma_wait3A_293, %dma_wait3A_294] : memref<10000x128xf32, #tpu.memory_space<hbm>> -> memref<10000x128xf32, #tpu.memory_space<hbm>>
      tpu.wait_indirect_dma semaphore(%arg15 : memref<!tpu.dma_semaphore, #tpu.memory_space<semaphore_mem>>) src(%dma_wait3A_295 : memref<10000x128xf32, #tpu.memory_space<hbm>>) dst(%arg12 : memref<125x128xf32, #tpu.memory_space<vmem>>)
      %run_scoped3A_296 = arith.constant 7 : i32
      "tpu.region"() ({
        %run_scoped3A_297 = tpu.sem_alloc : memref<!tpu.dma_semaphore, #tpu.memory_space<semaphore_mem>>
        %dma_start3A_298 = arith.constant 0 : i32
        %dma_start3A_299 = tpu.memref_slice %arg10[%run_scoped3A_296, %dma_start3A_298] : memref<8x125xi32, #tpu.memory_space<vmem>> -> memref<1x125xi32, #tpu.memory_space<vmem>>
        %dma_start3A_300 = tpu.memref_squeeze %dma_start3A_299 : memref<1x125xi32, #tpu.memory_space<vmem>> -> memref<125xi32, #tpu.memory_space<vmem>>
        %dma_start3A_301 = arith.constant 0 : i32
        %dma_start3A_302 = arith.constant 0 : i32
        %dma_start3A_303 = tpu.memref_slice %arg13[%dma_start3A_301, %dma_start3A_302] : memref<10240x128xf32, #tpu.memory_space<vmem_shared>> -> memref<10240x128xf32, #tpu.memory_space<vmem_shared>>
        tpu.enqueue_indirect_dma source(%arg12 : memref<125x128xf32, #tpu.memory_space<vmem>>) target(%dma_start3A_303 : memref<10240x128xf32, #tpu.memory_space<vmem_shared>>) offsets(%dma_start3A_300 : memref<125xi32, #tpu.memory_space<vmem>>) semaphore(%run_scoped3A_297 : memref<!tpu.dma_semaphore, #tpu.memory_space<semaphore_mem>>) {add = true}
        %dma_wait3A_304 = arith.constant 0 : i32
        %dma_wait3A_305 = tpu.memref_slice %arg10[%run_scoped3A_296, %dma_wait3A_304] : memref<8x125xi32, #tpu.memory_space<vmem>> -> memref<1x125xi32, #tpu.memory_space<vmem>>
        %dma_wait3A_306 = tpu.memref_squeeze %dma_wait3A_305 : memref<1x125xi32, #tpu.memory_space<vmem>> -> memref<125xi32, #tpu.memory_space<vmem>>
        %dma_wait3A_307 = arith.constant 0 : i32
        %dma_wait3A_308 = arith.constant 0 : i32
        %dma_wait3A_309 = tpu.memref_slice %arg13[%dma_wait3A_307, %dma_wait3A_308] : memref<10240x128xf32, #tpu.memory_space<vmem_shared>> -> memref<10240x128xf32, #tpu.memory_space<vmem_shared>>
        tpu.wait_indirect_dma semaphore(%run_scoped3A_297 : memref<!tpu.dma_semaphore, #tpu.memory_space<semaphore_mem>>) src(%arg12 : memref<125x128xf32, #tpu.memory_space<vmem>>) dst(%dma_wait3A_309 : memref<10240x128xf32, #tpu.memory_space<vmem_shared>>)
        tpu.yield
      }) : () -> ()
    }
    %scan3A_16 = arith.constant 5 : i32
    %barrier3A_17 = arith.constant 0 : index
    tpu.barrier barrier_id(%barrier3A_17)
    %mul3A_18 = arith.constant 640 : i32
    %mul3A_19 = arith.muli %arg1, %mul3A_18 : i32
    %mul3A_20 = arith.constant 10240 : i32
    %mul3A_21 = arith.muli %arg0, %mul3A_20 : i32
    %mul3A_22 = arith.constant 640 : i32
    %mul3A_23 = arith.muli %arg1, %mul3A_22 : i32
    %add3A_24 = arith.addi %mul3A_21, %mul3A_23 : i32
    "tpu.region"() ({
      %run_scoped3A = tpu.sem_alloc : memref<!tpu.dma_semaphore, #tpu.memory_space<semaphore_mem>>
      %dma_start3A_25 = arith.constant 0 : i32
      %dma_start3A_26 = tpu.memref_slice %arg6[%add3A_24, %dma_start3A_25] : memref<20480x128xf32, #tpu.memory_space<hbm>> -> memref<640x128xf32, #tpu.memory_space<hbm>>
      %dma_start3A_27 = arith.constant 0 : i32
      %dma_start3A_28 = tpu.memref_slice %arg13[%mul3A_19, %dma_start3A_27] : memref<10240x128xf32, #tpu.memory_space<vmem_shared>> -> memref<640x128xf32, #tpu.memory_space<vmem_shared>>
      tpu.enqueue_dma source(%dma_start3A_28 : memref<640x128xf32, #tpu.memory_space<vmem_shared>>) target(%dma_start3A_26 : memref<640x128xf32, #tpu.memory_space<hbm>>) target_semaphore(%run_scoped3A : memref<!tpu.dma_semaphore, #tpu.memory_space<semaphore_mem>>)
      %dma_wait3A = arith.constant 0 : i32
      %dma_wait3A_29 = tpu.memref_slice %arg6[%add3A_24, %dma_wait3A] : memref<20480x128xf32, #tpu.memory_space<hbm>> -> memref<640x128xf32, #tpu.memory_space<hbm>>
      %dma_wait3A_30 = arith.constant 0 : i32
      %dma_wait3A_31 = tpu.memref_slice %arg13[%mul3A_19, %dma_wait3A_30] : memref<10240x128xf32, #tpu.memory_space<vmem_shared>> -> memref<640x128xf32, #tpu.memory_space<vmem_shared>>
      tpu.wait_dma2 semaphore(%run_scoped3A : memref<!tpu.dma_semaphore, #tpu.memory_space<semaphore_mem>>) src(%dma_wait3A_31 : memref<640x128xf32, #tpu.memory_space<vmem_shared>>) dst(%dma_wait3A_29 : memref<640x128xf32, #tpu.memory_space<hbm>>)
      tpu.yield
    }) : () -> ()
    return
  }
}

module attributes {stable_mosaic.version = 14 : i64} {
  func.func @_conv_body(%arg0: i32, %arg1: memref<2000x128xf32, #tpu.memory_space<vmem>>, %arg2: memref<2000x128xf32, #tpu.memory_space<vmem>>, %arg3: memref<2000x128xf32, #tpu.memory_space<vmem>>, %arg4: memref<128x128xf32, #tpu.memory_space<vmem>>, %arg5: memref<128x128xf32, #tpu.memory_space<vmem>>, %arg6: memref<1x128xf32, #tpu.memory_space<vmem>>, %arg7: memref<2000x128xf32, #tpu.memory_space<vmem>>) attributes {dimension_semantics = [#tpu.dimension_semantics<arbitrary>], iteration_bounds = array<i64: 5>, scalar_prefetch = 0 : i64, scratch_operands = 0 : i64, tpu.core_type = #tpu.core_type<tc>, window_params = [{transform_indices = @transform_0, window_bounds = array<i64: 2000, 128>}, {transform_indices = @transform_1, window_bounds = array<i64: 2000, 128>}, {transform_indices = @transform_2, window_bounds = array<i64: 2000, 128>}, {pipeline_mode = #tpu.pipeline_mode<synchronous>, transform_indices = @transform_3, window_bounds = array<i64: 128, 128>}, {pipeline_mode = #tpu.pipeline_mode<synchronous>, transform_indices = @transform_4, window_bounds = array<i64: 128, 128>}, {pipeline_mode = #tpu.pipeline_mode<synchronous>, transform_indices = @transform_5, window_bounds = array<i64: 1, 128>}, {transform_indices = @transform_6, window_bounds = array<i64: 2000, 128>}]} {
    %get3A = arith.constant 0 : index
    %get3A_0 = arith.constant 0 : index
    %get3A_1 = vector.load %arg1[%get3A, %get3A_0] : memref<2000x128xf32, #tpu.memory_space<vmem>>, vector<2000x128xf32>
    %get3A_2 = arith.constant 0 : index
    %get3A_3 = arith.constant 0 : index
    %get3A_4 = vector.load %arg2[%get3A_2, %get3A_3] : memref<2000x128xf32, #tpu.memory_space<vmem>>, vector<2000x128xf32>
    %add3A = arith.addf %get3A_1, %get3A_4 : vector<2000x128xf32>
    %get3A_5 = arith.constant 0 : index
    %get3A_6 = arith.constant 0 : index
    %get3A_7 = vector.load %arg4[%get3A_5, %get3A_6] : memref<128x128xf32, #tpu.memory_space<vmem>>, vector<128x128xf32>
    %dot_general3A = arith.constant dense<0.000000e+00> : vector<2000x128xf32>
    %dot_general3A_8 = tpu.matmul %add3A, %get3A_7, %dot_general3A {dimension_numbers = #tpu.dot_dimension_numbers<[1], [0], [0], [1], [0, 0, 1, 1], [], []>, precision = #tpu.contract_precision<fp32>, transpose_lhs_hint = false} : vector<2000x128xf32>, vector<128x128xf32>, vector<2000x128xf32> -> vector<2000x128xf32>
    %get3A_9 = arith.constant 0 : index
    %get3A_10 = arith.constant 0 : index
    %get3A_11 = vector.load %arg6[%get3A_9, %get3A_10] : memref<1x128xf32, #tpu.memory_space<vmem>>, vector<1x128xf32>
    %add3A_12 = vector.broadcast %get3A_11 : vector<1x128xf32> to vector<2000x128xf32>
    %add3A_13 = arith.addf %dot_general3A_8, %add3A_12 : vector<2000x128xf32>
    %get3A_14 = arith.constant 0 : index
    %get3A_15 = arith.constant 0 : index
    %get3A_16 = vector.load %arg3[%get3A_14, %get3A_15] : memref<2000x128xf32, #tpu.memory_space<vmem>>, vector<2000x128xf32>
    %get3A_17 = arith.constant 0 : index
    %get3A_18 = arith.constant 0 : index
    %get3A_19 = vector.load %arg5[%get3A_17, %get3A_18] : memref<128x128xf32, #tpu.memory_space<vmem>>, vector<128x128xf32>
    %dot_general3A_20 = arith.constant dense<0.000000e+00> : vector<2000x128xf32>
    %dot_general3A_21 = tpu.matmul %get3A_16, %get3A_19, %dot_general3A_20 {dimension_numbers = #tpu.dot_dimension_numbers<[1], [0], [0], [1], [0, 0, 1, 1], [], []>, precision = #tpu.contract_precision<fp32>, transpose_lhs_hint = false} : vector<2000x128xf32>, vector<128x128xf32>, vector<2000x128xf32> -> vector<2000x128xf32>
    %add3A_22 = arith.addf %add3A_13, %dot_general3A_21 : vector<2000x128xf32>
    %max3A = arith.constant 0.000000e+00 : f32
    %max3A_23 = vector.broadcast %max3A : f32 to vector<2000x128xf32>
    %max3A_24 = arith.maximumf %add3A_22, %max3A_23 : vector<2000x128xf32>
    %swap3A = arith.constant 0 : index
    %swap3A_25 = arith.constant 0 : index
    %swap3A_26 = vector.load %arg7[%swap3A, %swap3A_25] : memref<2000x128xf32, #tpu.memory_space<vmem>>, vector<2000x128xf32>
    tpu.vector_store %arg7[%swap3A, %swap3A_25], %max3A_24 {strides = array<i32>} : memref<2000x128xf32, #tpu.memory_space<vmem>>, vector<2000x128xf32>,
    return
  }
  func.func @transform_0(%arg0: i32) -> (i32, i32) {
    %c0_i32 = arith.constant 0 : i32
    %c0_i32_0 = arith.constant 0 : i32
    return %arg0, %c0_i32 : i32, i32
  }
  func.func @transform_1(%arg0: i32) -> (i32, i32) {
    %c0_i32 = arith.constant 0 : i32
    %c0_i32_0 = arith.constant 0 : i32
    return %arg0, %c0_i32 : i32, i32
  }
  func.func @transform_2(%arg0: i32) -> (i32, i32) {
    %c0_i32 = arith.constant 0 : i32
    %c0_i32_0 = arith.constant 0 : i32
    return %arg0, %c0_i32 : i32, i32
  }
  func.func @transform_3(%arg0: i32) -> (i32, i32) {
    %c0_i32 = arith.constant 0 : i32
    %c0_i32_0 = arith.constant 0 : i32
    %c0_i32_1 = arith.constant 0 : i32
    return %c0_i32, %c0_i32_0 : i32, i32
  }
  func.func @transform_4(%arg0: i32) -> (i32, i32) {
    %c0_i32 = arith.constant 0 : i32
    %c0_i32_0 = arith.constant 0 : i32
    %c0_i32_1 = arith.constant 0 : i32
    return %c0_i32, %c0_i32_0 : i32, i32
  }
  func.func @transform_5(%arg0: i32) -> (i32, i32) {
    %c0_i32 = arith.constant 0 : i32
    %c0_i32_0 = arith.constant 0 : i32
    %c0_i32_1 = arith.constant 0 : i32
    return %c0_i32, %c0_i32_0 : i32, i32
  }
  func.func @transform_6(%arg0: i32) -> (i32, i32) {
    %c0_i32 = arith.constant 0 : i32
    %c0_i32_0 = arith.constant 0 : i32
    return %arg0, %c0_i32 : i32, i32
  }
}

module attributes {stable_mosaic.version = 14 : i64} {
  func.func @_s2s_body(%arg0: i32, %arg1: i32, %arg2: i32, %arg3: memref<2000x1xi32, #tpu.memory_space<vmem>>, %arg4: memref<2000x128xf32, #tpu.memory_space<vmem>>, %arg5: memref<2000x128xf32, #tpu.memory_space<vmem>>, %arg6: memref<2000x128xf32, #tpu.memory_space<vmem>>, %arg7: memref<768x1536xf32, #tpu.memory_space<vmem>>, %arg8: memref<384x1536xf32, #tpu.memory_space<vmem>>, %arg9: memref<1x1536xf32, #tpu.memory_space<vmem>>, %arg10: memref<1x1536xf32, #tpu.memory_space<vmem>>, %arg11: memref<768x128xf32, #tpu.memory_space<vmem>>, %arg12: memref<1x128xf32, #tpu.memory_space<vmem>>, %arg13: memref<128x64xf32, #tpu.memory_space<vmem>>, %arg14: memref<1x64xf32, #tpu.memory_space<vmem>>, %arg15: memref<64x10xf32, #tpu.memory_space<vmem>>, %arg16: memref<1x10xf32, #tpu.memory_space<vmem>>, %arg17: memref<64x10xf32, #tpu.memory_space<vmem>>, %arg18: memref<64x384xf32, #tpu.memory_space<vmem>>, %arg19: memref<64x384xf32, #tpu.memory_space<vmem>>, %arg20: memref<64x384xf32, #tpu.memory_space<vmem>>, %arg21: memref<64x768xf32, #tpu.memory_space<vmem>>, %arg22: memref<10000x1xf32, #tpu.memory_space<vmem>>, %arg23: memref<1x64xf32, #tpu.memory_space<vmem>>, %arg24: memref<1x64xf32, #tpu.memory_space<vmem>>, %arg25: memref<64x128xf32, #tpu.memory_space<vmem>>, %arg26: memref<64x128xf32, #tpu.memory_space<vmem>>, %arg27: memref<64x128xf32, #tpu.memory_space<vmem>>) attributes {dimension_semantics = [#tpu.dimension_semantics<arbitrary>, #tpu.dimension_semantics<arbitrary>, #tpu.dimension_semantics<arbitrary>], iteration_bounds = array<i64: 10, 3, 5>, scalar_prefetch = 0 : i64, scratch_operands = 10 : i64, tpu.core_type = #tpu.core_type<tc>, window_params = [{transform_indices = @transform_0, window_bounds = array<i64: 2000, 1>}, {transform_indices = @transform_1, window_bounds = array<i64: 2000, 128>}, {transform_indices = @transform_2, window_bounds = array<i64: 2000, 128>}, {transform_indices = @transform_3, window_bounds = array<i64: 2000, 128>}, {pipeline_mode = #tpu.pipeline_mode<synchronous>, transform_indices = @transform_4, window_bounds = array<i64: 768, 1536>}, {pipeline_mode = #tpu.pipeline_mode<synchronous>, transform_indices = @transform_5, window_bounds = array<i64: 384, 1536>}, {pipeline_mode = #tpu.pipeline_mode<synchronous>, transform_indices = @transform_6, window_bounds = array<i64: 1, 1536>}, {pipeline_mode = #tpu.pipeline_mode<synchronous>, transform_indices = @transform_7, window_bounds = array<i64: 1, 1536>}, {pipeline_mode = #tpu.pipeline_mode<synchronous>, transform_indices = @transform_8, window_bounds = array<i64: 768, 128>}, {pipeline_mode = #tpu.pipeline_mode<synchronous>, transform_indices = @transform_9, window_bounds = array<i64: 1, 128>}, {pipeline_mode = #tpu.pipeline_mode<synchronous>, transform_indices = @transform_10, window_bounds = array<i64: 128, 64>}, {pipeline_mode = #tpu.pipeline_mode<synchronous>, transform_indices = @transform_11, window_bounds = array<i64: 1, 64>}, {pipeline_mode = #tpu.pipeline_mode<synchronous>, transform_indices = @transform_12, window_bounds = array<i64: 64, 10>}, {pipeline_mode = #tpu.pipeline_mode<synchronous>, transform_indices = @transform_13, window_bounds = array<i64: 1, 10>}, {pipeline_mode = #tpu.pipeline_mode<synchronous>, transform_indices = @transform_14, window_bounds = array<i64: 64, 10>}]} {
    %get3A = arith.constant 0 : index
    %get3A_0 = arith.constant 0 : index
    %get3A_1 = vector.load %arg3[%get3A, %get3A_0] : memref<2000x1xi32, #tpu.memory_space<vmem>>, vector<2000x1xi32>
    %iota3A = tpu.iota {dimensions = array<i32: 1>} : vector<2000x64xi32>
    %eq3A = vector.broadcast %get3A_1 : vector<2000x1xi32> to vector<2000x64xi32>
    %eq3A_2 = arith.cmpi eq, %eq3A, %iota3A : vector<2000x64xi32>
    %convert_element_type3A = arith.extui %eq3A_2 : vector<2000x64xi1> to vector<2000x64xi32>
    %convert_element_type3A_3 = arith.sitofp %convert_element_type3A : vector<2000x64xi32> to vector<2000x64xf32>
    %eq3A_4 = arith.constant 0 : i32
    %eq3A_5 = arith.cmpi eq, %arg1, %eq3A_4 : i32
    %eq3A_6 = arith.constant 0 : i32
    %eq3A_7 = arith.cmpi eq, %arg2, %eq3A_6 : i32
    %and3A = arith.andi %eq3A_5, %eq3A_7 : i1
    %convert_element_type3A_8 = arith.extui %and3A : i1 to i32
    %cond3A = arith.constant 0 : i32
    %cond3A_9 = arith.cmpi ne, %convert_element_type3A_8, %cond3A : i32
    scf.if %cond3A_9 {
      %eq3A_25 = arith.constant 0 : i32
      %eq3A_26 = arith.cmpi eq, %arg0, %eq3A_25 : i32
      %convert_element_type3A_27 = arith.extui %eq3A_26 : i1 to i32
      %cond3A_28 = arith.constant 0 : i32
      %cond3A_29 = arith.cmpi ne, %convert_element_type3A_27, %cond3A_28 : i32
      scf.if %cond3A_29 {
        %broadcast_in_dim3A_114 = arith.constant 0.000000e+00 : f32
        %broadcast_in_dim3A_115 = vector.broadcast %broadcast_in_dim3A_114 : f32 to vector<64x768xf32>
        %swap3A_116 = arith.constant 0 : index
        %swap3A_117 = arith.constant 0 : index
        %swap3A_118 = vector.load %arg21[%swap3A_116, %swap3A_117] : memref<64x768xf32, #tpu.memory_space<vmem>>, vector<64x768xf32>
        tpu.vector_store %arg21[%swap3A_116, %swap3A_117], %broadcast_in_dim3A_115 {strides = array<i32>} : memref<64x768xf32, #tpu.memory_space<vmem>>, vector<64x768xf32>,
        %broadcast_in_dim3A_119 = arith.constant 0.000000e+00 : f32
        %broadcast_in_dim3A_120 = vector.broadcast %broadcast_in_dim3A_119 : f32 to vector<64x384xf32>
        %swap3A_121 = arith.constant 0 : index
        %swap3A_122 = arith.constant 0 : index
        %swap3A_123 = vector.load %arg18[%swap3A_121, %swap3A_122] : memref<64x384xf32, #tpu.memory_space<vmem>>, vector<64x384xf32>
        tpu.vector_store %arg18[%swap3A_121, %swap3A_122], %broadcast_in_dim3A_120 {strides = array<i32>} : memref<64x384xf32, #tpu.memory_space<vmem>>, vector<64x384xf32>,
        %broadcast_in_dim3A_124 = arith.constant 0.000000e+00 : f32
        %broadcast_in_dim3A_125 = vector.broadcast %broadcast_in_dim3A_124 : f32 to vector<64x384xf32>
        %swap3A_126 = arith.constant 0 : index
        %swap3A_127 = arith.constant 0 : index
        %swap3A_128 = vector.load %arg19[%swap3A_126, %swap3A_127] : memref<64x384xf32, #tpu.memory_space<vmem>>, vector<64x384xf32>
        tpu.vector_store %arg19[%swap3A_126, %swap3A_127], %broadcast_in_dim3A_125 {strides = array<i32>} : memref<64x384xf32, #tpu.memory_space<vmem>>, vector<64x384xf32>,
      } else {
      }
      %get3A_30 = arith.constant 0 : index
      %get3A_31 = arith.constant 0 : index
      %get3A_32 = vector.load %arg21[%get3A_30, %get3A_31] : memref<64x768xf32, #tpu.memory_space<vmem>>, vector<64x768xf32>
      %get3A_33 = arith.constant 0 : index
      %get3A_34 = arith.constant 0 : index
      %get3A_35 = vector.load %arg18[%get3A_33, %get3A_34] : memref<64x384xf32, #tpu.memory_space<vmem>>, vector<64x384xf32>
      %get3A_36 = arith.constant 0 : index
      %get3A_37 = arith.constant 0 : index
      %get3A_38 = vector.load %arg19[%get3A_36, %get3A_37] : memref<64x384xf32, #tpu.memory_space<vmem>>, vector<64x384xf32>
      %get3A_39 = arith.constant 0 : index
      %get3A_40 = arith.constant 0 : index
      %get3A_41 = vector.load %arg7[%get3A_39, %get3A_40] : memref<768x1536xf32, #tpu.memory_space<vmem>>, vector<768x1536xf32>
      %dot_general3A = arith.constant dense<0.000000e+00> : vector<64x1536xf32>
      %dot_general3A_42 = tpu.matmul %get3A_32, %get3A_41, %dot_general3A {dimension_numbers = #tpu.dot_dimension_numbers<[1], [0], [0], [1], [0, 0, 1, 1], [], []>, precision = #tpu.contract_precision<fp32>, transpose_lhs_hint = false} : vector<64x768xf32>, vector<768x1536xf32>, vector<64x1536xf32> -> vector<64x1536xf32>
      %get3A_43 = arith.constant 0 : index
      %get3A_44 = arith.constant 0 : index
      %get3A_45 = vector.load %arg9[%get3A_43, %get3A_44] : memref<1x1536xf32, #tpu.memory_space<vmem>>, vector<1x1536xf32>
      %add3A = vector.broadcast %get3A_45 : vector<1x1536xf32> to vector<64x1536xf32>
      %add3A_46 = arith.addf %dot_general3A_42, %add3A : vector<64x1536xf32>
      %get3A_47 = arith.constant 0 : index
      %get3A_48 = arith.constant 0 : index
      %get3A_49 = vector.load %arg8[%get3A_47, %get3A_48] : memref<384x1536xf32, #tpu.memory_space<vmem>>, vector<384x1536xf32>
      %dot_general3A_50 = arith.constant dense<0.000000e+00> : vector<64x1536xf32>
      %dot_general3A_51 = tpu.matmul %get3A_35, %get3A_49, %dot_general3A_50 {dimension_numbers = #tpu.dot_dimension_numbers<[1], [0], [0], [1], [0, 0, 1, 1], [], []>, precision = #tpu.contract_precision<fp32>, transpose_lhs_hint = false} : vector<64x384xf32>, vector<384x1536xf32>, vector<64x1536xf32> -> vector<64x1536xf32>
      %add3A_52 = arith.addf %add3A_46, %dot_general3A_51 : vector<64x1536xf32>
      %get3A_53 = arith.constant 0 : index
      %get3A_54 = arith.constant 0 : index
      %get3A_55 = vector.load %arg10[%get3A_53, %get3A_54] : memref<1x1536xf32, #tpu.memory_space<vmem>>, vector<1x1536xf32>
      %add3A_56 = vector.broadcast %get3A_55 : vector<1x1536xf32> to vector<64x1536xf32>
      %add3A_57 = arith.addf %add3A_52, %add3A_56 : vector<64x1536xf32>
      %slice3A = vector.extract_strided_slice %add3A_57 {offsets = [0, 0], sizes = [64, 384], strides = [1, 1]} : vector<64x1536xf32> to vector<64x384xf32>
      %slice3A_58 = vector.extract_strided_slice %add3A_57 {offsets = [0, 384], sizes = [64, 384], strides = [1, 1]} : vector<64x1536xf32> to vector<64x384xf32>
      %slice3A_59 = vector.extract_strided_slice %add3A_57 {offsets = [0, 768], sizes = [64, 384], strides = [1, 1]} : vector<64x1536xf32> to vector<64x384xf32>
      %slice3A_60 = vector.extract_strided_slice %add3A_57 {offsets = [0, 1152], sizes = [64, 384], strides = [1, 1]} : vector<64x1536xf32> to vector<64x384xf32>
      %logistic3A = arith.negf %slice3A_58 : vector<64x384xf32>
      %logistic3A_61 = math.exp %logistic3A : vector<64x384xf32>
      %logistic3A_62 = arith.constant 1.000000e+00 : f32
      %logistic3A_63 = vector.broadcast %logistic3A_62 : f32 to vector<64x384xf32>
      %logistic3A_64 = arith.addf %logistic3A_63, %logistic3A_61 : vector<64x384xf32>
      %logistic3A_65 = arith.divf %logistic3A_63, %logistic3A_64 : vector<64x384xf32>
      %mul3A = arith.mulf %logistic3A_65, %get3A_38 : vector<64x384xf32>
      %logistic3A_66 = arith.negf %slice3A : vector<64x384xf32>
      %logistic3A_67 = math.exp %logistic3A_66 : vector<64x384xf32>
      %logistic3A_68 = arith.constant 1.000000e+00 : f32
      %logistic3A_69 = vector.broadcast %logistic3A_68 : f32 to vector<64x384xf32>
      %logistic3A_70 = arith.addf %logistic3A_69, %logistic3A_67 : vector<64x384xf32>
      %logistic3A_71 = arith.divf %logistic3A_69, %logistic3A_70 : vector<64x384xf32>
      %tanh3A = math.tanh %slice3A_59 : vector<64x384xf32>
      %mul3A_72 = arith.mulf %logistic3A_71, %tanh3A : vector<64x384xf32>
      %add3A_73 = arith.addf %mul3A, %mul3A_72 : vector<64x384xf32>
      %logistic3A_74 = arith.negf %slice3A_60 : vector<64x384xf32>
      %logistic3A_75 = math.exp %logistic3A_74 : vector<64x384xf32>
      %logistic3A_76 = arith.constant 1.000000e+00 : f32
      %logistic3A_77 = vector.broadcast %logistic3A_76 : f32 to vector<64x384xf32>
      %logistic3A_78 = arith.addf %logistic3A_77, %logistic3A_75 : vector<64x384xf32>
      %logistic3A_79 = arith.divf %logistic3A_77, %logistic3A_78 : vector<64x384xf32>
      %tanh3A_80 = math.tanh %add3A_73 : vector<64x384xf32>
      %mul3A_81 = arith.mulf %logistic3A_79, %tanh3A_80 : vector<64x384xf32>
      %swap3A = arith.constant 0 : index
      %swap3A_82 = arith.constant 0 : index
      %swap3A_83 = vector.load %arg18[%swap3A, %swap3A_82] : memref<64x384xf32, #tpu.memory_space<vmem>>, vector<64x384xf32>
      tpu.vector_store %arg18[%swap3A, %swap3A_82], %mul3A_81 {strides = array<i32>} : memref<64x384xf32, #tpu.memory_space<vmem>>, vector<64x384xf32>,
      %swap3A_84 = arith.constant 0 : index
      %swap3A_85 = arith.constant 0 : index
      %swap3A_86 = vector.load %arg19[%swap3A_84, %swap3A_85] : memref<64x384xf32, #tpu.memory_space<vmem>>, vector<64x384xf32>
      tpu.vector_store %arg19[%swap3A_84, %swap3A_85], %add3A_73 {strides = array<i32>} : memref<64x384xf32, #tpu.memory_space<vmem>>, vector<64x384xf32>,
      %swap3A_87 = arith.constant 0 : index
      %swap3A_88 = arith.constant 0 : index
      %swap3A_89 = vector.load %arg20[%swap3A_87, %swap3A_88] : memref<64x384xf32, #tpu.memory_space<vmem>>, vector<64x384xf32>
      tpu.vector_store %arg20[%swap3A_87, %swap3A_88], %mul3A_81 {strides = array<i32>} : memref<64x384xf32, #tpu.memory_space<vmem>>, vector<64x384xf32>,
      %broadcast_in_dim3A = arith.constant -1.000000e+30 : f32
      %broadcast_in_dim3A_90 = vector.broadcast %broadcast_in_dim3A : f32 to vector<1x64xf32>
      %swap3A_91 = arith.constant 0 : index
      %swap3A_92 = arith.constant 0 : index
      %swap3A_93 = vector.load %arg23[%swap3A_91, %swap3A_92] : memref<1x64xf32, #tpu.memory_space<vmem>>, vector<1x64xf32>
      tpu.vector_store %arg23[%swap3A_91, %swap3A_92], %broadcast_in_dim3A_90 {strides = array<i32>} : memref<1x64xf32, #tpu.memory_space<vmem>>, vector<1x64xf32>,
      %broadcast_in_dim3A_94 = arith.constant 0.000000e+00 : f32
      %broadcast_in_dim3A_95 = vector.broadcast %broadcast_in_dim3A_94 : f32 to vector<1x64xf32>
      %swap3A_96 = arith.constant 0 : index
      %swap3A_97 = arith.constant 0 : index
      %swap3A_98 = vector.load %arg24[%swap3A_96, %swap3A_97] : memref<1x64xf32, #tpu.memory_space<vmem>>, vector<1x64xf32>
      tpu.vector_store %arg24[%swap3A_96, %swap3A_97], %broadcast_in_dim3A_95 {strides = array<i32>} : memref<1x64xf32, #tpu.memory_space<vmem>>, vector<1x64xf32>,
      %broadcast_in_dim3A_99 = arith.constant 0.000000e+00 : f32
      %broadcast_in_dim3A_100 = vector.broadcast %broadcast_in_dim3A_99 : f32 to vector<64x128xf32>
      %swap3A_101 = arith.constant 0 : index
      %swap3A_102 = arith.constant 0 : index
      %swap3A_103 = vector.load %arg25[%swap3A_101, %swap3A_102] : memref<64x128xf32, #tpu.memory_space<vmem>>, vector<64x128xf32>
      tpu.vector_store %arg25[%swap3A_101, %swap3A_102], %broadcast_in_dim3A_100 {strides = array<i32>} : memref<64x128xf32, #tpu.memory_space<vmem>>, vector<64x128xf32>,
      %broadcast_in_dim3A_104 = arith.constant 0.000000e+00 : f32
      %broadcast_in_dim3A_105 = vector.broadcast %broadcast_in_dim3A_104 : f32 to vector<64x128xf32>
      %swap3A_106 = arith.constant 0 : index
      %swap3A_107 = arith.constant 0 : index
      %swap3A_108 = vector.load %arg26[%swap3A_106, %swap3A_107] : memref<64x128xf32, #tpu.memory_space<vmem>>, vector<64x128xf32>
      tpu.vector_store %arg26[%swap3A_106, %swap3A_107], %broadcast_in_dim3A_105 {strides = array<i32>} : memref<64x128xf32, #tpu.memory_space<vmem>>, vector<64x128xf32>,
      %broadcast_in_dim3A_109 = arith.constant 0.000000e+00 : f32
      %broadcast_in_dim3A_110 = vector.broadcast %broadcast_in_dim3A_109 : f32 to vector<64x128xf32>
      %swap3A_111 = arith.constant 0 : index
      %swap3A_112 = arith.constant 0 : index
      %swap3A_113 = vector.load %arg27[%swap3A_111, %swap3A_112] : memref<64x128xf32, #tpu.memory_space<vmem>>, vector<64x128xf32>
      tpu.vector_store %arg27[%swap3A_111, %swap3A_112], %broadcast_in_dim3A_110 {strides = array<i32>} : memref<64x128xf32, #tpu.memory_space<vmem>>, vector<64x128xf32>,
    } else {
    }
    %eq3A_10 = arith.constant 0 : i32
    %eq3A_11 = arith.cmpi eq, %arg1, %eq3A_10 : i32
    %convert_element_type3A_12 = arith.extui %eq3A_11 : i1 to i32
    %cond3A_13 = arith.constant 0 : i32
    %cond3A_14 = arith.cmpi ne, %convert_element_type3A_12, %cond3A_13 : i32
    scf.if %cond3A_14 {
      %get3A_25 = arith.constant 0 : index
      %get3A_26 = arith.constant 0 : index
      %get3A_27 = vector.load %arg20[%get3A_25, %get3A_26] : memref<64x384xf32, #tpu.memory_space<vmem>>, vector<64x384xf32>
      %dot_general3A = arith.constant dense<0.000000e+00> : vector<2000x384xf32>
      %dot_general3A_28 = tpu.matmul %convert_element_type3A_3, %get3A_27, %dot_general3A {dimension_numbers = #tpu.dot_dimension_numbers<[1], [0], [0], [1], [0, 0, 1, 1], [], []>, precision = #tpu.contract_precision<fp32>, transpose_lhs_hint = false} : vector<2000x64xf32>, vector<64x384xf32>, vector<2000x384xf32> -> vector<2000x384xf32>
      %get3A_29 = arith.constant 0 : index
      %get3A_30 = arith.constant 0 : index
      %get3A_31 = vector.load %arg4[%get3A_29, %get3A_30] : memref<2000x128xf32, #tpu.memory_space<vmem>>, vector<2000x128xf32>
      %slice3A = vector.extract_strided_slice %dot_general3A_28 {offsets = [0, 0], sizes = [2000, 128], strides = [1, 1]} : vector<2000x384xf32> to vector<2000x128xf32>
      %mul3A = arith.mulf %get3A_31, %slice3A : vector<2000x128xf32>
      %reduce_sum3A = arith.constant dense<0.000000e+00> : vector<2000xf32>
      %reduce_sum3A_32 = vector.multi_reduction <add>, %mul3A, %reduce_sum3A [1] : vector<2000x128xf32> to vector<2000xf32>
      %broadcast_in_dim3A = vector.shape_cast %reduce_sum3A_32 : vector<2000xf32> to vector<2000x1xf32>
      %get3A_33 = arith.constant 0 : index
      %get3A_34 = arith.constant 0 : index
      %get3A_35 = vector.load %arg5[%get3A_33, %get3A_34] : memref<2000x128xf32, #tpu.memory_space<vmem>>, vector<2000x128xf32>
      %slice3A_36 = vector.extract_strided_slice %dot_general3A_28 {offsets = [0, 128], sizes = [2000, 128], strides = [1, 1]} : vector<2000x384xf32> to vector<2000x128xf32>
      %mul3A_37 = arith.mulf %get3A_35, %slice3A_36 : vector<2000x128xf32>
      %reduce_sum3A_38 = arith.constant dense<0.000000e+00> : vector<2000xf32>
      %reduce_sum3A_39 = vector.multi_reduction <add>, %mul3A_37, %reduce_sum3A_38 [1] : vector<2000x128xf32> to vector<2000xf32>
      %broadcast_in_dim3A_40 = vector.shape_cast %reduce_sum3A_39 : vector<2000xf32> to vector<2000x1xf32>
      %add3A = arith.addf %broadcast_in_dim3A, %broadcast_in_dim3A_40 : vector<2000x1xf32>
      %get3A_41 = arith.constant 0 : index
      %get3A_42 = arith.constant 0 : index
      %get3A_43 = vector.load %arg6[%get3A_41, %get3A_42] : memref<2000x128xf32, #tpu.memory_space<vmem>>, vector<2000x128xf32>
      %slice3A_44 = vector.extract_strided_slice %dot_general3A_28 {offsets = [0, 256], sizes = [2000, 128], strides = [1, 1]} : vector<2000x384xf32> to vector<2000x128xf32>
      %mul3A_45 = arith.mulf %get3A_43, %slice3A_44 : vector<2000x128xf32>
      %reduce_sum3A_46 = arith.constant dense<0.000000e+00> : vector<2000xf32>
      %reduce_sum3A_47 = vector.multi_reduction <add>, %mul3A_45, %reduce_sum3A_46 [1] : vector<2000x128xf32> to vector<2000xf32>
      %broadcast_in_dim3A_48 = vector.shape_cast %reduce_sum3A_47 : vector<2000xf32> to vector<2000x1xf32>
      %add3A_49 = arith.addf %add3A, %broadcast_in_dim3A_48 : vector<2000x1xf32>
      %mul3A_50 = arith.constant 2000 : i32
      %mul3A_51 = arith.muli %arg2, %mul3A_50 : i32
      %swap3A = arith.index_cast %mul3A_51 : i32 to index
      %swap3A_52 = arith.constant 0 : index
      %swap3A_53 = vector.load %arg22[%swap3A, %swap3A_52] : memref<10000x1xf32, #tpu.memory_space<vmem>>, vector<2000x1xf32>
      tpu.vector_store %arg22[%swap3A, %swap3A_52], %add3A_49 {strides = array<i32>} : memref<10000x1xf32, #tpu.memory_space<vmem>>, vector<2000x1xf32>,
      %jit3A = arith.constant -1.000000e+30 : f32
      %broadcast_in_dim3A_54 = vector.shape_cast %add3A_49 : vector<2000x1xf32> to vector<2000x1xf32>
      %broadcast_in_dim3A_55 = vector.broadcast %broadcast_in_dim3A_54 : vector<2000x1xf32> to vector<2000x64xf32>
      %broadcast_in_dim3A_56 = vector.broadcast %jit3A : f32 to vector<2000x64xf32>
      %select_n3A = arith.select %eq3A_2, %broadcast_in_dim3A_55, %broadcast_in_dim3A_56 : vector<2000x64xi1>, vector<2000x64xf32>
      %reduce_max3A = arith.constant dense<0xFF800000> : vector<64xf32>
      %reduce_max3A_57 = vector.multi_reduction <maximumf>, %select_n3A, %reduce_max3A [0] : vector<2000x64xf32> to vector<64xf32>
      %broadcast_in_dim3A_58 = vector.shape_cast %reduce_max3A_57 : vector<64xf32> to vector<1x64xf32>
      %get3A_59 = arith.constant 0 : index
      %get3A_60 = arith.constant 0 : index
      %get3A_61 = vector.load %arg23[%get3A_59, %get3A_60] : memref<1x64xf32, #tpu.memory_space<vmem>>, vector<1x64xf32>
      %max3A = arith.maximumf %get3A_61, %broadcast_in_dim3A_58 : vector<1x64xf32>
      %swap3A_62 = arith.constant 0 : index
      %swap3A_63 = arith.constant 0 : index
      %swap3A_64 = vector.load %arg23[%swap3A_62, %swap3A_63] : memref<1x64xf32, #tpu.memory_space<vmem>>, vector<1x64xf32>
      tpu.vector_store %arg23[%swap3A_62, %swap3A_63], %max3A {strides = array<i32>} : memref<1x64xf32, #tpu.memory_space<vmem>>, vector<1x64xf32>,
    } else {
    }
    %eq3A_15 = arith.constant 1 : i32
    %eq3A_16 = arith.cmpi eq, %arg1, %eq3A_15 : i32
    %convert_element_type3A_17 = arith.extui %eq3A_16 : i1 to i32
    %cond3A_18 = arith.constant 0 : i32
    %cond3A_19 = arith.cmpi ne, %convert_element_type3A_17, %cond3A_18 : i32
    scf.if %cond3A_19 {
      %mul3A = arith.constant 2000 : i32
      %mul3A_25 = arith.muli %arg2, %mul3A : i32
      %get3A_26 = arith.index_cast %mul3A_25 : i32 to index
      %get3A_27 = arith.constant 0 : index
      %get3A_28 = vector.load %arg22[%get3A_26, %get3A_27] : memref<10000x1xf32, #tpu.memory_space<vmem>>, vector<2000x1xf32>
      %get3A_29 = arith.constant 0 : index
      %get3A_30 = arith.constant 0 : index
      %get3A_31 = vector.load %arg23[%get3A_29, %get3A_30] : memref<1x64xf32, #tpu.memory_space<vmem>>, vector<1x64xf32>
      %mul3A_32 = vector.broadcast %get3A_31 : vector<1x64xf32> to vector<2000x64xf32>
      %mul3A_33 = arith.mulf %convert_element_type3A_3, %mul3A_32 : vector<2000x64xf32>
      %reduce_sum3A = arith.constant dense<0.000000e+00> : vector<2000xf32>
      %reduce_sum3A_34 = vector.multi_reduction <add>, %mul3A_33, %reduce_sum3A [1] : vector<2000x64xf32> to vector<2000xf32>
      %broadcast_in_dim3A = vector.shape_cast %reduce_sum3A_34 : vector<2000xf32> to vector<2000x1xf32>
      %sub3A = arith.subf %get3A_28, %broadcast_in_dim3A : vector<2000x1xf32>
      %exp3A = math.exp %sub3A : vector<2000x1xf32>
      %get3A_35 = arith.constant 0 : index
      %get3A_36 = arith.constant 0 : index
      %get3A_37 = vector.load %arg24[%get3A_35, %get3A_36] : memref<1x64xf32, #tpu.memory_space<vmem>>, vector<1x64xf32>
      %jit3A = arith.constant 0.000000e+00 : f32
      %broadcast_in_dim3A_38 = vector.shape_cast %exp3A : vector<2000x1xf32> to vector<2000x1xf32>
      %broadcast_in_dim3A_39 = vector.broadcast %broadcast_in_dim3A_38 : vector<2000x1xf32> to vector<2000x64xf32>
      %broadcast_in_dim3A_40 = vector.broadcast %jit3A : f32 to vector<2000x64xf32>
      %select_n3A = arith.select %eq3A_2, %broadcast_in_dim3A_39, %broadcast_in_dim3A_40 : vector<2000x64xi1>, vector<2000x64xf32>
      %reduce_sum3A_41 = arith.constant dense<0.000000e+00> : vector<64xf32>
      %reduce_sum3A_42 = vector.multi_reduction <add>, %select_n3A, %reduce_sum3A_41 [0] : vector<2000x64xf32> to vector<64xf32>
      %broadcast_in_dim3A_43 = vector.shape_cast %reduce_sum3A_42 : vector<64xf32> to vector<1x64xf32>
      %add3A = arith.addf %get3A_37, %broadcast_in_dim3A_43 : vector<1x64xf32>
      %swap3A = arith.constant 0 : index
      %swap3A_44 = arith.constant 0 : index
      %swap3A_45 = vector.load %arg24[%swap3A, %swap3A_44] : memref<1x64xf32, #tpu.memory_space<vmem>>, vector<1x64xf32>
      tpu.vector_store %arg24[%swap3A, %swap3A_44], %add3A {strides = array<i32>} : memref<1x64xf32, #tpu.memory_space<vmem>>, vector<1x64xf32>,
    } else {
    }
    %eq3A_20 = arith.constant 2 : i32
    %eq3A_21 = arith.cmpi eq, %arg1, %eq3A_20 : i32
    %convert_element_type3A_22 = arith.extui %eq3A_21 : i1 to i32
    %cond3A_23 = arith.constant 0 : i32
    %cond3A_24 = arith.cmpi ne, %convert_element_type3A_22, %cond3A_23 : i32
    scf.if %cond3A_24 {
      %mul3A = arith.constant 2000 : i32
      %mul3A_25 = arith.muli %arg2, %mul3A : i32
      %get3A_26 = arith.index_cast %mul3A_25 : i32 to index
      %get3A_27 = arith.constant 0 : index
      %get3A_28 = vector.load %arg22[%get3A_26, %get3A_27] : memref<10000x1xf32, #tpu.memory_space<vmem>>, vector<2000x1xf32>
      %get3A_29 = arith.constant 0 : index
      %get3A_30 = arith.constant 0 : index
      %get3A_31 = vector.load %arg23[%get3A_29, %get3A_30] : memref<1x64xf32, #tpu.memory_space<vmem>>, vector<1x64xf32>
      %mul3A_32 = vector.broadcast %get3A_31 : vector<1x64xf32> to vector<2000x64xf32>
      %mul3A_33 = arith.mulf %convert_element_type3A_3, %mul3A_32 : vector<2000x64xf32>
      %reduce_sum3A = arith.constant dense<0.000000e+00> : vector<2000xf32>
      %reduce_sum3A_34 = vector.multi_reduction <add>, %mul3A_33, %reduce_sum3A [1] : vector<2000x64xf32> to vector<2000xf32>
      %broadcast_in_dim3A = vector.shape_cast %reduce_sum3A_34 : vector<2000xf32> to vector<2000x1xf32>
      %get3A_35 = arith.constant 0 : index
      %get3A_36 = arith.constant 0 : index
      %get3A_37 = vector.load %arg24[%get3A_35, %get3A_36] : memref<1x64xf32, #tpu.memory_space<vmem>>, vector<1x64xf32>
      %mul3A_38 = vector.broadcast %get3A_37 : vector<1x64xf32> to vector<2000x64xf32>
      %mul3A_39 = arith.mulf %convert_element_type3A_3, %mul3A_38 : vector<2000x64xf32>
      %reduce_sum3A_40 = arith.constant dense<0.000000e+00> : vector<2000xf32>
      %reduce_sum3A_41 = vector.multi_reduction <add>, %mul3A_39, %reduce_sum3A_40 [1] : vector<2000x64xf32> to vector<2000xf32>
      %broadcast_in_dim3A_42 = vector.shape_cast %reduce_sum3A_41 : vector<2000xf32> to vector<2000x1xf32>
      %sub3A = arith.subf %get3A_28, %broadcast_in_dim3A : vector<2000x1xf32>
      %exp3A = math.exp %sub3A : vector<2000x1xf32>
      %div3A = arith.divf %exp3A, %broadcast_in_dim3A_42 : vector<2000x1xf32>
      %get3A_43 = arith.constant 0 : index
      %get3A_44 = arith.constant 0 : index
      %get3A_45 = vector.load %arg25[%get3A_43, %get3A_44] : memref<64x128xf32, #tpu.memory_space<vmem>>, vector<64x128xf32>
      %get3A_46 = arith.constant 0 : index
      %get3A_47 = arith.constant 0 : index
      %get3A_48 = vector.load %arg4[%get3A_46, %get3A_47] : memref<2000x128xf32, #tpu.memory_space<vmem>>, vector<2000x128xf32>
      %mul3A_49 = vector.broadcast %div3A : vector<2000x1xf32> to vector<2000x128xf32>
      %mul3A_50 = arith.mulf %mul3A_49, %get3A_48 : vector<2000x128xf32>
      %dot_general3A = arith.constant dense<0.000000e+00> : vector<64x128xf32>
      %dot_general3A_51 = tpu.matmul %convert_element_type3A_3, %mul3A_50, %dot_general3A {dimension_numbers = #tpu.dot_dimension_numbers<[0], [0], [1], [1], [0, 1, 1, 1], [], []>, precision = #tpu.contract_precision<fp32>, transpose_lhs_hint = false} : vector<2000x64xf32>, vector<2000x128xf32>, vector<64x128xf32> -> vector<64x128xf32>
      %add3A = arith.addf %get3A_45, %dot_general3A_51 : vector<64x128xf32>
      %swap3A = arith.constant 0 : index
      %swap3A_52 = arith.constant 0 : index
      %swap3A_53 = vector.load %arg25[%swap3A, %swap3A_52] : memref<64x128xf32, #tpu.memory_space<vmem>>, vector<64x128xf32>
      tpu.vector_store %arg25[%swap3A, %swap3A_52], %add3A {strides = array<i32>} : memref<64x128xf32, #tpu.memory_space<vmem>>, vector<64x128xf32>,
      %get3A_54 = arith.constant 0 : index
      %get3A_55 = arith.constant 0 : index
      %get3A_56 = vector.load %arg26[%get3A_54, %get3A_55] : memref<64x128xf32, #tpu.memory_space<vmem>>, vector<64x128xf32>
      %get3A_57 = arith.constant 0 : index
      %get3A_58 = arith.constant 0 : index
      %get3A_59 = vector.load %arg5[%get3A_57, %get3A_58] : memref<2000x128xf32, #tpu.memory_space<vmem>>, vector<2000x128xf32>
      %mul3A_60 = vector.broadcast %div3A : vector<2000x1xf32> to vector<2000x128xf32>
      %mul3A_61 = arith.mulf %mul3A_60, %get3A_59 : vector<2000x128xf32>
      %dot_general3A_62 = arith.constant dense<0.000000e+00> : vector<64x128xf32>
      %dot_general3A_63 = tpu.matmul %convert_element_type3A_3, %mul3A_61, %dot_general3A_62 {dimension_numbers = #tpu.dot_dimension_numbers<[0], [0], [1], [1], [0, 1, 1, 1], [], []>, precision = #tpu.contract_precision<fp32>, transpose_lhs_hint = false} : vector<2000x64xf32>, vector<2000x128xf32>, vector<64x128xf32> -> vector<64x128xf32>
      %add3A_64 = arith.addf %get3A_56, %dot_general3A_63 : vector<64x128xf32>
      %swap3A_65 = arith.constant 0 : index
      %swap3A_66 = arith.constant 0 : index
      %swap3A_67 = vector.load %arg26[%swap3A_65, %swap3A_66] : memref<64x128xf32, #tpu.memory_space<vmem>>, vector<64x128xf32>
      tpu.vector_store %arg26[%swap3A_65, %swap3A_66], %add3A_64 {strides = array<i32>} : memref<64x128xf32, #tpu.memory_space<vmem>>, vector<64x128xf32>,
      %get3A_68 = arith.constant 0 : index
      %get3A_69 = arith.constant 0 : index
      %get3A_70 = vector.load %arg27[%get3A_68, %get3A_69] : memref<64x128xf32, #tpu.memory_space<vmem>>, vector<64x128xf32>
      %get3A_71 = arith.constant 0 : index
      %get3A_72 = arith.constant 0 : index
      %get3A_73 = vector.load %arg6[%get3A_71, %get3A_72] : memref<2000x128xf32, #tpu.memory_space<vmem>>, vector<2000x128xf32>
      %mul3A_74 = vector.broadcast %div3A : vector<2000x1xf32> to vector<2000x128xf32>
      %mul3A_75 = arith.mulf %mul3A_74, %get3A_73 : vector<2000x128xf32>
      %dot_general3A_76 = arith.constant dense<0.000000e+00> : vector<64x128xf32>
      %dot_general3A_77 = tpu.matmul %convert_element_type3A_3, %mul3A_75, %dot_general3A_76 {dimension_numbers = #tpu.dot_dimension_numbers<[0], [0], [1], [1], [0, 1, 1, 1], [], []>, precision = #tpu.contract_precision<fp32>, transpose_lhs_hint = false} : vector<2000x64xf32>, vector<2000x128xf32>, vector<64x128xf32> -> vector<64x128xf32>
      %add3A_78 = arith.addf %get3A_70, %dot_general3A_77 : vector<64x128xf32>
      %swap3A_79 = arith.constant 0 : index
      %swap3A_80 = arith.constant 0 : index
      %swap3A_81 = vector.load %arg27[%swap3A_79, %swap3A_80] : memref<64x128xf32, #tpu.memory_space<vmem>>, vector<64x128xf32>
      tpu.vector_store %arg27[%swap3A_79, %swap3A_80], %add3A_78 {strides = array<i32>} : memref<64x128xf32, #tpu.memory_space<vmem>>, vector<64x128xf32>,
      %eq3A_82 = arith.constant 4 : i32
      %eq3A_83 = arith.cmpi eq, %arg2, %eq3A_82 : i32
      %convert_element_type3A_84 = arith.extui %eq3A_83 : i1 to i32
      %cond3A_85 = arith.constant 0 : i32
      %cond3A_86 = arith.cmpi ne, %convert_element_type3A_84, %cond3A_85 : i32
      scf.if %cond3A_86 {
        %get3A_87 = arith.constant 0 : index
        %get3A_88 = arith.constant 0 : index
        %get3A_89 = vector.load %arg20[%get3A_87, %get3A_88] : memref<64x384xf32, #tpu.memory_space<vmem>>, vector<64x384xf32>
        %get3A_90 = arith.constant 0 : index
        %get3A_91 = arith.constant 0 : index
        %get3A_92 = vector.load %arg25[%get3A_90, %get3A_91] : memref<64x128xf32, #tpu.memory_space<vmem>>, vector<64x128xf32>
        %get3A_93 = arith.constant 0 : index
        %get3A_94 = arith.constant 0 : index
        %get3A_95 = vector.load %arg26[%get3A_93, %get3A_94] : memref<64x128xf32, #tpu.memory_space<vmem>>, vector<64x128xf32>
        %get3A_96 = arith.constant 0 : index
        %get3A_97 = arith.constant 0 : index
        %get3A_98 = vector.load %arg27[%get3A_96, %get3A_97] : memref<64x128xf32, #tpu.memory_space<vmem>>, vector<64x128xf32>
        %concatenate3A = tpu.concatenate %get3A_89, %get3A_92, %get3A_95, %get3A_98 in 1 : vector<64x384xf32>, vector<64x128xf32>, vector<64x128xf32>, vector<64x128xf32> -> vector<64x768xf32>
        %swap3A_99 = arith.constant 0 : index
        %swap3A_100 = arith.constant 0 : index
        %swap3A_101 = vector.load %arg21[%swap3A_99, %swap3A_100] : memref<64x768xf32, #tpu.memory_space<vmem>>, vector<64x768xf32>
        tpu.vector_store %arg21[%swap3A_99, %swap3A_100], %concatenate3A {strides = array<i32>} : memref<64x768xf32, #tpu.memory_space<vmem>>, vector<64x768xf32>,
        %eq3A_102 = arith.constant 9 : i32
        %eq3A_103 = arith.cmpi eq, %arg0, %eq3A_102 : i32
        %convert_element_type3A_104 = arith.extui %eq3A_103 : i1 to i32
        %cond3A_105 = arith.constant 0 : i32
        %cond3A_106 = arith.cmpi ne, %convert_element_type3A_104, %cond3A_105 : i32
        scf.if %cond3A_106 {
          %get3A_107 = arith.constant 0 : index
          %get3A_108 = arith.constant 0 : index
          %get3A_109 = vector.load %arg11[%get3A_107, %get3A_108] : memref<768x128xf32, #tpu.memory_space<vmem>>, vector<768x128xf32>
          %dot_general3A_110 = arith.constant dense<0.000000e+00> : vector<64x128xf32>
          %dot_general3A_111 = tpu.matmul %concatenate3A, %get3A_109, %dot_general3A_110 {dimension_numbers = #tpu.dot_dimension_numbers<[1], [0], [0], [1], [0, 0, 1, 1], [], []>, precision = #tpu.contract_precision<fp32>, transpose_lhs_hint = false} : vector<64x768xf32>, vector<768x128xf32>, vector<64x128xf32> -> vector<64x128xf32>
          %get3A_112 = arith.constant 0 : index
          %get3A_113 = arith.constant 0 : index
          %get3A_114 = vector.load %arg12[%get3A_112, %get3A_113] : memref<1x128xf32, #tpu.memory_space<vmem>>, vector<1x128xf32>
          %add3A_115 = vector.broadcast %get3A_114 : vector<1x128xf32> to vector<64x128xf32>
          %add3A_116 = arith.addf %dot_general3A_111, %add3A_115 : vector<64x128xf32>
          %max3A = arith.constant 0.000000e+00 : f32
          %max3A_117 = vector.broadcast %max3A : f32 to vector<64x128xf32>
          %max3A_118 = arith.maximumf %add3A_116, %max3A_117 : vector<64x128xf32>
          %get3A_119 = arith.constant 0 : index
          %get3A_120 = arith.constant 0 : index
          %get3A_121 = vector.load %arg13[%get3A_119, %get3A_120] : memref<128x64xf32, #tpu.memory_space<vmem>>, vector<128x64xf32>
          %dot_general3A_122 = arith.constant dense<0.000000e+00> : vector<64x64xf32>
          %dot_general3A_123 = tpu.matmul %max3A_118, %get3A_121, %dot_general3A_122 {dimension_numbers = #tpu.dot_dimension_numbers<[1], [0], [0], [1], [0, 0, 1, 1], [], []>, precision = #tpu.contract_precision<fp32>, transpose_lhs_hint = false} : vector<64x128xf32>, vector<128x64xf32>, vector<64x64xf32> -> vector<64x64xf32>
          %get3A_124 = arith.constant 0 : index
          %get3A_125 = arith.constant 0 : index
          %get3A_126 = vector.load %arg14[%get3A_124, %get3A_125] : memref<1x64xf32, #tpu.memory_space<vmem>>, vector<1x64xf32>
          %add3A_127 = vector.broadcast %get3A_126 : vector<1x64xf32> to vector<64x64xf32>
          %add3A_128 = arith.addf %dot_general3A_123, %add3A_127 : vector<64x64xf32>
          %max3A_129 = arith.constant 0.000000e+00 : f32
          %max3A_130 = vector.broadcast %max3A_129 : f32 to vector<64x64xf32>
          %max3A_131 = arith.maximumf %add3A_128, %max3A_130 : vector<64x64xf32>
          %get3A_132 = arith.constant 0 : index
          %get3A_133 = arith.constant 0 : index
          %get3A_134 = vector.load %arg15[%get3A_132, %get3A_133] : memref<64x10xf32, #tpu.memory_space<vmem>>, vector<64x10xf32>
          %dot_general3A_135 = arith.constant dense<0.000000e+00> : vector<64x10xf32>
          %dot_general3A_136 = tpu.matmul %max3A_131, %get3A_134, %dot_general3A_135 {dimension_numbers = #tpu.dot_dimension_numbers<[1], [0], [0], [1], [0, 0, 1, 1], [], []>, precision = #tpu.contract_precision<fp32>, transpose_lhs_hint = false} : vector<64x64xf32>, vector<64x10xf32>, vector<64x10xf32> -> vector<64x10xf32>
          %get3A_137 = arith.constant 0 : index
          %get3A_138 = arith.constant 0 : index
          %get3A_139 = vector.load %arg16[%get3A_137, %get3A_138] : memref<1x10xf32, #tpu.memory_space<vmem>>, vector<1x10xf32>
          %add3A_140 = vector.broadcast %get3A_139 : vector<1x10xf32> to vector<64x10xf32>
          %add3A_141 = arith.addf %dot_general3A_136, %add3A_140 : vector<64x10xf32>
          %reduce_max3A = arith.constant dense<0xFF800000> : vector<64xf32>
          %reduce_max3A_142 = vector.multi_reduction <maximumf>, %add3A_141, %reduce_max3A [1] : vector<64x10xf32> to vector<64xf32>
          %broadcast_in_dim3A_143 = vector.shape_cast %reduce_max3A_142 : vector<64xf32> to vector<64x1xf32>
          %sub3A_144 = vector.broadcast %broadcast_in_dim3A_143 : vector<64x1xf32> to vector<64x10xf32>
          %sub3A_145 = arith.subf %add3A_141, %sub3A_144 : vector<64x10xf32>
          %exp3A_146 = math.exp %sub3A_145 : vector<64x10xf32>
          %reduce_sum3A_147 = arith.constant dense<0.000000e+00> : vector<64xf32>
          %reduce_sum3A_148 = vector.multi_reduction <add>, %exp3A_146, %reduce_sum3A_147 [1] : vector<64x10xf32> to vector<64xf32>
          %broadcast_in_dim3A_149 = vector.shape_cast %reduce_sum3A_148 : vector<64xf32> to vector<64x1xf32>
          %log3A = math.log %broadcast_in_dim3A_149 : vector<64x1xf32>
          %add3A_150 = arith.addf %broadcast_in_dim3A_143, %log3A : vector<64x1xf32>
          %sub3A_151 = vector.broadcast %add3A_150 : vector<64x1xf32> to vector<64x10xf32>
          %sub3A_152 = arith.subf %add3A_141, %sub3A_151 : vector<64x10xf32>
          %swap3A_153 = arith.constant 0 : index
          %swap3A_154 = arith.constant 0 : index
          %swap3A_155 = vector.load %arg17[%swap3A_153, %swap3A_154] : memref<64x10xf32, #tpu.memory_space<vmem>>, vector<64x10xf32>
          tpu.vector_store %arg17[%swap3A_153, %swap3A_154], %sub3A_152 {strides = array<i32>} : memref<64x10xf32, #tpu.memory_space<vmem>>, vector<64x10xf32>,
        } else {
        }
      } else {
      }
    } else {
    }
    return
  }
  func.func @transform_0(%arg0: i32, %arg1: i32, %arg2: i32) -> (i32, i32) {
    %c0_i32 = arith.constant 0 : i32
    %c0_i32_0 = arith.constant 0 : i32
    return %arg2, %c0_i32 : i32, i32
  }
  func.func @transform_1(%arg0: i32, %arg1: i32, %arg2: i32) -> (i32, i32) {
    %eq3A = arith.constant 1 : i32
    %eq3A_0 = arith.cmpi eq, %arg1, %eq3A : i32
    %jit3A = arith.constant 4 : i32
    %select_n3A = arith.select %eq3A_0, %jit3A, %arg2 : i32
    %c0_i32 = arith.constant 0 : i32
    %c0_i32_1 = arith.constant 0 : i32
    return %select_n3A, %c0_i32 : i32, i32
  }
  func.func @transform_2(%arg0: i32, %arg1: i32, %arg2: i32) -> (i32, i32) {
    %eq3A = arith.constant 1 : i32
    %eq3A_0 = arith.cmpi eq, %arg1, %eq3A : i32
    %jit3A = arith.constant 4 : i32
    %select_n3A = arith.select %eq3A_0, %jit3A, %arg2 : i32
    %c0_i32 = arith.constant 0 : i32
    %c0_i32_1 = arith.constant 0 : i32
    return %select_n3A, %c0_i32 : i32, i32
  }
  func.func @transform_3(%arg0: i32, %arg1: i32, %arg2: i32) -> (i32, i32) {
    %eq3A = arith.constant 1 : i32
    %eq3A_0 = arith.cmpi eq, %arg1, %eq3A : i32
    %jit3A = arith.constant 4 : i32
    %select_n3A = arith.select %eq3A_0, %jit3A, %arg2 : i32
    %c0_i32 = arith.constant 0 : i32
    %c0_i32_1 = arith.constant 0 : i32
    return %select_n3A, %c0_i32 : i32, i32
  }
  func.func @transform_4(%arg0: i32, %arg1: i32, %arg2: i32) -> (i32, i32) {
    %c0_i32 = arith.constant 0 : i32
    %c0_i32_0 = arith.constant 0 : i32
    %c0_i32_1 = arith.constant 0 : i32
    return %c0_i32, %c0_i32_0 : i32, i32
  }
  func.func @transform_5(%arg0: i32, %arg1: i32, %arg2: i32) -> (i32, i32) {
    %c0_i32 = arith.constant 0 : i32
    %c0_i32_0 = arith.constant 0 : i32
    %c0_i32_1 = arith.constant 0 : i32
    return %c0_i32, %c0_i32_0 : i32, i32
  }
  func.func @transform_6(%arg0: i32, %arg1: i32, %arg2: i32) -> (i32, i32) {
    %c0_i32 = arith.constant 0 : i32
    %c0_i32_0 = arith.constant 0 : i32
    %c0_i32_1 = arith.constant 0 : i32
    return %c0_i32, %c0_i32_0 : i32, i32
  }
  func.func @transform_7(%arg0: i32, %arg1: i32, %arg2: i32) -> (i32, i32) {
    %c0_i32 = arith.constant 0 : i32
    %c0_i32_0 = arith.constant 0 : i32
    %c0_i32_1 = arith.constant 0 : i32
    return %c0_i32, %c0_i32_0 : i32, i32
  }
  func.func @transform_8(%arg0: i32, %arg1: i32, %arg2: i32) -> (i32, i32) {
    %c0_i32 = arith.constant 0 : i32
    %c0_i32_0 = arith.constant 0 : i32
    %c0_i32_1 = arith.constant 0 : i32
    return %c0_i32, %c0_i32_0 : i32, i32
  }
  func.func @transform_9(%arg0: i32, %arg1: i32, %arg2: i32) -> (i32, i32) {
    %c0_i32 = arith.constant 0 : i32
    %c0_i32_0 = arith.constant 0 : i32
    %c0_i32_1 = arith.constant 0 : i32
    return %c0_i32, %c0_i32_0 : i32, i32
  }
  func.func @transform_10(%arg0: i32, %arg1: i32, %arg2: i32) -> (i32, i32) {
    %c0_i32 = arith.constant 0 : i32
    %c0_i32_0 = arith.constant 0 : i32
    %c0_i32_1 = arith.constant 0 : i32
    return %c0_i32, %c0_i32_0 : i32, i32
  }
  func.func @transform_11(%arg0: i32, %arg1: i32, %arg2: i32) -> (i32, i32) {
    %c0_i32 = arith.constant 0 : i32
    %c0_i32_0 = arith.constant 0 : i32
    %c0_i32_1 = arith.constant 0 : i32
    return %c0_i32, %c0_i32_0 : i32, i32
  }
  func.func @transform_12(%arg0: i32, %arg1: i32, %arg2: i32) -> (i32, i32) {
    %c0_i32 = arith.constant 0 : i32
    %c0_i32_0 = arith.constant 0 : i32
    %c0_i32_1 = arith.constant 0 : i32
    return %c0_i32, %c0_i32_0 : i32, i32
  }
  func.func @transform_13(%arg0: i32, %arg1: i32, %arg2: i32) -> (i32, i32) {
    %c0_i32 = arith.constant 0 : i32
    %c0_i32_0 = arith.constant 0 : i32
    %c0_i32_1 = arith.constant 0 : i32
    return %c0_i32, %c0_i32_0 : i32, i32
  }
  func.func @transform_14(%arg0: i32, %arg1: i32, %arg2: i32) -> (i32, i32) {
    %c0_i32 = arith.constant 0 : i32
    %c0_i32_0 = arith.constant 0 : i32
    %c0_i32_1 = arith.constant 0 : i32
    return %c0_i32, %c0_i32_0 : i32, i32
  }
}

</mosaic_0001>

<sc_bundles>
// kernel: kernel.12.cloned.1.call-start
scs
__scs_entry_jumppad:
0x0: {  	(pc) =	sbr.rel $0x88, $3  }
0x1: {  	(tag) =	ssettag $0x0;
	lr =	simm.s32 $0x1  }
0x2: {  	[smem:$0x3F8B] =	sst lr;
	_ =	strace $0xD0000000  }
0x3: {  	_ = 	snop  }
0x4: {  	_ = 	snop  }
0x5: {  	_ = 	snop  }
0x6: {  	_ = 	snop  }
0x7: {  	_ = 	snop  }
__scs_overlays_trampoline_lowered:
0x8: {  	[smem:$0x3F9A] =	sst s0  }
0x9: {  	[smem:$0x3F9B] =	sst s1  }
0xa: {  	[smem:$0x3F9C] =	sst s2  }
0xb: {  	[smem:$0x3F9D] =	sst s3  }
0xc: {  	[smem:$0x3F9E] =	sst s4  }
0xd: {  	[smem:$0x3F9F] =	sst s5  }
0xe: {  	[smem:$0x3FA0] =	sst s6  }
0xf: {  	[smem:$0x3FA1] =	sst s7  }
0x10: {  	[smem:$0x3FA2] =	sst s8  }
0x11: {  	[smem:$0x3FA3] =	sst s9;
	s0 =	simm.s32 @!p0 $0x0  }
0x12: {  	s1 =	sld [smem:$0x3F89];
	s0 =	simm.s32 @p0 $0x1  }
0x13: {  	[smem:$0x3FA4] =	sst s0;
	s0 =	simm.s32 @!p1 $0x0  }
0x14: {  	s2 =	sld [smem:$0x3F88];
	s0 =	simm.s32 @p1 $0x1  }
0x15: {  	[smem:$0x3FA5] =	sst s0;
	s0 =	simm.s32 @!p2 $0x0  }
0x16: {  	s3 =	sld [smem:$0x3FDB];
	s0 =	simm.s32 @p2 $0x1  }
0x17: {  	s4 =	simm.s32 $0x1BF5;
	[smem:$0x3FA7] =	sst s0  }
0x18: {  	s0 =	sld [smem:$0x3F8A];
	_ =	swait.ge [sflag:s4], $0x0  }
0x19: {  	s7 =	sld [smem:$0x3F8B]  }
0x1a: {  	s8 =	sadd.s32 $0xFFFFE003, lr  }
0x1b: {  	s9 =	sadd.s32 $0xFFFFFEF7, lr;
	s5 =	simm.s32 $0xFFFFFFFF;
	p2 =	slt.u32 s8, $0xFFFFF086  }
0x1c: {  	p1 =	slt.u32 s9, $0xF7A;
	s5 =	simm.s32 @!p2 $0x0  }
0x1d: {  	s5 =	simm.s32 @p1 $0x1;
	p0 =	seq.s32 s7, s2  }
0x1e: {  	s7 =	smul.u32 @!p0 $0xF7A, s2;
	p2 =	seq.s32 @!p0 s5, $0x0  }
0x1f: {  	s9 =	smul.u32 $0xF7A, s1;
	s8 =	simm.s32 @!p0 $0x1BF5;
	p2 =	por !p2, p0  }
0x20: {  	[sflag:s8] =	ssyncset.s32 @!p0 $0xFFFFF086;
	s6 =	sadd.s32 @!p0 s3, s7;
	s7 =	simm.s32 @!p0 $0x108  }
0x21: {  	s3 =	sadd.s32 s3, s9;
	s6 =	sadd.s32 @!p0 $0x88, s6;
	s7 =	simm.s32 @p2 $0x1082  }
0x22: {  	[simem:s7], [sflag:s8] =	dma.local @!p0 [hbm:s6], $0xF7A  }
0x23: {  	s9 =	sor.u32 $0xD0000000, s2;
	s6 =	simm.s32 $0x108;
	_ =	swait.ge @!p0 [sflag:s8], $0x0  }
0x24: {  	s3 =	sadd.s32 $0x88, s3;
	s6 =	simm.s32 @!p1 $0x1082;
	[sflag:s4] =	ssyncset.s32 $0xFFFFF086  }
0x25: {  	[simem:s6], [sflag:s4] =	dma.local [hbm:s3], $0xF7A  }
0x26: {  	[smem:$0x3F8B] =	sst s1;
	(tag) =	ssettag s2;
	_ =	strace s9  }
0x27: {  	s1 =	sld [smem:$0x3F9B]  }
0x28: {  	s2 =	sld [smem:$0x3F9C]  }
0x29: {  	s4 =	sld [smem:$0x3F9E]  }
0x2a: {  	p0 =	seq.s32 s5, $0x0;
	s5 =	sld [smem:$0x3F9F]  }
0x2b: {  	s6 =	sld [smem:$0x3FA0]  }
0x2c: {  	s7 =	sld [smem:$0x3FA1]  }
0x2d: {  	s3 =	simm.s32 $0x108;
	s8 =	sld [smem:$0x3FA2]  }
0x2e: {  	s3 =	simm.s32 @!p0 $0x1082;
	s9 =	sld [smem:$0x3FA3]  }
0x2f: {  	lr =	sadd.s32 s0, s3;
	s0 =	sld [smem:$0x3F9A]  }
0x30: {  	s3 =	sld [smem:$0x3F9D]  }
0x31: {  	[smem:$0x3FA6] =	sst s10  }
0x32: {  	s10 =	sld [smem:$0x3FA4];
	_ =	sdelay $0x3  }
0x33: {  	p0 =	seq.s32 s10, $0x1;
	s10 =	sld [smem:$0x3FA6];
	_ =	sdelay $0x3  }
0x34: {  	[smem:$0x3FA6] =	sst s10  }
0x35: {  	s10 =	sld [smem:$0x3FA5];
	_ =	sdelay $0x3  }
0x36: {  	p1 =	seq.s32 s10, $0x1;
	s10 =	sld [smem:$0x3FA6];
	_ =	sdelay $0x3  }
0x37: {  	[smem:$0x3FA6] =	sst s10  }
0x38: {  	s10 =	sld [smem:$0x3FA7]  }
0x39: {  	_ = 	snop;
	(pc) =	sbr.ind lr, $3  }
0x3a: {  	_ = 	snop  }
0x3b: {  	_ = 	snop  }
0x3c: {  	p2 =	seq.s32 s10, $0x1;
	s10 =	sld [smem:$0x3FA6]  }
0x3d: {  	_ =	shalt  }
0x3e: {  	_ =	shalt  }
0x3f: {  	_ =	shalt  }
0x40: {  	_ =	shalt  }
0x41: {  	_ =	shalt  }
0x42: {  	_ =	shalt  }
0x43: {  	_ =	shalt  }
0x44: {  	_ =	shalt  }
0x45: {  	_ =	shalt  }
0x46: {  	_ =	shalt  }
0x47: {  	_ =	shalt  }
0x48: {  	_ =	shalt  }
0x49: {  	_ =	shalt  }
0x4a: {  	_ =	shalt  }
0x4b: {  	_ =	shalt  }
0x4c: {  	_ =	shalt  }
0x4d: {  	_ =	shalt  }
0x4e: {  	_ =	shalt  }
0x4f: {  	_ =	shalt  }
0x50: {  	_ =	shalt  }
0x51: {  	_ =	shalt  }
0x52: {  	_ =	shalt  }
0x53: {  	_ =	shalt  }
0x54: {  	_ =	shalt  }
0x55: {  	_ =	shalt  }
0x56: {  	_ =	shalt  }
0x57: {  	_ =	shalt  }
0x58: {  	_ =	shalt  }
0x59: {  	_ =	shalt  }
0x5a: {  	_ =	shalt  }
0x5b: {  	_ =	shalt  }
0x5c: {  	_ =	shalt  }
0x5d: {  	_ =	shalt  }
0x5e: {  	_ =	shalt  }
0x5f: {  	_ =	shalt  }
0x60: {  	_ =	shalt  }
0x61: {  	_ =	shalt  }
0x62: {  	_ =	shalt  }
0x63: {  	_ =	shalt  }
0x64: {  	_ =	shalt  }
0x65: {  	_ =	shalt  }
0x66: {  	_ =	shalt  }
0x67: {  	_ =	shalt  }
0x68: {  	_ =	shalt  }
0x69: {  	_ =	shalt  }
0x6a: {  	_ =	shalt  }
0x6b: {  	_ =	shalt  }
0x6c: {  	_ =	shalt  }
0x6d: {  	_ =	shalt  }
0x6e: {  	_ =	shalt  }
0x6f: {  	_ =	shalt  }
0x70: {  	_ =	shalt  }
0x71: {  	_ =	shalt  }
0x72: {  	_ =	shalt  }
0x73: {  	_ =	shalt  }
0x74: {  	_ =	shalt  }
0x75: {  	_ =	shalt  }
0x76: {  	_ =	shalt  }
0x77: {  	_ =	shalt  }
0x78: {  	_ =	shalt  }
0x79: {  	_ =	shalt  }
0x7a: {  	_ =	shalt  }
0x7b: {  	_ =	shalt  }
0x7c: {  	_ =	shalt  }
0x7d: {  	_ =	shalt  }
0x7e: {  	_ =	shalt  }
0x7f: {  	_ =	shalt  }
0x80: {  	_ =	shalt  }
0x81: {  	_ =	shalt  }
0x82: {  	_ =	shalt  }
0x83: {  	_ =	shalt  }
0x84: {  	_ =	shalt  }
0x85: {  	_ =	shalt  }
0x86: {  	_ =	shalt  }
0x87: {  	_ =	shalt  }
.Lfunc_end0:
.L_simem_size_0:
called_computation.1_lowered:
.L_overlay_start_0:
0x88: {  	s2 =	sld [smem:$0x3FD9]  }
0x89: {  	s3 =	sld [smem:$0x3FFE];
	_ =	sdelay $0x1  }
0x8a: {  	s1 =	srdreg.scid  }
0x8b: {  	s0 =	sand.u32 $0x1, s1  }
0x8c: {  	s16 =	sshll.u32 s0, $0xA;
	s2 =	sadd.s32 s3, s2  }
0x8d: {  	s2 =	sadd.s32 s2, s16  }
0x8e: {  	[smem:$0x3FB2] =	sst s2  }
0x8f: {  	_ = 	snop  }
0x90: {  	(tm) =	ssettm $0x1  }
0x91: {  	s17 =	sld [smem:$0x3FFB];
	_ =	sdelay $0x3  }
0x92: {  	_ =	strace s17  }
0x93: {  	s2 =	sld [smem:$0x3FFC];
	_ =	sdelay $0x3  }
0x94: {  	_ =	strace s2  }
0x95: {  	s2 =	sld [smem:$0x3FFD];
	_ =	sdelay $0x3  }
0x96: {  	_ =	strace s2  }
0x97: {  	_ =	strace $0x8FFFFFFF  }
0x98: {  	s18 =	sld [smem:$0x3FDB];
	_ =	sdelay $0x1  }
0x99: {  	s19 =	simm.s32 $_scs_section_size  }
0x9a: {  	s4 =	simm.s32 $_size__tile_overlayer_lowered;
	s5 =	simm.s32 $_tile_overlayer_lowered  }
0x9b: {  	s22 =	simm.s32 $0x1BFF;
	s21 =	sshll.u32 s5, $0x1;
	s2 =	sadd.s32 s19, s18  }
0x9c: {  	s6 =	simm.s32 $0x0;
	s20 =	sshll.u32 s4, $0x1;
	s4 =	sadd.s32 s21, s2  }
0x9d: {  	[timem:s6], [sflag:s22] =	dma.local [hbm:s4], s20  }
0x9e: {  	_ =	swait.ge [sflag:s22], s20  }
0x9f: {  	s3 =	ssub.s32 $0x0, s20;
	[sflag:s22] =	ssyncset.done $0x0  }
0xa0: {  	[sflag:s22] =	ssyncadd.s32 s3;
	_ =	sdelay $0x1  }
0xa1: {  	s23 =	simm.s32 $0x1B8B  }
0xa2: {  	_ =	swait.ge [sflag:s23], $0x1  }
0xa3: {  	[sflag:s23] =	ssyncset.done $0x0  }
0xa4: {  	s25 =	simm.s32 $0x1B8E;
	s24 =	sld [smem:$0x3FFE];
	[sflag:s23] =	ssyncadd.s32 $0xFFFFFFFF  }
0xa5: {  	s26 =	simm.s32 $execute0_lowered;
	[smem:$0x3FD2] =	sst s25  }
0xa6: {  	s4 =	sshll.u32 s26, $0x1;
	_ =	strace $0x80000049;
	[dreg:$0x1] =	wrdreg $0xFFFFFFFF  }
0xa7: {  	s28 =	simm.s32 $_size_execute0_lowered;
	s2 =	sadd.s32 s2, s4;
	[dreg:$0x0] =	wrdreg $0x0  }
0xa8: {  	s4 =	sshll.u32 s28, $0x1;
	[dreg:$0x2] =	wrdreg s2  }
0xa9: {  	[dreg:$0x3] =	wrdreg s4  }
0xaa: {  	[dreg:$0x4] =	wrdreg $0xC0  }
0xab: {  	_ =	task [dreg:s6], $0x5FFFF  }
0xac: {  	[dreg:$0x1] =	wrdreg $0xFFFFFFFF  }
0xad: {  	[dreg:$0x0] =	wrdreg $0x60  }
0xae: {  	[dreg:$0x2] =	wrdreg s24  }
0xaf: {  	[dreg:$0x3] =	wrdreg $0x90000  }
0xb0: {  	[dreg:$0x4] =	wrdreg $0x9  }
0xb1: {  	_ =	task.clear_ibuf [dreg:s6], $0x5FFFF;
	_ =	strace $0x90000049  }
0xb2: {  	s29 =	simm.s32 $0x9;
	_ =	strace $0x8000004B  }
0xb3: {  	_ =	swait.ge [sflag:s29], $0x1  }
0xb4: {  	[sflag:s29] =	ssyncadd.s32 $0xFFFFFFFF  }
0xb5: {  	_ =	strace $0x9000004B  }
0xb6: {  	_ =	sfence  }
0xb7: {  	s30 =	sld [smem:$0x0];
	_ =	sdelay $0x2  }
0xb8: {  	s31 =	sshll.u32 s1, $0xD;
	s1 =	sshrl.u32 s1, $0x2  }
0xb9: {  	s3 =	sand.u32 $0x4000, s31;
	s1 =	sadd.s32 s1, s30  }
0xba: {  	s0 =	sor.u32 s3, s0;
	s1 =	sshll.u32 s1, $0x11  }
0xbb: {  	s0 =	sor.u32 s1, s0  }
0xbc: {  	s0 =	sadd.s32 $0x8F2B, s0  }
0xbd: {  	[sflag:s0] =	ssyncadd.remote.s32 $0x1  }
0xbe: {  	_ =	sfence.sel $0xFFFF  }
0xbf: {  	[dreg:$0x0] =	wrdreg $0xFFFFFFFF;
	(pc) =	sbr.abs _section_cstart, $3  }
0xc0: {  	[dreg:$0x1] =	wrdreg $0xFFFFFFFF  }
0xc1: {  	_ =	task.clear_ibuf [dreg:s6], $0x2FFFF;
	_ =	strace $0x9FFFFFFF  }
0xc2: {  	(tm) =	ssettm $0x7FFFFFFF  }
0xc3: {  	_ =	shalt  }
tec
execute0_lowered:
.L_overlay_start_1:
0x0: {  	(tag) =	ssettag $0x1  }
0x1: {  	s0 =	rddreg [dreg:$0x0]  }
0x2: {  	s2 =	rddreg [dreg:$0x1]  }
0x3: {  	s1 =	srdreg.scid;
	s13 =	stileid.u32  }
0x4: {  	s3 =	simm.s32 $0x0;
	s24 =	simm.s32 $0x80;
	s28 =	simm.s32 $0xE00  }
0x5: {  	s29 =	simm.s32 $0xB00;
	s30 =	simm.s32 $0xE80;
	s31 =	simm.s32 $0xB80  }
0x6: {  	s1 =	sand.u32 $0x1, s1;
	s5 =	smul.u32 $0x2800, s13;
	[smem:$0x7FF] =	sst s3  }
0x7: {  	s4 =	sadd.s32 $0x1B800, s0;
	s7 =	smul.u32 $0x14, s13;
	s8 =	sadd.s32 $0x5000, s0  }
0x8: {  	s9 =	sadd.s32 $0xF000, s0;
	s11 =	sadd.s32 $0x19000, s0;
	s12 =	smul.u32 $0x50000, s13  }
0x9: {  	s15 =	sshll.u32 s13, $0x1;
	s23 =	sshll.u32 s13, $0x6;
	s6 =	smul.u32 $0x28000, s1  }
0xa: {  	_ =	strace $0x8000004A;
	s10 =	smul.u32 $0xA, s1;
	[dreg:$0x19] =	wrdreg s11  }
0xb: {  	s25 =	ssub.s32 $0x2, s1;
	s1 =	sor.u32 s1, s15;
	[dreg:$0x7] =	wrdreg s24  }
0xc: {  	s11 =	simm.s32 $0x180;
	s15 =	simm.s32 $0x580;
	s24 =	simm.s32 $0x900  }
0xd: {  	s26 =	sshrl.u32 s25, $0x1;
	s16 =	sshrl.u32 s12, $0x2;
	[dreg:$0xa] =	wrdreg s11  }
0xe: {  	s1 =	smul.u32 $0x500, s1;
	s12 =	simm.s32 $0x500;
	[dreg:$0xd] =	wrdreg s15  }
0xf: {  	s15 =	simm.s32 $0x7D;
	[dreg:$0x16] =	wrdreg s24;
	s24 =	simm.s32 $0xA00  }
0x10: {  	s5 =	sadd.s32 s5, s6;
	s7 =	sadd.s32 s10, s7;
	s18 =	sadd.s32 s16, s2  }
0x11: {  	s10 =	simm.s32 $0x480;
	[dreg:$0xb] =	wrdreg s12;
	s16 =	simm.s32 $0x280  }
0x12: {  	s0 =	sadd.s32 s5, s0;
	s5 =	ssub.s32 s25, s26;
	[dreg:$0x9] =	wrdreg s10  }
0x13: {  	s14 =	sshll.u32 s7, $0x7;
	s26 =	simm.s32 $0x100;
	[dreg:$0xe] =	wrdreg s16  }
0x14: {  	s25 =	sor.u32 $0x1C05, s23;
	s23 =	simm.s32 $0x880;
	[dreg:$0x8] =	wrdreg s26  }
0x15: {  	s17 =	sadd.s32 $0x100, s14;
	s0 =	sadd.s32 $0x42A00, s0;
	[dreg:$0x15] =	wrdreg s23  }
0x16: {  	s21 =	sadd.s32 s14, s8;
	s13 =	smax.u32 s5, $0x1;
	[dreg:$0x1c] =	wrdreg s0  }
0x17: {  	s6 =	sadd.s32 s14, s9;
	s14 =	simm.s32 $0x200;
	[dreg:$0x1d] =	wrdreg s13  }
0x18: {  	s7 =	smov.u32 s25;
	s25 =	simm.s32 $0xC80;
	[dreg:$0xc] =	wrdreg s14  }
0x19: {  	s12 =	simm.s32 $0x5;
	s26 =	simm.s32 $0x980;
	[dreg:$0x17] =	wrdreg s25  }
0x1a: {  	s16 =	simm.s32 $0x1000;
	s19 =	sadd.s32 s17, s8;
	[dreg:$0x18] =	wrdreg s26  }
0x1b: {  	s23 =	simm.s32 $0xD00;
	s20 =	sadd.s32 s17, s9;
	[dreg:$0x3] =	wrdreg s19  }
0x1c: {  	s5 =	simm.s32 $0x0;
	s22 =	sadd.s32 $0x80, s21;
	[dreg:$0x4] =	wrdreg s20  }
0x1d: {  	s6 =	sadd.s32 $0x80, s6;
	s8 =	sadd.s32 s8, s1;
	[dreg:$0x5] =	wrdreg s22  }
0x1e: {  	s1 =	sadd.s32 s9, s1;
	s13 =	simm.s32 $0x400;
	[dreg:$0x6] =	wrdreg s6  }
0x1f: {  	s17 =	simm.s32 $0x600;
	s14 =	simm.s32 $0x3;
	[dreg:$0x1a] =	wrdreg s8  }
0x20: {  	s21 =	simm.s32 $0x700;
	s25 =	simm.s32 $0xD80;
	[dreg:$0x1b] =	wrdreg s1  }
0x21: {  	s26 =	simm.s32 $0xA80;
	s0 =	simm.s32 $0xF00;
	[dreg:$0xf] =	wrdreg s17  }
0x22: {  	s8 =	sshrl.u32 s18, $0x3;
	s18 =	simm.s32 $0x300;
	[dreg:$0x13] =	wrdreg s21  }
0x23: {  	s19 =	simm.s32 $0x680;
	s20 =	simm.s32 $0x380;
	[dreg:$0x10] =	wrdreg s18  }
0x24: {  	s17 =	simm.s32 $0x5000;
	s22 =	simm.s32 $0x780;
	[dreg:$0x11] =	wrdreg s19  }
0x25: {  	s21 =	simm.s32 $0x2;
	s1 =	simm.s32 $0xF80;
	[dreg:$0x12] =	wrdreg s20  }
0x26: {  	s18 =	simm.s32 $0x800;
	s19 =	simm.s32 $0xC00;
	[dreg:$0x14] =	wrdreg s22  }
0x27: {  	s20 =	simm.s32 $0x1;
	s22 =	simm.s32 $0x4;
	[dreg:$0x1e] =	wrdreg s8  }
.LBB2_1:
0x28: {  	s6 =	rddreg [dreg:$0x19]  }
0x29: {  	[spmem:s8], [sflag:s7] =	dma.local [hbm:s6], $0x2800  }
0x2a: {  	_ =	swait.ge [sflag:s12], $0x2800  }
0x2b: {  	[sflag:s12] =	ssyncset.done $0x0  }
0x2c: {  	[sflag:s12] =	ssyncadd.s32 $0xFFFFD800  }
0x2d: {  	[bflag:$0x0] =	sbarrier.arrive $0xFFFF  }
0x2e: {  	s8 =	rddreg [dreg:$0x1a]  }
0x2f: {  	[tilespmem:s3], [sflag:$0x3] =	stream.linear.gather [hbm4b:s8+s3], $0x400, $0x38;
	[tilespmem:$0x1D000] =	vst v63  }
0x30: {  	s9 =	rddreg [dreg:$0x1b]  }
0x31: {  	[tilespmem:s13], [sflag:$0x3] =	stream.linear.gather [hbm4b:s9+s3], $0x400, $0x38;
	[tilespmem:$0x1D000] =	vst v63  }
0x32: {  	_ =	swait.ge [sflag:s14], $0x400  }
0x33: {  	[sflag:s14] =	ssyncset.done $0x0  }
0x34: {  	[sflag:s14] =	ssyncadd.s32 $0xFFFFFC00  }
0x35: {  	_ =	swait.ge [sflag:s14], $0x400  }
0x36: {  	[sflag:s14] =	ssyncset.done $0x0  }
0x37: {  	s10 =	rddreg [dreg:$0x5];
	[sflag:s14] =	ssyncadd.s32 $0xFFFFFC00  }
0x38: {  	[tilespmem:s16], [sflag:$0x1] =	stream.indirect.gather [hbm4b:s4+s15], $0x80, s3, s15, $0xb8;
	[tilespmem:$0x1D000] =	vst v63  }
0x39: {  	s6 =	rddreg [dreg:$0x7]  }
0x3a: {  	[tilespmem:s17], [sflag:$0x2] =	stream.indirect.gather [hbm4b:s4+s15], $0x80, s6, s15, $0xb8;
	[tilespmem:$0x1D000] =	vst v63  }
0x3b: {  	s11 =	smov.u32 s7;
	s9 =	rddreg [dreg:$0x6];
	s7 =	sadd.s32 $0x0, s10  }
0x3c: {  	[tilespmem:s18], [sflag:$0x4] =	stream.linear.gather [hbm4b:s7+s3], $0x400, $0x38;
	[tilespmem:$0x1D000] =	vst v63  }
0x3d: {  	s9 =	sadd.s32 $0x0, s9  }
0x3e: {  	[tilespmem:s19], [sflag:$0x4] =	stream.linear.gather [hbm4b:s9+s3], $0x400, $0x38;
	[tilespmem:$0x1D000] =	vst v63  }
0x3f: {  	_ =	swait.ge [sflag:s20], $0x3E80  }
0x40: {  	[sflag:s20] =	ssyncset.done $0x0  }
0x41: {  	[sflag:s20] =	ssyncadd.s32 $0xFFFFC180  }
0x42: {  	[spmem:s2] =	stream.indirect.scatter.add.f32 [tilespmem:s16], [sflag:$0x5], $0x80, s13, s15, $0xb8;
	[tilespmem:$0x1D000] =	vst v63  }
0x43: {  	_ =	swait.ge [sflag:s12], $0x3E80  }
0x44: {  	[sflag:s12] =	ssyncset.done $0x0  }
0x45: {  	s10 =	rddreg [dreg:$0x8];
	[sflag:s12] =	ssyncadd.s32 $0xFFFFC180  }
0x46: {  	[tilespmem:s16], [sflag:$0x1] =	stream.indirect.gather [hbm4b:s4+s15], $0x80, s10, s15, $0xb8;
	[tilespmem:$0x1D000] =	vst v63  }
0x47: {  	_ =	swait.ge [sflag:s21], $0x3E80  }
0x48: {  	[sflag:s21] =	ssyncset.done $0x0  }
0x49: {  	s6 =	rddreg [dreg:$0x9];
	[sflag:s21] =	ssyncadd.s32 $0xFFFFC180  }
0x4a: {  	[spmem:s2] =	stream.indirect.scatter.add.f32 [tilespmem:s17], [sflag:$0x5], $0x80, s6, s15, $0xb8;
	[tilespmem:$0x1D000] =	vst v63  }
0x4b: {  	_ =	swait.ge [sflag:s12], $0x3E80  }
0x4c: {  	[sflag:s12] =	ssyncset.done $0x0  }
0x4d: {  	s8 =	rddreg [dreg:$0xa];
	[sflag:s12] =	ssyncadd.s32 $0xFFFFC180  }
0x4e: {  	[tilespmem:s17], [sflag:$0x2] =	stream.indirect.gather [hbm4b:s4+s15], $0x80, s8, s15, $0xb8;
	[tilespmem:$0x1D000] =	vst v63  }
0x4f: {  	_ =	swait.ge [sflag:s20], $0x3E80  }
0x50: {  	[sflag:s20] =	ssyncset.done $0x0  }
0x51: {  	s9 =	rddreg [dreg:$0xb];
	[sflag:s20] =	ssyncadd.s32 $0xFFFFC180  }
0x52: {  	[spmem:s2] =	stream.indirect.scatter.add.f32 [tilespmem:s16], [sflag:$0x5], $0x80, s9, s15, $0xb8;
	[tilespmem:$0x1D000] =	vst v63  }
0x53: {  	_ =	swait.ge [sflag:s12], $0x3E80  }
0x54: {  	[sflag:s12] =	ssyncset.done $0x0  }
0x55: {  	s10 =	rddreg [dreg:$0xc];
	[sflag:s12] =	ssyncadd.s32 $0xFFFFC180  }
0x56: {  	[tilespmem:s16], [sflag:$0x1] =	stream.indirect.gather [hbm4b:s4+s15], $0x80, s10, s15, $0xb8;
	[tilespmem:$0x1D000] =	vst v63  }
0x57: {  	_ =	swait.ge [sflag:s21], $0x3E80  }
0x58: {  	[sflag:s21] =	ssyncset.done $0x0  }
0x59: {  	s6 =	rddreg [dreg:$0xd];
	[sflag:s21] =	ssyncadd.s32 $0xFFFFC180  }
0x5a: {  	[spmem:s2] =	stream.indirect.scatter.add.f32 [tilespmem:s17], [sflag:$0x5], $0x80, s6, s15, $0xb8;
	[tilespmem:$0x1D000] =	vst v63  }
0x5b: {  	_ =	swait.ge [sflag:s12], $0x3E80  }
0x5c: {  	[sflag:s12] =	ssyncset.done $0x0  }
0x5d: {  	s8 =	rddreg [dreg:$0xe];
	[sflag:s12] =	ssyncadd.s32 $0xFFFFC180  }
0x5e: {  	[tilespmem:s17], [sflag:$0x2] =	stream.indirect.gather [hbm4b:s4+s15], $0x80, s8, s15, $0xb8;
	[tilespmem:$0x1D000] =	vst v63  }
0x5f: {  	_ =	swait.ge [sflag:s20], $0x3E80  }
0x60: {  	[sflag:s20] =	ssyncset.done $0x0  }
0x61: {  	s9 =	rddreg [dreg:$0xf];
	[sflag:s20] =	ssyncadd.s32 $0xFFFFC180  }
0x62: {  	[spmem:s2] =	stream.indirect.scatter.add.f32 [tilespmem:s16], [sflag:$0x5], $0x80, s9, s15, $0xb8;
	[tilespmem:$0x1D000] =	vst v63  }
0x63: {  	_ =	swait.ge [sflag:s12], $0x3E80  }
0x64: {  	[sflag:s12] =	ssyncset.done $0x0  }
0x65: {  	s10 =	rddreg [dreg:$0x10];
	[sflag:s12] =	ssyncadd.s32 $0xFFFFC180  }
0x66: {  	[tilespmem:s16], [sflag:$0x1] =	stream.indirect.gather [hbm4b:s4+s15], $0x80, s10, s15, $0xb8;
	[tilespmem:$0x1D000] =	vst v63  }
0x67: {  	_ =	swait.ge [sflag:s21], $0x3E80  }
0x68: {  	[sflag:s21] =	ssyncset.done $0x0  }
0x69: {  	s6 =	rddreg [dreg:$0x11];
	[sflag:s21] =	ssyncadd.s32 $0xFFFFC180  }
0x6a: {  	[spmem:s2] =	stream.indirect.scatter.add.f32 [tilespmem:s17], [sflag:$0x5], $0x80, s6, s15, $0xb8;
	[tilespmem:$0x1D000] =	vst v63  }
0x6b: {  	_ =	swait.ge [sflag:s12], $0x3E80  }
0x6c: {  	[sflag:s12] =	ssyncset.done $0x0  }
0x6d: {  	s8 =	rddreg [dreg:$0x12];
	[sflag:s12] =	ssyncadd.s32 $0xFFFFC180  }
0x6e: {  	[tilespmem:s17], [sflag:$0x2] =	stream.indirect.gather [hbm4b:s4+s15], $0x80, s8, s15, $0xb8;
	[tilespmem:$0x1D000] =	vst v63  }
0x6f: {  	_ =	swait.ge [sflag:s20], $0x3E80  }
0x70: {  	[sflag:s20] =	ssyncset.done $0x0  }
0x71: {  	s9 =	rddreg [dreg:$0x13];
	[sflag:s20] =	ssyncadd.s32 $0xFFFFC180  }
0x72: {  	[spmem:s2] =	stream.indirect.scatter.add.f32 [tilespmem:s16], [sflag:$0x5], $0x80, s9, s15, $0xb8;
	[tilespmem:$0x1D000] =	vst v63  }
0x73: {  	_ =	swait.ge [sflag:s12], $0x3E80  }
0x74: {  	[sflag:s12] =	ssyncset.done $0x0  }
0x75: {  	[sflag:s12] =	ssyncadd.s32 $0xFFFFC180  }
0x76: {  	_ =	swait.ge [sflag:s21], $0x3E80  }
0x77: {  	[sflag:s21] =	ssyncset.done $0x0  }
0x78: {  	s10 =	rddreg [dreg:$0x14];
	[sflag:s21] =	ssyncadd.s32 $0xFFFFC180  }
0x79: {  	[spmem:s2] =	stream.indirect.scatter.add.f32 [tilespmem:s17], [sflag:$0x5], $0x80, s10, s15, $0xb8;
	[tilespmem:$0x1D000] =	vst v63  }
0x7a: {  	_ =	swait.ge [sflag:s12], $0x3E80  }
0x7b: {  	[sflag:s12] =	ssyncset.done $0x0  }
0x7c: {  	[sflag:s12] =	ssyncadd.s32 $0xFFFFC180  }
0x7d: {  	_ =	swait.ge [sflag:s22], $0x400  }
0x7e: {  	[sflag:s22] =	ssyncset.done $0x0  }
0x7f: {  	[sflag:s22] =	ssyncadd.s32 $0xFFFFFC00  }
0x80: {  	_ =	swait.ge [sflag:s22], $0x400  }
0x81: {  	[sflag:s22] =	ssyncset.done $0x0  }
0x82: {  	s7 =	rddreg [dreg:$0x3];
	[sflag:s22] =	ssyncadd.s32 $0xFFFFFC00  }
0x83: {  	[tilespmem:s16], [sflag:$0x1] =	stream.indirect.gather [hbm4b:s4+s15], $0x80, s18, s15, $0xb8;
	[tilespmem:$0x1D000] =	vst v63  }
0x84: {  	p0 =	por $0x0, $0x0;
	s6 =	rddreg [dreg:$0x15]  }
0x85: {  	[tilespmem:s17], [sflag:$0x2] =	stream.indirect.gather [hbm4b:s4+s15], $0x80, s6, s15, $0xb8;
	[tilespmem:$0x1D000] =	vst v63  }
0x86: {  	s8 =	simm.s32 @!p0 $0x0;
	s9 =	rddreg [dreg:$0x4];
	s7 =	sadd.s32 @!p0 $0x0, s7  }
0x87: {  	[tilespmem:s8], [sflag:$0x3] =	stream.linear.gather @!p0 [hbm4b:s7+s8], $0x400, $0x38;
	[tilespmem:$0x1D000] =	vst v63  }
0x88: {  	s7 =	sadd.s32 @!p0 $0x0, s9;
	s9 =	simm.s32 @!p0 $0x400  }
0x89: {  	[tilespmem:s9], [sflag:$0x3] =	stream.linear.gather @!p0 [hbm4b:s7+s8], $0x400, $0x38;
	[tilespmem:$0x1D000] =	vst v63  }
0x8a: {  	_ =	swait.ge [sflag:s20], $0x3E80  }
0x8b: {  	[sflag:s20] =	ssyncset.done $0x0  }
0x8c: {  	[sflag:s20] =	ssyncadd.s32 $0xFFFFC180  }
0x8d: {  	[spmem:s2] =	stream.indirect.scatter.add.f32 [tilespmem:s16], [sflag:$0x5], $0x80, s19, s15, $0xb8;
	[tilespmem:$0x1D000] =	vst v63  }
0x8e: {  	_ =	swait.ge [sflag:s12], $0x3E80  }
0x8f: {  	[sflag:s12] =	ssyncset.done $0x0  }
0x90: {  	s8 =	rddreg [dreg:$0x16];
	[sflag:s12] =	ssyncadd.s32 $0xFFFFC180  }
0x91: {  	[tilespmem:s16], [sflag:$0x1] =	stream.indirect.gather [hbm4b:s4+s15], $0x80, s8, s15, $0xb8;
	[tilespmem:$0x1D000] =	vst v63  }
0x92: {  	_ =	swait.ge [sflag:s21], $0x3E80  }
0x93: {  	[sflag:s21] =	ssyncset.done $0x0  }
0x94: {  	s9 =	rddreg [dreg:$0x17];
	[sflag:s21] =	ssyncadd.s32 $0xFFFFC180  }
0x95: {  	[spmem:s2] =	stream.indirect.scatter.add.f32 [tilespmem:s17], [sflag:$0x5], $0x80, s9, s15, $0xb8;
	[tilespmem:$0x1D000] =	vst v63  }
0x96: {  	_ =	swait.ge [sflag:s12], $0x3E80  }
0x97: {  	[sflag:s12] =	ssyncset.done $0x0  }
0x98: {  	s10 =	rddreg [dreg:$0x18];
	[sflag:s12] =	ssyncadd.s32 $0xFFFFC180  }
0x99: {  	[tilespmem:s17], [sflag:$0x2] =	stream.indirect.gather [hbm4b:s4+s15], $0x80, s10, s15, $0xb8;
	[tilespmem:$0x1D000] =	vst v63  }
0x9a: {  	_ =	swait.ge [sflag:s20], $0x3E80  }
0x9b: {  	[sflag:s20] =	ssyncset.done $0x0  }
0x9c: {  	[sflag:s20] =	ssyncadd.s32 $0xFFFFC180  }
0x9d: {  	[spmem:s2] =	stream.indirect.scatter.add.f32 [tilespmem:s16], [sflag:$0x5], $0x80, s23, s15, $0xb8;
	[tilespmem:$0x1D000] =	vst v63  }
0x9e: {  	_ =	swait.ge [sflag:s12], $0x3E80  }
0x9f: {  	[sflag:s12] =	ssyncset.done $0x0  }
0xa0: {  	[sflag:s12] =	ssyncadd.s32 $0xFFFFC180  }
0xa1: {  	[tilespmem:s16], [sflag:$0x1] =	stream.indirect.gather [hbm4b:s4+s15], $0x80, s24, s15, $0xb8;
	[tilespmem:$0x1D000] =	vst v63  }
0xa2: {  	_ =	swait.ge [sflag:s21], $0x3E80  }
0xa3: {  	[sflag:s21] =	ssyncset.done $0x0  }
0xa4: {  	[sflag:s21] =	ssyncadd.s32 $0xFFFFC180  }
0xa5: {  	[spmem:s2] =	stream.indirect.scatter.add.f32 [tilespmem:s17], [sflag:$0x5], $0x80, s25, s15, $0xb8;
	[tilespmem:$0x1D000] =	vst v63  }
0xa6: {  	_ =	swait.ge [sflag:s12], $0x3E80  }
0xa7: {  	[sflag:s12] =	ssyncset.done $0x0  }
0xa8: {  	[sflag:s12] =	ssyncadd.s32 $0xFFFFC180  }
0xa9: {  	[tilespmem:s17], [sflag:$0x2] =	stream.indirect.gather [hbm4b:s4+s15], $0x80, s26, s15, $0xb8;
	[tilespmem:$0x1D000] =	vst v63  }
0xaa: {  	_ =	swait.ge [sflag:s20], $0x3E80  }
0xab: {  	[sflag:s20] =	ssyncset.done $0x0  }
0xac: {  	[sflag:s20] =	ssyncadd.s32 $0xFFFFC180  }
0xad: {  	[spmem:s2] =	stream.indirect.scatter.add.f32 [tilespmem:s16], [sflag:$0x5], $0x80, s28, s15, $0xb8;
	[tilespmem:$0x1D000] =	vst v63  }
0xae: {  	_ =	swait.ge [sflag:s12], $0x3E80  }
0xaf: {  	[sflag:s12] =	ssyncset.done $0x0  }
0xb0: {  	[sflag:s12] =	ssyncadd.s32 $0xFFFFC180  }
0xb1: {  	[tilespmem:s16], [sflag:$0x1] =	stream.indirect.gather [hbm4b:s4+s15], $0x80, s29, s15, $0xb8;
	[tilespmem:$0x1D000] =	vst v63  }
0xb2: {  	_ =	swait.ge [sflag:s21], $0x3E80  }
0xb3: {  	[sflag:s21] =	ssyncset.done $0x0  }
0xb4: {  	[sflag:s21] =	ssyncadd.s32 $0xFFFFC180  }
0xb5: {  	[spmem:s2] =	stream.indirect.scatter.add.f32 [tilespmem:s17], [sflag:$0x5], $0x80, s30, s15, $0xb8;
	[tilespmem:$0x1D000] =	vst v63  }
0xb6: {  	_ =	swait.ge [sflag:s12], $0x3E80  }
0xb7: {  	[sflag:s12] =	ssyncset.done $0x0  }
0xb8: {  	[sflag:s12] =	ssyncadd.s32 $0xFFFFC180  }
0xb9: {  	[tilespmem:s17], [sflag:$0x2] =	stream.indirect.gather [hbm4b:s4+s15], $0x80, s31, s15, $0xb8;
	[tilespmem:$0x1D000] =	vst v63  }
0xba: {  	_ =	swait.ge [sflag:s20], $0x3E80  }
0xbb: {  	[sflag:s20] =	ssyncset.done $0x0  }
0xbc: {  	[sflag:s20] =	ssyncadd.s32 $0xFFFFC180  }
0xbd: {  	[spmem:s2] =	stream.indirect.scatter.add.f32 [tilespmem:s16], [sflag:$0x5], $0x80, s0, s15, $0xb8;
	[tilespmem:$0x1D000] =	vst v63  }
0xbe: {  	_ =	swait.ge [sflag:s12], $0x3E80  }
0xbf: {  	[sflag:s12] =	ssyncset.done $0x0  }
0xc0: {  	[sflag:s12] =	ssyncadd.s32 $0xFFFFC180  }
0xc1: {  	_ =	swait.ge [sflag:s21], $0x3E80  }
0xc2: {  	[sflag:s21] =	ssyncset.done $0x0  }
0xc3: {  	[sflag:s21] =	ssyncadd.s32 $0xFFFFC180  }
0xc4: {  	[spmem:s2] =	stream.indirect.scatter.add.f32 [tilespmem:s17], [sflag:$0x5], $0x80, s1, s15, $0xb8;
	[tilespmem:$0x1D000] =	vst v63  }
0xc5: {  	_ =	swait.ge [sflag:s12], $0x3E80  }
0xc6: {  	s7 =	simm.s32 $0x100;
	[sflag:s12] =	ssyncset.done $0x0  }
.LBB2_2:
0xc7: {  	[sflag:s12] =	ssyncadd.s32 $0xFFFFC180  }
0xc8: {  	_ =	swait.ge [sflag:s14], $0x400  }
0xc9: {  	[sflag:s14] =	ssyncset.done $0x0  }
0xca: {  	[sflag:s14] =	ssyncadd.s32 $0xFFFFFC00  }
0xcb: {  	_ =	swait.ge [sflag:s14], $0x400  }
0xcc: {  	[sflag:s14] =	ssyncset.done $0x0  }
0xcd: {  	s9 =	rddreg [dreg:$0x5];
	[sflag:s14] =	ssyncadd.s32 $0xFFFFFC00  }
0xce: {  	[tilespmem:s16], [sflag:$0x1] =	stream.indirect.gather [hbm4b:s4+s15], $0x80, s3, s15, $0xb8;
	[tilespmem:$0x1D000] =	vst v63  }
0xcf: {  	s8 =	smov.u32 s7;
	s10 =	rddreg [dreg:$0x7]  }
0xd0: {  	[tilespmem:s17], [sflag:$0x2] =	stream.indirect.gather [hbm4b:s4+s15], $0x80, s10, s15, $0xb8;
	[tilespmem:$0x1D000] =	vst v63  }
0xd1: {  	s6 =	rddreg [dreg:$0x6];
	s9 =	sadd.s32 s8, s9  }
0xd2: {  	[tilespmem:s18], [sflag:$0x4] =	stream.linear.gather [hbm4b:s9+s3], $0x400, $0x38;
	[tilespmem:$0x1D000] =	vst v63  }
0xd3: {  	s6 =	sadd.s32 s8, s6  }
0xd4: {  	[tilespmem:s19], [sflag:$0x4] =	stream.linear.gather [hbm4b:s6+s3], $0x400, $0x38;
	[tilespmem:$0x1D000] =	vst v63  }
0xd5: {  	_ =	swait.ge [sflag:s20], $0x3E80  }
0xd6: {  	[sflag:s20] =	ssyncset.done $0x0  }
0xd7: {  	[sflag:s20] =	ssyncadd.s32 $0xFFFFC180  }
0xd8: {  	[spmem:s2] =	stream.indirect.scatter.add.f32 [tilespmem:s16], [sflag:$0x5], $0x80, s13, s15, $0xb8;
	[tilespmem:$0x1D000] =	vst v63  }
0xd9: {  	_ =	swait.ge [sflag:s12], $0x3E80  }
0xda: {  	[sflag:s12] =	ssyncset.done $0x0  }
0xdb: {  	s10 =	rddreg [dreg:$0x8];
	[sflag:s12] =	ssyncadd.s32 $0xFFFFC180  }
0xdc: {  	[tilespmem:s16], [sflag:$0x1] =	stream.indirect.gather [hbm4b:s4+s15], $0x80, s10, s15, $0xb8;
	[tilespmem:$0x1D000] =	vst v63  }
0xdd: {  	_ =	swait.ge [sflag:s21], $0x3E80  }
0xde: {  	[sflag:s21] =	ssyncset.done $0x0  }
0xdf: {  	s9 =	rddreg [dreg:$0x9];
	[sflag:s21] =	ssyncadd.s32 $0xFFFFC180  }
0xe0: {  	[spmem:s2] =	stream.indirect.scatter.add.f32 [tilespmem:s17], [sflag:$0x5], $0x80, s9, s15, $0xb8;
	[tilespmem:$0x1D000] =	vst v63  }
0xe1: {  	_ =	swait.ge [sflag:s12], $0x3E80  }
0xe2: {  	[sflag:s12] =	ssyncset.done $0x0  }
0xe3: {  	s10 =	rddreg [dreg:$0xa];
	[sflag:s12] =	ssyncadd.s32 $0xFFFFC180  }
0xe4: {  	[tilespmem:s17], [sflag:$0x2] =	stream.indirect.gather [hbm4b:s4+s15], $0x80, s10, s15, $0xb8;
	[tilespmem:$0x1D000] =	vst v63  }
0xe5: {  	_ =	swait.ge [sflag:s20], $0x3E80  }
0xe6: {  	[sflag:s20] =	ssyncset.done $0x0  }
0xe7: {  	s9 =	rddreg [dreg:$0xb];
	[sflag:s20] =	ssyncadd.s32 $0xFFFFC180  }
0xe8: {  	[spmem:s2] =	stream.indirect.scatter.add.f32 [tilespmem:s16], [sflag:$0x5], $0x80, s9, s15, $0xb8;
	[tilespmem:$0x1D000] =	vst v63  }
0xe9: {  	_ =	swait.ge [sflag:s12], $0x3E80  }
0xea: {  	[sflag:s12] =	ssyncset.done $0x0  }
0xeb: {  	s10 =	rddreg [dreg:$0xc];
	[sflag:s12] =	ssyncadd.s32 $0xFFFFC180  }
0xec: {  	[tilespmem:s16], [sflag:$0x1] =	stream.indirect.gather [hbm4b:s4+s15], $0x80, s10, s15, $0xb8;
	[tilespmem:$0x1D000] =	vst v63  }
0xed: {  	_ =	swait.ge [sflag:s21], $0x3E80  }
0xee: {  	[sflag:s21] =	ssyncset.done $0x0  }
0xef: {  	s9 =	rddreg [dreg:$0xd];
	[sflag:s21] =	ssyncadd.s32 $0xFFFFC180  }
0xf0: {  	[spmem:s2] =	stream.indirect.scatter.add.f32 [tilespmem:s17], [sflag:$0x5], $0x80, s9, s15, $0xb8;
	[tilespmem:$0x1D000] =	vst v63  }
0xf1: {  	_ =	swait.ge [sflag:s12], $0x3E80  }
0xf2: {  	[sflag:s12] =	ssyncset.done $0x0  }
0xf3: {  	s10 =	rddreg [dreg:$0xe];
	[sflag:s12] =	ssyncadd.s32 $0xFFFFC180  }
0xf4: {  	[tilespmem:s17], [sflag:$0x2] =	stream.indirect.gather [hbm4b:s4+s15], $0x80, s10, s15, $0xb8;
	[tilespmem:$0x1D000] =	vst v63  }
0xf5: {  	_ =	swait.ge [sflag:s20], $0x3E80  }
0xf6: {  	[sflag:s20] =	ssyncset.done $0x0  }
0xf7: {  	s9 =	rddreg [dreg:$0xf];
	[sflag:s20] =	ssyncadd.s32 $0xFFFFC180  }
0xf8: {  	[spmem:s2] =	stream.indirect.scatter.add.f32 [tilespmem:s16], [sflag:$0x5], $0x80, s9, s15, $0xb8;
	[tilespmem:$0x1D000] =	vst v63  }
0xf9: {  	_ =	swait.ge [sflag:s12], $0x3E80  }
0xfa: {  	[sflag:s12] =	ssyncset.done $0x0  }
0xfb: {  	s10 =	rddreg [dreg:$0x10];
	[sflag:s12] =	ssyncadd.s32 $0xFFFFC180  }
0xfc: {  	[tilespmem:s16], [sflag:$0x1] =	stream.indirect.gather [hbm4b:s4+s15], $0x80, s10, s15, $0xb8;
	[tilespmem:$0x1D000] =	vst v63  }
0xfd: {  	_ =	swait.ge [sflag:s21], $0x3E80  }
0xfe: {  	[sflag:s21] =	ssyncset.done $0x0  }
0xff: {  	s9 =	rddreg [dreg:$0x11];
	[sflag:s21] =	ssyncadd.s32 $0xFFFFC180  }
0x100: {  	[spmem:s2] =	stream.indirect.scatter.add.f32 [tilespmem:s17], [sflag:$0x5], $0x80, s9, s15, $0xb8;
	[tilespmem:$0x1D000] =	vst v63  }
0x101: {  	_ =	swait.ge [sflag:s12], $0x3E80  }
0x102: {  	[sflag:s12] =	ssyncset.done $0x0  }
0x103: {  	s10 =	rddreg [dreg:$0x12];
	[sflag:s12] =	ssyncadd.s32 $0xFFFFC180  }
0x104: {  	[tilespmem:s17], [sflag:$0x2] =	stream.indirect.gather [hbm4b:s4+s15], $0x80, s10, s15, $0xb8;
	[tilespmem:$0x1D000] =	vst v63  }
0x105: {  	_ =	swait.ge [sflag:s20], $0x3E80  }
0x106: {  	[sflag:s20] =	ssyncset.done $0x0  }
0x107: {  	s9 =	rddreg [dreg:$0x13];
	[sflag:s20] =	ssyncadd.s32 $0xFFFFC180  }
0x108: {  	[spmem:s2] =	stream.indirect.scatter.add.f32 [tilespmem:s16], [sflag:$0x5], $0x80, s9, s15, $0xb8;
	[tilespmem:$0x1D000] =	vst v63  }
0x109: {  	_ =	swait.ge [sflag:s12], $0x3E80  }
0x10a: {  	[sflag:s12] =	ssyncset.done $0x0  }
0x10b: {  	[sflag:s12] =	ssyncadd.s32 $0xFFFFC180  }
0x10c: {  	_ =	swait.ge [sflag:s21], $0x3E80  }
0x10d: {  	[sflag:s21] =	ssyncset.done $0x0  }
0x10e: {  	s10 =	rddreg [dreg:$0x14];
	[sflag:s21] =	ssyncadd.s32 $0xFFFFC180  }
0x10f: {  	[spmem:s2] =	stream.indirect.scatter.add.f32 [tilespmem:s17], [sflag:$0x5], $0x80, s10, s15, $0xb8;
	[tilespmem:$0x1D000] =	vst v63  }
0x110: {  	_ =	swait.ge [sflag:s12], $0x3E80  }
0x111: {  	[sflag:s12] =	ssyncset.done $0x0  }
0x112: {  	[sflag:s12] =	ssyncadd.s32 $0xFFFFC180  }
0x113: {  	_ =	swait.ge [sflag:s22], $0x400  }
0x114: {  	[sflag:s22] =	ssyncset.done $0x0  }
0x115: {  	[sflag:s22] =	ssyncadd.s32 $0xFFFFFC00  }
0x116: {  	_ =	swait.ge [sflag:s22], $0x400  }
0x117: {  	[sflag:s22] =	ssyncset.done $0x0  }
0x118: {  	s6 =	rddreg [dreg:$0x3];
	[sflag:s22] =	ssyncadd.s32 $0xFFFFFC00  }
0x119: {  	[tilespmem:s16], [sflag:$0x1] =	stream.indirect.gather [hbm4b:s4+s15], $0x80, s18, s15, $0xb8;
	[tilespmem:$0x1D000] =	vst v63  }
0x11a: {  	p1 =	seq.s32 s8, $0x400;
	s9 =	rddreg [dreg:$0x15]  }
0x11b: {  	[tilespmem:s17], [sflag:$0x2] =	stream.indirect.gather [hbm4b:s4+s15], $0x80, s9, s15, $0xb8;
	[tilespmem:$0x1D000] =	vst v63  }
0x11c: {  	s10 =	rddreg [dreg:$0x4];
	s6 =	sadd.s32 @!p1 s8, s6;
	s9 =	simm.s32 @!p1 $0x0  }
0x11d: {  	[tilespmem:s9], [sflag:$0x3] =	stream.linear.gather @!p1 [hbm4b:s6+s9], $0x400, $0x38;
	[tilespmem:$0x1D000] =	vst v63  }
0x11e: {  	s6 =	sadd.s32 @!p1 s8, s10;
	s8 =	simm.s32 @!p1 $0x400  }
0x11f: {  	[tilespmem:s8], [sflag:$0x3] =	stream.linear.gather @!p1 [hbm4b:s6+s9], $0x400, $0x38;
	[tilespmem:$0x1D000] =	vst v63  }
0x120: {  	_ =	swait.ge [sflag:s20], $0x3E80  }
0x121: {  	[sflag:s20] =	ssyncset.done $0x0  }
0x122: {  	[sflag:s20] =	ssyncadd.s32 $0xFFFFC180  }
0x123: {  	[spmem:s2] =	stream.indirect.scatter.add.f32 [tilespmem:s16], [sflag:$0x5], $0x80, s19, s15, $0xb8;
	[tilespmem:$0x1D000] =	vst v63  }
0x124: {  	_ =	swait.ge [sflag:s12], $0x3E80  }
0x125: {  	[sflag:s12] =	ssyncset.done $0x0  }
0x126: {  	s8 =	rddreg [dreg:$0x16];
	[sflag:s12] =	ssyncadd.s32 $0xFFFFC180  }
0x127: {  	[tilespmem:s16], [sflag:$0x1] =	stream.indirect.gather [hbm4b:s4+s15], $0x80, s8, s15, $0xb8;
	[tilespmem:$0x1D000] =	vst v63  }
0x128: {  	_ =	swait.ge [sflag:s21], $0x3E80  }
0x129: {  	[sflag:s21] =	ssyncset.done $0x0  }
0x12a: {  	s9 =	rddreg [dreg:$0x17];
	[sflag:s21] =	ssyncadd.s32 $0xFFFFC180  }
0x12b: {  	[spmem:s2] =	stream.indirect.scatter.add.f32 [tilespmem:s17], [sflag:$0x5], $0x80, s9, s15, $0xb8;
	[tilespmem:$0x1D000] =	vst v63  }
0x12c: {  	_ =	swait.ge [sflag:s12], $0x3E80  }
0x12d: {  	[sflag:s12] =	ssyncset.done $0x0  }
0x12e: {  	s10 =	rddreg [dreg:$0x18];
	[sflag:s12] =	ssyncadd.s32 $0xFFFFC180  }
0x12f: {  	[tilespmem:s17], [sflag:$0x2] =	stream.indirect.gather [hbm4b:s4+s15], $0x80, s10, s15, $0xb8;
	[tilespmem:$0x1D000] =	vst v63  }
0x130: {  	_ =	swait.ge [sflag:s20], $0x3E80  }
0x131: {  	[sflag:s20] =	ssyncset.done $0x0  }
0x132: {  	[sflag:s20] =	ssyncadd.s32 $0xFFFFC180  }
0x133: {  	[spmem:s2] =	stream.indirect.scatter.add.f32 [tilespmem:s16], [sflag:$0x5], $0x80, s23, s15, $0xb8;
	[tilespmem:$0x1D000] =	vst v63  }
0x134: {  	_ =	swait.ge [sflag:s12], $0x3E80  }
0x135: {  	[sflag:s12] =	ssyncset.done $0x0  }
0x136: {  	[sflag:s12] =	ssyncadd.s32 $0xFFFFC180  }
0x137: {  	[tilespmem:s16], [sflag:$0x1] =	stream.indirect.gather [hbm4b:s4+s15], $0x80, s24, s15, $0xb8;
	[tilespmem:$0x1D000] =	vst v63  }
0x138: {  	_ =	swait.ge [sflag:s21], $0x3E80  }
0x139: {  	[sflag:s21] =	ssyncset.done $0x0  }
0x13a: {  	[sflag:s21] =	ssyncadd.s32 $0xFFFFC180  }
0x13b: {  	[spmem:s2] =	stream.indirect.scatter.add.f32 [tilespmem:s17], [sflag:$0x5], $0x80, s25, s15, $0xb8;
	[tilespmem:$0x1D000] =	vst v63  }
0x13c: {  	_ =	swait.ge [sflag:s12], $0x3E80  }
0x13d: {  	[sflag:s12] =	ssyncset.done $0x0  }
0x13e: {  	[sflag:s12] =	ssyncadd.s32 $0xFFFFC180  }
0x13f: {  	[tilespmem:s17], [sflag:$0x2] =	stream.indirect.gather [hbm4b:s4+s15], $0x80, s26, s15, $0xb8;
	[tilespmem:$0x1D000] =	vst v63  }
0x140: {  	_ =	swait.ge [sflag:s20], $0x3E80  }
0x141: {  	[sflag:s20] =	ssyncset.done $0x0  }
0x142: {  	[sflag:s20] =	ssyncadd.s32 $0xFFFFC180  }
0x143: {  	[spmem:s2] =	stream.indirect.scatter.add.f32 [tilespmem:s16], [sflag:$0x5], $0x80, s28, s15, $0xb8;
	[tilespmem:$0x1D000] =	vst v63  }
0x144: {  	_ =	swait.ge [sflag:s12], $0x3E80  }
0x145: {  	[sflag:s12] =	ssyncset.done $0x0  }
0x146: {  	[sflag:s12] =	ssyncadd.s32 $0xFFFFC180  }
0x147: {  	[tilespmem:s16], [sflag:$0x1] =	stream.indirect.gather [hbm4b:s4+s15], $0x80, s29, s15, $0xb8;
	[tilespmem:$0x1D000] =	vst v63  }
0x148: {  	_ =	swait.ge [sflag:s21], $0x3E80  }
0x149: {  	[sflag:s21] =	ssyncset.done $0x0  }
0x14a: {  	[sflag:s21] =	ssyncadd.s32 $0xFFFFC180  }
0x14b: {  	[spmem:s2] =	stream.indirect.scatter.add.f32 [tilespmem:s17], [sflag:$0x5], $0x80, s30, s15, $0xb8;
	[tilespmem:$0x1D000] =	vst v63  }
0x14c: {  	_ =	swait.ge [sflag:s12], $0x3E80  }
0x14d: {  	[sflag:s12] =	ssyncset.done $0x0  }
0x14e: {  	[sflag:s12] =	ssyncadd.s32 $0xFFFFC180  }
0x14f: {  	[tilespmem:s17], [sflag:$0x2] =	stream.indirect.gather [hbm4b:s4+s15], $0x80, s31, s15, $0xb8;
	[tilespmem:$0x1D000] =	vst v63  }
0x150: {  	_ =	swait.ge [sflag:s20], $0x3E80  }
0x151: {  	[sflag:s20] =	ssyncset.done $0x0  }
0x152: {  	[sflag:s20] =	ssyncadd.s32 $0xFFFFC180  }
0x153: {  	[spmem:s2] =	stream.indirect.scatter.add.f32 [tilespmem:s16], [sflag:$0x5], $0x80, s0, s15, $0xb8;
	[tilespmem:$0x1D000] =	vst v63  }
0x154: {  	_ =	swait.ge [sflag:s12], $0x3E80  }
0x155: {  	[sflag:s12] =	ssyncset.done $0x0  }
0x156: {  	s7 =	sadd.s32 $0x100, s7;
	[sflag:s12] =	ssyncadd.s32 $0xFFFFC180  }
0x157: {  	p0 =	sne.s32 s7, $0x500;
	_ =	swait.ge [sflag:s21], $0x3E80  }
.Ltmp0:
0x158: {  	[sflag:s21] =	ssyncset.done $0x0;
	(pc) =	sbr.rel @p0 .LBB2_2-.Ltmp0, $4  }
0x159: {  	[sflag:s21] =	ssyncadd.s32 $0xFFFFC180  }
0x15a: {  	[spmem:s2] =	stream.indirect.scatter.add.f32 [tilespmem:s17], [sflag:$0x5], $0x80, s1, s15, $0xb8;
	[tilespmem:$0x1D000] =	vst v63  }
0x15b: {  	_ =	swait.ge [sflag:s12], $0x3E80  }
0x15c: {  	[sflag:s12] =	ssyncset.done $0x0  }
0x15d: {  	[sflag:s12] =	ssyncadd.s32 $0xFFFFC180  }
0x15e: {  	[bflag:$0x0] =	sbarrier.arrive $0xFFFF  }
0x15f: {  	s6 =	rddreg [dreg:$0x1c]  }
0x160: {  	s8 =	rddreg [dreg:$0x1e]  }
0x161: {  	[hbm:s6], [sflag:s11] =	dma.local [spmem:s8], $0x2800  }
0x162: {  	_ =	swait.ge [sflag:s12], $0x2800  }
0x163: {  	s7 =	smov.u32 s11;
	s5 =	sadd.s32 $0x1, s5;
	s11 =	rddreg [dreg:$0x1d]  }
0x164: {  	p0 =	sne.s32 s5, s11  }
.Ltmp1:
0x165: {  	_ = 	snop;
	(pc) =	sbr.rel @p0 .LBB2_1-.Ltmp1, $3  }
0x166: {  	_ =	sdelay $0x1  }
0x167: {  	[sflag:s12] =	ssyncset.done $0x0  }
0x168: {  	[sflag:s12] =	ssyncadd.s32 $0xFFFFD800  }
0x169: {  	_ =	sfence.sel $0x180000  }
0x16a: {  	[bflag:$0x0] =	sbarrier.arrive $0xFFFF  }
0x16b: {  	_ =	strace $0x9000004A  }
0x16c: {  	s0 =	stileid.u32;
	[bflag:$0x2] =	sbarrier.arrive $0xFFFF  }
0x16d: {  	p0 =	sne.s32 s0, $0x0;
	s0 =	rddreg [dreg:$0x2]  }
0x16e: {  	s0 =	sadd.s32 @!p0 $0x100000, s0  }
0x16f: {  	[sflag:s0] =	ssyncadd.tile.s32 @!p0 $0x1;
	_ =	shalt  }
.Lfunc_end2:
_tile_overlayer_lowered:
.L_overlay_start_2:
0x170: {  	(tag) =	ssettag $0x2  }
0x171: {  	s0 =	rddreg [dreg:$0x0];
	s2 =	stileid.u32  }
0x172: {  	s1 =	rddreg [dreg:$0x1];
	p0 =	sne.s32 s2, $0x0  }
0x173: {  	s3 =	rddreg [dreg:$0x2];
	[bflag:$0x3] =	sbarrier.arrive $0xFFFF;
	s2 =	simm.s32 @!p0 $0x1C05  }
0x174: {  	[timem:s3], [sflag:s2] =	dma.local @!p0 [hbm:s0], s1  }
0x175: {  	s0 =	simm.s32 @!p0 $0x5  }
0x176: {  	_ =	swait.ge @!p0 [sflag:s0], s1  }
0x177: {  	s1 =	ssub.s32 @!p0 $0x0, s1;
	[sflag:s0] =	ssyncset.done @!p0 $0x0  }
0x178: {  	[sflag:s0] =	ssyncadd.s32 @!p0 s1  }
0x179: {  	[bflag:$0x3] =	sbarrier.arrive $0xFFFF  }
0x17a: {  	_ =	shalt  }

// kernel: kernel.15.cloned.1.call-start
scs
__scs_entry_jumppad:
0x0: {  	(pc) =	sbr.rel $0x88, $3  }
0x1: {  	(tag) =	ssettag $0x0;
	lr =	simm.s32 $0x1  }
0x2: {  	[smem:$0x3F8B] =	sst lr;
	_ =	strace $0xD0000000  }
0x3: {  	_ = 	snop  }
0x4: {  	_ = 	snop  }
0x5: {  	_ = 	snop  }
0x6: {  	_ = 	snop  }
0x7: {  	_ = 	snop  }
__scs_overlays_trampoline_lowered:
0x8: {  	[smem:$0x3F9A] =	sst s0  }
0x9: {  	[smem:$0x3F9B] =	sst s1  }
0xa: {  	[smem:$0x3F9C] =	sst s2  }
0xb: {  	[smem:$0x3F9D] =	sst s3  }
0xc: {  	[smem:$0x3F9E] =	sst s4  }
0xd: {  	[smem:$0x3F9F] =	sst s5  }
0xe: {  	[smem:$0x3FA0] =	sst s6  }
0xf: {  	[smem:$0x3FA1] =	sst s7  }
0x10: {  	[smem:$0x3FA2] =	sst s8  }
0x11: {  	[smem:$0x3FA3] =	sst s9;
	s0 =	simm.s32 @!p0 $0x0  }
0x12: {  	s1 =	sld [smem:$0x3F89];
	s0 =	simm.s32 @p0 $0x1  }
0x13: {  	[smem:$0x3FA4] =	sst s0;
	s0 =	simm.s32 @!p1 $0x0  }
0x14: {  	s2 =	sld [smem:$0x3F88];
	s0 =	simm.s32 @p1 $0x1  }
0x15: {  	[smem:$0x3FA5] =	sst s0;
	s0 =	simm.s32 @!p2 $0x0  }
0x16: {  	s3 =	sld [smem:$0x3FDB];
	s0 =	simm.s32 @p2 $0x1  }
0x17: {  	s4 =	simm.s32 $0x1BF5;
	[smem:$0x3FA7] =	sst s0  }
0x18: {  	s0 =	sld [smem:$0x3F8A];
	_ =	swait.ge [sflag:s4], $0x0  }
0x19: {  	s7 =	sld [smem:$0x3F8B]  }
0x1a: {  	s8 =	sadd.s32 $0xFFFFE003, lr  }
0x1b: {  	s9 =	sadd.s32 $0xFFFFFEF7, lr;
	s5 =	simm.s32 $0xFFFFFFFF;
	p2 =	slt.u32 s8, $0xFFFFF086  }
0x1c: {  	p1 =	slt.u32 s9, $0xF7A;
	s5 =	simm.s32 @!p2 $0x0  }
0x1d: {  	s5 =	simm.s32 @p1 $0x1;
	p0 =	seq.s32 s7, s2  }
0x1e: {  	s7 =	smul.u32 @!p0 $0xF7A, s2;
	p2 =	seq.s32 @!p0 s5, $0x0  }
0x1f: {  	s9 =	smul.u32 $0xF7A, s1;
	s8 =	simm.s32 @!p0 $0x1BF5;
	p2 =	por !p2, p0  }
0x20: {  	[sflag:s8] =	ssyncset.s32 @!p0 $0xFFFFF086;
	s6 =	sadd.s32 @!p0 s3, s7;
	s7 =	simm.s32 @!p0 $0x108  }
0x21: {  	s3 =	sadd.s32 s3, s9;
	s6 =	sadd.s32 @!p0 $0x88, s6;
	s7 =	simm.s32 @p2 $0x1082  }
0x22: {  	[simem:s7], [sflag:s8] =	dma.local @!p0 [hbm:s6], $0xF7A  }
0x23: {  	s9 =	sor.u32 $0xD0000000, s2;
	s6 =	simm.s32 $0x108;
	_ =	swait.ge @!p0 [sflag:s8], $0x0  }
0x24: {  	s3 =	sadd.s32 $0x88, s3;
	s6 =	simm.s32 @!p1 $0x1082;
	[sflag:s4] =	ssyncset.s32 $0xFFFFF086  }
0x25: {  	[simem:s6], [sflag:s4] =	dma.local [hbm:s3], $0xF7A  }
0x26: {  	[smem:$0x3F8B] =	sst s1;
	(tag) =	ssettag s2;
	_ =	strace s9  }
0x27: {  	s1 =	sld [smem:$0x3F9B]  }
0x28: {  	s2 =	sld [smem:$0x3F9C]  }
0x29: {  	s4 =	sld [smem:$0x3F9E]  }
0x2a: {  	p0 =	seq.s32 s5, $0x0;
	s5 =	sld [smem:$0x3F9F]  }
0x2b: {  	s6 =	sld [smem:$0x3FA0]  }
0x2c: {  	s7 =	sld [smem:$0x3FA1]  }
0x2d: {  	s3 =	simm.s32 $0x108;
	s8 =	sld [smem:$0x3FA2]  }
0x2e: {  	s3 =	simm.s32 @!p0 $0x1082;
	s9 =	sld [smem:$0x3FA3]  }
0x2f: {  	lr =	sadd.s32 s0, s3;
	s0 =	sld [smem:$0x3F9A]  }
0x30: {  	s3 =	sld [smem:$0x3F9D]  }
0x31: {  	[smem:$0x3FA6] =	sst s10  }
0x32: {  	s10 =	sld [smem:$0x3FA4];
	_ =	sdelay $0x3  }
0x33: {  	p0 =	seq.s32 s10, $0x1;
	s10 =	sld [smem:$0x3FA6];
	_ =	sdelay $0x3  }
0x34: {  	[smem:$0x3FA6] =	sst s10  }
0x35: {  	s10 =	sld [smem:$0x3FA5];
	_ =	sdelay $0x3  }
0x36: {  	p1 =	seq.s32 s10, $0x1;
	s10 =	sld [smem:$0x3FA6];
	_ =	sdelay $0x3  }
0x37: {  	[smem:$0x3FA6] =	sst s10  }
0x38: {  	s10 =	sld [smem:$0x3FA7]  }
0x39: {  	_ = 	snop;
	(pc) =	sbr.ind lr, $3  }
0x3a: {  	_ = 	snop  }
0x3b: {  	_ = 	snop  }
0x3c: {  	p2 =	seq.s32 s10, $0x1;
	s10 =	sld [smem:$0x3FA6]  }
0x3d: {  	_ =	shalt  }
0x3e: {  	_ =	shalt  }
0x3f: {  	_ =	shalt  }
0x40: {  	_ =	shalt  }
0x41: {  	_ =	shalt  }
0x42: {  	_ =	shalt  }
0x43: {  	_ =	shalt  }
0x44: {  	_ =	shalt  }
0x45: {  	_ =	shalt  }
0x46: {  	_ =	shalt  }
0x47: {  	_ =	shalt  }
0x48: {  	_ =	shalt  }
0x49: {  	_ =	shalt  }
0x4a: {  	_ =	shalt  }
0x4b: {  	_ =	shalt  }
0x4c: {  	_ =	shalt  }
0x4d: {  	_ =	shalt  }
0x4e: {  	_ =	shalt  }
0x4f: {  	_ =	shalt  }
0x50: {  	_ =	shalt  }
0x51: {  	_ =	shalt  }
0x52: {  	_ =	shalt  }
0x53: {  	_ =	shalt  }
0x54: {  	_ =	shalt  }
0x55: {  	_ =	shalt  }
0x56: {  	_ =	shalt  }
0x57: {  	_ =	shalt  }
0x58: {  	_ =	shalt  }
0x59: {  	_ =	shalt  }
0x5a: {  	_ =	shalt  }
0x5b: {  	_ =	shalt  }
0x5c: {  	_ =	shalt  }
0x5d: {  	_ =	shalt  }
0x5e: {  	_ =	shalt  }
0x5f: {  	_ =	shalt  }
0x60: {  	_ =	shalt  }
0x61: {  	_ =	shalt  }
0x62: {  	_ =	shalt  }
0x63: {  	_ =	shalt  }
0x64: {  	_ =	shalt  }
0x65: {  	_ =	shalt  }
0x66: {  	_ =	shalt  }
0x67: {  	_ =	shalt  }
0x68: {  	_ =	shalt  }
0x69: {  	_ =	shalt  }
0x6a: {  	_ =	shalt  }
0x6b: {  	_ =	shalt  }
0x6c: {  	_ =	shalt  }
0x6d: {  	_ =	shalt  }
0x6e: {  	_ =	shalt  }
0x6f: {  	_ =	shalt  }
0x70: {  	_ =	shalt  }
0x71: {  	_ =	shalt  }
0x72: {  	_ =	shalt  }
0x73: {  	_ =	shalt  }
0x74: {  	_ =	shalt  }
0x75: {  	_ =	shalt  }
0x76: {  	_ =	shalt  }
0x77: {  	_ =	shalt  }
0x78: {  	_ =	shalt  }
0x79: {  	_ =	shalt  }
0x7a: {  	_ =	shalt  }
0x7b: {  	_ =	shalt  }
0x7c: {  	_ =	shalt  }
0x7d: {  	_ =	shalt  }
0x7e: {  	_ =	shalt  }
0x7f: {  	_ =	shalt  }
0x80: {  	_ =	shalt  }
0x81: {  	_ =	shalt  }
0x82: {  	_ =	shalt  }
0x83: {  	_ =	shalt  }
0x84: {  	_ =	shalt  }
0x85: {  	_ =	shalt  }
0x86: {  	_ =	shalt  }
0x87: {  	_ =	shalt  }
.Lfunc_end0:
.L_simem_size_0:
called_computation.2_lowered:
.L_overlay_start_0:
0x88: {  	s2 =	sld [smem:$0x3FD9]  }
0x89: {  	s3 =	sld [smem:$0x3FFE];
	_ =	sdelay $0x1  }
0x8a: {  	s1 =	srdreg.scid  }
0x8b: {  	s0 =	sand.u32 $0x1, s1  }
0x8c: {  	s16 =	sshll.u32 s0, $0xA;
	s2 =	sadd.s32 s3, s2  }
0x8d: {  	s2 =	sadd.s32 s2, s16  }
0x8e: {  	[smem:$0x3FB2] =	sst s2  }
0x8f: {  	_ = 	snop  }
0x90: {  	(tm) =	ssettm $0x1  }
0x91: {  	s17 =	sld [smem:$0x3FFB];
	_ =	sdelay $0x3  }
0x92: {  	_ =	strace s17  }
0x93: {  	s2 =	sld [smem:$0x3FFC];
	_ =	sdelay $0x3  }
0x94: {  	_ =	strace s2  }
0x95: {  	s2 =	sld [smem:$0x3FFD];
	_ =	sdelay $0x3  }
0x96: {  	_ =	strace s2  }
0x97: {  	_ =	strace $0x8FFFFFFF  }
0x98: {  	s18 =	sld [smem:$0x3FDB];
	_ =	sdelay $0x1  }
0x99: {  	s19 =	simm.s32 $_scs_section_size  }
0x9a: {  	s4 =	simm.s32 $_size__tile_overlayer_lowered;
	s5 =	simm.s32 $_tile_overlayer_lowered  }
0x9b: {  	s22 =	simm.s32 $0x1BFF;
	s21 =	sshll.u32 s5, $0x1;
	s2 =	sadd.s32 s19, s18  }
0x9c: {  	s6 =	simm.s32 $0x0;
	s20 =	sshll.u32 s4, $0x1;
	s4 =	sadd.s32 s21, s2  }
0x9d: {  	[timem:s6], [sflag:s22] =	dma.local [hbm:s4], s20  }
0x9e: {  	_ =	swait.ge [sflag:s22], s20  }
0x9f: {  	s3 =	ssub.s32 $0x0, s20;
	[sflag:s22] =	ssyncset.done $0x0  }
0xa0: {  	[sflag:s22] =	ssyncadd.s32 s3;
	_ =	sdelay $0x1  }
0xa1: {  	s23 =	simm.s32 $0x1B8B  }
0xa2: {  	_ =	swait.ge [sflag:s23], $0x1  }
0xa3: {  	[sflag:s23] =	ssyncset.done $0x0  }
0xa4: {  	s25 =	simm.s32 $0x1B8E;
	s24 =	sld [smem:$0x3FFE];
	[sflag:s23] =	ssyncadd.s32 $0xFFFFFFFF  }
0xa5: {  	s26 =	simm.s32 $execute0_lowered;
	[smem:$0x3FD2] =	sst s25  }
0xa6: {  	s4 =	sshll.u32 s26, $0x1;
	_ =	strace $0x8000004C;
	[dreg:$0x1] =	wrdreg $0xFFFFFFFF  }
0xa7: {  	s28 =	simm.s32 $_size_execute0_lowered;
	s2 =	sadd.s32 s2, s4;
	[dreg:$0x0] =	wrdreg $0x0  }
0xa8: {  	s4 =	sshll.u32 s28, $0x1;
	[dreg:$0x2] =	wrdreg s2  }
0xa9: {  	[dreg:$0x3] =	wrdreg s4  }
0xaa: {  	[dreg:$0x4] =	wrdreg $0xC0  }
0xab: {  	_ =	task [dreg:s6], $0x5FFFF  }
0xac: {  	[dreg:$0x1] =	wrdreg $0xFFFFFFFF  }
0xad: {  	[dreg:$0x0] =	wrdreg $0x60  }
0xae: {  	[dreg:$0x2] =	wrdreg s24  }
0xaf: {  	[dreg:$0x3] =	wrdreg $0x90000  }
0xb0: {  	[dreg:$0x4] =	wrdreg $0x9  }
0xb1: {  	_ =	task.clear_ibuf [dreg:s6], $0x5FFFF;
	_ =	strace $0x9000004C  }
0xb2: {  	s29 =	simm.s32 $0x9;
	_ =	strace $0x8000004E  }
0xb3: {  	_ =	swait.ge [sflag:s29], $0x1  }
0xb4: {  	[sflag:s29] =	ssyncadd.s32 $0xFFFFFFFF  }
0xb5: {  	_ =	strace $0x9000004E  }
0xb6: {  	_ =	sfence  }
0xb7: {  	s30 =	sld [smem:$0x0];
	_ =	sdelay $0x2  }
0xb8: {  	s31 =	sshll.u32 s1, $0xD;
	s1 =	sshrl.u32 s1, $0x2  }
0xb9: {  	s3 =	sand.u32 $0x4000, s31;
	s1 =	sadd.s32 s1, s30  }
0xba: {  	s0 =	sor.u32 s3, s0;
	s1 =	sshll.u32 s1, $0x11  }
0xbb: {  	s0 =	sor.u32 s1, s0  }
0xbc: {  	s0 =	sadd.s32 $0x8F2B, s0  }
0xbd: {  	[sflag:s0] =	ssyncadd.remote.s32 $0x1  }
0xbe: {  	_ =	sfence.sel $0xFFFF  }
0xbf: {  	[dreg:$0x0] =	wrdreg $0xFFFFFFFF;
	(pc) =	sbr.abs _section_cstart, $3  }
0xc0: {  	[dreg:$0x1] =	wrdreg $0xFFFFFFFF  }
0xc1: {  	_ =	task.clear_ibuf [dreg:s6], $0x2FFFF;
	_ =	strace $0x9FFFFFFF  }
0xc2: {  	(tm) =	ssettm $0x7FFFFFFF  }
0xc3: {  	_ =	shalt  }
tec
execute0_lowered:
.L_overlay_start_1:
0x0: {  	(tag) =	ssettag $0x1  }
0x1: {  	s0 =	rddreg [dreg:$0x0]  }
0x2: {  	s2 =	rddreg [dreg:$0x1]  }
0x3: {  	s1 =	srdreg.scid;
	s13 =	stileid.u32  }
0x4: {  	s3 =	simm.s32 $0x0;
	s24 =	simm.s32 $0x80;
	s28 =	simm.s32 $0xE00  }
0x5: {  	s29 =	simm.s32 $0xB00;
	s30 =	simm.s32 $0xE80;
	s31 =	simm.s32 $0xB80  }
0x6: {  	s1 =	sand.u32 $0x1, s1;
	s5 =	smul.u32 $0x2800, s13;
	[smem:$0x7FF] =	sst s3  }
0x7: {  	s4 =	sadd.s32 $0x1B800, s0;
	s7 =	smul.u32 $0x14, s13;
	s8 =	sadd.s32 $0x5000, s0  }
0x8: {  	s9 =	sadd.s32 $0xF000, s0;
	s11 =	sadd.s32 $0x19000, s0;
	s12 =	smul.u32 $0x50000, s13  }
0x9: {  	s15 =	sshll.u32 s13, $0x1;
	s23 =	sshll.u32 s13, $0x6;
	s6 =	smul.u32 $0x28000, s1  }
0xa: {  	_ =	strace $0x8000004D;
	s10 =	smul.u32 $0xA, s1;
	[dreg:$0x19] =	wrdreg s11  }
0xb: {  	s25 =	ssub.s32 $0x2, s1;
	s1 =	sor.u32 s1, s15;
	[dreg:$0x7] =	wrdreg s24  }
0xc: {  	s11 =	simm.s32 $0x180;
	s15 =	simm.s32 $0x580;
	s24 =	simm.s32 $0x900  }
0xd: {  	s26 =	sshrl.u32 s25, $0x1;
	s16 =	sshrl.u32 s12, $0x2;
	[dreg:$0xa] =	wrdreg s11  }
0xe: {  	s1 =	smul.u32 $0x500, s1;
	s12 =	simm.s32 $0x500;
	[dreg:$0xd] =	wrdreg s15  }
0xf: {  	s15 =	simm.s32 $0x7D;
	[dreg:$0x16] =	wrdreg s24;
	s24 =	simm.s32 $0xA00  }
0x10: {  	s5 =	sadd.s32 s5, s6;
	s7 =	sadd.s32 s10, s7;
	s18 =	sadd.s32 s16, s2  }
0x11: {  	s10 =	simm.s32 $0x480;
	[dreg:$0xb] =	wrdreg s12;
	s16 =	simm.s32 $0x280  }
0x12: {  	s0 =	sadd.s32 s5, s0;
	s5 =	ssub.s32 s25, s26;
	[dreg:$0x9] =	wrdreg s10  }
0x13: {  	s14 =	sshll.u32 s7, $0x7;
	s26 =	simm.s32 $0x100;
	[dreg:$0xe] =	wrdreg s16  }
0x14: {  	s25 =	sor.u32 $0x1C05, s23;
	s23 =	simm.s32 $0x880;
	[dreg:$0x8] =	wrdreg s26  }
0x15: {  	s17 =	sadd.s32 $0x100, s14;
	s0 =	sadd.s32 $0x42A00, s0;
	[dreg:$0x15] =	wrdreg s23  }
0x16: {  	s21 =	sadd.s32 s14, s8;
	s13 =	smax.u32 s5, $0x1;
	[dreg:$0x1c] =	wrdreg s0  }
0x17: {  	s6 =	sadd.s32 s14, s9;
	s14 =	simm.s32 $0x200;
	[dreg:$0x1d] =	wrdreg s13  }
0x18: {  	s7 =	smov.u32 s25;
	s25 =	simm.s32 $0xC80;
	[dreg:$0xc] =	wrdreg s14  }
0x19: {  	s12 =	simm.s32 $0x5;
	s26 =	simm.s32 $0x980;
	[dreg:$0x17] =	wrdreg s25  }
0x1a: {  	s16 =	simm.s32 $0x1000;
	s19 =	sadd.s32 s17, s8;
	[dreg:$0x18] =	wrdreg s26  }
0x1b: {  	s23 =	simm.s32 $0xD00;
	s20 =	sadd.s32 s17, s9;
	[dreg:$0x3] =	wrdreg s19  }
0x1c: {  	s5 =	simm.s32 $0x0;
	s22 =	sadd.s32 $0x80, s21;
	[dreg:$0x4] =	wrdreg s20  }
0x1d: {  	s6 =	sadd.s32 $0x80, s6;
	s8 =	sadd.s32 s8, s1;
	[dreg:$0x5] =	wrdreg s22  }
0x1e: {  	s1 =	sadd.s32 s9, s1;
	s13 =	simm.s32 $0x400;
	[dreg:$0x6] =	wrdreg s6  }
0x1f: {  	s17 =	simm.s32 $0x600;
	s14 =	simm.s32 $0x3;
	[dreg:$0x1a] =	wrdreg s8  }
0x20: {  	s21 =	simm.s32 $0x700;
	s25 =	simm.s32 $0xD80;
	[dreg:$0x1b] =	wrdreg s1  }
0x21: {  	s26 =	simm.s32 $0xA80;
	s0 =	simm.s32 $0xF00;
	[dreg:$0xf] =	wrdreg s17  }
0x22: {  	s8 =	sshrl.u32 s18, $0x3;
	s18 =	simm.s32 $0x300;
	[dreg:$0x13] =	wrdreg s21  }
0x23: {  	s19 =	simm.s32 $0x680;
	s20 =	simm.s32 $0x380;
	[dreg:$0x10] =	wrdreg s18  }
0x24: {  	s17 =	simm.s32 $0x5000;
	s22 =	simm.s32 $0x780;
	[dreg:$0x11] =	wrdreg s19  }
0x25: {  	s21 =	simm.s32 $0x2;
	s1 =	simm.s32 $0xF80;
	[dreg:$0x12] =	wrdreg s20  }
0x26: {  	s18 =	simm.s32 $0x800;
	s19 =	simm.s32 $0xC00;
	[dreg:$0x14] =	wrdreg s22  }
0x27: {  	s20 =	simm.s32 $0x1;
	s22 =	simm.s32 $0x4;
	[dreg:$0x1e] =	wrdreg s8  }
.LBB2_1:
0x28: {  	s6 =	rddreg [dreg:$0x19]  }
0x29: {  	[spmem:s8], [sflag:s7] =	dma.local [hbm:s6], $0x2800  }
0x2a: {  	_ =	swait.ge [sflag:s12], $0x2800  }
0x2b: {  	[sflag:s12] =	ssyncset.done $0x0  }
0x2c: {  	[sflag:s12] =	ssyncadd.s32 $0xFFFFD800  }
0x2d: {  	[bflag:$0x0] =	sbarrier.arrive $0xFFFF  }
0x2e: {  	s8 =	rddreg [dreg:$0x1a]  }
0x2f: {  	[tilespmem:s3], [sflag:$0x3] =	stream.linear.gather [hbm4b:s8+s3], $0x400, $0x38;
	[tilespmem:$0x1D000] =	vst v63  }
0x30: {  	s9 =	rddreg [dreg:$0x1b]  }
0x31: {  	[tilespmem:s13], [sflag:$0x3] =	stream.linear.gather [hbm4b:s9+s3], $0x400, $0x38;
	[tilespmem:$0x1D000] =	vst v63  }
0x32: {  	_ =	swait.ge [sflag:s14], $0x400  }
0x33: {  	[sflag:s14] =	ssyncset.done $0x0  }
0x34: {  	[sflag:s14] =	ssyncadd.s32 $0xFFFFFC00  }
0x35: {  	_ =	swait.ge [sflag:s14], $0x400  }
0x36: {  	[sflag:s14] =	ssyncset.done $0x0  }
0x37: {  	s10 =	rddreg [dreg:$0x5];
	[sflag:s14] =	ssyncadd.s32 $0xFFFFFC00  }
0x38: {  	[tilespmem:s16], [sflag:$0x1] =	stream.indirect.gather [hbm4b:s4+s15], $0x80, s3, s15, $0xb8;
	[tilespmem:$0x1D000] =	vst v63  }
0x39: {  	s6 =	rddreg [dreg:$0x7]  }
0x3a: {  	[tilespmem:s17], [sflag:$0x2] =	stream.indirect.gather [hbm4b:s4+s15], $0x80, s6, s15, $0xb8;
	[tilespmem:$0x1D000] =	vst v63  }
0x3b: {  	s11 =	smov.u32 s7;
	s9 =	rddreg [dreg:$0x6];
	s7 =	sadd.s32 $0x0, s10  }
0x3c: {  	[tilespmem:s18], [sflag:$0x4] =	stream.linear.gather [hbm4b:s7+s3], $0x400, $0x38;
	[tilespmem:$0x1D000] =	vst v63  }
0x3d: {  	s9 =	sadd.s32 $0x0, s9  }
0x3e: {  	[tilespmem:s19], [sflag:$0x4] =	stream.linear.gather [hbm4b:s9+s3], $0x400, $0x38;
	[tilespmem:$0x1D000] =	vst v63  }
0x3f: {  	_ =	swait.ge [sflag:s20], $0x3E80  }
0x40: {  	[sflag:s20] =	ssyncset.done $0x0  }
0x41: {  	[sflag:s20] =	ssyncadd.s32 $0xFFFFC180  }
0x42: {  	[spmem:s2] =	stream.indirect.scatter.add.f32 [tilespmem:s16], [sflag:$0x5], $0x80, s13, s15, $0xb8;
	[tilespmem:$0x1D000] =	vst v63  }
0x43: {  	_ =	swait.ge [sflag:s12], $0x3E80  }
0x44: {  	[sflag:s12] =	ssyncset.done $0x0  }
0x45: {  	s10 =	rddreg [dreg:$0x8];
	[sflag:s12] =	ssyncadd.s32 $0xFFFFC180  }
0x46: {  	[tilespmem:s16], [sflag:$0x1] =	stream.indirect.gather [hbm4b:s4+s15], $0x80, s10, s15, $0xb8;
	[tilespmem:$0x1D000] =	vst v63  }
0x47: {  	_ =	swait.ge [sflag:s21], $0x3E80  }
0x48: {  	[sflag:s21] =	ssyncset.done $0x0  }
0x49: {  	s6 =	rddreg [dreg:$0x9];
	[sflag:s21] =	ssyncadd.s32 $0xFFFFC180  }
0x4a: {  	[spmem:s2] =	stream.indirect.scatter.add.f32 [tilespmem:s17], [sflag:$0x5], $0x80, s6, s15, $0xb8;
	[tilespmem:$0x1D000] =	vst v63  }
0x4b: {  	_ =	swait.ge [sflag:s12], $0x3E80  }
0x4c: {  	[sflag:s12] =	ssyncset.done $0x0  }
0x4d: {  	s8 =	rddreg [dreg:$0xa];
	[sflag:s12] =	ssyncadd.s32 $0xFFFFC180  }
0x4e: {  	[tilespmem:s17], [sflag:$0x2] =	stream.indirect.gather [hbm4b:s4+s15], $0x80, s8, s15, $0xb8;
	[tilespmem:$0x1D000] =	vst v63  }
0x4f: {  	_ =	swait.ge [sflag:s20], $0x3E80  }
0x50: {  	[sflag:s20] =	ssyncset.done $0x0  }
0x51: {  	s9 =	rddreg [dreg:$0xb];
	[sflag:s20] =	ssyncadd.s32 $0xFFFFC180  }
0x52: {  	[spmem:s2] =	stream.indirect.scatter.add.f32 [tilespmem:s16], [sflag:$0x5], $0x80, s9, s15, $0xb8;
	[tilespmem:$0x1D000] =	vst v63  }
0x53: {  	_ =	swait.ge [sflag:s12], $0x3E80  }
0x54: {  	[sflag:s12] =	ssyncset.done $0x0  }
0x55: {  	s10 =	rddreg [dreg:$0xc];
	[sflag:s12] =	ssyncadd.s32 $0xFFFFC180  }
0x56: {  	[tilespmem:s16], [sflag:$0x1] =	stream.indirect.gather [hbm4b:s4+s15], $0x80, s10, s15, $0xb8;
	[tilespmem:$0x1D000] =	vst v63  }
0x57: {  	_ =	swait.ge [sflag:s21], $0x3E80  }
0x58: {  	[sflag:s21] =	ssyncset.done $0x0  }
0x59: {  	s6 =	rddreg [dreg:$0xd];
	[sflag:s21] =	ssyncadd.s32 $0xFFFFC180  }
0x5a: {  	[spmem:s2] =	stream.indirect.scatter.add.f32 [tilespmem:s17], [sflag:$0x5], $0x80, s6, s15, $0xb8;
	[tilespmem:$0x1D000] =	vst v63  }
0x5b: {  	_ =	swait.ge [sflag:s12], $0x3E80  }
0x5c: {  	[sflag:s12] =	ssyncset.done $0x0  }
0x5d: {  	s8 =	rddreg [dreg:$0xe];
	[sflag:s12] =	ssyncadd.s32 $0xFFFFC180  }
0x5e: {  	[tilespmem:s17], [sflag:$0x2] =	stream.indirect.gather [hbm4b:s4+s15], $0x80, s8, s15, $0xb8;
	[tilespmem:$0x1D000] =	vst v63  }
0x5f: {  	_ =	swait.ge [sflag:s20], $0x3E80  }
0x60: {  	[sflag:s20] =	ssyncset.done $0x0  }
0x61: {  	s9 =	rddreg [dreg:$0xf];
	[sflag:s20] =	ssyncadd.s32 $0xFFFFC180  }
0x62: {  	[spmem:s2] =	stream.indirect.scatter.add.f32 [tilespmem:s16], [sflag:$0x5], $0x80, s9, s15, $0xb8;
	[tilespmem:$0x1D000] =	vst v63  }
0x63: {  	_ =	swait.ge [sflag:s12], $0x3E80  }
0x64: {  	[sflag:s12] =	ssyncset.done $0x0  }
0x65: {  	s10 =	rddreg [dreg:$0x10];
	[sflag:s12] =	ssyncadd.s32 $0xFFFFC180  }
0x66: {  	[tilespmem:s16], [sflag:$0x1] =	stream.indirect.gather [hbm4b:s4+s15], $0x80, s10, s15, $0xb8;
	[tilespmem:$0x1D000] =	vst v63  }
0x67: {  	_ =	swait.ge [sflag:s21], $0x3E80  }
0x68: {  	[sflag:s21] =	ssyncset.done $0x0  }
0x69: {  	s6 =	rddreg [dreg:$0x11];
	[sflag:s21] =	ssyncadd.s32 $0xFFFFC180  }
0x6a: {  	[spmem:s2] =	stream.indirect.scatter.add.f32 [tilespmem:s17], [sflag:$0x5], $0x80, s6, s15, $0xb8;
	[tilespmem:$0x1D000] =	vst v63  }
0x6b: {  	_ =	swait.ge [sflag:s12], $0x3E80  }
0x6c: {  	[sflag:s12] =	ssyncset.done $0x0  }
0x6d: {  	s8 =	rddreg [dreg:$0x12];
	[sflag:s12] =	ssyncadd.s32 $0xFFFFC180  }
0x6e: {  	[tilespmem:s17], [sflag:$0x2] =	stream.indirect.gather [hbm4b:s4+s15], $0x80, s8, s15, $0xb8;
	[tilespmem:$0x1D000] =	vst v63  }
0x6f: {  	_ =	swait.ge [sflag:s20], $0x3E80  }
0x70: {  	[sflag:s20] =	ssyncset.done $0x0  }
0x71: {  	s9 =	rddreg [dreg:$0x13];
	[sflag:s20] =	ssyncadd.s32 $0xFFFFC180  }
0x72: {  	[spmem:s2] =	stream.indirect.scatter.add.f32 [tilespmem:s16], [sflag:$0x5], $0x80, s9, s15, $0xb8;
	[tilespmem:$0x1D000] =	vst v63  }
0x73: {  	_ =	swait.ge [sflag:s12], $0x3E80  }
0x74: {  	[sflag:s12] =	ssyncset.done $0x0  }
0x75: {  	[sflag:s12] =	ssyncadd.s32 $0xFFFFC180  }
0x76: {  	_ =	swait.ge [sflag:s21], $0x3E80  }
0x77: {  	[sflag:s21] =	ssyncset.done $0x0  }
0x78: {  	s10 =	rddreg [dreg:$0x14];
	[sflag:s21] =	ssyncadd.s32 $0xFFFFC180  }
0x79: {  	[spmem:s2] =	stream.indirect.scatter.add.f32 [tilespmem:s17], [sflag:$0x5], $0x80, s10, s15, $0xb8;
	[tilespmem:$0x1D000] =	vst v63  }
0x7a: {  	_ =	swait.ge [sflag:s12], $0x3E80  }
0x7b: {  	[sflag:s12] =	ssyncset.done $0x0  }
0x7c: {  	[sflag:s12] =	ssyncadd.s32 $0xFFFFC180  }
0x7d: {  	_ =	swait.ge [sflag:s22], $0x400  }
0x7e: {  	[sflag:s22] =	ssyncset.done $0x0  }
0x7f: {  	[sflag:s22] =	ssyncadd.s32 $0xFFFFFC00  }
0x80: {  	_ =	swait.ge [sflag:s22], $0x400  }
0x81: {  	[sflag:s22] =	ssyncset.done $0x0  }
0x82: {  	s7 =	rddreg [dreg:$0x3];
	[sflag:s22] =	ssyncadd.s32 $0xFFFFFC00  }
0x83: {  	[tilespmem:s16], [sflag:$0x1] =	stream.indirect.gather [hbm4b:s4+s15], $0x80, s18, s15, $0xb8;
	[tilespmem:$0x1D000] =	vst v63  }
0x84: {  	p0 =	por $0x0, $0x0;
	s6 =	rddreg [dreg:$0x15]  }
0x85: {  	[tilespmem:s17], [sflag:$0x2] =	stream.indirect.gather [hbm4b:s4+s15], $0x80, s6, s15, $0xb8;
	[tilespmem:$0x1D000] =	vst v63  }
0x86: {  	s8 =	simm.s32 @!p0 $0x0;
	s9 =	rddreg [dreg:$0x4];
	s7 =	sadd.s32 @!p0 $0x0, s7  }
0x87: {  	[tilespmem:s8], [sflag:$0x3] =	stream.linear.gather @!p0 [hbm4b:s7+s8], $0x400, $0x38;
	[tilespmem:$0x1D000] =	vst v63  }
0x88: {  	s7 =	sadd.s32 @!p0 $0x0, s9;
	s9 =	simm.s32 @!p0 $0x400  }
0x89: {  	[tilespmem:s9], [sflag:$0x3] =	stream.linear.gather @!p0 [hbm4b:s7+s8], $0x400, $0x38;
	[tilespmem:$0x1D000] =	vst v63  }
0x8a: {  	_ =	swait.ge [sflag:s20], $0x3E80  }
0x8b: {  	[sflag:s20] =	ssyncset.done $0x0  }
0x8c: {  	[sflag:s20] =	ssyncadd.s32 $0xFFFFC180  }
0x8d: {  	[spmem:s2] =	stream.indirect.scatter.add.f32 [tilespmem:s16], [sflag:$0x5], $0x80, s19, s15, $0xb8;
	[tilespmem:$0x1D000] =	vst v63  }
0x8e: {  	_ =	swait.ge [sflag:s12], $0x3E80  }
0x8f: {  	[sflag:s12] =	ssyncset.done $0x0  }
0x90: {  	s8 =	rddreg [dreg:$0x16];
	[sflag:s12] =	ssyncadd.s32 $0xFFFFC180  }
0x91: {  	[tilespmem:s16], [sflag:$0x1] =	stream.indirect.gather [hbm4b:s4+s15], $0x80, s8, s15, $0xb8;
	[tilespmem:$0x1D000] =	vst v63  }
0x92: {  	_ =	swait.ge [sflag:s21], $0x3E80  }
0x93: {  	[sflag:s21] =	ssyncset.done $0x0  }
0x94: {  	s9 =	rddreg [dreg:$0x17];
	[sflag:s21] =	ssyncadd.s32 $0xFFFFC180  }
0x95: {  	[spmem:s2] =	stream.indirect.scatter.add.f32 [tilespmem:s17], [sflag:$0x5], $0x80, s9, s15, $0xb8;
	[tilespmem:$0x1D000] =	vst v63  }
0x96: {  	_ =	swait.ge [sflag:s12], $0x3E80  }
0x97: {  	[sflag:s12] =	ssyncset.done $0x0  }
0x98: {  	s10 =	rddreg [dreg:$0x18];
	[sflag:s12] =	ssyncadd.s32 $0xFFFFC180  }
0x99: {  	[tilespmem:s17], [sflag:$0x2] =	stream.indirect.gather [hbm4b:s4+s15], $0x80, s10, s15, $0xb8;
	[tilespmem:$0x1D000] =	vst v63  }
0x9a: {  	_ =	swait.ge [sflag:s20], $0x3E80  }
0x9b: {  	[sflag:s20] =	ssyncset.done $0x0  }
0x9c: {  	[sflag:s20] =	ssyncadd.s32 $0xFFFFC180  }
0x9d: {  	[spmem:s2] =	stream.indirect.scatter.add.f32 [tilespmem:s16], [sflag:$0x5], $0x80, s23, s15, $0xb8;
	[tilespmem:$0x1D000] =	vst v63  }
0x9e: {  	_ =	swait.ge [sflag:s12], $0x3E80  }
0x9f: {  	[sflag:s12] =	ssyncset.done $0x0  }
0xa0: {  	[sflag:s12] =	ssyncadd.s32 $0xFFFFC180  }
0xa1: {  	[tilespmem:s16], [sflag:$0x1] =	stream.indirect.gather [hbm4b:s4+s15], $0x80, s24, s15, $0xb8;
	[tilespmem:$0x1D000] =	vst v63  }
0xa2: {  	_ =	swait.ge [sflag:s21], $0x3E80  }
0xa3: {  	[sflag:s21] =	ssyncset.done $0x0  }
0xa4: {  	[sflag:s21] =	ssyncadd.s32 $0xFFFFC180  }
0xa5: {  	[spmem:s2] =	stream.indirect.scatter.add.f32 [tilespmem:s17], [sflag:$0x5], $0x80, s25, s15, $0xb8;
	[tilespmem:$0x1D000] =	vst v63  }
0xa6: {  	_ =	swait.ge [sflag:s12], $0x3E80  }
0xa7: {  	[sflag:s12] =	ssyncset.done $0x0  }
0xa8: {  	[sflag:s12] =	ssyncadd.s32 $0xFFFFC180  }
0xa9: {  	[tilespmem:s17], [sflag:$0x2] =	stream.indirect.gather [hbm4b:s4+s15], $0x80, s26, s15, $0xb8;
	[tilespmem:$0x1D000] =	vst v63  }
0xaa: {  	_ =	swait.ge [sflag:s20], $0x3E80  }
0xab: {  	[sflag:s20] =	ssyncset.done $0x0  }
0xac: {  	[sflag:s20] =	ssyncadd.s32 $0xFFFFC180  }
0xad: {  	[spmem:s2] =	stream.indirect.scatter.add.f32 [tilespmem:s16], [sflag:$0x5], $0x80, s28, s15, $0xb8;
	[tilespmem:$0x1D000] =	vst v63  }
0xae: {  	_ =	swait.ge [sflag:s12], $0x3E80  }
0xaf: {  	[sflag:s12] =	ssyncset.done $0x0  }
0xb0: {  	[sflag:s12] =	ssyncadd.s32 $0xFFFFC180  }
0xb1: {  	[tilespmem:s16], [sflag:$0x1] =	stream.indirect.gather [hbm4b:s4+s15], $0x80, s29, s15, $0xb8;
	[tilespmem:$0x1D000] =	vst v63  }
0xb2: {  	_ =	swait.ge [sflag:s21], $0x3E80  }
0xb3: {  	[sflag:s21] =	ssyncset.done $0x0  }
0xb4: {  	[sflag:s21] =	ssyncadd.s32 $0xFFFFC180  }
0xb5: {  	[spmem:s2] =	stream.indirect.scatter.add.f32 [tilespmem:s17], [sflag:$0x5], $0x80, s30, s15, $0xb8;
	[tilespmem:$0x1D000] =	vst v63  }
0xb6: {  	_ =	swait.ge [sflag:s12], $0x3E80  }
0xb7: {  	[sflag:s12] =	ssyncset.done $0x0  }
0xb8: {  	[sflag:s12] =	ssyncadd.s32 $0xFFFFC180  }
0xb9: {  	[tilespmem:s17], [sflag:$0x2] =	stream.indirect.gather [hbm4b:s4+s15], $0x80, s31, s15, $0xb8;
	[tilespmem:$0x1D000] =	vst v63  }
0xba: {  	_ =	swait.ge [sflag:s20], $0x3E80  }
0xbb: {  	[sflag:s20] =	ssyncset.done $0x0  }
0xbc: {  	[sflag:s20] =	ssyncadd.s32 $0xFFFFC180  }
0xbd: {  	[spmem:s2] =	stream.indirect.scatter.add.f32 [tilespmem:s16], [sflag:$0x5], $0x80, s0, s15, $0xb8;
	[tilespmem:$0x1D000] =	vst v63  }
0xbe: {  	_ =	swait.ge [sflag:s12], $0x3E80  }
0xbf: {  	[sflag:s12] =	ssyncset.done $0x0  }
0xc0: {  	[sflag:s12] =	ssyncadd.s32 $0xFFFFC180  }
0xc1: {  	_ =	swait.ge [sflag:s21], $0x3E80  }
0xc2: {  	[sflag:s21] =	ssyncset.done $0x0  }
0xc3: {  	[sflag:s21] =	ssyncadd.s32 $0xFFFFC180  }
0xc4: {  	[spmem:s2] =	stream.indirect.scatter.add.f32 [tilespmem:s17], [sflag:$0x5], $0x80, s1, s15, $0xb8;
	[tilespmem:$0x1D000] =	vst v63  }
0xc5: {  	_ =	swait.ge [sflag:s12], $0x3E80  }
0xc6: {  	s7 =	simm.s32 $0x100;
	[sflag:s12] =	ssyncset.done $0x0  }
.LBB2_2:
0xc7: {  	[sflag:s12] =	ssyncadd.s32 $0xFFFFC180  }
0xc8: {  	_ =	swait.ge [sflag:s14], $0x400  }
0xc9: {  	[sflag:s14] =	ssyncset.done $0x0  }
0xca: {  	[sflag:s14] =	ssyncadd.s32 $0xFFFFFC00  }
0xcb: {  	_ =	swait.ge [sflag:s14], $0x400  }
0xcc: {  	[sflag:s14] =	ssyncset.done $0x0  }
0xcd: {  	s9 =	rddreg [dreg:$0x5];
	[sflag:s14] =	ssyncadd.s32 $0xFFFFFC00  }
0xce: {  	[tilespmem:s16], [sflag:$0x1] =	stream.indirect.gather [hbm4b:s4+s15], $0x80, s3, s15, $0xb8;
	[tilespmem:$0x1D000] =	vst v63  }
0xcf: {  	s8 =	smov.u32 s7;
	s10 =	rddreg [dreg:$0x7]  }
0xd0: {  	[tilespmem:s17], [sflag:$0x2] =	stream.indirect.gather [hbm4b:s4+s15], $0x80, s10, s15, $0xb8;
	[tilespmem:$0x1D000] =	vst v63  }
0xd1: {  	s6 =	rddreg [dreg:$0x6];
	s9 =	sadd.s32 s8, s9  }
0xd2: {  	[tilespmem:s18], [sflag:$0x4] =	stream.linear.gather [hbm4b:s9+s3], $0x400, $0x38;
	[tilespmem:$0x1D000] =	vst v63  }
0xd3: {  	s6 =	sadd.s32 s8, s6  }
0xd4: {  	[tilespmem:s19], [sflag:$0x4] =	stream.linear.gather [hbm4b:s6+s3], $0x400, $0x38;
	[tilespmem:$0x1D000] =	vst v63  }
0xd5: {  	_ =	swait.ge [sflag:s20], $0x3E80  }
0xd6: {  	[sflag:s20] =	ssyncset.done $0x0  }
0xd7: {  	[sflag:s20] =	ssyncadd.s32 $0xFFFFC180  }
0xd8: {  	[spmem:s2] =	stream.indirect.scatter.add.f32 [tilespmem:s16], [sflag:$0x5], $0x80, s13, s15, $0xb8;
	[tilespmem:$0x1D000] =	vst v63  }
0xd9: {  	_ =	swait.ge [sflag:s12], $0x3E80  }
0xda: {  	[sflag:s12] =	ssyncset.done $0x0  }
0xdb: {  	s10 =	rddreg [dreg:$0x8];
	[sflag:s12] =	ssyncadd.s32 $0xFFFFC180  }
0xdc: {  	[tilespmem:s16], [sflag:$0x1] =	stream.indirect.gather [hbm4b:s4+s15], $0x80, s10, s15, $0xb8;
	[tilespmem:$0x1D000] =	vst v63  }
0xdd: {  	_ =	swait.ge [sflag:s21], $0x3E80  }
0xde: {  	[sflag:s21] =	ssyncset.done $0x0  }
0xdf: {  	s9 =	rddreg [dreg:$0x9];
	[sflag:s21] =	ssyncadd.s32 $0xFFFFC180  }
0xe0: {  	[spmem:s2] =	stream.indirect.scatter.add.f32 [tilespmem:s17], [sflag:$0x5], $0x80, s9, s15, $0xb8;
	[tilespmem:$0x1D000] =	vst v63  }
0xe1: {  	_ =	swait.ge [sflag:s12], $0x3E80  }
0xe2: {  	[sflag:s12] =	ssyncset.done $0x0  }
0xe3: {  	s10 =	rddreg [dreg:$0xa];
	[sflag:s12] =	ssyncadd.s32 $0xFFFFC180  }
0xe4: {  	[tilespmem:s17], [sflag:$0x2] =	stream.indirect.gather [hbm4b:s4+s15], $0x80, s10, s15, $0xb8;
	[tilespmem:$0x1D000] =	vst v63  }
0xe5: {  	_ =	swait.ge [sflag:s20], $0x3E80  }
0xe6: {  	[sflag:s20] =	ssyncset.done $0x0  }
0xe7: {  	s9 =	rddreg [dreg:$0xb];
	[sflag:s20] =	ssyncadd.s32 $0xFFFFC180  }
0xe8: {  	[spmem:s2] =	stream.indirect.scatter.add.f32 [tilespmem:s16], [sflag:$0x5], $0x80, s9, s15, $0xb8;
	[tilespmem:$0x1D000] =	vst v63  }
0xe9: {  	_ =	swait.ge [sflag:s12], $0x3E80  }
0xea: {  	[sflag:s12] =	ssyncset.done $0x0  }
0xeb: {  	s10 =	rddreg [dreg:$0xc];
	[sflag:s12] =	ssyncadd.s32 $0xFFFFC180  }
0xec: {  	[tilespmem:s16], [sflag:$0x1] =	stream.indirect.gather [hbm4b:s4+s15], $0x80, s10, s15, $0xb8;
	[tilespmem:$0x1D000] =	vst v63  }
0xed: {  	_ =	swait.ge [sflag:s21], $0x3E80  }
0xee: {  	[sflag:s21] =	ssyncset.done $0x0  }
0xef: {  	s9 =	rddreg [dreg:$0xd];
	[sflag:s21] =	ssyncadd.s32 $0xFFFFC180  }
0xf0: {  	[spmem:s2] =	stream.indirect.scatter.add.f32 [tilespmem:s17], [sflag:$0x5], $0x80, s9, s15, $0xb8;
	[tilespmem:$0x1D000] =	vst v63  }
0xf1: {  	_ =	swait.ge [sflag:s12], $0x3E80  }
0xf2: {  	[sflag:s12] =	ssyncset.done $0x0  }
0xf3: {  	s10 =	rddreg [dreg:$0xe];
	[sflag:s12] =	ssyncadd.s32 $0xFFFFC180  }
0xf4: {  	[tilespmem:s17], [sflag:$0x2] =	stream.indirect.gather [hbm4b:s4+s15], $0x80, s10, s15, $0xb8;
	[tilespmem:$0x1D000] =	vst v63  }
0xf5: {  	_ =	swait.ge [sflag:s20], $0x3E80  }
0xf6: {  	[sflag:s20] =	ssyncset.done $0x0  }
0xf7: {  	s9 =	rddreg [dreg:$0xf];
	[sflag:s20] =	ssyncadd.s32 $0xFFFFC180  }
0xf8: {  	[spmem:s2] =	stream.indirect.scatter.add.f32 [tilespmem:s16], [sflag:$0x5], $0x80, s9, s15, $0xb8;
	[tilespmem:$0x1D000] =	vst v63  }
0xf9: {  	_ =	swait.ge [sflag:s12], $0x3E80  }
0xfa: {  	[sflag:s12] =	ssyncset.done $0x0  }
0xfb: {  	s10 =	rddreg [dreg:$0x10];
	[sflag:s12] =	ssyncadd.s32 $0xFFFFC180  }
0xfc: {  	[tilespmem:s16], [sflag:$0x1] =	stream.indirect.gather [hbm4b:s4+s15], $0x80, s10, s15, $0xb8;
	[tilespmem:$0x1D000] =	vst v63  }
0xfd: {  	_ =	swait.ge [sflag:s21], $0x3E80  }
0xfe: {  	[sflag:s21] =	ssyncset.done $0x0  }
0xff: {  	s9 =	rddreg [dreg:$0x11];
	[sflag:s21] =	ssyncadd.s32 $0xFFFFC180  }
0x100: {  	[spmem:s2] =	stream.indirect.scatter.add.f32 [tilespmem:s17], [sflag:$0x5], $0x80, s9, s15, $0xb8;
	[tilespmem:$0x1D000] =	vst v63  }
0x101: {  	_ =	swait.ge [sflag:s12], $0x3E80  }
0x102: {  	[sflag:s12] =	ssyncset.done $0x0  }
0x103: {  	s10 =	rddreg [dreg:$0x12];
	[sflag:s12] =	ssyncadd.s32 $0xFFFFC180  }
0x104: {  	[tilespmem:s17], [sflag:$0x2] =	stream.indirect.gather [hbm4b:s4+s15], $0x80, s10, s15, $0xb8;
	[tilespmem:$0x1D000] =	vst v63  }
0x105: {  	_ =	swait.ge [sflag:s20], $0x3E80  }
0x106: {  	[sflag:s20] =	ssyncset.done $0x0  }
0x107: {  	s9 =	rddreg [dreg:$0x13];
	[sflag:s20] =	ssyncadd.s32 $0xFFFFC180  }
0x108: {  	[spmem:s2] =	stream.indirect.scatter.add.f32 [tilespmem:s16], [sflag:$0x5], $0x80, s9, s15, $0xb8;
	[tilespmem:$0x1D000] =	vst v63  }
0x109: {  	_ =	swait.ge [sflag:s12], $0x3E80  }
0x10a: {  	[sflag:s12] =	ssyncset.done $0x0  }
0x10b: {  	[sflag:s12] =	ssyncadd.s32 $0xFFFFC180  }
0x10c: {  	_ =	swait.ge [sflag:s21], $0x3E80  }
0x10d: {  	[sflag:s21] =	ssyncset.done $0x0  }
0x10e: {  	s10 =	rddreg [dreg:$0x14];
	[sflag:s21] =	ssyncadd.s32 $0xFFFFC180  }
0x10f: {  	[spmem:s2] =	stream.indirect.scatter.add.f32 [tilespmem:s17], [sflag:$0x5], $0x80, s10, s15, $0xb8;
	[tilespmem:$0x1D000] =	vst v63  }
0x110: {  	_ =	swait.ge [sflag:s12], $0x3E80  }
0x111: {  	[sflag:s12] =	ssyncset.done $0x0  }
0x112: {  	[sflag:s12] =	ssyncadd.s32 $0xFFFFC180  }
0x113: {  	_ =	swait.ge [sflag:s22], $0x400  }
0x114: {  	[sflag:s22] =	ssyncset.done $0x0  }
0x115: {  	[sflag:s22] =	ssyncadd.s32 $0xFFFFFC00  }
0x116: {  	_ =	swait.ge [sflag:s22], $0x400  }
0x117: {  	[sflag:s22] =	ssyncset.done $0x0  }
0x118: {  	s6 =	rddreg [dreg:$0x3];
	[sflag:s22] =	ssyncadd.s32 $0xFFFFFC00  }
0x119: {  	[tilespmem:s16], [sflag:$0x1] =	stream.indirect.gather [hbm4b:s4+s15], $0x80, s18, s15, $0xb8;
	[tilespmem:$0x1D000] =	vst v63  }
0x11a: {  	p1 =	seq.s32 s8, $0x400;
	s9 =	rddreg [dreg:$0x15]  }
0x11b: {  	[tilespmem:s17], [sflag:$0x2] =	stream.indirect.gather [hbm4b:s4+s15], $0x80, s9, s15, $0xb8;
	[tilespmem:$0x1D000] =	vst v63  }
0x11c: {  	s10 =	rddreg [dreg:$0x4];
	s6 =	sadd.s32 @!p1 s8, s6;
	s9 =	simm.s32 @!p1 $0x0  }
0x11d: {  	[tilespmem:s9], [sflag:$0x3] =	stream.linear.gather @!p1 [hbm4b:s6+s9], $0x400, $0x38;
	[tilespmem:$0x1D000] =	vst v63  }
0x11e: {  	s6 =	sadd.s32 @!p1 s8, s10;
	s8 =	simm.s32 @!p1 $0x400  }
0x11f: {  	[tilespmem:s8], [sflag:$0x3] =	stream.linear.gather @!p1 [hbm4b:s6+s9], $0x400, $0x38;
	[tilespmem:$0x1D000] =	vst v63  }
0x120: {  	_ =	swait.ge [sflag:s20], $0x3E80  }
0x121: {  	[sflag:s20] =	ssyncset.done $0x0  }
0x122: {  	[sflag:s20] =	ssyncadd.s32 $0xFFFFC180  }
0x123: {  	[spmem:s2] =	stream.indirect.scatter.add.f32 [tilespmem:s16], [sflag:$0x5], $0x80, s19, s15, $0xb8;
	[tilespmem:$0x1D000] =	vst v63  }
0x124: {  	_ =	swait.ge [sflag:s12], $0x3E80  }
0x125: {  	[sflag:s12] =	ssyncset.done $0x0  }
0x126: {  	s8 =	rddreg [dreg:$0x16];
	[sflag:s12] =	ssyncadd.s32 $0xFFFFC180  }
0x127: {  	[tilespmem:s16], [sflag:$0x1] =	stream.indirect.gather [hbm4b:s4+s15], $0x80, s8, s15, $0xb8;
	[tilespmem:$0x1D000] =	vst v63  }
0x128: {  	_ =	swait.ge [sflag:s21], $0x3E80  }
0x129: {  	[sflag:s21] =	ssyncset.done $0x0  }
0x12a: {  	s9 =	rddreg [dreg:$0x17];
	[sflag:s21] =	ssyncadd.s32 $0xFFFFC180  }
0x12b: {  	[spmem:s2] =	stream.indirect.scatter.add.f32 [tilespmem:s17], [sflag:$0x5], $0x80, s9, s15, $0xb8;
	[tilespmem:$0x1D000] =	vst v63  }
0x12c: {  	_ =	swait.ge [sflag:s12], $0x3E80  }
0x12d: {  	[sflag:s12] =	ssyncset.done $0x0  }
0x12e: {  	s10 =	rddreg [dreg:$0x18];
	[sflag:s12] =	ssyncadd.s32 $0xFFFFC180  }
0x12f: {  	[tilespmem:s17], [sflag:$0x2] =	stream.indirect.gather [hbm4b:s4+s15], $0x80, s10, s15, $0xb8;
	[tilespmem:$0x1D000] =	vst v63  }
0x130: {  	_ =	swait.ge [sflag:s20], $0x3E80  }
0x131: {  	[sflag:s20] =	ssyncset.done $0x0  }
0x132: {  	[sflag:s20] =	ssyncadd.s32 $0xFFFFC180  }
0x133: {  	[spmem:s2] =	stream.indirect.scatter.add.f32 [tilespmem:s16], [sflag:$0x5], $0x80, s23, s15, $0xb8;
	[tilespmem:$0x1D000] =	vst v63  }
0x134: {  	_ =	swait.ge [sflag:s12], $0x3E80  }
0x135: {  	[sflag:s12] =	ssyncset.done $0x0  }
0x136: {  	[sflag:s12] =	ssyncadd.s32 $0xFFFFC180  }
0x137: {  	[tilespmem:s16], [sflag:$0x1] =	stream.indirect.gather [hbm4b:s4+s15], $0x80, s24, s15, $0xb8;
	[tilespmem:$0x1D000] =	vst v63  }
0x138: {  	_ =	swait.ge [sflag:s21], $0x3E80  }
0x139: {  	[sflag:s21] =	ssyncset.done $0x0  }
0x13a: {  	[sflag:s21] =	ssyncadd.s32 $0xFFFFC180  }
0x13b: {  	[spmem:s2] =	stream.indirect.scatter.add.f32 [tilespmem:s17], [sflag:$0x5], $0x80, s25, s15, $0xb8;
	[tilespmem:$0x1D000] =	vst v63  }
0x13c: {  	_ =	swait.ge [sflag:s12], $0x3E80  }
0x13d: {  	[sflag:s12] =	ssyncset.done $0x0  }
0x13e: {  	[sflag:s12] =	ssyncadd.s32 $0xFFFFC180  }
0x13f: {  	[tilespmem:s17], [sflag:$0x2] =	stream.indirect.gather [hbm4b:s4+s15], $0x80, s26, s15, $0xb8;
	[tilespmem:$0x1D000] =	vst v63  }
0x140: {  	_ =	swait.ge [sflag:s20], $0x3E80  }
0x141: {  	[sflag:s20] =	ssyncset.done $0x0  }
0x142: {  	[sflag:s20] =	ssyncadd.s32 $0xFFFFC180  }
0x143: {  	[spmem:s2] =	stream.indirect.scatter.add.f32 [tilespmem:s16], [sflag:$0x5], $0x80, s28, s15, $0xb8;
	[tilespmem:$0x1D000] =	vst v63  }
0x144: {  	_ =	swait.ge [sflag:s12], $0x3E80  }
0x145: {  	[sflag:s12] =	ssyncset.done $0x0  }
0x146: {  	[sflag:s12] =	ssyncadd.s32 $0xFFFFC180  }
0x147: {  	[tilespmem:s16], [sflag:$0x1] =	stream.indirect.gather [hbm4b:s4+s15], $0x80, s29, s15, $0xb8;
	[tilespmem:$0x1D000] =	vst v63  }
0x148: {  	_ =	swait.ge [sflag:s21], $0x3E80  }
0x149: {  	[sflag:s21] =	ssyncset.done $0x0  }
0x14a: {  	[sflag:s21] =	ssyncadd.s32 $0xFFFFC180  }
0x14b: {  	[spmem:s2] =	stream.indirect.scatter.add.f32 [tilespmem:s17], [sflag:$0x5], $0x80, s30, s15, $0xb8;
	[tilespmem:$0x1D000] =	vst v63  }
0x14c: {  	_ =	swait.ge [sflag:s12], $0x3E80  }
0x14d: {  	[sflag:s12] =	ssyncset.done $0x0  }
0x14e: {  	[sflag:s12] =	ssyncadd.s32 $0xFFFFC180  }
0x14f: {  	[tilespmem:s17], [sflag:$0x2] =	stream.indirect.gather [hbm4b:s4+s15], $0x80, s31, s15, $0xb8;
	[tilespmem:$0x1D000] =	vst v63  }
0x150: {  	_ =	swait.ge [sflag:s20], $0x3E80  }
0x151: {  	[sflag:s20] =	ssyncset.done $0x0  }
0x152: {  	[sflag:s20] =	ssyncadd.s32 $0xFFFFC180  }
0x153: {  	[spmem:s2] =	stream.indirect.scatter.add.f32 [tilespmem:s16], [sflag:$0x5], $0x80, s0, s15, $0xb8;
	[tilespmem:$0x1D000] =	vst v63  }
0x154: {  	_ =	swait.ge [sflag:s12], $0x3E80  }
0x155: {  	[sflag:s12] =	ssyncset.done $0x0  }
0x156: {  	s7 =	sadd.s32 $0x100, s7;
	[sflag:s12] =	ssyncadd.s32 $0xFFFFC180  }
0x157: {  	p0 =	sne.s32 s7, $0x500;
	_ =	swait.ge [sflag:s21], $0x3E80  }
.Ltmp0:
0x158: {  	[sflag:s21] =	ssyncset.done $0x0;
	(pc) =	sbr.rel @p0 .LBB2_2-.Ltmp0, $4  }
0x159: {  	[sflag:s21] =	ssyncadd.s32 $0xFFFFC180  }
0x15a: {  	[spmem:s2] =	stream.indirect.scatter.add.f32 [tilespmem:s17], [sflag:$0x5], $0x80, s1, s15, $0xb8;
	[tilespmem:$0x1D000] =	vst v63  }
0x15b: {  	_ =	swait.ge [sflag:s12], $0x3E80  }
0x15c: {  	[sflag:s12] =	ssyncset.done $0x0  }
0x15d: {  	[sflag:s12] =	ssyncadd.s32 $0xFFFFC180  }
0x15e: {  	[bflag:$0x0] =	sbarrier.arrive $0xFFFF  }
0x15f: {  	s6 =	rddreg [dreg:$0x1c]  }
0x160: {  	s8 =	rddreg [dreg:$0x1e]  }
0x161: {  	[hbm:s6], [sflag:s11] =	dma.local [spmem:s8], $0x2800  }
0x162: {  	_ =	swait.ge [sflag:s12], $0x2800  }
0x163: {  	s7 =	smov.u32 s11;
	s5 =	sadd.s32 $0x1, s5;
	s11 =	rddreg [dreg:$0x1d]  }
0x164: {  	p0 =	sne.s32 s5, s11  }
.Ltmp1:
0x165: {  	_ = 	snop;
	(pc) =	sbr.rel @p0 .LBB2_1-.Ltmp1, $3  }
0x166: {  	_ =	sdelay $0x1  }
0x167: {  	[sflag:s12] =	ssyncset.done $0x0  }
0x168: {  	[sflag:s12] =	ssyncadd.s32 $0xFFFFD800  }
0x169: {  	_ =	sfence.sel $0x180000  }
0x16a: {  	[bflag:$0x0] =	sbarrier.arrive $0xFFFF  }
0x16b: {  	_ =	strace $0x9000004D  }
0x16c: {  	s0 =	stileid.u32;
	[bflag:$0x2] =	sbarrier.arrive $0xFFFF  }
0x16d: {  	p0 =	sne.s32 s0, $0x0;
	s0 =	rddreg [dreg:$0x2]  }
0x16e: {  	s0 =	sadd.s32 @!p0 $0x100000, s0  }
0x16f: {  	[sflag:s0] =	ssyncadd.tile.s32 @!p0 $0x1;
	_ =	shalt  }
.Lfunc_end2:
_tile_overlayer_lowered:
.L_overlay_start_2:
0x170: {  	(tag) =	ssettag $0x2  }
0x171: {  	s0 =	rddreg [dreg:$0x0];
	s2 =	stileid.u32  }
0x172: {  	s1 =	rddreg [dreg:$0x1];
	p0 =	sne.s32 s2, $0x0  }
0x173: {  	s3 =	rddreg [dreg:$0x2];
	[bflag:$0x3] =	sbarrier.arrive $0xFFFF;
	s2 =	simm.s32 @!p0 $0x1C05  }
0x174: {  	[timem:s3], [sflag:s2] =	dma.local @!p0 [hbm:s0], s1  }
0x175: {  	s0 =	simm.s32 @!p0 $0x5  }
0x176: {  	_ =	swait.ge @!p0 [sflag:s0], s1  }
0x177: {  	s1 =	ssub.s32 @!p0 $0x0, s1;
	[sflag:s0] =	ssyncset.done @!p0 $0x0  }
0x178: {  	[sflag:s0] =	ssyncadd.s32 @!p0 s1  }
0x179: {  	[bflag:$0x3] =	sbarrier.arrive $0xFFFF  }
0x17a: {  	_ =	shalt  }

// kernel: kernel.9.cloned.1.call-start
scs
__scs_entry_jumppad:
0x0: {  	(pc) =	sbr.rel $0x88, $3  }
0x1: {  	(tag) =	ssettag $0x0;
	lr =	simm.s32 $0x1  }
0x2: {  	[smem:$0x3F8B] =	sst lr;
	_ =	strace $0xD0000000  }
0x3: {  	_ = 	snop  }
0x4: {  	_ = 	snop  }
0x5: {  	_ = 	snop  }
0x6: {  	_ = 	snop  }
0x7: {  	_ = 	snop  }
__scs_overlays_trampoline_lowered:
0x8: {  	[smem:$0x3F9A] =	sst s0  }
0x9: {  	[smem:$0x3F9B] =	sst s1  }
0xa: {  	[smem:$0x3F9C] =	sst s2  }
0xb: {  	[smem:$0x3F9D] =	sst s3  }
0xc: {  	[smem:$0x3F9E] =	sst s4  }
0xd: {  	[smem:$0x3F9F] =	sst s5  }
0xe: {  	[smem:$0x3FA0] =	sst s6  }
0xf: {  	[smem:$0x3FA1] =	sst s7  }
0x10: {  	[smem:$0x3FA2] =	sst s8  }
0x11: {  	[smem:$0x3FA3] =	sst s9;
	s0 =	simm.s32 @!p0 $0x0  }
0x12: {  	s1 =	sld [smem:$0x3F89];
	s0 =	simm.s32 @p0 $0x1  }
0x13: {  	[smem:$0x3FA4] =	sst s0;
	s0 =	simm.s32 @!p1 $0x0  }
0x14: {  	s2 =	sld [smem:$0x3F88];
	s0 =	simm.s32 @p1 $0x1  }
0x15: {  	[smem:$0x3FA5] =	sst s0;
	s0 =	simm.s32 @!p2 $0x0  }
0x16: {  	s3 =	sld [smem:$0x3FDB];
	s0 =	simm.s32 @p2 $0x1  }
0x17: {  	s4 =	simm.s32 $0x1BF5;
	[smem:$0x3FA7] =	sst s0  }
0x18: {  	s0 =	sld [smem:$0x3F8A];
	_ =	swait.ge [sflag:s4], $0x0  }
0x19: {  	s7 =	sld [smem:$0x3F8B]  }
0x1a: {  	s8 =	sadd.s32 $0xFFFFE003, lr  }
0x1b: {  	s9 =	sadd.s32 $0xFFFFFEF7, lr;
	s5 =	simm.s32 $0xFFFFFFFF;
	p2 =	slt.u32 s8, $0xFFFFF086  }
0x1c: {  	p1 =	slt.u32 s9, $0xF7A;
	s5 =	simm.s32 @!p2 $0x0  }
0x1d: {  	s5 =	simm.s32 @p1 $0x1;
	p0 =	seq.s32 s7, s2  }
0x1e: {  	s7 =	smul.u32 @!p0 $0xF7A, s2;
	p2 =	seq.s32 @!p0 s5, $0x0  }
0x1f: {  	s9 =	smul.u32 $0xF7A, s1;
	s8 =	simm.s32 @!p0 $0x1BF5;
	p2 =	por !p2, p0  }
0x20: {  	[sflag:s8] =	ssyncset.s32 @!p0 $0xFFFFF086;
	s6 =	sadd.s32 @!p0 s3, s7;
	s7 =	simm.s32 @!p0 $0x108  }
0x21: {  	s3 =	sadd.s32 s3, s9;
	s6 =	sadd.s32 @!p0 $0x88, s6;
	s7 =	simm.s32 @p2 $0x1082  }
0x22: {  	[simem:s7], [sflag:s8] =	dma.local @!p0 [hbm:s6], $0xF7A  }
0x23: {  	s9 =	sor.u32 $0xD0000000, s2;
	s6 =	simm.s32 $0x108;
	_ =	swait.ge @!p0 [sflag:s8], $0x0  }
0x24: {  	s3 =	sadd.s32 $0x88, s3;
	s6 =	simm.s32 @!p1 $0x1082;
	[sflag:s4] =	ssyncset.s32 $0xFFFFF086  }
0x25: {  	[simem:s6], [sflag:s4] =	dma.local [hbm:s3], $0xF7A  }
0x26: {  	[smem:$0x3F8B] =	sst s1;
	(tag) =	ssettag s2;
	_ =	strace s9  }
0x27: {  	s1 =	sld [smem:$0x3F9B]  }
0x28: {  	s2 =	sld [smem:$0x3F9C]  }
0x29: {  	s4 =	sld [smem:$0x3F9E]  }
0x2a: {  	p0 =	seq.s32 s5, $0x0;
	s5 =	sld [smem:$0x3F9F]  }
0x2b: {  	s6 =	sld [smem:$0x3FA0]  }
0x2c: {  	s7 =	sld [smem:$0x3FA1]  }
0x2d: {  	s3 =	simm.s32 $0x108;
	s8 =	sld [smem:$0x3FA2]  }
0x2e: {  	s3 =	simm.s32 @!p0 $0x1082;
	s9 =	sld [smem:$0x3FA3]  }
0x2f: {  	lr =	sadd.s32 s0, s3;
	s0 =	sld [smem:$0x3F9A]  }
0x30: {  	s3 =	sld [smem:$0x3F9D]  }
0x31: {  	[smem:$0x3FA6] =	sst s10  }
0x32: {  	s10 =	sld [smem:$0x3FA4];
	_ =	sdelay $0x3  }
0x33: {  	p0 =	seq.s32 s10, $0x1;
	s10 =	sld [smem:$0x3FA6];
	_ =	sdelay $0x3  }
0x34: {  	[smem:$0x3FA6] =	sst s10  }
0x35: {  	s10 =	sld [smem:$0x3FA5];
	_ =	sdelay $0x3  }
0x36: {  	p1 =	seq.s32 s10, $0x1;
	s10 =	sld [smem:$0x3FA6];
	_ =	sdelay $0x3  }
0x37: {  	[smem:$0x3FA6] =	sst s10  }
0x38: {  	s10 =	sld [smem:$0x3FA7]  }
0x39: {  	_ = 	snop;
	(pc) =	sbr.ind lr, $3  }
0x3a: {  	_ = 	snop  }
0x3b: {  	_ = 	snop  }
0x3c: {  	p2 =	seq.s32 s10, $0x1;
	s10 =	sld [smem:$0x3FA6]  }
0x3d: {  	_ =	shalt  }
0x3e: {  	_ =	shalt  }
0x3f: {  	_ =	shalt  }
0x40: {  	_ =	shalt  }
0x41: {  	_ =	shalt  }
0x42: {  	_ =	shalt  }
0x43: {  	_ =	shalt  }
0x44: {  	_ =	shalt  }
0x45: {  	_ =	shalt  }
0x46: {  	_ =	shalt  }
0x47: {  	_ =	shalt  }
0x48: {  	_ =	shalt  }
0x49: {  	_ =	shalt  }
0x4a: {  	_ =	shalt  }
0x4b: {  	_ =	shalt  }
0x4c: {  	_ =	shalt  }
0x4d: {  	_ =	shalt  }
0x4e: {  	_ =	shalt  }
0x4f: {  	_ =	shalt  }
0x50: {  	_ =	shalt  }
0x51: {  	_ =	shalt  }
0x52: {  	_ =	shalt  }
0x53: {  	_ =	shalt  }
0x54: {  	_ =	shalt  }
0x55: {  	_ =	shalt  }
0x56: {  	_ =	shalt  }
0x57: {  	_ =	shalt  }
0x58: {  	_ =	shalt  }
0x59: {  	_ =	shalt  }
0x5a: {  	_ =	shalt  }
0x5b: {  	_ =	shalt  }
0x5c: {  	_ =	shalt  }
0x5d: {  	_ =	shalt  }
0x5e: {  	_ =	shalt  }
0x5f: {  	_ =	shalt  }
0x60: {  	_ =	shalt  }
0x61: {  	_ =	shalt  }
0x62: {  	_ =	shalt  }
0x63: {  	_ =	shalt  }
0x64: {  	_ =	shalt  }
0x65: {  	_ =	shalt  }
0x66: {  	_ =	shalt  }
0x67: {  	_ =	shalt  }
0x68: {  	_ =	shalt  }
0x69: {  	_ =	shalt  }
0x6a: {  	_ =	shalt  }
0x6b: {  	_ =	shalt  }
0x6c: {  	_ =	shalt  }
0x6d: {  	_ =	shalt  }
0x6e: {  	_ =	shalt  }
0x6f: {  	_ =	shalt  }
0x70: {  	_ =	shalt  }
0x71: {  	_ =	shalt  }
0x72: {  	_ =	shalt  }
0x73: {  	_ =	shalt  }
0x74: {  	_ =	shalt  }
0x75: {  	_ =	shalt  }
0x76: {  	_ =	shalt  }
0x77: {  	_ =	shalt  }
0x78: {  	_ =	shalt  }
0x79: {  	_ =	shalt  }
0x7a: {  	_ =	shalt  }
0x7b: {  	_ =	shalt  }
0x7c: {  	_ =	shalt  }
0x7d: {  	_ =	shalt  }
0x7e: {  	_ =	shalt  }
0x7f: {  	_ =	shalt  }
0x80: {  	_ =	shalt  }
0x81: {  	_ =	shalt  }
0x82: {  	_ =	shalt  }
0x83: {  	_ =	shalt  }
0x84: {  	_ =	shalt  }
0x85: {  	_ =	shalt  }
0x86: {  	_ =	shalt  }
0x87: {  	_ =	shalt  }
.Lfunc_end0:
.L_simem_size_0:
called_computation_lowered:
.L_overlay_start_0:
0x88: {  	s2 =	sld [smem:$0x3FD9]  }
0x89: {  	s3 =	sld [smem:$0x3FFE];
	_ =	sdelay $0x1  }
0x8a: {  	s1 =	srdreg.scid  }
0x8b: {  	s0 =	sand.u32 $0x1, s1  }
0x8c: {  	s17 =	sshll.u32 s0, $0xA;
	s2 =	sadd.s32 s3, s2  }
0x8d: {  	s2 =	sadd.s32 s2, s17  }
0x8e: {  	[smem:$0x3FB2] =	sst s2  }
0x8f: {  	_ = 	snop  }
0x90: {  	s2 =	sld [smem:$0x3FC9];
	(tm) =	ssettm $0x1  }
0x91: {  	s18 =	sld [smem:$0x3FFB];
	_ =	sdelay $0x3  }
0x92: {  	_ =	strace s18  }
0x93: {  	s3 =	sld [smem:$0x3FFC];
	_ =	sdelay $0x3  }
0x94: {  	_ =	strace s3  }
0x95: {  	s3 =	sld [smem:$0x3FFD];
	_ =	sdelay $0x3  }
0x96: {  	_ =	strace s3  }
0x97: {  	_ =	strace $0x8FFFFFFF  }
0x98: {  	s19 =	sld [smem:$0x3FDB];
	_ =	sdelay $0x1  }
0x99: {  	s4 =	simm.s32 $_scs_section_size  }
0x9a: {  	s5 =	simm.s32 $_size__tile_overlayer_lowered;
	s6 =	simm.s32 $_tile_overlayer_lowered  }
0x9b: {  	s22 =	simm.s32 $0x1BFF;
	s21 =	sshll.u32 s6, $0x1;
	s3 =	sadd.s32 s4, s19  }
0x9c: {  	s7 =	simm.s32 $0x0;
	s20 =	sshll.u32 s5, $0x1;
	s5 =	sadd.s32 s21, s3  }
0x9d: {  	[timem:s7], [sflag:s22] =	dma.local [hbm:s5], s20  }
0x9e: {  	_ =	swait.ge [sflag:s22], s20  }
0x9f: {  	s4 =	ssub.s32 $0x0, s20;
	[sflag:s22] =	ssyncset.done $0x0  }
0xa0: {  	[sflag:s22] =	ssyncadd.s32 s4;
	_ =	sdelay $0x1  }
0xa1: {  	s23 =	simm.s32 $0x1B8B  }
0xa2: {  	_ =	swait.ge [sflag:s23], $0x1  }
0xa3: {  	[sflag:s23] =	ssyncset.done $0x0  }
0xa4: {  	s25 =	simm.s32 $0x1B8E;
	s24 =	sld [smem:$0x3FFE];
	[sflag:s23] =	ssyncadd.s32 $0xFFFFFFFF  }
0xa5: {  	s26 =	simm.s32 $execute0_lowered;
	[smem:$0x3FD2] =	sst s25  }
0xa6: {  	s5 =	sshll.u32 s26, $0x1;
	_ =	strace $0x80000046;
	[dreg:$0x1] =	wrdreg $0xFFFFFFFF  }
0xa7: {  	s28 =	simm.s32 $_size_execute0_lowered;
	s3 =	sadd.s32 s3, s5;
	[dreg:$0x0] =	wrdreg $0x0  }
0xa8: {  	s5 =	sshll.u32 s28, $0x1;
	[dreg:$0x2] =	wrdreg s3  }
0xa9: {  	[dreg:$0x3] =	wrdreg s5  }
0xaa: {  	[dreg:$0x4] =	wrdreg $0xC0  }
0xab: {  	_ =	task [dreg:s7], $0x5FFFF  }
0xac: {  	[dreg:$0x1] =	wrdreg $0xFFFFFFFF  }
0xad: {  	[dreg:$0x0] =	wrdreg $0x60  }
0xae: {  	[dreg:$0x2] =	wrdreg s2  }
0xaf: {  	[dreg:$0x3] =	wrdreg s24  }
0xb0: {  	[dreg:$0x4] =	wrdreg $0x90000  }
0xb1: {  	[dreg:$0x5] =	wrdreg $0x9  }
0xb2: {  	_ =	task.clear_ibuf [dreg:s7], $0x6FFFF;
	_ =	strace $0x90000046  }
0xb3: {  	s29 =	simm.s32 $0x9;
	_ =	strace $0x80000048  }
0xb4: {  	_ =	swait.ge [sflag:s29], $0x1  }
0xb5: {  	[sflag:s29] =	ssyncadd.s32 $0xFFFFFFFF  }
0xb6: {  	_ =	strace $0x90000048  }
0xb7: {  	_ =	sfence  }
0xb8: {  	s30 =	sld [smem:$0x0];
	_ =	sdelay $0x2  }
0xb9: {  	s31 =	sshll.u32 s1, $0xD;
	s1 =	sshrl.u32 s1, $0x2  }
0xba: {  	s3 =	sand.u32 $0x4000, s31;
	s1 =	sadd.s32 s1, s30  }
0xbb: {  	s0 =	sor.u32 s3, s0;
	s1 =	sshll.u32 s1, $0x11  }
0xbc: {  	s0 =	sor.u32 s1, s0  }
0xbd: {  	s0 =	sadd.s32 $0x8F2B, s0  }
0xbe: {  	[sflag:s0] =	ssyncadd.remote.s32 $0x1  }
0xbf: {  	_ =	sfence.sel $0xFFFF  }
0xc0: {  	[dreg:$0x0] =	wrdreg $0xFFFFFFFF;
	(pc) =	sbr.abs _section_cstart, $3  }
0xc1: {  	[dreg:$0x1] =	wrdreg $0xFFFFFFFF  }
0xc2: {  	_ =	task.clear_ibuf [dreg:s7], $0x2FFFF;
	_ =	strace $0x9FFFFFFF  }
0xc3: {  	(tm) =	ssettm $0x7FFFFFFF  }
tec
execute0_lowered:
.L_overlay_start_1:
0x0: {  	(tag) =	ssettag $0x1  }
0x1: {  	s1 =	rddreg [dreg:$0x0]  }
0x2: {  	s0 =	rddreg [dreg:$0x1]  }
0x3: {  	s3 =	rddreg [dreg:$0x2];
	s2 =	srdreg.scid  }
0x4: {  	s13 =	stileid.u32;
	s4 =	simm.s32 $0x0;
	s24 =	simm.s32 $0x80  }
0x5: {  	s28 =	simm.s32 $0xE00;
	s29 =	simm.s32 $0xB00;
	s30 =	simm.s32 $0xE80  }
0x6: {  	s31 =	simm.s32 $0xB80;
	s2 =	sand.u32 $0x1, s2;
	s5 =	smul.u32 $0x2800, s13  }
0x7: {  	[smem:$0x7FF] =	sst s4;
	s7 =	smul.u32 $0x14, s13;
	s8 =	sadd.s32 $0x5000, s0  }
0x8: {  	s9 =	sadd.s32 $0xF000, s0;
	s11 =	sadd.s32 $0x19000, s0;
	s12 =	smul.u32 $0x50000, s13  }
0x9: {  	s15 =	sshll.u32 s13, $0x1;
	s23 =	sshll.u32 s13, $0x6;
	s6 =	smul.u32 $0x28000, s2  }
0xa: {  	_ =	strace $0x80000047;
	s10 =	smul.u32 $0xA, s2;
	[dreg:$0x1a] =	wrdreg s11  }
0xb: {  	s25 =	ssub.s32 $0x2, s2;
	s2 =	sor.u32 s2, s15;
	[dreg:$0x8] =	wrdreg s24  }
0xc: {  	s11 =	simm.s32 $0x180;
	s15 =	simm.s32 $0x580;
	s24 =	simm.s32 $0x900  }
0xd: {  	s26 =	sshrl.u32 s25, $0x1;
	s16 =	sshrl.u32 s12, $0x2;
	[dreg:$0xb] =	wrdreg s11  }
0xe: {  	s2 =	smul.u32 $0x500, s2;
	s12 =	simm.s32 $0x500;
	[dreg:$0xe] =	wrdreg s15  }
0xf: {  	s15 =	simm.s32 $0x7D;
	[dreg:$0x17] =	wrdreg s24;
	s24 =	simm.s32 $0xA00  }
0x10: {  	s5 =	sadd.s32 s5, s6;
	s7 =	sadd.s32 s10, s7;
	s18 =	sadd.s32 s16, s3  }
0x11: {  	s10 =	simm.s32 $0x480;
	[dreg:$0xc] =	wrdreg s12;
	s16 =	simm.s32 $0x280  }
0x12: {  	s0 =	sadd.s32 s5, s0;
	s5 =	ssub.s32 s25, s26;
	[dreg:$0xa] =	wrdreg s10  }
0x13: {  	s14 =	sshll.u32 s7, $0x7;
	s26 =	simm.s32 $0x100;
	[dreg:$0xf] =	wrdreg s16  }
0x14: {  	s25 =	sor.u32 $0x1C05, s23;
	s23 =	simm.s32 $0x880;
	[dreg:$0x9] =	wrdreg s26  }
0x15: {  	s17 =	sadd.s32 $0x100, s14;
	s0 =	sadd.s32 $0x1B800, s0;
	[dreg:$0x16] =	wrdreg s23  }
0x16: {  	s21 =	sadd.s32 s14, s8;
	s13 =	smax.u32 s5, $0x1;
	[dreg:$0x1d] =	wrdreg s0  }
0x17: {  	s6 =	sadd.s32 s14, s9;
	s14 =	simm.s32 $0x200;
	[dreg:$0x1e] =	wrdreg s13  }
0x18: {  	s7 =	smov.u32 s25;
	s25 =	simm.s32 $0xC80;
	[dreg:$0xd] =	wrdreg s14  }
0x19: {  	s12 =	simm.s32 $0x5;
	s26 =	simm.s32 $0x980;
	[dreg:$0x18] =	wrdreg s25  }
0x1a: {  	s16 =	simm.s32 $0x1000;
	s19 =	sadd.s32 s17, s8;
	[dreg:$0x19] =	wrdreg s26  }
0x1b: {  	s23 =	simm.s32 $0xD00;
	s20 =	sadd.s32 s17, s9;
	[dreg:$0x4] =	wrdreg s19  }
0x1c: {  	s5 =	simm.s32 $0x0;
	s22 =	sadd.s32 $0x80, s21;
	[dreg:$0x5] =	wrdreg s20  }
0x1d: {  	s6 =	sadd.s32 $0x80, s6;
	s8 =	sadd.s32 s8, s2;
	[dreg:$0x6] =	wrdreg s22  }
0x1e: {  	s2 =	sadd.s32 s9, s2;
	s13 =	simm.s32 $0x400;
	[dreg:$0x7] =	wrdreg s6  }
0x1f: {  	s17 =	simm.s32 $0x600;
	s14 =	simm.s32 $0x3;
	[dreg:$0x1b] =	wrdreg s8  }
0x20: {  	s21 =	simm.s32 $0x700;
	s25 =	simm.s32 $0xD80;
	[dreg:$0x1c] =	wrdreg s2  }
0x21: {  	s26 =	simm.s32 $0xA80;
	s0 =	simm.s32 $0xF00;
	[dreg:$0x10] =	wrdreg s17  }
0x22: {  	s8 =	sshrl.u32 s18, $0x3;
	s18 =	simm.s32 $0x300;
	[dreg:$0x14] =	wrdreg s21  }
0x23: {  	s19 =	simm.s32 $0x680;
	s20 =	simm.s32 $0x380;
	[dreg:$0x11] =	wrdreg s18  }
0x24: {  	s17 =	simm.s32 $0x5000;
	s22 =	simm.s32 $0x780;
	[dreg:$0x12] =	wrdreg s19  }
0x25: {  	s21 =	simm.s32 $0x2;
	s2 =	simm.s32 $0xF80;
	[dreg:$0x13] =	wrdreg s20  }
0x26: {  	s18 =	simm.s32 $0x800;
	s19 =	simm.s32 $0xC00;
	[dreg:$0x15] =	wrdreg s22  }
0x27: {  	s20 =	simm.s32 $0x1;
	s22 =	simm.s32 $0x4;
	[dreg:$0x1f] =	wrdreg s8  }
.LBB2_1:
0x28: {  	s6 =	rddreg [dreg:$0x1a]  }
0x29: {  	[spmem:s8], [sflag:s7] =	dma.local [hbm:s6], $0x2800  }
0x2a: {  	_ =	swait.ge [sflag:s12], $0x2800  }
0x2b: {  	[sflag:s12] =	ssyncset.done $0x0  }
0x2c: {  	[sflag:s12] =	ssyncadd.s32 $0xFFFFD800  }
0x2d: {  	[bflag:$0x0] =	sbarrier.arrive $0xFFFF  }
0x2e: {  	s8 =	rddreg [dreg:$0x1b]  }
0x2f: {  	[tilespmem:s4], [sflag:$0x3] =	stream.linear.gather [hbm4b:s8+s4], $0x400, $0x38;
	[tilespmem:$0x1D000] =	vst v63  }
0x30: {  	s9 =	rddreg [dreg:$0x1c]  }
0x31: {  	[tilespmem:s13], [sflag:$0x3] =	stream.linear.gather [hbm4b:s9+s4], $0x400, $0x38;
	[tilespmem:$0x1D000] =	vst v63  }
0x32: {  	_ =	swait.ge [sflag:s14], $0x400  }
0x33: {  	[sflag:s14] =	ssyncset.done $0x0  }
0x34: {  	[sflag:s14] =	ssyncadd.s32 $0xFFFFFC00  }
0x35: {  	_ =	swait.ge [sflag:s14], $0x400  }
0x36: {  	[sflag:s14] =	ssyncset.done $0x0  }
0x37: {  	s10 =	rddreg [dreg:$0x6];
	[sflag:s14] =	ssyncadd.s32 $0xFFFFFC00  }
0x38: {  	[tilespmem:s16], [sflag:$0x1] =	stream.indirect.gather [hbm4b:s1+s15], $0x80, s4, s15, $0xb8;
	[tilespmem:$0x1D000] =	vst v63  }
0x39: {  	s6 =	rddreg [dreg:$0x8]  }
0x3a: {  	[tilespmem:s17], [sflag:$0x2] =	stream.indirect.gather [hbm4b:s1+s15], $0x80, s6, s15, $0xb8;
	[tilespmem:$0x1D000] =	vst v63  }
0x3b: {  	s11 =	smov.u32 s7;
	s9 =	rddreg [dreg:$0x7];
	s7 =	sadd.s32 $0x0, s10  }
0x3c: {  	[tilespmem:s18], [sflag:$0x4] =	stream.linear.gather [hbm4b:s7+s4], $0x400, $0x38;
	[tilespmem:$0x1D000] =	vst v63  }
0x3d: {  	s9 =	sadd.s32 $0x0, s9  }
0x3e: {  	[tilespmem:s19], [sflag:$0x4] =	stream.linear.gather [hbm4b:s9+s4], $0x400, $0x38;
	[tilespmem:$0x1D000] =	vst v63  }
0x3f: {  	_ =	swait.ge [sflag:s20], $0x3E80  }
0x40: {  	[sflag:s20] =	ssyncset.done $0x0  }
0x41: {  	[sflag:s20] =	ssyncadd.s32 $0xFFFFC180  }
0x42: {  	[spmem:s3] =	stream.indirect.scatter.add.f32 [tilespmem:s16], [sflag:$0x5], $0x80, s13, s15, $0xb8;
	[tilespmem:$0x1D000] =	vst v63  }
0x43: {  	_ =	swait.ge [sflag:s12], $0x3E80  }
0x44: {  	[sflag:s12] =	ssyncset.done $0x0  }
0x45: {  	s10 =	rddreg [dreg:$0x9];
	[sflag:s12] =	ssyncadd.s32 $0xFFFFC180  }
0x46: {  	[tilespmem:s16], [sflag:$0x1] =	stream.indirect.gather [hbm4b:s1+s15], $0x80, s10, s15, $0xb8;
	[tilespmem:$0x1D000] =	vst v63  }
0x47: {  	_ =	swait.ge [sflag:s21], $0x3E80  }
0x48: {  	[sflag:s21] =	ssyncset.done $0x0  }
0x49: {  	s6 =	rddreg [dreg:$0xa];
	[sflag:s21] =	ssyncadd.s32 $0xFFFFC180  }
0x4a: {  	[spmem:s3] =	stream.indirect.scatter.add.f32 [tilespmem:s17], [sflag:$0x5], $0x80, s6, s15, $0xb8;
	[tilespmem:$0x1D000] =	vst v63  }
0x4b: {  	_ =	swait.ge [sflag:s12], $0x3E80  }
0x4c: {  	[sflag:s12] =	ssyncset.done $0x0  }
0x4d: {  	s8 =	rddreg [dreg:$0xb];
	[sflag:s12] =	ssyncadd.s32 $0xFFFFC180  }
0x4e: {  	[tilespmem:s17], [sflag:$0x2] =	stream.indirect.gather [hbm4b:s1+s15], $0x80, s8, s15, $0xb8;
	[tilespmem:$0x1D000] =	vst v63  }
0x4f: {  	_ =	swait.ge [sflag:s20], $0x3E80  }
0x50: {  	[sflag:s20] =	ssyncset.done $0x0  }
0x51: {  	s9 =	rddreg [dreg:$0xc];
	[sflag:s20] =	ssyncadd.s32 $0xFFFFC180  }
0x52: {  	[spmem:s3] =	stream.indirect.scatter.add.f32 [tilespmem:s16], [sflag:$0x5], $0x80, s9, s15, $0xb8;
	[tilespmem:$0x1D000] =	vst v63  }
0x53: {  	_ =	swait.ge [sflag:s12], $0x3E80  }
0x54: {  	[sflag:s12] =	ssyncset.done $0x0  }
0x55: {  	s10 =	rddreg [dreg:$0xd];
	[sflag:s12] =	ssyncadd.s32 $0xFFFFC180  }
0x56: {  	[tilespmem:s16], [sflag:$0x1] =	stream.indirect.gather [hbm4b:s1+s15], $0x80, s10, s15, $0xb8;
	[tilespmem:$0x1D000] =	vst v63  }
0x57: {  	_ =	swait.ge [sflag:s21], $0x3E80  }
0x58: {  	[sflag:s21] =	ssyncset.done $0x0  }
0x59: {  	s6 =	rddreg [dreg:$0xe];
	[sflag:s21] =	ssyncadd.s32 $0xFFFFC180  }
0x5a: {  	[spmem:s3] =	stream.indirect.scatter.add.f32 [tilespmem:s17], [sflag:$0x5], $0x80, s6, s15, $0xb8;
	[tilespmem:$0x1D000] =	vst v63  }
0x5b: {  	_ =	swait.ge [sflag:s12], $0x3E80  }
0x5c: {  	[sflag:s12] =	ssyncset.done $0x0  }
0x5d: {  	s8 =	rddreg [dreg:$0xf];
	[sflag:s12] =	ssyncadd.s32 $0xFFFFC180  }
0x5e: {  	[tilespmem:s17], [sflag:$0x2] =	stream.indirect.gather [hbm4b:s1+s15], $0x80, s8, s15, $0xb8;
	[tilespmem:$0x1D000] =	vst v63  }
0x5f: {  	_ =	swait.ge [sflag:s20], $0x3E80  }
0x60: {  	[sflag:s20] =	ssyncset.done $0x0  }
0x61: {  	s9 =	rddreg [dreg:$0x10];
	[sflag:s20] =	ssyncadd.s32 $0xFFFFC180  }
0x62: {  	[spmem:s3] =	stream.indirect.scatter.add.f32 [tilespmem:s16], [sflag:$0x5], $0x80, s9, s15, $0xb8;
	[tilespmem:$0x1D000] =	vst v63  }
0x63: {  	_ =	swait.ge [sflag:s12], $0x3E80  }
0x64: {  	[sflag:s12] =	ssyncset.done $0x0  }
0x65: {  	s10 =	rddreg [dreg:$0x11];
	[sflag:s12] =	ssyncadd.s32 $0xFFFFC180  }
0x66: {  	[tilespmem:s16], [sflag:$0x1] =	stream.indirect.gather [hbm4b:s1+s15], $0x80, s10, s15, $0xb8;
	[tilespmem:$0x1D000] =	vst v63  }
0x67: {  	_ =	swait.ge [sflag:s21], $0x3E80  }
0x68: {  	[sflag:s21] =	ssyncset.done $0x0  }
0x69: {  	s6 =	rddreg [dreg:$0x12];
	[sflag:s21] =	ssyncadd.s32 $0xFFFFC180  }
0x6a: {  	[spmem:s3] =	stream.indirect.scatter.add.f32 [tilespmem:s17], [sflag:$0x5], $0x80, s6, s15, $0xb8;
	[tilespmem:$0x1D000] =	vst v63  }
0x6b: {  	_ =	swait.ge [sflag:s12], $0x3E80  }
0x6c: {  	[sflag:s12] =	ssyncset.done $0x0  }
0x6d: {  	s8 =	rddreg [dreg:$0x13];
	[sflag:s12] =	ssyncadd.s32 $0xFFFFC180  }
0x6e: {  	[tilespmem:s17], [sflag:$0x2] =	stream.indirect.gather [hbm4b:s1+s15], $0x80, s8, s15, $0xb8;
	[tilespmem:$0x1D000] =	vst v63  }
0x6f: {  	_ =	swait.ge [sflag:s20], $0x3E80  }
0x70: {  	[sflag:s20] =	ssyncset.done $0x0  }
0x71: {  	s9 =	rddreg [dreg:$0x14];
	[sflag:s20] =	ssyncadd.s32 $0xFFFFC180  }
0x72: {  	[spmem:s3] =	stream.indirect.scatter.add.f32 [tilespmem:s16], [sflag:$0x5], $0x80, s9, s15, $0xb8;
	[tilespmem:$0x1D000] =	vst v63  }
0x73: {  	_ =	swait.ge [sflag:s12], $0x3E80  }
0x74: {  	[sflag:s12] =	ssyncset.done $0x0  }
0x75: {  	[sflag:s12] =	ssyncadd.s32 $0xFFFFC180  }
0x76: {  	_ =	swait.ge [sflag:s21], $0x3E80  }
0x77: {  	[sflag:s21] =	ssyncset.done $0x0  }
0x78: {  	s10 =	rddreg [dreg:$0x15];
	[sflag:s21] =	ssyncadd.s32 $0xFFFFC180  }
0x79: {  	[spmem:s3] =	stream.indirect.scatter.add.f32 [tilespmem:s17], [sflag:$0x5], $0x80, s10, s15, $0xb8;
	[tilespmem:$0x1D000] =	vst v63  }
0x7a: {  	_ =	swait.ge [sflag:s12], $0x3E80  }
0x7b: {  	[sflag:s12] =	ssyncset.done $0x0  }
0x7c: {  	[sflag:s12] =	ssyncadd.s32 $0xFFFFC180  }
0x7d: {  	_ =	swait.ge [sflag:s22], $0x400  }
0x7e: {  	[sflag:s22] =	ssyncset.done $0x0  }
0x7f: {  	[sflag:s22] =	ssyncadd.s32 $0xFFFFFC00  }
0x80: {  	_ =	swait.ge [sflag:s22], $0x400  }
0x81: {  	[sflag:s22] =	ssyncset.done $0x0  }
0x82: {  	s7 =	rddreg [dreg:$0x4];
	[sflag:s22] =	ssyncadd.s32 $0xFFFFFC00  }
0x83: {  	[tilespmem:s16], [sflag:$0x1] =	stream.indirect.gather [hbm4b:s1+s15], $0x80, s18, s15, $0xb8;
	[tilespmem:$0x1D000] =	vst v63  }
0x84: {  	p0 =	por $0x0, $0x0;
	s6 =	rddreg [dreg:$0x16]  }
0x85: {  	[tilespmem:s17], [sflag:$0x2] =	stream.indirect.gather [hbm4b:s1+s15], $0x80, s6, s15, $0xb8;
	[tilespmem:$0x1D000] =	vst v63  }
0x86: {  	s8 =	simm.s32 @!p0 $0x0;
	s9 =	rddreg [dreg:$0x5];
	s7 =	sadd.s32 @!p0 $0x0, s7  }
0x87: {  	[tilespmem:s8], [sflag:$0x3] =	stream.linear.gather @!p0 [hbm4b:s7+s8], $0x400, $0x38;
	[tilespmem:$0x1D000] =	vst v63  }
0x88: {  	s7 =	sadd.s32 @!p0 $0x0, s9;
	s9 =	simm.s32 @!p0 $0x400  }
0x89: {  	[tilespmem:s9], [sflag:$0x3] =	stream.linear.gather @!p0 [hbm4b:s7+s8], $0x400, $0x38;
	[tilespmem:$0x1D000] =	vst v63  }
0x8a: {  	_ =	swait.ge [sflag:s20], $0x3E80  }
0x8b: {  	[sflag:s20] =	ssyncset.done $0x0  }
0x8c: {  	[sflag:s20] =	ssyncadd.s32 $0xFFFFC180  }
0x8d: {  	[spmem:s3] =	stream.indirect.scatter.add.f32 [tilespmem:s16], [sflag:$0x5], $0x80, s19, s15, $0xb8;
	[tilespmem:$0x1D000] =	vst v63  }
0x8e: {  	_ =	swait.ge [sflag:s12], $0x3E80  }
0x8f: {  	[sflag:s12] =	ssyncset.done $0x0  }
0x90: {  	s8 =	rddreg [dreg:$0x17];
	[sflag:s12] =	ssyncadd.s32 $0xFFFFC180  }
0x91: {  	[tilespmem:s16], [sflag:$0x1] =	stream.indirect.gather [hbm4b:s1+s15], $0x80, s8, s15, $0xb8;
	[tilespmem:$0x1D000] =	vst v63  }
0x92: {  	_ =	swait.ge [sflag:s21], $0x3E80  }
0x93: {  	[sflag:s21] =	ssyncset.done $0x0  }
0x94: {  	s9 =	rddreg [dreg:$0x18];
	[sflag:s21] =	ssyncadd.s32 $0xFFFFC180  }
0x95: {  	[spmem:s3] =	stream.indirect.scatter.add.f32 [tilespmem:s17], [sflag:$0x5], $0x80, s9, s15, $0xb8;
	[tilespmem:$0x1D000] =	vst v63  }
0x96: {  	_ =	swait.ge [sflag:s12], $0x3E80  }
0x97: {  	[sflag:s12] =	ssyncset.done $0x0  }
0x98: {  	s10 =	rddreg [dreg:$0x19];
	[sflag:s12] =	ssyncadd.s32 $0xFFFFC180  }
0x99: {  	[tilespmem:s17], [sflag:$0x2] =	stream.indirect.gather [hbm4b:s1+s15], $0x80, s10, s15, $0xb8;
	[tilespmem:$0x1D000] =	vst v63  }
0x9a: {  	_ =	swait.ge [sflag:s20], $0x3E80  }
0x9b: {  	[sflag:s20] =	ssyncset.done $0x0  }
0x9c: {  	[sflag:s20] =	ssyncadd.s32 $0xFFFFC180  }
0x9d: {  	[spmem:s3] =	stream.indirect.scatter.add.f32 [tilespmem:s16], [sflag:$0x5], $0x80, s23, s15, $0xb8;
	[tilespmem:$0x1D000] =	vst v63  }
0x9e: {  	_ =	swait.ge [sflag:s12], $0x3E80  }
0x9f: {  	[sflag:s12] =	ssyncset.done $0x0  }
0xa0: {  	[sflag:s12] =	ssyncadd.s32 $0xFFFFC180  }
0xa1: {  	[tilespmem:s16], [sflag:$0x1] =	stream.indirect.gather [hbm4b:s1+s15], $0x80, s24, s15, $0xb8;
	[tilespmem:$0x1D000] =	vst v63  }
0xa2: {  	_ =	swait.ge [sflag:s21], $0x3E80  }
0xa3: {  	[sflag:s21] =	ssyncset.done $0x0  }
0xa4: {  	[sflag:s21] =	ssyncadd.s32 $0xFFFFC180  }
0xa5: {  	[spmem:s3] =	stream.indirect.scatter.add.f32 [tilespmem:s17], [sflag:$0x5], $0x80, s25, s15, $0xb8;
	[tilespmem:$0x1D000] =	vst v63  }
0xa6: {  	_ =	swait.ge [sflag:s12], $0x3E80  }
0xa7: {  	[sflag:s12] =	ssyncset.done $0x0  }
0xa8: {  	[sflag:s12] =	ssyncadd.s32 $0xFFFFC180  }
0xa9: {  	[tilespmem:s17], [sflag:$0x2] =	stream.indirect.gather [hbm4b:s1+s15], $0x80, s26, s15, $0xb8;
	[tilespmem:$0x1D000] =	vst v63  }
0xaa: {  	_ =	swait.ge [sflag:s20], $0x3E80  }
0xab: {  	[sflag:s20] =	ssyncset.done $0x0  }
0xac: {  	[sflag:s20] =	ssyncadd.s32 $0xFFFFC180  }
0xad: {  	[spmem:s3] =	stream.indirect.scatter.add.f32 [tilespmem:s16], [sflag:$0x5], $0x80, s28, s15, $0xb8;
	[tilespmem:$0x1D000] =	vst v63  }
0xae: {  	_ =	swait.ge [sflag:s12], $0x3E80  }
0xaf: {  	[sflag:s12] =	ssyncset.done $0x0  }
0xb0: {  	[sflag:s12] =	ssyncadd.s32 $0xFFFFC180  }
0xb1: {  	[tilespmem:s16], [sflag:$0x1] =	stream.indirect.gather [hbm4b:s1+s15], $0x80, s29, s15, $0xb8;
	[tilespmem:$0x1D000] =	vst v63  }
0xb2: {  	_ =	swait.ge [sflag:s21], $0x3E80  }
0xb3: {  	[sflag:s21] =	ssyncset.done $0x0  }
0xb4: {  	[sflag:s21] =	ssyncadd.s32 $0xFFFFC180  }
0xb5: {  	[spmem:s3] =	stream.indirect.scatter.add.f32 [tilespmem:s17], [sflag:$0x5], $0x80, s30, s15, $0xb8;
	[tilespmem:$0x1D000] =	vst v63  }
0xb6: {  	_ =	swait.ge [sflag:s12], $0x3E80  }
0xb7: {  	[sflag:s12] =	ssyncset.done $0x0  }
0xb8: {  	[sflag:s12] =	ssyncadd.s32 $0xFFFFC180  }
0xb9: {  	[tilespmem:s17], [sflag:$0x2] =	stream.indirect.gather [hbm4b:s1+s15], $0x80, s31, s15, $0xb8;
	[tilespmem:$0x1D000] =	vst v63  }
0xba: {  	_ =	swait.ge [sflag:s20], $0x3E80  }
0xbb: {  	[sflag:s20] =	ssyncset.done $0x0  }
0xbc: {  	[sflag:s20] =	ssyncadd.s32 $0xFFFFC180  }
0xbd: {  	[spmem:s3] =	stream.indirect.scatter.add.f32 [tilespmem:s16], [sflag:$0x5], $0x80, s0, s15, $0xb8;
	[tilespmem:$0x1D000] =	vst v63  }
0xbe: {  	_ =	swait.ge [sflag:s12], $0x3E80  }
0xbf: {  	[sflag:s12] =	ssyncset.done $0x0  }
0xc0: {  	[sflag:s12] =	ssyncadd.s32 $0xFFFFC180  }
0xc1: {  	_ =	swait.ge [sflag:s21], $0x3E80  }
0xc2: {  	[sflag:s21] =	ssyncset.done $0x0  }
0xc3: {  	[sflag:s21] =	ssyncadd.s32 $0xFFFFC180  }
0xc4: {  	[spmem:s3] =	stream.indirect.scatter.add.f32 [tilespmem:s17], [sflag:$0x5], $0x80, s2, s15, $0xb8;
	[tilespmem:$0x1D000] =	vst v63  }
0xc5: {  	_ =	swait.ge [sflag:s12], $0x3E80  }
0xc6: {  	s7 =	simm.s32 $0x100;
	[sflag:s12] =	ssyncset.done $0x0  }
.LBB2_2:
0xc7: {  	[sflag:s12] =	ssyncadd.s32 $0xFFFFC180  }
0xc8: {  	_ =	swait.ge [sflag:s14], $0x400  }
0xc9: {  	[sflag:s14] =	ssyncset.done $0x0  }
0xca: {  	[sflag:s14] =	ssyncadd.s32 $0xFFFFFC00  }
0xcb: {  	_ =	swait.ge [sflag:s14], $0x400  }
0xcc: {  	[sflag:s14] =	ssyncset.done $0x0  }
0xcd: {  	s9 =	rddreg [dreg:$0x6];
	[sflag:s14] =	ssyncadd.s32 $0xFFFFFC00  }
0xce: {  	[tilespmem:s16], [sflag:$0x1] =	stream.indirect.gather [hbm4b:s1+s15], $0x80, s4, s15, $0xb8;
	[tilespmem:$0x1D000] =	vst v63  }
0xcf: {  	s8 =	smov.u32 s7;
	s10 =	rddreg [dreg:$0x8]  }
0xd0: {  	[tilespmem:s17], [sflag:$0x2] =	stream.indirect.gather [hbm4b:s1+s15], $0x80, s10, s15, $0xb8;
	[tilespmem:$0x1D000] =	vst v63  }
0xd1: {  	s6 =	rddreg [dreg:$0x7];
	s9 =	sadd.s32 s8, s9  }
0xd2: {  	[tilespmem:s18], [sflag:$0x4] =	stream.linear.gather [hbm4b:s9+s4], $0x400, $0x38;
	[tilespmem:$0x1D000] =	vst v63  }
0xd3: {  	s6 =	sadd.s32 s8, s6  }
0xd4: {  	[tilespmem:s19], [sflag:$0x4] =	stream.linear.gather [hbm4b:s6+s4], $0x400, $0x38;
	[tilespmem:$0x1D000] =	vst v63  }
0xd5: {  	_ =	swait.ge [sflag:s20], $0x3E80  }
0xd6: {  	[sflag:s20] =	ssyncset.done $0x0  }
0xd7: {  	[sflag:s20] =	ssyncadd.s32 $0xFFFFC180  }
0xd8: {  	[spmem:s3] =	stream.indirect.scatter.add.f32 [tilespmem:s16], [sflag:$0x5], $0x80, s13, s15, $0xb8;
	[tilespmem:$0x1D000] =	vst v63  }
0xd9: {  	_ =	swait.ge [sflag:s12], $0x3E80  }
0xda: {  	[sflag:s12] =	ssyncset.done $0x0  }
0xdb: {  	s10 =	rddreg [dreg:$0x9];
	[sflag:s12] =	ssyncadd.s32 $0xFFFFC180  }
0xdc: {  	[tilespmem:s16], [sflag:$0x1] =	stream.indirect.gather [hbm4b:s1+s15], $0x80, s10, s15, $0xb8;
	[tilespmem:$0x1D000] =	vst v63  }
0xdd: {  	_ =	swait.ge [sflag:s21], $0x3E80  }
0xde: {  	[sflag:s21] =	ssyncset.done $0x0  }
0xdf: {  	s9 =	rddreg [dreg:$0xa];
	[sflag:s21] =	ssyncadd.s32 $0xFFFFC180  }
0xe0: {  	[spmem:s3] =	stream.indirect.scatter.add.f32 [tilespmem:s17], [sflag:$0x5], $0x80, s9, s15, $0xb8;
	[tilespmem:$0x1D000] =	vst v63  }
0xe1: {  	_ =	swait.ge [sflag:s12], $0x3E80  }
0xe2: {  	[sflag:s12] =	ssyncset.done $0x0  }
0xe3: {  	s10 =	rddreg [dreg:$0xb];
	[sflag:s12] =	ssyncadd.s32 $0xFFFFC180  }
0xe4: {  	[tilespmem:s17], [sflag:$0x2] =	stream.indirect.gather [hbm4b:s1+s15], $0x80, s10, s15, $0xb8;
	[tilespmem:$0x1D000] =	vst v63  }
0xe5: {  	_ =	swait.ge [sflag:s20], $0x3E80  }
0xe6: {  	[sflag:s20] =	ssyncset.done $0x0  }
0xe7: {  	s9 =	rddreg [dreg:$0xc];
	[sflag:s20] =	ssyncadd.s32 $0xFFFFC180  }
0xe8: {  	[spmem:s3] =	stream.indirect.scatter.add.f32 [tilespmem:s16], [sflag:$0x5], $0x80, s9, s15, $0xb8;
	[tilespmem:$0x1D000] =	vst v63  }
0xe9: {  	_ =	swait.ge [sflag:s12], $0x3E80  }
0xea: {  	[sflag:s12] =	ssyncset.done $0x0  }
0xeb: {  	s10 =	rddreg [dreg:$0xd];
	[sflag:s12] =	ssyncadd.s32 $0xFFFFC180  }
0xec: {  	[tilespmem:s16], [sflag:$0x1] =	stream.indirect.gather [hbm4b:s1+s15], $0x80, s10, s15, $0xb8;
	[tilespmem:$0x1D000] =	vst v63  }
0xed: {  	_ =	swait.ge [sflag:s21], $0x3E80  }
0xee: {  	[sflag:s21] =	ssyncset.done $0x0  }
0xef: {  	s9 =	rddreg [dreg:$0xe];
	[sflag:s21] =	ssyncadd.s32 $0xFFFFC180  }
0xf0: {  	[spmem:s3] =	stream.indirect.scatter.add.f32 [tilespmem:s17], [sflag:$0x5], $0x80, s9, s15, $0xb8;
	[tilespmem:$0x1D000] =	vst v63  }
0xf1: {  	_ =	swait.ge [sflag:s12], $0x3E80  }
0xf2: {  	[sflag:s12] =	ssyncset.done $0x0  }
0xf3: {  	s10 =	rddreg [dreg:$0xf];
	[sflag:s12] =	ssyncadd.s32 $0xFFFFC180  }
0xf4: {  	[tilespmem:s17], [sflag:$0x2] =	stream.indirect.gather [hbm4b:s1+s15], $0x80, s10, s15, $0xb8;
	[tilespmem:$0x1D000] =	vst v63  }
0xf5: {  	_ =	swait.ge [sflag:s20], $0x3E80  }
0xf6: {  	[sflag:s20] =	ssyncset.done $0x0  }
0xf7: {  	s9 =	rddreg [dreg:$0x10];
	[sflag:s20] =	ssyncadd.s32 $0xFFFFC180  }
0xf8: {  	[spmem:s3] =	stream.indirect.scatter.add.f32 [tilespmem:s16], [sflag:$0x5], $0x80, s9, s15, $0xb8;
	[tilespmem:$0x1D000] =	vst v63  }
0xf9: {  	_ =	swait.ge [sflag:s12], $0x3E80  }
0xfa: {  	[sflag:s12] =	ssyncset.done $0x0  }
0xfb: {  	s10 =	rddreg [dreg:$0x11];
	[sflag:s12] =	ssyncadd.s32 $0xFFFFC180  }
0xfc: {  	[tilespmem:s16], [sflag:$0x1] =	stream.indirect.gather [hbm4b:s1+s15], $0x80, s10, s15, $0xb8;
	[tilespmem:$0x1D000] =	vst v63  }
0xfd: {  	_ =	swait.ge [sflag:s21], $0x3E80  }
0xfe: {  	[sflag:s21] =	ssyncset.done $0x0  }
0xff: {  	s9 =	rddreg [dreg:$0x12];
	[sflag:s21] =	ssyncadd.s32 $0xFFFFC180  }
0x100: {  	[spmem:s3] =	stream.indirect.scatter.add.f32 [tilespmem:s17], [sflag:$0x5], $0x80, s9, s15, $0xb8;
	[tilespmem:$0x1D000] =	vst v63  }
0x101: {  	_ =	swait.ge [sflag:s12], $0x3E80  }
0x102: {  	[sflag:s12] =	ssyncset.done $0x0  }
0x103: {  	s10 =	rddreg [dreg:$0x13];
	[sflag:s12] =	ssyncadd.s32 $0xFFFFC180  }
0x104: {  	[tilespmem:s17], [sflag:$0x2] =	stream.indirect.gather [hbm4b:s1+s15], $0x80, s10, s15, $0xb8;
	[tilespmem:$0x1D000] =	vst v63  }
0x105: {  	_ =	swait.ge [sflag:s20], $0x3E80  }
0x106: {  	[sflag:s20] =	ssyncset.done $0x0  }
0x107: {  	s9 =	rddreg [dreg:$0x14];
	[sflag:s20] =	ssyncadd.s32 $0xFFFFC180  }
0x108: {  	[spmem:s3] =	stream.indirect.scatter.add.f32 [tilespmem:s16], [sflag:$0x5], $0x80, s9, s15, $0xb8;
	[tilespmem:$0x1D000] =	vst v63  }
0x109: {  	_ =	swait.ge [sflag:s12], $0x3E80  }
0x10a: {  	[sflag:s12] =	ssyncset.done $0x0  }
0x10b: {  	[sflag:s12] =	ssyncadd.s32 $0xFFFFC180  }
0x10c: {  	_ =	swait.ge [sflag:s21], $0x3E80  }
0x10d: {  	[sflag:s21] =	ssyncset.done $0x0  }
0x10e: {  	s10 =	rddreg [dreg:$0x15];
	[sflag:s21] =	ssyncadd.s32 $0xFFFFC180  }
0x10f: {  	[spmem:s3] =	stream.indirect.scatter.add.f32 [tilespmem:s17], [sflag:$0x5], $0x80, s10, s15, $0xb8;
	[tilespmem:$0x1D000] =	vst v63  }
0x110: {  	_ =	swait.ge [sflag:s12], $0x3E80  }
0x111: {  	[sflag:s12] =	ssyncset.done $0x0  }
0x112: {  	[sflag:s12] =	ssyncadd.s32 $0xFFFFC180  }
0x113: {  	_ =	swait.ge [sflag:s22], $0x400  }
0x114: {  	[sflag:s22] =	ssyncset.done $0x0  }
0x115: {  	[sflag:s22] =	ssyncadd.s32 $0xFFFFFC00  }
0x116: {  	_ =	swait.ge [sflag:s22], $0x400  }
0x117: {  	[sflag:s22] =	ssyncset.done $0x0  }
0x118: {  	s6 =	rddreg [dreg:$0x4];
	[sflag:s22] =	ssyncadd.s32 $0xFFFFFC00  }
0x119: {  	[tilespmem:s16], [sflag:$0x1] =	stream.indirect.gather [hbm4b:s1+s15], $0x80, s18, s15, $0xb8;
	[tilespmem:$0x1D000] =	vst v63  }
0x11a: {  	p1 =	seq.s32 s8, $0x400;
	s9 =	rddreg [dreg:$0x16]  }
0x11b: {  	[tilespmem:s17], [sflag:$0x2] =	stream.indirect.gather [hbm4b:s1+s15], $0x80, s9, s15, $0xb8;
	[tilespmem:$0x1D000] =	vst v63  }
0x11c: {  	s10 =	rddreg [dreg:$0x5];
	s6 =	sadd.s32 @!p1 s8, s6;
	s9 =	simm.s32 @!p1 $0x0  }
0x11d: {  	[tilespmem:s9], [sflag:$0x3] =	stream.linear.gather @!p1 [hbm4b:s6+s9], $0x400, $0x38;
	[tilespmem:$0x1D000] =	vst v63  }
0x11e: {  	s6 =	sadd.s32 @!p1 s8, s10;
	s8 =	simm.s32 @!p1 $0x400  }
0x11f: {  	[tilespmem:s8], [sflag:$0x3] =	stream.linear.gather @!p1 [hbm4b:s6+s9], $0x400, $0x38;
	[tilespmem:$0x1D000] =	vst v63  }
0x120: {  	_ =	swait.ge [sflag:s20], $0x3E80  }
0x121: {  	[sflag:s20] =	ssyncset.done $0x0  }
0x122: {  	[sflag:s20] =	ssyncadd.s32 $0xFFFFC180  }
0x123: {  	[spmem:s3] =	stream.indirect.scatter.add.f32 [tilespmem:s16], [sflag:$0x5], $0x80, s19, s15, $0xb8;
	[tilespmem:$0x1D000] =	vst v63  }
0x124: {  	_ =	swait.ge [sflag:s12], $0x3E80  }
0x125: {  	[sflag:s12] =	ssyncset.done $0x0  }
0x126: {  	s8 =	rddreg [dreg:$0x17];
	[sflag:s12] =	ssyncadd.s32 $0xFFFFC180  }
0x127: {  	[tilespmem:s16], [sflag:$0x1] =	stream.indirect.gather [hbm4b:s1+s15], $0x80, s8, s15, $0xb8;
	[tilespmem:$0x1D000] =	vst v63  }
0x128: {  	_ =	swait.ge [sflag:s21], $0x3E80  }
0x129: {  	[sflag:s21] =	ssyncset.done $0x0  }
0x12a: {  	s9 =	rddreg [dreg:$0x18];
	[sflag:s21] =	ssyncadd.s32 $0xFFFFC180  }
0x12b: {  	[spmem:s3] =	stream.indirect.scatter.add.f32 [tilespmem:s17], [sflag:$0x5], $0x80, s9, s15, $0xb8;
	[tilespmem:$0x1D000] =	vst v63  }
0x12c: {  	_ =	swait.ge [sflag:s12], $0x3E80  }
0x12d: {  	[sflag:s12] =	ssyncset.done $0x0  }
0x12e: {  	s10 =	rddreg [dreg:$0x19];
	[sflag:s12] =	ssyncadd.s32 $0xFFFFC180  }
0x12f: {  	[tilespmem:s17], [sflag:$0x2] =	stream.indirect.gather [hbm4b:s1+s15], $0x80, s10, s15, $0xb8;
	[tilespmem:$0x1D000] =	vst v63  }
0x130: {  	_ =	swait.ge [sflag:s20], $0x3E80  }
0x131: {  	[sflag:s20] =	ssyncset.done $0x0  }
0x132: {  	[sflag:s20] =	ssyncadd.s32 $0xFFFFC180  }
0x133: {  	[spmem:s3] =	stream.indirect.scatter.add.f32 [tilespmem:s16], [sflag:$0x5], $0x80, s23, s15, $0xb8;
	[tilespmem:$0x1D000] =	vst v63  }
0x134: {  	_ =	swait.ge [sflag:s12], $0x3E80  }
0x135: {  	[sflag:s12] =	ssyncset.done $0x0  }
0x136: {  	[sflag:s12] =	ssyncadd.s32 $0xFFFFC180  }
0x137: {  	[tilespmem:s16], [sflag:$0x1] =	stream.indirect.gather [hbm4b:s1+s15], $0x80, s24, s15, $0xb8;
	[tilespmem:$0x1D000] =	vst v63  }
0x138: {  	_ =	swait.ge [sflag:s21], $0x3E80  }
0x139: {  	[sflag:s21] =	ssyncset.done $0x0  }
0x13a: {  	[sflag:s21] =	ssyncadd.s32 $0xFFFFC180  }
0x13b: {  	[spmem:s3] =	stream.indirect.scatter.add.f32 [tilespmem:s17], [sflag:$0x5], $0x80, s25, s15, $0xb8;
	[tilespmem:$0x1D000] =	vst v63  }
0x13c: {  	_ =	swait.ge [sflag:s12], $0x3E80  }
0x13d: {  	[sflag:s12] =	ssyncset.done $0x0  }
0x13e: {  	[sflag:s12] =	ssyncadd.s32 $0xFFFFC180  }
0x13f: {  	[tilespmem:s17], [sflag:$0x2] =	stream.indirect.gather [hbm4b:s1+s15], $0x80, s26, s15, $0xb8;
	[tilespmem:$0x1D000] =	vst v63  }
0x140: {  	_ =	swait.ge [sflag:s20], $0x3E80  }
0x141: {  	[sflag:s20] =	ssyncset.done $0x0  }
0x142: {  	[sflag:s20] =	ssyncadd.s32 $0xFFFFC180  }
0x143: {  	[spmem:s3] =	stream.indirect.scatter.add.f32 [tilespmem:s16], [sflag:$0x5], $0x80, s28, s15, $0xb8;
	[tilespmem:$0x1D000] =	vst v63  }
0x144: {  	_ =	swait.ge [sflag:s12], $0x3E80  }
0x145: {  	[sflag:s12] =	ssyncset.done $0x0  }
0x146: {  	[sflag:s12] =	ssyncadd.s32 $0xFFFFC180  }
0x147: {  	[tilespmem:s16], [sflag:$0x1] =	stream.indirect.gather [hbm4b:s1+s15], $0x80, s29, s15, $0xb8;
	[tilespmem:$0x1D000] =	vst v63  }
0x148: {  	_ =	swait.ge [sflag:s21], $0x3E80  }
0x149: {  	[sflag:s21] =	ssyncset.done $0x0  }
0x14a: {  	[sflag:s21] =	ssyncadd.s32 $0xFFFFC180  }
0x14b: {  	[spmem:s3] =	stream.indirect.scatter.add.f32 [tilespmem:s17], [sflag:$0x5], $0x80, s30, s15, $0xb8;
	[tilespmem:$0x1D000] =	vst v63  }
0x14c: {  	_ =	swait.ge [sflag:s12], $0x3E80  }
0x14d: {  	[sflag:s12] =	ssyncset.done $0x0  }
0x14e: {  	[sflag:s12] =	ssyncadd.s32 $0xFFFFC180  }
0x14f: {  	[tilespmem:s17], [sflag:$0x2] =	stream.indirect.gather [hbm4b:s1+s15], $0x80, s31, s15, $0xb8;
	[tilespmem:$0x1D000] =	vst v63  }
0x150: {  	_ =	swait.ge [sflag:s20], $0x3E80  }
0x151: {  	[sflag:s20] =	ssyncset.done $0x0  }
0x152: {  	[sflag:s20] =	ssyncadd.s32 $0xFFFFC180  }
0x153: {  	[spmem:s3] =	stream.indirect.scatter.add.f32 [tilespmem:s16], [sflag:$0x5], $0x80, s0, s15, $0xb8;
	[tilespmem:$0x1D000] =	vst v63  }
0x154: {  	_ =	swait.ge [sflag:s12], $0x3E80  }
0x155: {  	[sflag:s12] =	ssyncset.done $0x0  }
0x156: {  	s7 =	sadd.s32 $0x100, s7;
	[sflag:s12] =	ssyncadd.s32 $0xFFFFC180  }
0x157: {  	p0 =	sne.s32 s7, $0x500;
	_ =	swait.ge [sflag:s21], $0x3E80  }
.Ltmp0:
0x158: {  	[sflag:s21] =	ssyncset.done $0x0;
	(pc) =	sbr.rel @p0 .LBB2_2-.Ltmp0, $4  }
0x159: {  	[sflag:s21] =	ssyncadd.s32 $0xFFFFC180  }
0x15a: {  	[spmem:s3] =	stream.indirect.scatter.add.f32 [tilespmem:s17], [sflag:$0x5], $0x80, s2, s15, $0xb8;
	[tilespmem:$0x1D000] =	vst v63  }
0x15b: {  	_ =	swait.ge [sflag:s12], $0x3E80  }
0x15c: {  	[sflag:s12] =	ssyncset.done $0x0  }
0x15d: {  	[sflag:s12] =	ssyncadd.s32 $0xFFFFC180  }
0x15e: {  	[bflag:$0x0] =	sbarrier.arrive $0xFFFF  }
0x15f: {  	s6 =	rddreg [dreg:$0x1d]  }
0x160: {  	s8 =	rddreg [dreg:$0x1f]  }
0x161: {  	[hbm:s6], [sflag:s11] =	dma.local [spmem:s8], $0x2800  }
0x162: {  	_ =	swait.ge [sflag:s12], $0x2800  }
0x163: {  	s7 =	smov.u32 s11;
	s5 =	sadd.s32 $0x1, s5;
	s11 =	rddreg [dreg:$0x1e]  }
0x164: {  	p0 =	sne.s32 s5, s11  }
.Ltmp1:
0x165: {  	_ = 	snop;
	(pc) =	sbr.rel @p0 .LBB2_1-.Ltmp1, $3  }
0x166: {  	_ =	sdelay $0x1  }
0x167: {  	[sflag:s12] =	ssyncset.done $0x0  }
0x168: {  	[sflag:s12] =	ssyncadd.s32 $0xFFFFD800  }
0x169: {  	_ =	sfence.sel $0x180000  }
0x16a: {  	[bflag:$0x0] =	sbarrier.arrive $0xFFFF  }
0x16b: {  	_ =	strace $0x90000047  }
0x16c: {  	s0 =	stileid.u32;
	[bflag:$0x2] =	sbarrier.arrive $0xFFFF  }
0x16d: {  	p0 =	sne.s32 s0, $0x0;
	s0 =	rddreg [dreg:$0x3]  }
0x16e: {  	s0 =	sadd.s32 @!p0 $0x100000, s0  }
0x16f: {  	[sflag:s0] =	ssyncadd.tile.s32 @!p0 $0x1;
	_ =	shalt  }
.Lfunc_end2:
_tile_overlayer_lowered:
.L_overlay_start_2:
0x170: {  	(tag) =	ssettag $0x2  }
0x171: {  	s0 =	rddreg [dreg:$0x0];
	s2 =	stileid.u32  }
0x172: {  	s1 =	rddreg [dreg:$0x1];
	p0 =	sne.s32 s2, $0x0  }
0x173: {  	s3 =	rddreg [dreg:$0x2];
	[bflag:$0x3] =	sbarrier.arrive $0xFFFF;
	s2 =	simm.s32 @!p0 $0x1C05  }
0x174: {  	[timem:s3], [sflag:s2] =	dma.local @!p0 [hbm:s0], s1  }
0x175: {  	s0 =	simm.s32 @!p0 $0x5  }
0x176: {  	_ =	swait.ge @!p0 [sflag:s0], s1  }
0x177: {  	s1 =	ssub.s32 @!p0 $0x0, s1;
	[sflag:s0] =	ssyncset.done @!p0 $0x0  }
0x178: {  	[sflag:s0] =	ssyncadd.s32 @!p0 s1  }
0x179: {  	[bflag:$0x3] =	sbarrier.arrive $0xFFFF  }
0x17a: {  	_ =	shalt  }

</sc_bundles>
